<compile_context>
chip_gen: v7x
topology: tpu7x:2x2x1
jax: 0.10.2.dev20260603
libtpu: 0.0.44.dev20260713+nightly
codegen_flags: <defaults>
</compile_context>

<pallas_src>
import jax
import jax.numpy as jnp
from jax import lax
from jax.experimental import pallas as pl
from jax.experimental.pallas import tpu as pltpu
from jax.experimental.pallas import tpu_sc as plsc

N, C, D, H, W = 2, 192, 8, 28, 28
D_OUT, H_OUT, W_OUT = 16, 56, 56
LANES = 16
NUM_WORKERS = 32
ROWS = N * D * H
ROW_ELEMS = W * C
UNITS_PER_W = ROWS // NUM_WORKERS
GROUPS = UNITS_PER_W // 2
SLAB_ROWS = 4 * W_OUT
CCHUNKS = C // LANES
HW2 = H_OUT * W_OUT
OUT_POS = N * D_OUT * H_OUT * W_OUT


def _sc_unpool_body(vals_hbm, idx_hbm, out_hbm5,
                    slab0, slab1, idx0, idx1, val0,
                    sem_o0, sem_o1, sem_i, sem_v):
    out_hbm = out_hbm5.reshape(OUT_POS, C)
    cid = lax.axis_index("c")
    sid = lax.axis_index("s")
    wid = sid * 2 + cid

    slabs = (slab0, slab1)
    idxs = (idx0, idx1)
    osems = (sem_o0, sem_o1)

    zero16 = jnp.zeros((LANES,), jnp.float32)
    iota16 = lax.broadcasted_iota(jnp.int32, (LANES,), 0)
    cvecs = [iota16 + k * LANES for k in range(CCHUNKS)]

    def decode(u):
        r = u * NUM_WORKERS + wid
        n = (r >= ROWS // 2).astype(jnp.int32)
        rr = r - n * (ROWS // 2)
        d = (rr * 586) >> 14
        h = rr - d * H
        return r, n, d, h

    def out_runs(u, s):
        r, n, d, h = decode(u)
        runs = []
        for a in (0, 1):
            for b in (0, 1):
                start = ((n * D_OUT + 2 * d + a) * H_OUT + 2 * h + b) * W_OUT
                runs.append(pltpu.make_async_copy(
                    slabs[s].at[pl.ds((2 * a + b) * W_OUT, W_OUT)],
                    out_hbm.at[pl.ds(start, W_OUT)],
                    osems[s]))
        return runs

    for sb in slabs:
        @plsc.parallel_loop(0, SLAB_ROWS, 1, unroll=2)
        def _(rw, sb=sb):
            rvec = iota16 * 0 + rw
            for k in range(CCHUNKS):
                plsc.store_scatter(sb, [rvec, cvecs[k]], zero16)

    def unit_step(g, s):
        u = g * 2 + s
        sb = slabs[s]
        iv_ref = idxs[s]

        r, n, d, h = decode(u)
        dv = pltpu.async_copy(vals_hbm.at[r], val0, sem_v)

        @pl.when(g > 0)
        def _():
            for dsc in out_runs(u - 2, s):
                dsc.wait()

            @plsc.parallel_loop(0, ROW_ELEMS, LANES, unroll=8)
            def _(i, sb=sb, iv_ref=iv_ref):
                packed = iv_ref[pl.ds(i, LANES)]
                plsc.store_scatter(sb, [packed >> 8, packed & 255], zero16)

        di = pltpu.async_copy(idx_hbm.at[r], iv_ref, sem_i)
        di.wait()
        dv.wait()

        base0 = (112 * d + 2 * h) * W_OUT

        @plsc.parallel_loop(0, W, 1, unroll=4)
        def _(w, sb=sb, iv_ref=iv_ref, base0=base0):
            e0 = w * C
            basev = iota16 * 0 + (base0 + 2 * w)
            for k in range(CCHUNKS):
                iv = iv_ref[pl.ds(e0 + k * LANES, LANES)]
                vv = val0[pl.ds(e0 + k * LANES, LANES)]
                off = iv - basev
                a = (off >= HW2).astype(jnp.int32)
                off2 = off - a * HW2
                bb = (off2 >= W_OUT).astype(jnp.int32)
                cw = off2 - bb * W_OUT
                row = a * 112 + bb * 56 + (2 * w) + cw
                iv_ref[pl.ds(e0 + k * LANES, LANES)] = (row << 8) | cvecs[k]
                plsc.store_scatter(sb, [row, cvecs[k]], vv)

        for dsc in out_runs(u, s):
            dsc.start()

    @pl.loop(0, GROUPS)
    def _(g):
        unit_step(g, 0)
        unit_step(g, 1)

    for s in (0, 1):
        for dsc in out_runs(UNITS_PER_W - 2 + s, s):
            dsc.wait()


def _make_sc_unpool():
    return pl.kernel(
        _sc_unpool_body,
        out_type=jax.ShapeDtypeStruct((N, D_OUT, H_OUT, W_OUT, C),
                                      jnp.float32),
        mesh=plsc.VectorSubcoreMesh(core_axis_name="c", subcore_axis_name="s"),
        compiler_params=pltpu.CompilerParams(needs_layout_passes=False),
        scratch_types=[
            pltpu.VMEM((SLAB_ROWS, C), jnp.float32),
            pltpu.VMEM((SLAB_ROWS, C), jnp.float32),
            pltpu.VMEM((ROW_ELEMS,), jnp.int32),
            pltpu.VMEM((ROW_ELEMS,), jnp.int32),
            pltpu.VMEM((ROW_ELEMS,), jnp.float32),
            pltpu.SemaphoreType.DMA,
            pltpu.SemaphoreType.DMA,
            pltpu.SemaphoreType.DMA,
            pltpu.SemaphoreType.DMA,
        ],
    )


_sc_unpool = _make_sc_unpool()


def kernel(input, indices):
    vals = input.transpose(0, 2, 3, 4, 1).reshape(ROWS, ROW_ELEMS)
    idx = (indices.astype(jnp.int32)
           .transpose(0, 2, 3, 4, 1).reshape(ROWS, ROW_ELEMS))
    out = _sc_unpool(vals, idx)
    return out.transpose(0, 4, 1, 2, 3)

# --- scband reference (transcript-rebuilt; emitter-appended) ---
"""Pipeline reference for scband-max-unpool3d-62259845922950 (READ-ONLY COPY).

The authoritative reference and input builder live on the scoring server;
editing this copy changes nothing except your own understanding.
"""

import jax, jax.numpy as jnp
import numpy as np

KERNEL = (2, 2, 2)
STRIDE = (2, 2, 2)
PADDING = (0, 0, 0)
N, C, D, H, W = 2, 192, 8, 28, 28
D_OUT = (D - 1) * STRIDE[0] - 2 * PADDING[0] + KERNEL[0]
H_OUT = (H - 1) * STRIDE[1] - 2 * PADDING[1] + KERNEL[1]
W_OUT = (W - 1) * STRIDE[2] - 2 * PADDING[2] + KERNEL[2]


def _make_indices(key):
    # Generate valid MaxPool3d-style indices: one unique flat index per pooling
    # window (values in [0, D_OUT*H_OUT*W_OUT)), matching what MaxPool3d with
    # return_indices=True would emit. Guarantees uniqueness per (N, C) plane.
    k1, k2, k3 = jax.random.split(key, 3)
    rd = jax.random.randint(k1, (N, C, D, H, W), 0, KERNEL[0])
    rh = jax.random.randint(k2, (N, C, D, H, W), 0, KERNEL[1])
    rw = jax.random.randint(k3, (N, C, D, H, W), 0, KERNEL[2])
    d_base = (jnp.arange(D) * STRIDE[0])[None, None, :, None, None]
    h_base = (jnp.arange(H) * STRIDE[1])[None, None, None, :, None]
    w_base = (jnp.arange(W) * STRIDE[2])[None, None, None, None, :]
    d_pos = d_base + rd
    h_pos = h_base + rh
    w_pos = w_base + rw
    idx = (d_pos * H_OUT + h_pos) * W_OUT + w_pos
    return idx.astype(jnp.int64)


def setup_inputs(seed: int = 0) -> dict:
    key = jax.random.key(seed)
    k_in, k_idx = jax.random.split(key)
    inp = jax.random.normal(k_in, (N, C, D, H, W), dtype=jnp.float32)
    indices = _make_indices(k_idx)
    return {"input": inp, "indices": indices}


def reference(input, indices):
    # Faithful MaxUnpool3d: scatter each pooled value to its recorded flat
    # position inside the (D_OUT, H_OUT, W_OUT) volume; all other entries zero.
    n, c, d, h, w = input.shape
    flat_vals = input.reshape(n, c, -1)
    flat_idx = indices.reshape(n, c, -1)
    out_flat = jnp.zeros((n, c, D_OUT * H_OUT * W_OUT), dtype=input.dtype)
    n_idx = jnp.arange(n)[:, None, None]
    c_idx = jnp.arange(c)[None, :, None]
    out_flat = out_flat.at[n_idx, c_idx, flat_idx].set(flat_vals)
    return out_flat.reshape(n, c, D_OUT, H_OUT, W_OUT)

if __name__ == "__main__":
    import jax
    _d = setup_inputs()
    print(jax.jit(kernel)(*tuple(_d.values())))

</pallas_src>

<mosaic_0001>
#map = affine_map<(d0, d1) -> (0, 0)>
#map1 = affine_map<(d0, d1) -> (0, 0, 0, 0, 0)>
module attributes {stable_mosaic.version = 14 : i64} {
  func.func @_sc_unpool_body(%arg0: i32, %arg1: i32, %arg2: memref<448x5376xf32, #tpu.memory_space<hbm>>, %arg3: memref<448x5376xi32, #tpu.memory_space<hbm>>, %arg4: memref<2x16x56x56x192xf32, #tpu.memory_space<hbm>>, %arg5: memref<224x192xf32, #tpu.memory_space<vmem>>, %arg6: memref<224x192xf32, #tpu.memory_space<vmem>>, %arg7: memref<5376xi32, #tpu.memory_space<vmem>>, %arg8: memref<5376xi32, #tpu.memory_space<vmem>>, %arg9: memref<5376xf32, #tpu.memory_space<vmem>>, %arg10: memref<!tpu.dma_semaphore, #tpu.memory_space<semaphore_mem>>, %arg11: memref<!tpu.dma_semaphore, #tpu.memory_space<semaphore_mem>>, %arg12: memref<!tpu.dma_semaphore, #tpu.memory_space<semaphore_mem>>, %arg13: memref<!tpu.dma_semaphore, #tpu.memory_space<semaphore_mem>>) attributes {dimension_semantics = [#tpu.dimension_semantics<core_parallel>, #tpu.dimension_semantics<subcore_parallel>], iteration_bounds = array<i64: 2, 16>, scalar_prefetch = 0 : i64, scratch_operands = 9 : i64, tpu.core_type = #tpu.core_type<sc_vector_subcore>, window_params = [{transform_indices = #map}, {transform_indices = #map}, {transform_indices = #map1}]} {
    %mul3A = arith.constant 2 : i32
    %mul3A_0 = arith.muli %arg1, %mul3A : i32
    %add3A = arith.addi %mul3A_0, %arg0 : i32
    %broadcast_in_dim3A = arith.constant 0.000000e+00 : f32
    %broadcast_in_dim3A_1 = vector.broadcast %broadcast_in_dim3A : f32 to vector<16xf32>
    %iota3A = tpu.iota {dimensions = array<i32: 0>} : vector<16xi32>
    %add3A_2 = arith.constant 0 : i32
    %add3A_3 = vector.broadcast %add3A_2 : i32 to vector<16xi32>
    %add3A_4 = arith.addi %iota3A, %add3A_3 : vector<16xi32>
    %add3A_5 = arith.constant 16 : i32
    %add3A_6 = vector.broadcast %add3A_5 : i32 to vector<16xi32>
    %add3A_7 = arith.addi %iota3A, %add3A_6 : vector<16xi32>
    %add3A_8 = arith.constant 32 : i32
    %add3A_9 = vector.broadcast %add3A_8 : i32 to vector<16xi32>
    %add3A_10 = arith.addi %iota3A, %add3A_9 : vector<16xi32>
    %add3A_11 = arith.constant 48 : i32
    %add3A_12 = vector.broadcast %add3A_11 : i32 to vector<16xi32>
    %add3A_13 = arith.addi %iota3A, %add3A_12 : vector<16xi32>
    %add3A_14 = arith.constant 64 : i32
    %add3A_15 = vector.broadcast %add3A_14 : i32 to vector<16xi32>
    %add3A_16 = arith.addi %iota3A, %add3A_15 : vector<16xi32>
    %add3A_17 = arith.constant 80 : i32
    %add3A_18 = vector.broadcast %add3A_17 : i32 to vector<16xi32>
    %add3A_19 = arith.addi %iota3A, %add3A_18 : vector<16xi32>
    %add3A_20 = arith.constant 96 : i32
    %add3A_21 = vector.broadcast %add3A_20 : i32 to vector<16xi32>
    %add3A_22 = arith.addi %iota3A, %add3A_21 : vector<16xi32>
    %add3A_23 = arith.constant 112 : i32
    %add3A_24 = vector.broadcast %add3A_23 : i32 to vector<16xi32>
    %add3A_25 = arith.addi %iota3A, %add3A_24 : vector<16xi32>
    %add3A_26 = arith.constant 128 : i32
    %add3A_27 = vector.broadcast %add3A_26 : i32 to vector<16xi32>
    %add3A_28 = arith.addi %iota3A, %add3A_27 : vector<16xi32>
    %add3A_29 = arith.constant 144 : i32
    %add3A_30 = vector.broadcast %add3A_29 : i32 to vector<16xi32>
    %add3A_31 = arith.addi %iota3A, %add3A_30 : vector<16xi32>
    %add3A_32 = arith.constant 160 : i32
    %add3A_33 = vector.broadcast %add3A_32 : i32 to vector<16xi32>
    %add3A_34 = arith.addi %iota3A, %add3A_33 : vector<16xi32>
    %add3A_35 = arith.constant 176 : i32
    %add3A_36 = vector.broadcast %add3A_35 : i32 to vector<16xi32>
    %add3A_37 = arith.addi %iota3A, %add3A_36 : vector<16xi32>
    %parallel_loop3A = arith.constant 0 : i32
    %parallel_loop3A_38 = arith.constant 224 : i32
    %parallel_loop3A_39 = arith.constant 1 : i32
    scf.for %parallel_loop3A_296 = %parallel_loop3A to %parallel_loop3A_38 step %parallel_loop3A_39  : i32 {
      %parallel_loop3A_297 = arith.constant 0 : i32
      %parallel_loop3A_298 = vector.broadcast %parallel_loop3A_297 : i32 to vector<16xi32>
      %parallel_loop3A_299 = arith.muli %iota3A, %parallel_loop3A_298 : vector<16xi32>
      %parallel_loop3A_300 = vector.broadcast %parallel_loop3A_296 : i32 to vector<16xi32>
      %parallel_loop3A_301 = arith.addi %parallel_loop3A_299, %parallel_loop3A_300 : vector<16xi32>
      tpu.vector_store_idx %arg5[%parallel_loop3A_301, %add3A_4], %broadcast_in_dim3A_1 : memref<224x192xf32, #tpu.memory_space<vmem>>[vector<16xi32>, vector<16xi32>], vector<16xf32>,
      tpu.vector_store_idx %arg5[%parallel_loop3A_301, %add3A_7], %broadcast_in_dim3A_1 : memref<224x192xf32, #tpu.memory_space<vmem>>[vector<16xi32>, vector<16xi32>], vector<16xf32>,
      tpu.vector_store_idx %arg5[%parallel_loop3A_301, %add3A_10], %broadcast_in_dim3A_1 : memref<224x192xf32, #tpu.memory_space<vmem>>[vector<16xi32>, vector<16xi32>], vector<16xf32>,
      tpu.vector_store_idx %arg5[%parallel_loop3A_301, %add3A_13], %broadcast_in_dim3A_1 : memref<224x192xf32, #tpu.memory_space<vmem>>[vector<16xi32>, vector<16xi32>], vector<16xf32>,
      tpu.vector_store_idx %arg5[%parallel_loop3A_301, %add3A_16], %broadcast_in_dim3A_1 : memref<224x192xf32, #tpu.memory_space<vmem>>[vector<16xi32>, vector<16xi32>], vector<16xf32>,
      tpu.vector_store_idx %arg5[%parallel_loop3A_301, %add3A_19], %broadcast_in_dim3A_1 : memref<224x192xf32, #tpu.memory_space<vmem>>[vector<16xi32>, vector<16xi32>], vector<16xf32>,
      tpu.vector_store_idx %arg5[%parallel_loop3A_301, %add3A_22], %broadcast_in_dim3A_1 : memref<224x192xf32, #tpu.memory_space<vmem>>[vector<16xi32>, vector<16xi32>], vector<16xf32>,
      tpu.vector_store_idx %arg5[%parallel_loop3A_301, %add3A_25], %broadcast_in_dim3A_1 : memref<224x192xf32, #tpu.memory_space<vmem>>[vector<16xi32>, vector<16xi32>], vector<16xf32>,
      tpu.vector_store_idx %arg5[%parallel_loop3A_301, %add3A_28], %broadcast_in_dim3A_1 : memref<224x192xf32, #tpu.memory_space<vmem>>[vector<16xi32>, vector<16xi32>], vector<16xf32>,
      tpu.vector_store_idx %arg5[%parallel_loop3A_301, %add3A_31], %broadcast_in_dim3A_1 : memref<224x192xf32, #tpu.memory_space<vmem>>[vector<16xi32>, vector<16xi32>], vector<16xf32>,
      tpu.vector_store_idx %arg5[%parallel_loop3A_301, %add3A_34], %broadcast_in_dim3A_1 : memref<224x192xf32, #tpu.memory_space<vmem>>[vector<16xi32>, vector<16xi32>], vector<16xf32>,
      tpu.vector_store_idx %arg5[%parallel_loop3A_301, %add3A_37], %broadcast_in_dim3A_1 : memref<224x192xf32, #tpu.memory_space<vmem>>[vector<16xi32>, vector<16xi32>], vector<16xf32>,
    } {sc.loop_unroll_factor = 2 : i64, sc.parallel_access}
    %parallel_loop3A_40 = arith.constant 0 : i32
    %parallel_loop3A_41 = arith.constant 224 : i32
    %parallel_loop3A_42 = arith.constant 1 : i32
    scf.for %parallel_loop3A_296 = %parallel_loop3A_40 to %parallel_loop3A_41 step %parallel_loop3A_42  : i32 {
      %parallel_loop3A_297 = arith.constant 0 : i32
      %parallel_loop3A_298 = vector.broadcast %parallel_loop3A_297 : i32 to vector<16xi32>
      %parallel_loop3A_299 = arith.muli %iota3A, %parallel_loop3A_298 : vector<16xi32>
      %parallel_loop3A_300 = vector.broadcast %parallel_loop3A_296 : i32 to vector<16xi32>
      %parallel_loop3A_301 = arith.addi %parallel_loop3A_299, %parallel_loop3A_300 : vector<16xi32>
      tpu.vector_store_idx %arg6[%parallel_loop3A_301, %add3A_4], %broadcast_in_dim3A_1 : memref<224x192xf32, #tpu.memory_space<vmem>>[vector<16xi32>, vector<16xi32>], vector<16xf32>,
      tpu.vector_store_idx %arg6[%parallel_loop3A_301, %add3A_7], %broadcast_in_dim3A_1 : memref<224x192xf32, #tpu.memory_space<vmem>>[vector<16xi32>, vector<16xi32>], vector<16xf32>,
      tpu.vector_store_idx %arg6[%parallel_loop3A_301, %add3A_10], %broadcast_in_dim3A_1 : memref<224x192xf32, #tpu.memory_space<vmem>>[vector<16xi32>, vector<16xi32>], vector<16xf32>,
      tpu.vector_store_idx %arg6[%parallel_loop3A_301, %add3A_13], %broadcast_in_dim3A_1 : memref<224x192xf32, #tpu.memory_space<vmem>>[vector<16xi32>, vector<16xi32>], vector<16xf32>,
      tpu.vector_store_idx %arg6[%parallel_loop3A_301, %add3A_16], %broadcast_in_dim3A_1 : memref<224x192xf32, #tpu.memory_space<vmem>>[vector<16xi32>, vector<16xi32>], vector<16xf32>,
      tpu.vector_store_idx %arg6[%parallel_loop3A_301, %add3A_19], %broadcast_in_dim3A_1 : memref<224x192xf32, #tpu.memory_space<vmem>>[vector<16xi32>, vector<16xi32>], vector<16xf32>,
      tpu.vector_store_idx %arg6[%parallel_loop3A_301, %add3A_22], %broadcast_in_dim3A_1 : memref<224x192xf32, #tpu.memory_space<vmem>>[vector<16xi32>, vector<16xi32>], vector<16xf32>,
      tpu.vector_store_idx %arg6[%parallel_loop3A_301, %add3A_25], %broadcast_in_dim3A_1 : memref<224x192xf32, #tpu.memory_space<vmem>>[vector<16xi32>, vector<16xi32>], vector<16xf32>,
      tpu.vector_store_idx %arg6[%parallel_loop3A_301, %add3A_28], %broadcast_in_dim3A_1 : memref<224x192xf32, #tpu.memory_space<vmem>>[vector<16xi32>, vector<16xi32>], vector<16xf32>,
      tpu.vector_store_idx %arg6[%parallel_loop3A_301, %add3A_31], %broadcast_in_dim3A_1 : memref<224x192xf32, #tpu.memory_space<vmem>>[vector<16xi32>, vector<16xi32>], vector<16xf32>,
      tpu.vector_store_idx %arg6[%parallel_loop3A_301, %add3A_34], %broadcast_in_dim3A_1 : memref<224x192xf32, #tpu.memory_space<vmem>>[vector<16xi32>, vector<16xi32>], vector<16xf32>,
      tpu.vector_store_idx %arg6[%parallel_loop3A_301, %add3A_37], %broadcast_in_dim3A_1 : memref<224x192xf32, #tpu.memory_space<vmem>>[vector<16xi32>, vector<16xi32>], vector<16xf32>,
    } {sc.loop_unroll_factor = 2 : i64, sc.parallel_access}
    %scan3A = arith.constant 0 : i32
    %scan3A_43 = arith.constant 7 : i32
    %scan3A_44 = arith.addi %scan3A, %scan3A_43 : i32
    %scan3A_45 = arith.constant 1 : i32
    scf.for %scan3A_296 = %scan3A to %scan3A_44 step %scan3A_45  : i32 {
      %mul3A_297 = arith.constant 1 : i32
      %mul3A_298 = arith.muli %scan3A_296, %mul3A_297 : i32
      %add3A_299 = arith.constant 0 : i32
      %add3A_300 = arith.addi %add3A_299, %mul3A_298 : i32
      %mul3A_301 = arith.constant 2 : i32
      %mul3A_302 = arith.muli %add3A_300, %mul3A_301 : i32
      %add3A_303 = arith.constant 0 : i32
      %add3A_304 = arith.addi %mul3A_302, %add3A_303 : i32
      %mul3A_305 = arith.constant 32 : i32
      %mul3A_306 = arith.muli %add3A_304, %mul3A_305 : i32
      %add3A_307 = arith.addi %mul3A_306, %add3A : i32
      %ge3A_308 = arith.constant 224 : i32
      %ge3A_309 = arith.cmpi sge, %add3A_307, %ge3A_308 : i32
      %convert_element_type3A_310 = arith.extui %ge3A_309 : i1 to i32
      %mul3A_311 = arith.constant 224 : i32
      %mul3A_312 = arith.muli %convert_element_type3A_310, %mul3A_311 : i32
      %sub3A_313 = arith.subi %add3A_307, %mul3A_312 : i32
      %mul3A_314 = arith.constant 586 : i32
      %mul3A_315 = arith.muli %sub3A_313, %mul3A_314 : i32
      %shift_right_arithmetic3A_316 = arith.constant 14 : i32
      %shift_right_arithmetic3A_317 = arith.shrsi %mul3A_315, %shift_right_arithmetic3A_316 : i32
      %mul3A_318 = arith.constant 28 : i32
      %mul3A_319 = arith.muli %shift_right_arithmetic3A_317, %mul3A_318 : i32
      %sub3A_320 = arith.subi %sub3A_313, %mul3A_319 : i32
      %dma_start3A = arith.constant 0 : i32
      %dma_start3A_321 = tpu.memref_slice %arg2[%add3A_307, %dma_start3A] : memref<448x5376xf32, #tpu.memory_space<hbm>> -> memref<1x5376xf32, #tpu.memory_space<hbm>>
      %dma_start3A_322 = tpu.memref_squeeze %dma_start3A_321 : memref<1x5376xf32, #tpu.memory_space<hbm>> -> memref<5376xf32, #tpu.memory_space<hbm>>
      %dma_start3A_323 = arith.constant 0 : i32
      %dma_start3A_324 = tpu.memref_slice %arg2[%add3A_307, %dma_start3A_323] : memref<448x5376xf32, #tpu.memory_space<hbm>> -> memref<1x5376xf32, #tpu.memory_space<hbm>>
      %dma_start3A_325 = tpu.memref_squeeze %dma_start3A_324 : memref<1x5376xf32, #tpu.memory_space<hbm>> -> memref<5376xf32, #tpu.memory_space<hbm>>
      tpu.enqueue_dma source(%dma_start3A_325 : memref<5376xf32, #tpu.memory_space<hbm>>) target(%arg9 : memref<5376xf32, #tpu.memory_space<vmem>>) target_semaphore(%arg13 : memref<!tpu.dma_semaphore, #tpu.memory_space<semaphore_mem>>)
      %gt3A = arith.constant 0 : i32
      %gt3A_326 = arith.cmpi sgt, %add3A_300, %gt3A : i32
      %convert_element_type3A_327 = arith.extui %gt3A_326 : i1 to i32
      %cond3A = arith.constant 0 : i32
      %cond3A_328 = arith.cmpi ne, %convert_element_type3A_327, %cond3A : i32
      scf.if %cond3A_328 {
        %sub3A_672 = arith.constant 2 : i32
        %sub3A_673 = arith.subi %add3A_304, %sub3A_672 : i32
        %mul3A_674 = arith.constant 32 : i32
        %mul3A_675 = arith.muli %sub3A_673, %mul3A_674 : i32
        %add3A_676 = arith.addi %mul3A_675, %add3A : i32
        %ge3A_677 = arith.constant 224 : i32
        %ge3A_678 = arith.cmpi sge, %add3A_676, %ge3A_677 : i32
        %convert_element_type3A_679 = arith.extui %ge3A_678 : i1 to i32
        %mul3A_680 = arith.constant 224 : i32
        %mul3A_681 = arith.muli %convert_element_type3A_679, %mul3A_680 : i32
        %sub3A_682 = arith.subi %add3A_676, %mul3A_681 : i32
        %mul3A_683 = arith.constant 586 : i32
        %mul3A_684 = arith.muli %sub3A_682, %mul3A_683 : i32
        %shift_right_arithmetic3A_685 = arith.constant 14 : i32
        %shift_right_arithmetic3A_686 = arith.shrsi %mul3A_684, %shift_right_arithmetic3A_685 : i32
        %mul3A_687 = arith.constant 28 : i32
        %mul3A_688 = arith.muli %shift_right_arithmetic3A_686, %mul3A_687 : i32
        %sub3A_689 = arith.subi %sub3A_682, %mul3A_688 : i32
        %mul3A_690 = arith.constant 16 : i32
        %mul3A_691 = arith.muli %convert_element_type3A_679, %mul3A_690 : i32
        %mul3A_692 = arith.constant 2 : i32
        %mul3A_693 = arith.muli %mul3A_692, %shift_right_arithmetic3A_686 : i32
        %add3A_694 = arith.addi %mul3A_691, %mul3A_693 : i32
        %add3A_695 = arith.constant 0 : i32
        %add3A_696 = arith.addi %add3A_694, %add3A_695 : i32
        %mul3A_697 = arith.constant 56 : i32
        %mul3A_698 = arith.muli %add3A_696, %mul3A_697 : i32
        %mul3A_699 = arith.constant 2 : i32
        %mul3A_700 = arith.muli %mul3A_699, %sub3A_689 : i32
        %add3A_701 = arith.addi %mul3A_698, %mul3A_700 : i32
        %add3A_702 = arith.constant 0 : i32
        %add3A_703 = arith.addi %add3A_701, %add3A_702 : i32
        %mul3A_704 = arith.constant 56 : i32
        %mul3A_705 = arith.muli %add3A_703, %mul3A_704 : i32
        %mul3A_706 = arith.constant 16 : i32
        %mul3A_707 = arith.muli %convert_element_type3A_679, %mul3A_706 : i32
        %mul3A_708 = arith.constant 2 : i32
        %mul3A_709 = arith.muli %mul3A_708, %shift_right_arithmetic3A_686 : i32
        %add3A_710 = arith.addi %mul3A_707, %mul3A_709 : i32
        %add3A_711 = arith.constant 0 : i32
        %add3A_712 = arith.addi %add3A_710, %add3A_711 : i32
        %mul3A_713 = arith.constant 56 : i32
        %mul3A_714 = arith.muli %add3A_712, %mul3A_713 : i32
        %mul3A_715 = arith.constant 2 : i32
        %mul3A_716 = arith.muli %mul3A_715, %sub3A_689 : i32
        %add3A_717 = arith.addi %mul3A_714, %mul3A_716 : i32
        %add3A_718 = arith.constant 1 : i32
        %add3A_719 = arith.addi %add3A_717, %add3A_718 : i32
        %mul3A_720 = arith.constant 56 : i32
        %mul3A_721 = arith.muli %add3A_719, %mul3A_720 : i32
        %mul3A_722 = arith.constant 16 : i32
        %mul3A_723 = arith.muli %convert_element_type3A_679, %mul3A_722 : i32
        %mul3A_724 = arith.constant 2 : i32
        %mul3A_725 = arith.muli %mul3A_724, %shift_right_arithmetic3A_686 : i32
        %add3A_726 = arith.addi %mul3A_723, %mul3A_725 : i32
        %add3A_727 = arith.constant 1 : i32
        %add3A_728 = arith.addi %add3A_726, %add3A_727 : i32
        %mul3A_729 = arith.constant 56 : i32
        %mul3A_730 = arith.muli %add3A_728, %mul3A_729 : i32
        %mul3A_731 = arith.constant 2 : i32
        %mul3A_732 = arith.muli %mul3A_731, %sub3A_689 : i32
        %add3A_733 = arith.addi %mul3A_730, %mul3A_732 : i32
        %add3A_734 = arith.constant 0 : i32
        %add3A_735 = arith.addi %add3A_733, %add3A_734 : i32
        %mul3A_736 = arith.constant 56 : i32
        %mul3A_737 = arith.muli %add3A_735, %mul3A_736 : i32
        %mul3A_738 = arith.constant 16 : i32
        %mul3A_739 = arith.muli %convert_element_type3A_679, %mul3A_738 : i32
        %mul3A_740 = arith.constant 2 : i32
        %mul3A_741 = arith.muli %mul3A_740, %shift_right_arithmetic3A_686 : i32
        %add3A_742 = arith.addi %mul3A_739, %mul3A_741 : i32
        %add3A_743 = arith.constant 1 : i32
        %add3A_744 = arith.addi %add3A_742, %add3A_743 : i32
        %mul3A_745 = arith.constant 56 : i32
        %mul3A_746 = arith.muli %add3A_744, %mul3A_745 : i32
        %mul3A_747 = arith.constant 2 : i32
        %mul3A_748 = arith.muli %mul3A_747, %sub3A_689 : i32
        %add3A_749 = arith.addi %mul3A_746, %mul3A_748 : i32
        %add3A_750 = arith.constant 1 : i32
        %add3A_751 = arith.addi %add3A_749, %add3A_750 : i32
        %mul3A_752 = arith.constant 56 : i32
        %mul3A_753 = arith.muli %add3A_751, %mul3A_752 : i32
        %dma_wait3A_754 = arith.constant 0 : i32
        %dma_wait3A_755 = arith.constant 0 : i32
        %dma_wait3A_756 = tpu.memref_slice %arg5[%dma_wait3A_754, %dma_wait3A_755] : memref<224x192xf32, #tpu.memory_space<vmem>> -> memref<56x192xf32, #tpu.memory_space<vmem>>
        %dma_wait3A_757 = tpu.memref_reshape %arg4 : memref<2x16x56x56x192xf32, #tpu.memory_space<hbm>> -> memref<100352x192xf32, #tpu.memory_space<hbm>>
        %dma_wait3A_758 = arith.constant 0 : i32
        %dma_wait3A_759 = tpu.memref_slice %dma_wait3A_757[%mul3A_705, %dma_wait3A_758] : memref<100352x192xf32, #tpu.memory_space<hbm>> -> memref<56x192xf32, #tpu.memory_space<hbm>>
        %dma_wait3A_760 = tpu.memref_reshape %arg4 : memref<2x16x56x56x192xf32, #tpu.memory_space<hbm>> -> memref<100352x192xf32, #tpu.memory_space<hbm>>
        %dma_wait3A_761 = arith.constant 0 : i32
        %dma_wait3A_762 = tpu.memref_slice %dma_wait3A_760[%mul3A_705, %dma_wait3A_761] : memref<100352x192xf32, #tpu.memory_space<hbm>> -> memref<56x192xf32, #tpu.memory_space<hbm>>
        %dma_wait3A_763 = arith.constant 0 : i32
        %dma_wait3A_764 = arith.constant 0 : i32
        %dma_wait3A_765 = tpu.memref_slice %arg5[%dma_wait3A_763, %dma_wait3A_764] : memref<224x192xf32, #tpu.memory_space<vmem>> -> memref<56x192xf32, #tpu.memory_space<vmem>>
        tpu.wait_dma2 semaphore(%arg10 : memref<!tpu.dma_semaphore, #tpu.memory_space<semaphore_mem>>) src(%dma_wait3A_765 : memref<56x192xf32, #tpu.memory_space<vmem>>) dst(%dma_wait3A_762 : memref<56x192xf32, #tpu.memory_space<hbm>>)
        %dma_wait3A_766 = arith.constant 56 : i32
        %dma_wait3A_767 = arith.constant 0 : i32
        %dma_wait3A_768 = tpu.memref_slice %arg5[%dma_wait3A_766, %dma_wait3A_767] : memref<224x192xf32, #tpu.memory_space<vmem>> -> memref<56x192xf32, #tpu.memory_space<vmem>>
        %dma_wait3A_769 = tpu.memref_reshape %arg4 : memref<2x16x56x56x192xf32, #tpu.memory_space<hbm>> -> memref<100352x192xf32, #tpu.memory_space<hbm>>
        %dma_wait3A_770 = arith.constant 0 : i32
        %dma_wait3A_771 = tpu.memref_slice %dma_wait3A_769[%mul3A_721, %dma_wait3A_770] : memref<100352x192xf32, #tpu.memory_space<hbm>> -> memref<56x192xf32, #tpu.memory_space<hbm>>
        %dma_wait3A_772 = tpu.memref_reshape %arg4 : memref<2x16x56x56x192xf32, #tpu.memory_space<hbm>> -> memref<100352x192xf32, #tpu.memory_space<hbm>>
        %dma_wait3A_773 = arith.constant 0 : i32
        %dma_wait3A_774 = tpu.memref_slice %dma_wait3A_772[%mul3A_721, %dma_wait3A_773] : memref<100352x192xf32, #tpu.memory_space<hbm>> -> memref<56x192xf32, #tpu.memory_space<hbm>>
        %dma_wait3A_775 = arith.constant 56 : i32
        %dma_wait3A_776 = arith.constant 0 : i32
        %dma_wait3A_777 = tpu.memref_slice %arg5[%dma_wait3A_775, %dma_wait3A_776] : memref<224x192xf32, #tpu.memory_space<vmem>> -> memref<56x192xf32, #tpu.memory_space<vmem>>
        tpu.wait_dma2 semaphore(%arg10 : memref<!tpu.dma_semaphore, #tpu.memory_space<semaphore_mem>>) src(%dma_wait3A_777 : memref<56x192xf32, #tpu.memory_space<vmem>>) dst(%dma_wait3A_774 : memref<56x192xf32, #tpu.memory_space<hbm>>)
        %dma_wait3A_778 = arith.constant 112 : i32
        %dma_wait3A_779 = arith.constant 0 : i32
        %dma_wait3A_780 = tpu.memref_slice %arg5[%dma_wait3A_778, %dma_wait3A_779] : memref<224x192xf32, #tpu.memory_space<vmem>> -> memref<56x192xf32, #tpu.memory_space<vmem>>
        %dma_wait3A_781 = tpu.memref_reshape %arg4 : memref<2x16x56x56x192xf32, #tpu.memory_space<hbm>> -> memref<100352x192xf32, #tpu.memory_space<hbm>>
        %dma_wait3A_782 = arith.constant 0 : i32
        %dma_wait3A_783 = tpu.memref_slice %dma_wait3A_781[%mul3A_737, %dma_wait3A_782] : memref<100352x192xf32, #tpu.memory_space<hbm>> -> memref<56x192xf32, #tpu.memory_space<hbm>>
        %dma_wait3A_784 = tpu.memref_reshape %arg4 : memref<2x16x56x56x192xf32, #tpu.memory_space<hbm>> -> memref<100352x192xf32, #tpu.memory_space<hbm>>
        %dma_wait3A_785 = arith.constant 0 : i32
        %dma_wait3A_786 = tpu.memref_slice %dma_wait3A_784[%mul3A_737, %dma_wait3A_785] : memref<100352x192xf32, #tpu.memory_space<hbm>> -> memref<56x192xf32, #tpu.memory_space<hbm>>
        %dma_wait3A_787 = arith.constant 112 : i32
        %dma_wait3A_788 = arith.constant 0 : i32
        %dma_wait3A_789 = tpu.memref_slice %arg5[%dma_wait3A_787, %dma_wait3A_788] : memref<224x192xf32, #tpu.memory_space<vmem>> -> memref<56x192xf32, #tpu.memory_space<vmem>>
        tpu.wait_dma2 semaphore(%arg10 : memref<!tpu.dma_semaphore, #tpu.memory_space<semaphore_mem>>) src(%dma_wait3A_789 : memref<56x192xf32, #tpu.memory_space<vmem>>) dst(%dma_wait3A_786 : memref<56x192xf32, #tpu.memory_space<hbm>>)
        %dma_wait3A_790 = arith.constant 168 : i32
        %dma_wait3A_791 = arith.constant 0 : i32
        %dma_wait3A_792 = tpu.memref_slice %arg5[%dma_wait3A_790, %dma_wait3A_791] : memref<224x192xf32, #tpu.memory_space<vmem>> -> memref<56x192xf32, #tpu.memory_space<vmem>>
        %dma_wait3A_793 = tpu.memref_reshape %arg4 : memref<2x16x56x56x192xf32, #tpu.memory_space<hbm>> -> memref<100352x192xf32, #tpu.memory_space<hbm>>
        %dma_wait3A_794 = arith.constant 0 : i32
        %dma_wait3A_795 = tpu.memref_slice %dma_wait3A_793[%mul3A_753, %dma_wait3A_794] : memref<100352x192xf32, #tpu.memory_space<hbm>> -> memref<56x192xf32, #tpu.memory_space<hbm>>
        %dma_wait3A_796 = tpu.memref_reshape %arg4 : memref<2x16x56x56x192xf32, #tpu.memory_space<hbm>> -> memref<100352x192xf32, #tpu.memory_space<hbm>>
        %dma_wait3A_797 = arith.constant 0 : i32
        %dma_wait3A_798 = tpu.memref_slice %dma_wait3A_796[%mul3A_753, %dma_wait3A_797] : memref<100352x192xf32, #tpu.memory_space<hbm>> -> memref<56x192xf32, #tpu.memory_space<hbm>>
        %dma_wait3A_799 = arith.constant 168 : i32
        %dma_wait3A_800 = arith.constant 0 : i32
        %dma_wait3A_801 = tpu.memref_slice %arg5[%dma_wait3A_799, %dma_wait3A_800] : memref<224x192xf32, #tpu.memory_space<vmem>> -> memref<56x192xf32, #tpu.memory_space<vmem>>
        tpu.wait_dma2 semaphore(%arg10 : memref<!tpu.dma_semaphore, #tpu.memory_space<semaphore_mem>>) src(%dma_wait3A_801 : memref<56x192xf32, #tpu.memory_space<vmem>>) dst(%dma_wait3A_798 : memref<56x192xf32, #tpu.memory_space<hbm>>)
        %parallel_loop3A_802 = arith.constant 0 : i32
        %parallel_loop3A_803 = arith.constant 5376 : i32
        %parallel_loop3A_804 = arith.constant 16 : i32
        scf.for %parallel_loop3A_805 = %parallel_loop3A_802 to %parallel_loop3A_803 step %parallel_loop3A_804  : i32 {
          %parallel_loop3A_806 = arith.index_cast %parallel_loop3A_805 : i32 to index
          %parallel_loop3A_807 = tpu.vector_load %arg7[%parallel_loop3A_806] {strides = array<i32>} : memref<5376xi32, #tpu.memory_space<vmem>>, vector<16xi32>,
          %parallel_loop3A_808 = arith.constant 8 : i32
          %parallel_loop3A_809 = vector.broadcast %parallel_loop3A_808 : i32 to vector<16xi32>
          %parallel_loop3A_810 = arith.shrsi %parallel_loop3A_807, %parallel_loop3A_809 : vector<16xi32>
          %parallel_loop3A_811 = arith.constant 255 : i32
          %parallel_loop3A_812 = vector.broadcast %parallel_loop3A_811 : i32 to vector<16xi32>
          %parallel_loop3A_813 = arith.andi %parallel_loop3A_807, %parallel_loop3A_812 : vector<16xi32>
          tpu.vector_store_idx %arg5[%parallel_loop3A_810, %parallel_loop3A_813], %broadcast_in_dim3A_1 : memref<224x192xf32, #tpu.memory_space<vmem>>[vector<16xi32>, vector<16xi32>], vector<16xf32>,
        } {sc.loop_unroll_factor = 8 : i64, sc.parallel_access}
      } else {
      }
      %dma_start3A_329 = arith.constant 0 : i32
      %dma_start3A_330 = tpu.memref_slice %arg3[%add3A_307, %dma_start3A_329] : memref<448x5376xi32, #tpu.memory_space<hbm>> -> memref<1x5376xi32, #tpu.memory_space<hbm>>
      %dma_start3A_331 = tpu.memref_squeeze %dma_start3A_330 : memref<1x5376xi32, #tpu.memory_space<hbm>> -> memref<5376xi32, #tpu.memory_space<hbm>>
      %dma_start3A_332 = arith.constant 0 : i32
      %dma_start3A_333 = tpu.memref_slice %arg3[%add3A_307, %dma_start3A_332] : memref<448x5376xi32, #tpu.memory_space<hbm>> -> memref<1x5376xi32, #tpu.memory_space<hbm>>
      %dma_start3A_334 = tpu.memref_squeeze %dma_start3A_333 : memref<1x5376xi32, #tpu.memory_space<hbm>> -> memref<5376xi32, #tpu.memory_space<hbm>>
      tpu.enqueue_dma source(%dma_start3A_334 : memref<5376xi32, #tpu.memory_space<hbm>>) target(%arg7 : memref<5376xi32, #tpu.memory_space<vmem>>) target_semaphore(%arg12 : memref<!tpu.dma_semaphore, #tpu.memory_space<semaphore_mem>>)
      %dma_wait3A_335 = arith.constant 0 : i32
      %dma_wait3A_336 = tpu.memref_slice %arg3[%add3A_307, %dma_wait3A_335] : memref<448x5376xi32, #tpu.memory_space<hbm>> -> memref<1x5376xi32, #tpu.memory_space<hbm>>
      %dma_wait3A_337 = tpu.memref_squeeze %dma_wait3A_336 : memref<1x5376xi32, #tpu.memory_space<hbm>> -> memref<5376xi32, #tpu.memory_space<hbm>>
      %dma_wait3A_338 = arith.constant 0 : i32
      %dma_wait3A_339 = tpu.memref_slice %arg3[%add3A_307, %dma_wait3A_338] : memref<448x5376xi32, #tpu.memory_space<hbm>> -> memref<1x5376xi32, #tpu.memory_space<hbm>>
      %dma_wait3A_340 = tpu.memref_squeeze %dma_wait3A_339 : memref<1x5376xi32, #tpu.memory_space<hbm>> -> memref<5376xi32, #tpu.memory_space<hbm>>
      tpu.wait_dma2 semaphore(%arg12 : memref<!tpu.dma_semaphore, #tpu.memory_space<semaphore_mem>>) src(%dma_wait3A_340 : memref<5376xi32, #tpu.memory_space<hbm>>) dst(%arg7 : memref<5376xi32, #tpu.memory_space<vmem>>)
      %dma_wait3A_341 = arith.constant 0 : i32
      %dma_wait3A_342 = tpu.memref_slice %arg2[%add3A_307, %dma_wait3A_341] : memref<448x5376xf32, #tpu.memory_space<hbm>> -> memref<1x5376xf32, #tpu.memory_space<hbm>>
      %dma_wait3A_343 = tpu.memref_squeeze %dma_wait3A_342 : memref<1x5376xf32, #tpu.memory_space<hbm>> -> memref<5376xf32, #tpu.memory_space<hbm>>
      %dma_wait3A_344 = arith.constant 0 : i32
      %dma_wait3A_345 = tpu.memref_slice %arg2[%add3A_307, %dma_wait3A_344] : memref<448x5376xf32, #tpu.memory_space<hbm>> -> memref<1x5376xf32, #tpu.memory_space<hbm>>
      %dma_wait3A_346 = tpu.memref_squeeze %dma_wait3A_345 : memref<1x5376xf32, #tpu.memory_space<hbm>> -> memref<5376xf32, #tpu.memory_space<hbm>>
      tpu.wait_dma2 semaphore(%arg13 : memref<!tpu.dma_semaphore, #tpu.memory_space<semaphore_mem>>) src(%dma_wait3A_346 : memref<5376xf32, #tpu.memory_space<hbm>>) dst(%arg9 : memref<5376xf32, #tpu.memory_space<vmem>>)
      %mul3A_347 = arith.constant 112 : i32
      %mul3A_348 = arith.muli %mul3A_347, %shift_right_arithmetic3A_317 : i32
      %mul3A_349 = arith.constant 2 : i32
      %mul3A_350 = arith.muli %mul3A_349, %sub3A_320 : i32
      %add3A_351 = arith.addi %mul3A_348, %mul3A_350 : i32
      %mul3A_352 = arith.constant 56 : i32
      %mul3A_353 = arith.muli %add3A_351, %mul3A_352 : i32
      %parallel_loop3A_354 = arith.constant 0 : i32
      %parallel_loop3A_355 = arith.constant 28 : i32
      %parallel_loop3A_356 = arith.constant 1 : i32
      scf.for %parallel_loop3A_672 = %parallel_loop3A_354 to %parallel_loop3A_355 step %parallel_loop3A_356  : i32 {
        %parallel_loop3A_673 = arith.constant 192 : i32
        %parallel_loop3A_674 = arith.muli %parallel_loop3A_672, %parallel_loop3A_673 : i32
        %parallel_loop3A_675 = arith.constant 0 : i32
        %parallel_loop3A_676 = vector.broadcast %parallel_loop3A_675 : i32 to vector<16xi32>
        %parallel_loop3A_677 = arith.muli %iota3A, %parallel_loop3A_676 : vector<16xi32>
        %parallel_loop3A_678 = arith.constant 2 : i32
        %parallel_loop3A_679 = arith.muli %parallel_loop3A_678, %parallel_loop3A_672 : i32
        %parallel_loop3A_680 = arith.addi %mul3A_353, %parallel_loop3A_679 : i32
        %parallel_loop3A_681 = vector.broadcast %parallel_loop3A_680 : i32 to vector<16xi32>
        %parallel_loop3A_682 = arith.addi %parallel_loop3A_677, %parallel_loop3A_681 : vector<16xi32>
        %parallel_loop3A_683 = arith.constant 0 : i32
        %parallel_loop3A_684 = arith.addi %parallel_loop3A_674, %parallel_loop3A_683 : i32
        %parallel_loop3A_685 = arith.index_cast %parallel_loop3A_684 : i32 to index
        %parallel_loop3A_686 = tpu.vector_load %arg7[%parallel_loop3A_685] {strides = array<i32>} : memref<5376xi32, #tpu.memory_space<vmem>>, vector<16xi32>,
        %parallel_loop3A_687 = arith.constant 0 : i32
        %parallel_loop3A_688 = arith.addi %parallel_loop3A_674, %parallel_loop3A_687 : i32
        %parallel_loop3A_689 = arith.index_cast %parallel_loop3A_688 : i32 to index
        %parallel_loop3A_690 = tpu.vector_load %arg9[%parallel_loop3A_689] {strides = array<i32>} : memref<5376xf32, #tpu.memory_space<vmem>>, vector<16xf32>,
        %parallel_loop3A_691 = arith.subi %parallel_loop3A_686, %parallel_loop3A_682 : vector<16xi32>
        %parallel_loop3A_692 = arith.constant 3136 : i32
        %parallel_loop3A_693 = vector.broadcast %parallel_loop3A_692 : i32 to vector<16xi32>
        %parallel_loop3A_694 = arith.cmpi sge, %parallel_loop3A_691, %parallel_loop3A_693 : vector<16xi32>
        %parallel_loop3A_695 = arith.extui %parallel_loop3A_694 : vector<16xi1> to vector<16xi32>
        %parallel_loop3A_696 = arith.constant 3136 : i32
        %parallel_loop3A_697 = vector.broadcast %parallel_loop3A_696 : i32 to vector<16xi32>
        %parallel_loop3A_698 = arith.muli %parallel_loop3A_695, %parallel_loop3A_697 : vector<16xi32>
        %parallel_loop3A_699 = arith.subi %parallel_loop3A_691, %parallel_loop3A_698 : vector<16xi32>
        %parallel_loop3A_700 = arith.constant 56 : i32
        %parallel_loop3A_701 = vector.broadcast %parallel_loop3A_700 : i32 to vector<16xi32>
        %parallel_loop3A_702 = arith.cmpi sge, %parallel_loop3A_699, %parallel_loop3A_701 : vector<16xi32>
        %parallel_loop3A_703 = arith.extui %parallel_loop3A_702 : vector<16xi1> to vector<16xi32>
        %parallel_loop3A_704 = arith.constant 56 : i32
        %parallel_loop3A_705 = vector.broadcast %parallel_loop3A_704 : i32 to vector<16xi32>
        %parallel_loop3A_706 = arith.muli %parallel_loop3A_703, %parallel_loop3A_705 : vector<16xi32>
        %parallel_loop3A_707 = arith.subi %parallel_loop3A_699, %parallel_loop3A_706 : vector<16xi32>
        %parallel_loop3A_708 = arith.constant 112 : i32
        %parallel_loop3A_709 = vector.broadcast %parallel_loop3A_708 : i32 to vector<16xi32>
        %parallel_loop3A_710 = arith.muli %parallel_loop3A_695, %parallel_loop3A_709 : vector<16xi32>
        %parallel_loop3A_711 = arith.constant 56 : i32
        %parallel_loop3A_712 = vector.broadcast %parallel_loop3A_711 : i32 to vector<16xi32>
        %parallel_loop3A_713 = arith.muli %parallel_loop3A_703, %parallel_loop3A_712 : vector<16xi32>
        %parallel_loop3A_714 = arith.addi %parallel_loop3A_710, %parallel_loop3A_713 : vector<16xi32>
        %parallel_loop3A_715 = arith.constant 2 : i32
        %parallel_loop3A_716 = arith.muli %parallel_loop3A_715, %parallel_loop3A_672 : i32
        %parallel_loop3A_717 = vector.broadcast %parallel_loop3A_716 : i32 to vector<16xi32>
        %parallel_loop3A_718 = arith.addi %parallel_loop3A_714, %parallel_loop3A_717 : vector<16xi32>
        %parallel_loop3A_719 = arith.addi %parallel_loop3A_718, %parallel_loop3A_707 : vector<16xi32>
        %parallel_loop3A_720 = arith.constant 8 : i32
        %parallel_loop3A_721 = vector.broadcast %parallel_loop3A_720 : i32 to vector<16xi32>
        %parallel_loop3A_722 = arith.shli %parallel_loop3A_719, %parallel_loop3A_721 : vector<16xi32>
        %parallel_loop3A_723 = arith.ori %parallel_loop3A_722, %add3A_4 : vector<16xi32>
        %parallel_loop3A_724 = arith.constant 0 : i32
        %parallel_loop3A_725 = arith.addi %parallel_loop3A_674, %parallel_loop3A_724 : i32
        %parallel_loop3A_726 = arith.index_cast %parallel_loop3A_725 : i32 to index
        %parallel_loop3A_727 = tpu.vector_load %arg7[%parallel_loop3A_726] {strides = array<i32>} : memref<5376xi32, #tpu.memory_space<vmem>>, vector<16xi32>,
        tpu.vector_store %arg7[%parallel_loop3A_726], %parallel_loop3A_723 {strides = array<i32>} : memref<5376xi32, #tpu.memory_space<vmem>>, vector<16xi32>,
        tpu.vector_store_idx %arg5[%parallel_loop3A_719, %add3A_4], %parallel_loop3A_690 : memref<224x192xf32, #tpu.memory_space<vmem>>[vector<16xi32>, vector<16xi32>], vector<16xf32>,
        %parallel_loop3A_728 = arith.constant 16 : i32
        %parallel_loop3A_729 = arith.addi %parallel_loop3A_674, %parallel_loop3A_728 : i32
        %parallel_loop3A_730 = arith.index_cast %parallel_loop3A_729 : i32 to index
        %parallel_loop3A_731 = tpu.vector_load %arg7[%parallel_loop3A_730] {strides = array<i32>} : memref<5376xi32, #tpu.memory_space<vmem>>, vector<16xi32>,
        %parallel_loop3A_732 = arith.constant 16 : i32
        %parallel_loop3A_733 = arith.addi %parallel_loop3A_674, %parallel_loop3A_732 : i32
        %parallel_loop3A_734 = arith.index_cast %parallel_loop3A_733 : i32 to index
        %parallel_loop3A_735 = tpu.vector_load %arg9[%parallel_loop3A_734] {strides = array<i32>} : memref<5376xf32, #tpu.memory_space<vmem>>, vector<16xf32>,
        %parallel_loop3A_736 = arith.subi %parallel_loop3A_731, %parallel_loop3A_682 : vector<16xi32>
        %parallel_loop3A_737 = arith.constant 3136 : i32
        %parallel_loop3A_738 = vector.broadcast %parallel_loop3A_737 : i32 to vector<16xi32>
        %parallel_loop3A_739 = arith.cmpi sge, %parallel_loop3A_736, %parallel_loop3A_738 : vector<16xi32>
        %parallel_loop3A_740 = arith.extui %parallel_loop3A_739 : vector<16xi1> to vector<16xi32>
        %parallel_loop3A_741 = arith.constant 3136 : i32
        %parallel_loop3A_742 = vector.broadcast %parallel_loop3A_741 : i32 to vector<16xi32>
        %parallel_loop3A_743 = arith.muli %parallel_loop3A_740, %parallel_loop3A_742 : vector<16xi32>
        %parallel_loop3A_744 = arith.subi %parallel_loop3A_736, %parallel_loop3A_743 : vector<16xi32>
        %parallel_loop3A_745 = arith.constant 56 : i32
        %parallel_loop3A_746 = vector.broadcast %parallel_loop3A_745 : i32 to vector<16xi32>
        %parallel_loop3A_747 = arith.cmpi sge, %parallel_loop3A_744, %parallel_loop3A_746 : vector<16xi32>
        %parallel_loop3A_748 = arith.extui %parallel_loop3A_747 : vector<16xi1> to vector<16xi32>
        %parallel_loop3A_749 = arith.constant 56 : i32
        %parallel_loop3A_750 = vector.broadcast %parallel_loop3A_749 : i32 to vector<16xi32>
        %parallel_loop3A_751 = arith.muli %parallel_loop3A_748, %parallel_loop3A_750 : vector<16xi32>
        %parallel_loop3A_752 = arith.subi %parallel_loop3A_744, %parallel_loop3A_751 : vector<16xi32>
        %parallel_loop3A_753 = arith.constant 112 : i32
        %parallel_loop3A_754 = vector.broadcast %parallel_loop3A_753 : i32 to vector<16xi32>
        %parallel_loop3A_755 = arith.muli %parallel_loop3A_740, %parallel_loop3A_754 : vector<16xi32>
        %parallel_loop3A_756 = arith.constant 56 : i32
        %parallel_loop3A_757 = vector.broadcast %parallel_loop3A_756 : i32 to vector<16xi32>
        %parallel_loop3A_758 = arith.muli %parallel_loop3A_748, %parallel_loop3A_757 : vector<16xi32>
        %parallel_loop3A_759 = arith.addi %parallel_loop3A_755, %parallel_loop3A_758 : vector<16xi32>
        %parallel_loop3A_760 = arith.constant 2 : i32
        %parallel_loop3A_761 = arith.muli %parallel_loop3A_760, %parallel_loop3A_672 : i32
        %parallel_loop3A_762 = vector.broadcast %parallel_loop3A_761 : i32 to vector<16xi32>
        %parallel_loop3A_763 = arith.addi %parallel_loop3A_759, %parallel_loop3A_762 : vector<16xi32>
        %parallel_loop3A_764 = arith.addi %parallel_loop3A_763, %parallel_loop3A_752 : vector<16xi32>
        %parallel_loop3A_765 = arith.constant 8 : i32
        %parallel_loop3A_766 = vector.broadcast %parallel_loop3A_765 : i32 to vector<16xi32>
        %parallel_loop3A_767 = arith.shli %parallel_loop3A_764, %parallel_loop3A_766 : vector<16xi32>
        %parallel_loop3A_768 = arith.ori %parallel_loop3A_767, %add3A_7 : vector<16xi32>
        %parallel_loop3A_769 = arith.constant 16 : i32
        %parallel_loop3A_770 = arith.addi %parallel_loop3A_674, %parallel_loop3A_769 : i32
        %parallel_loop3A_771 = arith.index_cast %parallel_loop3A_770 : i32 to index
        %parallel_loop3A_772 = tpu.vector_load %arg7[%parallel_loop3A_771] {strides = array<i32>} : memref<5376xi32, #tpu.memory_space<vmem>>, vector<16xi32>,
        tpu.vector_store %arg7[%parallel_loop3A_771], %parallel_loop3A_768 {strides = array<i32>} : memref<5376xi32, #tpu.memory_space<vmem>>, vector<16xi32>,
        tpu.vector_store_idx %arg5[%parallel_loop3A_764, %add3A_7], %parallel_loop3A_735 : memref<224x192xf32, #tpu.memory_space<vmem>>[vector<16xi32>, vector<16xi32>], vector<16xf32>,
        %parallel_loop3A_773 = arith.constant 32 : i32
        %parallel_loop3A_774 = arith.addi %parallel_loop3A_674, %parallel_loop3A_773 : i32
        %parallel_loop3A_775 = arith.index_cast %parallel_loop3A_774 : i32 to index
        %parallel_loop3A_776 = tpu.vector_load %arg7[%parallel_loop3A_775] {strides = array<i32>} : memref<5376xi32, #tpu.memory_space<vmem>>, vector<16xi32>,
        %parallel_loop3A_777 = arith.constant 32 : i32
        %parallel_loop3A_778 = arith.addi %parallel_loop3A_674, %parallel_loop3A_777 : i32
        %parallel_loop3A_779 = arith.index_cast %parallel_loop3A_778 : i32 to index
        %parallel_loop3A_780 = tpu.vector_load %arg9[%parallel_loop3A_779] {strides = array<i32>} : memref<5376xf32, #tpu.memory_space<vmem>>, vector<16xf32>,
        %parallel_loop3A_781 = arith.subi %parallel_loop3A_776, %parallel_loop3A_682 : vector<16xi32>
        %parallel_loop3A_782 = arith.constant 3136 : i32
        %parallel_loop3A_783 = vector.broadcast %parallel_loop3A_782 : i32 to vector<16xi32>
        %parallel_loop3A_784 = arith.cmpi sge, %parallel_loop3A_781, %parallel_loop3A_783 : vector<16xi32>
        %parallel_loop3A_785 = arith.extui %parallel_loop3A_784 : vector<16xi1> to vector<16xi32>
        %parallel_loop3A_786 = arith.constant 3136 : i32
        %parallel_loop3A_787 = vector.broadcast %parallel_loop3A_786 : i32 to vector<16xi32>
        %parallel_loop3A_788 = arith.muli %parallel_loop3A_785, %parallel_loop3A_787 : vector<16xi32>
        %parallel_loop3A_789 = arith.subi %parallel_loop3A_781, %parallel_loop3A_788 : vector<16xi32>
        %parallel_loop3A_790 = arith.constant 56 : i32
        %parallel_loop3A_791 = vector.broadcast %parallel_loop3A_790 : i32 to vector<16xi32>
        %parallel_loop3A_792 = arith.cmpi sge, %parallel_loop3A_789, %parallel_loop3A_791 : vector<16xi32>
        %parallel_loop3A_793 = arith.extui %parallel_loop3A_792 : vector<16xi1> to vector<16xi32>
        %parallel_loop3A_794 = arith.constant 56 : i32
        %parallel_loop3A_795 = vector.broadcast %parallel_loop3A_794 : i32 to vector<16xi32>
        %parallel_loop3A_796 = arith.muli %parallel_loop3A_793, %parallel_loop3A_795 : vector<16xi32>
        %parallel_loop3A_797 = arith.subi %parallel_loop3A_789, %parallel_loop3A_796 : vector<16xi32>
        %parallel_loop3A_798 = arith.constant 112 : i32
        %parallel_loop3A_799 = vector.broadcast %parallel_loop3A_798 : i32 to vector<16xi32>
        %parallel_loop3A_800 = arith.muli %parallel_loop3A_785, %parallel_loop3A_799 : vector<16xi32>
        %parallel_loop3A_801 = arith.constant 56 : i32
        %parallel_loop3A_802 = vector.broadcast %parallel_loop3A_801 : i32 to vector<16xi32>
        %parallel_loop3A_803 = arith.muli %parallel_loop3A_793, %parallel_loop3A_802 : vector<16xi32>
        %parallel_loop3A_804 = arith.addi %parallel_loop3A_800, %parallel_loop3A_803 : vector<16xi32>
        %parallel_loop3A_805 = arith.constant 2 : i32
        %parallel_loop3A_806 = arith.muli %parallel_loop3A_805, %parallel_loop3A_672 : i32
        %parallel_loop3A_807 = vector.broadcast %parallel_loop3A_806 : i32 to vector<16xi32>
        %parallel_loop3A_808 = arith.addi %parallel_loop3A_804, %parallel_loop3A_807 : vector<16xi32>
        %parallel_loop3A_809 = arith.addi %parallel_loop3A_808, %parallel_loop3A_797 : vector<16xi32>
        %parallel_loop3A_810 = arith.constant 8 : i32
        %parallel_loop3A_811 = vector.broadcast %parallel_loop3A_810 : i32 to vector<16xi32>
        %parallel_loop3A_812 = arith.shli %parallel_loop3A_809, %parallel_loop3A_811 : vector<16xi32>
        %parallel_loop3A_813 = arith.ori %parallel_loop3A_812, %add3A_10 : vector<16xi32>
        %parallel_loop3A_814 = arith.constant 32 : i32
        %parallel_loop3A_815 = arith.addi %parallel_loop3A_674, %parallel_loop3A_814 : i32
        %parallel_loop3A_816 = arith.index_cast %parallel_loop3A_815 : i32 to index
        %parallel_loop3A_817 = tpu.vector_load %arg7[%parallel_loop3A_816] {strides = array<i32>} : memref<5376xi32, #tpu.memory_space<vmem>>, vector<16xi32>,
        tpu.vector_store %arg7[%parallel_loop3A_816], %parallel_loop3A_813 {strides = array<i32>} : memref<5376xi32, #tpu.memory_space<vmem>>, vector<16xi32>,
        tpu.vector_store_idx %arg5[%parallel_loop3A_809, %add3A_10], %parallel_loop3A_780 : memref<224x192xf32, #tpu.memory_space<vmem>>[vector<16xi32>, vector<16xi32>], vector<16xf32>,
        %parallel_loop3A_818 = arith.constant 48 : i32
        %parallel_loop3A_819 = arith.addi %parallel_loop3A_674, %parallel_loop3A_818 : i32
        %parallel_loop3A_820 = arith.index_cast %parallel_loop3A_819 : i32 to index
        %parallel_loop3A_821 = tpu.vector_load %arg7[%parallel_loop3A_820] {strides = array<i32>} : memref<5376xi32, #tpu.memory_space<vmem>>, vector<16xi32>,
        %parallel_loop3A_822 = arith.constant 48 : i32
        %parallel_loop3A_823 = arith.addi %parallel_loop3A_674, %parallel_loop3A_822 : i32
        %parallel_loop3A_824 = arith.index_cast %parallel_loop3A_823 : i32 to index
        %parallel_loop3A_825 = tpu.vector_load %arg9[%parallel_loop3A_824] {strides = array<i32>} : memref<5376xf32, #tpu.memory_space<vmem>>, vector<16xf32>,
        %parallel_loop3A_826 = arith.subi %parallel_loop3A_821, %parallel_loop3A_682 : vector<16xi32>
        %parallel_loop3A_827 = arith.constant 3136 : i32
        %parallel_loop3A_828 = vector.broadcast %parallel_loop3A_827 : i32 to vector<16xi32>
        %parallel_loop3A_829 = arith.cmpi sge, %parallel_loop3A_826, %parallel_loop3A_828 : vector<16xi32>
        %parallel_loop3A_830 = arith.extui %parallel_loop3A_829 : vector<16xi1> to vector<16xi32>
        %parallel_loop3A_831 = arith.constant 3136 : i32
        %parallel_loop3A_832 = vector.broadcast %parallel_loop3A_831 : i32 to vector<16xi32>
        %parallel_loop3A_833 = arith.muli %parallel_loop3A_830, %parallel_loop3A_832 : vector<16xi32>
        %parallel_loop3A_834 = arith.subi %parallel_loop3A_826, %parallel_loop3A_833 : vector<16xi32>
        %parallel_loop3A_835 = arith.constant 56 : i32
        %parallel_loop3A_836 = vector.broadcast %parallel_loop3A_835 : i32 to vector<16xi32>
        %parallel_loop3A_837 = arith.cmpi sge, %parallel_loop3A_834, %parallel_loop3A_836 : vector<16xi32>
        %parallel_loop3A_838 = arith.extui %parallel_loop3A_837 : vector<16xi1> to vector<16xi32>
        %parallel_loop3A_839 = arith.constant 56 : i32
        %parallel_loop3A_840 = vector.broadcast %parallel_loop3A_839 : i32 to vector<16xi32>
        %parallel_loop3A_841 = arith.muli %parallel_loop3A_838, %parallel_loop3A_840 : vector<16xi32>
        %parallel_loop3A_842 = arith.subi %parallel_loop3A_834, %parallel_loop3A_841 : vector<16xi32>
        %parallel_loop3A_843 = arith.constant 112 : i32
        %parallel_loop3A_844 = vector.broadcast %parallel_loop3A_843 : i32 to vector<16xi32>
        %parallel_loop3A_845 = arith.muli %parallel_loop3A_830, %parallel_loop3A_844 : vector<16xi32>
        %parallel_loop3A_846 = arith.constant 56 : i32
        %parallel_loop3A_847 = vector.broadcast %parallel_loop3A_846 : i32 to vector<16xi32>
        %parallel_loop3A_848 = arith.muli %parallel_loop3A_838, %parallel_loop3A_847 : vector<16xi32>
        %parallel_loop3A_849 = arith.addi %parallel_loop3A_845, %parallel_loop3A_848 : vector<16xi32>
        %parallel_loop3A_850 = arith.constant 2 : i32
        %parallel_loop3A_851 = arith.muli %parallel_loop3A_850, %parallel_loop3A_672 : i32
        %parallel_loop3A_852 = vector.broadcast %parallel_loop3A_851 : i32 to vector<16xi32>
        %parallel_loop3A_853 = arith.addi %parallel_loop3A_849, %parallel_loop3A_852 : vector<16xi32>
        %parallel_loop3A_854 = arith.addi %parallel_loop3A_853, %parallel_loop3A_842 : vector<16xi32>
        %parallel_loop3A_855 = arith.constant 8 : i32
        %parallel_loop3A_856 = vector.broadcast %parallel_loop3A_855 : i32 to vector<16xi32>
        %parallel_loop3A_857 = arith.shli %parallel_loop3A_854, %parallel_loop3A_856 : vector<16xi32>
        %parallel_loop3A_858 = arith.ori %parallel_loop3A_857, %add3A_13 : vector<16xi32>
        %parallel_loop3A_859 = arith.constant 48 : i32
        %parallel_loop3A_860 = arith.addi %parallel_loop3A_674, %parallel_loop3A_859 : i32
        %parallel_loop3A_861 = arith.index_cast %parallel_loop3A_860 : i32 to index
        %parallel_loop3A_862 = tpu.vector_load %arg7[%parallel_loop3A_861] {strides = array<i32>} : memref<5376xi32, #tpu.memory_space<vmem>>, vector<16xi32>,
        tpu.vector_store %arg7[%parallel_loop3A_861], %parallel_loop3A_858 {strides = array<i32>} : memref<5376xi32, #tpu.memory_space<vmem>>, vector<16xi32>,
        tpu.vector_store_idx %arg5[%parallel_loop3A_854, %add3A_13], %parallel_loop3A_825 : memref<224x192xf32, #tpu.memory_space<vmem>>[vector<16xi32>, vector<16xi32>], vector<16xf32>,
        %parallel_loop3A_863 = arith.constant 64 : i32
        %parallel_loop3A_864 = arith.addi %parallel_loop3A_674, %parallel_loop3A_863 : i32
        %parallel_loop3A_865 = arith.index_cast %parallel_loop3A_864 : i32 to index
        %parallel_loop3A_866 = tpu.vector_load %arg7[%parallel_loop3A_865] {strides = array<i32>} : memref<5376xi32, #tpu.memory_space<vmem>>, vector<16xi32>,
        %parallel_loop3A_867 = arith.constant 64 : i32
        %parallel_loop3A_868 = arith.addi %parallel_loop3A_674, %parallel_loop3A_867 : i32
        %parallel_loop3A_869 = arith.index_cast %parallel_loop3A_868 : i32 to index
        %parallel_loop3A_870 = tpu.vector_load %arg9[%parallel_loop3A_869] {strides = array<i32>} : memref<5376xf32, #tpu.memory_space<vmem>>, vector<16xf32>,
        %parallel_loop3A_871 = arith.subi %parallel_loop3A_866, %parallel_loop3A_682 : vector<16xi32>
        %parallel_loop3A_872 = arith.constant 3136 : i32
        %parallel_loop3A_873 = vector.broadcast %parallel_loop3A_872 : i32 to vector<16xi32>
        %parallel_loop3A_874 = arith.cmpi sge, %parallel_loop3A_871, %parallel_loop3A_873 : vector<16xi32>
        %parallel_loop3A_875 = arith.extui %parallel_loop3A_874 : vector<16xi1> to vector<16xi32>
        %parallel_loop3A_876 = arith.constant 3136 : i32
        %parallel_loop3A_877 = vector.broadcast %parallel_loop3A_876 : i32 to vector<16xi32>
        %parallel_loop3A_878 = arith.muli %parallel_loop3A_875, %parallel_loop3A_877 : vector<16xi32>
        %parallel_loop3A_879 = arith.subi %parallel_loop3A_871, %parallel_loop3A_878 : vector<16xi32>
        %parallel_loop3A_880 = arith.constant 56 : i32
        %parallel_loop3A_881 = vector.broadcast %parallel_loop3A_880 : i32 to vector<16xi32>
        %parallel_loop3A_882 = arith.cmpi sge, %parallel_loop3A_879, %parallel_loop3A_881 : vector<16xi32>
        %parallel_loop3A_883 = arith.extui %parallel_loop3A_882 : vector<16xi1> to vector<16xi32>
        %parallel_loop3A_884 = arith.constant 56 : i32
        %parallel_loop3A_885 = vector.broadcast %parallel_loop3A_884 : i32 to vector<16xi32>
        %parallel_loop3A_886 = arith.muli %parallel_loop3A_883, %parallel_loop3A_885 : vector<16xi32>
        %parallel_loop3A_887 = arith.subi %parallel_loop3A_879, %parallel_loop3A_886 : vector<16xi32>
        %parallel_loop3A_888 = arith.constant 112 : i32
        %parallel_loop3A_889 = vector.broadcast %parallel_loop3A_888 : i32 to vector<16xi32>
        %parallel_loop3A_890 = arith.muli %parallel_loop3A_875, %parallel_loop3A_889 : vector<16xi32>
        %parallel_loop3A_891 = arith.constant 56 : i32
        %parallel_loop3A_892 = vector.broadcast %parallel_loop3A_891 : i32 to vector<16xi32>
        %parallel_loop3A_893 = arith.muli %parallel_loop3A_883, %parallel_loop3A_892 : vector<16xi32>
        %parallel_loop3A_894 = arith.addi %parallel_loop3A_890, %parallel_loop3A_893 : vector<16xi32>
        %parallel_loop3A_895 = arith.constant 2 : i32
        %parallel_loop3A_896 = arith.muli %parallel_loop3A_895, %parallel_loop3A_672 : i32
        %parallel_loop3A_897 = vector.broadcast %parallel_loop3A_896 : i32 to vector<16xi32>
        %parallel_loop3A_898 = arith.addi %parallel_loop3A_894, %parallel_loop3A_897 : vector<16xi32>
        %parallel_loop3A_899 = arith.addi %parallel_loop3A_898, %parallel_loop3A_887 : vector<16xi32>
        %parallel_loop3A_900 = arith.constant 8 : i32
        %parallel_loop3A_901 = vector.broadcast %parallel_loop3A_900 : i32 to vector<16xi32>
        %parallel_loop3A_902 = arith.shli %parallel_loop3A_899, %parallel_loop3A_901 : vector<16xi32>
        %parallel_loop3A_903 = arith.ori %parallel_loop3A_902, %add3A_16 : vector<16xi32>
        %parallel_loop3A_904 = arith.constant 64 : i32
        %parallel_loop3A_905 = arith.addi %parallel_loop3A_674, %parallel_loop3A_904 : i32
        %parallel_loop3A_906 = arith.index_cast %parallel_loop3A_905 : i32 to index
        %parallel_loop3A_907 = tpu.vector_load %arg7[%parallel_loop3A_906] {strides = array<i32>} : memref<5376xi32, #tpu.memory_space<vmem>>, vector<16xi32>,
        tpu.vector_store %arg7[%parallel_loop3A_906], %parallel_loop3A_903 {strides = array<i32>} : memref<5376xi32, #tpu.memory_space<vmem>>, vector<16xi32>,
        tpu.vector_store_idx %arg5[%parallel_loop3A_899, %add3A_16], %parallel_loop3A_870 : memref<224x192xf32, #tpu.memory_space<vmem>>[vector<16xi32>, vector<16xi32>], vector<16xf32>,
        %parallel_loop3A_908 = arith.constant 80 : i32
        %parallel_loop3A_909 = arith.addi %parallel_loop3A_674, %parallel_loop3A_908 : i32
        %parallel_loop3A_910 = arith.index_cast %parallel_loop3A_909 : i32 to index
        %parallel_loop3A_911 = tpu.vector_load %arg7[%parallel_loop3A_910] {strides = array<i32>} : memref<5376xi32, #tpu.memory_space<vmem>>, vector<16xi32>,
        %parallel_loop3A_912 = arith.constant 80 : i32
        %parallel_loop3A_913 = arith.addi %parallel_loop3A_674, %parallel_loop3A_912 : i32
        %parallel_loop3A_914 = arith.index_cast %parallel_loop3A_913 : i32 to index
        %parallel_loop3A_915 = tpu.vector_load %arg9[%parallel_loop3A_914] {strides = array<i32>} : memref<5376xf32, #tpu.memory_space<vmem>>, vector<16xf32>,
        %parallel_loop3A_916 = arith.subi %parallel_loop3A_911, %parallel_loop3A_682 : vector<16xi32>
        %parallel_loop3A_917 = arith.constant 3136 : i32
        %parallel_loop3A_918 = vector.broadcast %parallel_loop3A_917 : i32 to vector<16xi32>
        %parallel_loop3A_919 = arith.cmpi sge, %parallel_loop3A_916, %parallel_loop3A_918 : vector<16xi32>
        %parallel_loop3A_920 = arith.extui %parallel_loop3A_919 : vector<16xi1> to vector<16xi32>
        %parallel_loop3A_921 = arith.constant 3136 : i32
        %parallel_loop3A_922 = vector.broadcast %parallel_loop3A_921 : i32 to vector<16xi32>
        %parallel_loop3A_923 = arith.muli %parallel_loop3A_920, %parallel_loop3A_922 : vector<16xi32>
        %parallel_loop3A_924 = arith.subi %parallel_loop3A_916, %parallel_loop3A_923 : vector<16xi32>
        %parallel_loop3A_925 = arith.constant 56 : i32
        %parallel_loop3A_926 = vector.broadcast %parallel_loop3A_925 : i32 to vector<16xi32>
        %parallel_loop3A_927 = arith.cmpi sge, %parallel_loop3A_924, %parallel_loop3A_926 : vector<16xi32>
        %parallel_loop3A_928 = arith.extui %parallel_loop3A_927 : vector<16xi1> to vector<16xi32>
        %parallel_loop3A_929 = arith.constant 56 : i32
        %parallel_loop3A_930 = vector.broadcast %parallel_loop3A_929 : i32 to vector<16xi32>
        %parallel_loop3A_931 = arith.muli %parallel_loop3A_928, %parallel_loop3A_930 : vector<16xi32>
        %parallel_loop3A_932 = arith.subi %parallel_loop3A_924, %parallel_loop3A_931 : vector<16xi32>
        %parallel_loop3A_933 = arith.constant 112 : i32
        %parallel_loop3A_934 = vector.broadcast %parallel_loop3A_933 : i32 to vector<16xi32>
        %parallel_loop3A_935 = arith.muli %parallel_loop3A_920, %parallel_loop3A_934 : vector<16xi32>
        %parallel_loop3A_936 = arith.constant 56 : i32
        %parallel_loop3A_937 = vector.broadcast %parallel_loop3A_936 : i32 to vector<16xi32>
        %parallel_loop3A_938 = arith.muli %parallel_loop3A_928, %parallel_loop3A_937 : vector<16xi32>
        %parallel_loop3A_939 = arith.addi %parallel_loop3A_935, %parallel_loop3A_938 : vector<16xi32>
        %parallel_loop3A_940 = arith.constant 2 : i32
        %parallel_loop3A_941 = arith.muli %parallel_loop3A_940, %parallel_loop3A_672 : i32
        %parallel_loop3A_942 = vector.broadcast %parallel_loop3A_941 : i32 to vector<16xi32>
        %parallel_loop3A_943 = arith.addi %parallel_loop3A_939, %parallel_loop3A_942 : vector<16xi32>
        %parallel_loop3A_944 = arith.addi %parallel_loop3A_943, %parallel_loop3A_932 : vector<16xi32>
        %parallel_loop3A_945 = arith.constant 8 : i32
        %parallel_loop3A_946 = vector.broadcast %parallel_loop3A_945 : i32 to vector<16xi32>
        %parallel_loop3A_947 = arith.shli %parallel_loop3A_944, %parallel_loop3A_946 : vector<16xi32>
        %parallel_loop3A_948 = arith.ori %parallel_loop3A_947, %add3A_19 : vector<16xi32>
        %parallel_loop3A_949 = arith.constant 80 : i32
        %parallel_loop3A_950 = arith.addi %parallel_loop3A_674, %parallel_loop3A_949 : i32
        %parallel_loop3A_951 = arith.index_cast %parallel_loop3A_950 : i32 to index
        %parallel_loop3A_952 = tpu.vector_load %arg7[%parallel_loop3A_951] {strides = array<i32>} : memref<5376xi32, #tpu.memory_space<vmem>>, vector<16xi32>,
        tpu.vector_store %arg7[%parallel_loop3A_951], %parallel_loop3A_948 {strides = array<i32>} : memref<5376xi32, #tpu.memory_space<vmem>>, vector<16xi32>,
        tpu.vector_store_idx %arg5[%parallel_loop3A_944, %add3A_19], %parallel_loop3A_915 : memref<224x192xf32, #tpu.memory_space<vmem>>[vector<16xi32>, vector<16xi32>], vector<16xf32>,
        %parallel_loop3A_953 = arith.constant 96 : i32
        %parallel_loop3A_954 = arith.addi %parallel_loop3A_674, %parallel_loop3A_953 : i32
        %parallel_loop3A_955 = arith.index_cast %parallel_loop3A_954 : i32 to index
        %parallel_loop3A_956 = tpu.vector_load %arg7[%parallel_loop3A_955] {strides = array<i32>} : memref<5376xi32, #tpu.memory_space<vmem>>, vector<16xi32>,
        %parallel_loop3A_957 = arith.constant 96 : i32
        %parallel_loop3A_958 = arith.addi %parallel_loop3A_674, %parallel_loop3A_957 : i32
        %parallel_loop3A_959 = arith.index_cast %parallel_loop3A_958 : i32 to index
        %parallel_loop3A_960 = tpu.vector_load %arg9[%parallel_loop3A_959] {strides = array<i32>} : memref<5376xf32, #tpu.memory_space<vmem>>, vector<16xf32>,
        %parallel_loop3A_961 = arith.subi %parallel_loop3A_956, %parallel_loop3A_682 : vector<16xi32>
        %parallel_loop3A_962 = arith.constant 3136 : i32
        %parallel_loop3A_963 = vector.broadcast %parallel_loop3A_962 : i32 to vector<16xi32>
        %parallel_loop3A_964 = arith.cmpi sge, %parallel_loop3A_961, %parallel_loop3A_963 : vector<16xi32>
        %parallel_loop3A_965 = arith.extui %parallel_loop3A_964 : vector<16xi1> to vector<16xi32>
        %parallel_loop3A_966 = arith.constant 3136 : i32
        %parallel_loop3A_967 = vector.broadcast %parallel_loop3A_966 : i32 to vector<16xi32>
        %parallel_loop3A_968 = arith.muli %parallel_loop3A_965, %parallel_loop3A_967 : vector<16xi32>
        %parallel_loop3A_969 = arith.subi %parallel_loop3A_961, %parallel_loop3A_968 : vector<16xi32>
        %parallel_loop3A_970 = arith.constant 56 : i32
        %parallel_loop3A_971 = vector.broadcast %parallel_loop3A_970 : i32 to vector<16xi32>
        %parallel_loop3A_972 = arith.cmpi sge, %parallel_loop3A_969, %parallel_loop3A_971 : vector<16xi32>
        %parallel_loop3A_973 = arith.extui %parallel_loop3A_972 : vector<16xi1> to vector<16xi32>
        %parallel_loop3A_974 = arith.constant 56 : i32
        %parallel_loop3A_975 = vector.broadcast %parallel_loop3A_974 : i32 to vector<16xi32>
        %parallel_loop3A_976 = arith.muli %parallel_loop3A_973, %parallel_loop3A_975 : vector<16xi32>
        %parallel_loop3A_977 = arith.subi %parallel_loop3A_969, %parallel_loop3A_976 : vector<16xi32>
        %parallel_loop3A_978 = arith.constant 112 : i32
        %parallel_loop3A_979 = vector.broadcast %parallel_loop3A_978 : i32 to vector<16xi32>
        %parallel_loop3A_980 = arith.muli %parallel_loop3A_965, %parallel_loop3A_979 : vector<16xi32>
        %parallel_loop3A_981 = arith.constant 56 : i32
        %parallel_loop3A_982 = vector.broadcast %parallel_loop3A_981 : i32 to vector<16xi32>
        %parallel_loop3A_983 = arith.muli %parallel_loop3A_973, %parallel_loop3A_982 : vector<16xi32>
        %parallel_loop3A_984 = arith.addi %parallel_loop3A_980, %parallel_loop3A_983 : vector<16xi32>
        %parallel_loop3A_985 = arith.constant 2 : i32
        %parallel_loop3A_986 = arith.muli %parallel_loop3A_985, %parallel_loop3A_672 : i32
        %parallel_loop3A_987 = vector.broadcast %parallel_loop3A_986 : i32 to vector<16xi32>
        %parallel_loop3A_988 = arith.addi %parallel_loop3A_984, %parallel_loop3A_987 : vector<16xi32>
        %parallel_loop3A_989 = arith.addi %parallel_loop3A_988, %parallel_loop3A_977 : vector<16xi32>
        %parallel_loop3A_990 = arith.constant 8 : i32
        %parallel_loop3A_991 = vector.broadcast %parallel_loop3A_990 : i32 to vector<16xi32>
        %parallel_loop3A_992 = arith.shli %parallel_loop3A_989, %parallel_loop3A_991 : vector<16xi32>
        %parallel_loop3A_993 = arith.ori %parallel_loop3A_992, %add3A_22 : vector<16xi32>
        %parallel_loop3A_994 = arith.constant 96 : i32
        %parallel_loop3A_995 = arith.addi %parallel_loop3A_674, %parallel_loop3A_994 : i32
        %parallel_loop3A_996 = arith.index_cast %parallel_loop3A_995 : i32 to index
        %parallel_loop3A_997 = tpu.vector_load %arg7[%parallel_loop3A_996] {strides = array<i32>} : memref<5376xi32, #tpu.memory_space<vmem>>, vector<16xi32>,
        tpu.vector_store %arg7[%parallel_loop3A_996], %parallel_loop3A_993 {strides = array<i32>} : memref<5376xi32, #tpu.memory_space<vmem>>, vector<16xi32>,
        tpu.vector_store_idx %arg5[%parallel_loop3A_989, %add3A_22], %parallel_loop3A_960 : memref<224x192xf32, #tpu.memory_space<vmem>>[vector<16xi32>, vector<16xi32>], vector<16xf32>,
        %parallel_loop3A_998 = arith.constant 112 : i32
        %parallel_loop3A_999 = arith.addi %parallel_loop3A_674, %parallel_loop3A_998 : i32
        %parallel_loop3A_1000 = arith.index_cast %parallel_loop3A_999 : i32 to index
        %parallel_loop3A_1001 = tpu.vector_load %arg7[%parallel_loop3A_1000] {strides = array<i32>} : memref<5376xi32, #tpu.memory_space<vmem>>, vector<16xi32>,
        %parallel_loop3A_1002 = arith.constant 112 : i32
        %parallel_loop3A_1003 = arith.addi %parallel_loop3A_674, %parallel_loop3A_1002 : i32
        %parallel_loop3A_1004 = arith.index_cast %parallel_loop3A_1003 : i32 to index
        %parallel_loop3A_1005 = tpu.vector_load %arg9[%parallel_loop3A_1004] {strides = array<i32>} : memref<5376xf32, #tpu.memory_space<vmem>>, vector<16xf32>,
        %parallel_loop3A_1006 = arith.subi %parallel_loop3A_1001, %parallel_loop3A_682 : vector<16xi32>
        %parallel_loop3A_1007 = arith.constant 3136 : i32
        %parallel_loop3A_1008 = vector.broadcast %parallel_loop3A_1007 : i32 to vector<16xi32>
        %parallel_loop3A_1009 = arith.cmpi sge, %parallel_loop3A_1006, %parallel_loop3A_1008 : vector<16xi32>
        %parallel_loop3A_1010 = arith.extui %parallel_loop3A_1009 : vector<16xi1> to vector<16xi32>
        %parallel_loop3A_1011 = arith.constant 3136 : i32
        %parallel_loop3A_1012 = vector.broadcast %parallel_loop3A_1011 : i32 to vector<16xi32>
        %parallel_loop3A_1013 = arith.muli %parallel_loop3A_1010, %parallel_loop3A_1012 : vector<16xi32>
        %parallel_loop3A_1014 = arith.subi %parallel_loop3A_1006, %parallel_loop3A_1013 : vector<16xi32>
        %parallel_loop3A_1015 = arith.constant 56 : i32
        %parallel_loop3A_1016 = vector.broadcast %parallel_loop3A_1015 : i32 to vector<16xi32>
        %parallel_loop3A_1017 = arith.cmpi sge, %parallel_loop3A_1014, %parallel_loop3A_1016 : vector<16xi32>
        %parallel_loop3A_1018 = arith.extui %parallel_loop3A_1017 : vector<16xi1> to vector<16xi32>
        %parallel_loop3A_1019 = arith.constant 56 : i32
        %parallel_loop3A_1020 = vector.broadcast %parallel_loop3A_1019 : i32 to vector<16xi32>
        %parallel_loop3A_1021 = arith.muli %parallel_loop3A_1018, %parallel_loop3A_1020 : vector<16xi32>
        %parallel_loop3A_1022 = arith.subi %parallel_loop3A_1014, %parallel_loop3A_1021 : vector<16xi32>
        %parallel_loop3A_1023 = arith.constant 112 : i32
        %parallel_loop3A_1024 = vector.broadcast %parallel_loop3A_1023 : i32 to vector<16xi32>
        %parallel_loop3A_1025 = arith.muli %parallel_loop3A_1010, %parallel_loop3A_1024 : vector<16xi32>
        %parallel_loop3A_1026 = arith.constant 56 : i32
        %parallel_loop3A_1027 = vector.broadcast %parallel_loop3A_1026 : i32 to vector<16xi32>
        %parallel_loop3A_1028 = arith.muli %parallel_loop3A_1018, %parallel_loop3A_1027 : vector<16xi32>
        %parallel_loop3A_1029 = arith.addi %parallel_loop3A_1025, %parallel_loop3A_1028 : vector<16xi32>
        %parallel_loop3A_1030 = arith.constant 2 : i32
        %parallel_loop3A_1031 = arith.muli %parallel_loop3A_1030, %parallel_loop3A_672 : i32
        %parallel_loop3A_1032 = vector.broadcast %parallel_loop3A_1031 : i32 to vector<16xi32>
        %parallel_loop3A_1033 = arith.addi %parallel_loop3A_1029, %parallel_loop3A_1032 : vector<16xi32>
        %parallel_loop3A_1034 = arith.addi %parallel_loop3A_1033, %parallel_loop3A_1022 : vector<16xi32>
        %parallel_loop3A_1035 = arith.constant 8 : i32
        %parallel_loop3A_1036 = vector.broadcast %parallel_loop3A_1035 : i32 to vector<16xi32>
        %parallel_loop3A_1037 = arith.shli %parallel_loop3A_1034, %parallel_loop3A_1036 : vector<16xi32>
        %parallel_loop3A_1038 = arith.ori %parallel_loop3A_1037, %add3A_25 : vector<16xi32>
        %parallel_loop3A_1039 = arith.constant 112 : i32
        %parallel_loop3A_1040 = arith.addi %parallel_loop3A_674, %parallel_loop3A_1039 : i32
        %parallel_loop3A_1041 = arith.index_cast %parallel_loop3A_1040 : i32 to index
        %parallel_loop3A_1042 = tpu.vector_load %arg7[%parallel_loop3A_1041] {strides = array<i32>} : memref<5376xi32, #tpu.memory_space<vmem>>, vector<16xi32>,
        tpu.vector_store %arg7[%parallel_loop3A_1041], %parallel_loop3A_1038 {strides = array<i32>} : memref<5376xi32, #tpu.memory_space<vmem>>, vector<16xi32>,
        tpu.vector_store_idx %arg5[%parallel_loop3A_1034, %add3A_25], %parallel_loop3A_1005 : memref<224x192xf32, #tpu.memory_space<vmem>>[vector<16xi32>, vector<16xi32>], vector<16xf32>,
        %parallel_loop3A_1043 = arith.constant 128 : i32
        %parallel_loop3A_1044 = arith.addi %parallel_loop3A_674, %parallel_loop3A_1043 : i32
        %parallel_loop3A_1045 = arith.index_cast %parallel_loop3A_1044 : i32 to index
        %parallel_loop3A_1046 = tpu.vector_load %arg7[%parallel_loop3A_1045] {strides = array<i32>} : memref<5376xi32, #tpu.memory_space<vmem>>, vector<16xi32>,
        %parallel_loop3A_1047 = arith.constant 128 : i32
        %parallel_loop3A_1048 = arith.addi %parallel_loop3A_674, %parallel_loop3A_1047 : i32
        %parallel_loop3A_1049 = arith.index_cast %parallel_loop3A_1048 : i32 to index
        %parallel_loop3A_1050 = tpu.vector_load %arg9[%parallel_loop3A_1049] {strides = array<i32>} : memref<5376xf32, #tpu.memory_space<vmem>>, vector<16xf32>,
        %parallel_loop3A_1051 = arith.subi %parallel_loop3A_1046, %parallel_loop3A_682 : vector<16xi32>
        %parallel_loop3A_1052 = arith.constant 3136 : i32
        %parallel_loop3A_1053 = vector.broadcast %parallel_loop3A_1052 : i32 to vector<16xi32>
        %parallel_loop3A_1054 = arith.cmpi sge, %parallel_loop3A_1051, %parallel_loop3A_1053 : vector<16xi32>
        %parallel_loop3A_1055 = arith.extui %parallel_loop3A_1054 : vector<16xi1> to vector<16xi32>
        %parallel_loop3A_1056 = arith.constant 3136 : i32
        %parallel_loop3A_1057 = vector.broadcast %parallel_loop3A_1056 : i32 to vector<16xi32>
        %parallel_loop3A_1058 = arith.muli %parallel_loop3A_1055, %parallel_loop3A_1057 : vector<16xi32>
        %parallel_loop3A_1059 = arith.subi %parallel_loop3A_1051, %parallel_loop3A_1058 : vector<16xi32>
        %parallel_loop3A_1060 = arith.constant 56 : i32
        %parallel_loop3A_1061 = vector.broadcast %parallel_loop3A_1060 : i32 to vector<16xi32>
        %parallel_loop3A_1062 = arith.cmpi sge, %parallel_loop3A_1059, %parallel_loop3A_1061 : vector<16xi32>
        %parallel_loop3A_1063 = arith.extui %parallel_loop3A_1062 : vector<16xi1> to vector<16xi32>
        %parallel_loop3A_1064 = arith.constant 56 : i32
        %parallel_loop3A_1065 = vector.broadcast %parallel_loop3A_1064 : i32 to vector<16xi32>
        %parallel_loop3A_1066 = arith.muli %parallel_loop3A_1063, %parallel_loop3A_1065 : vector<16xi32>
        %parallel_loop3A_1067 = arith.subi %parallel_loop3A_1059, %parallel_loop3A_1066 : vector<16xi32>
        %parallel_loop3A_1068 = arith.constant 112 : i32
        %parallel_loop3A_1069 = vector.broadcast %parallel_loop3A_1068 : i32 to vector<16xi32>
        %parallel_loop3A_1070 = arith.muli %parallel_loop3A_1055, %parallel_loop3A_1069 : vector<16xi32>
        %parallel_loop3A_1071 = arith.constant 56 : i32
        %parallel_loop3A_1072 = vector.broadcast %parallel_loop3A_1071 : i32 to vector<16xi32>
        %parallel_loop3A_1073 = arith.muli %parallel_loop3A_1063, %parallel_loop3A_1072 : vector<16xi32>
        %parallel_loop3A_1074 = arith.addi %parallel_loop3A_1070, %parallel_loop3A_1073 : vector<16xi32>
        %parallel_loop3A_1075 = arith.constant 2 : i32
        %parallel_loop3A_1076 = arith.muli %parallel_loop3A_1075, %parallel_loop3A_672 : i32
        %parallel_loop3A_1077 = vector.broadcast %parallel_loop3A_1076 : i32 to vector<16xi32>
        %parallel_loop3A_1078 = arith.addi %parallel_loop3A_1074, %parallel_loop3A_1077 : vector<16xi32>
        %parallel_loop3A_1079 = arith.addi %parallel_loop3A_1078, %parallel_loop3A_1067 : vector<16xi32>
        %parallel_loop3A_1080 = arith.constant 8 : i32
        %parallel_loop3A_1081 = vector.broadcast %parallel_loop3A_1080 : i32 to vector<16xi32>
        %parallel_loop3A_1082 = arith.shli %parallel_loop3A_1079, %parallel_loop3A_1081 : vector<16xi32>
        %parallel_loop3A_1083 = arith.ori %parallel_loop3A_1082, %add3A_28 : vector<16xi32>
        %parallel_loop3A_1084 = arith.constant 128 : i32
        %parallel_loop3A_1085 = arith.addi %parallel_loop3A_674, %parallel_loop3A_1084 : i32
        %parallel_loop3A_1086 = arith.index_cast %parallel_loop3A_1085 : i32 to index
        %parallel_loop3A_1087 = tpu.vector_load %arg7[%parallel_loop3A_1086] {strides = array<i32>} : memref<5376xi32, #tpu.memory_space<vmem>>, vector<16xi32>,
        tpu.vector_store %arg7[%parallel_loop3A_1086], %parallel_loop3A_1083 {strides = array<i32>} : memref<5376xi32, #tpu.memory_space<vmem>>, vector<16xi32>,
        tpu.vector_store_idx %arg5[%parallel_loop3A_1079, %add3A_28], %parallel_loop3A_1050 : memref<224x192xf32, #tpu.memory_space<vmem>>[vector<16xi32>, vector<16xi32>], vector<16xf32>,
        %parallel_loop3A_1088 = arith.constant 144 : i32
        %parallel_loop3A_1089 = arith.addi %parallel_loop3A_674, %parallel_loop3A_1088 : i32
        %parallel_loop3A_1090 = arith.index_cast %parallel_loop3A_1089 : i32 to index
        %parallel_loop3A_1091 = tpu.vector_load %arg7[%parallel_loop3A_1090] {strides = array<i32>} : memref<5376xi32, #tpu.memory_space<vmem>>, vector<16xi32>,
        %parallel_loop3A_1092 = arith.constant 144 : i32
        %parallel_loop3A_1093 = arith.addi %parallel_loop3A_674, %parallel_loop3A_1092 : i32
        %parallel_loop3A_1094 = arith.index_cast %parallel_loop3A_1093 : i32 to index
        %parallel_loop3A_1095 = tpu.vector_load %arg9[%parallel_loop3A_1094] {strides = array<i32>} : memref<5376xf32, #tpu.memory_space<vmem>>, vector<16xf32>,
        %parallel_loop3A_1096 = arith.subi %parallel_loop3A_1091, %parallel_loop3A_682 : vector<16xi32>
        %parallel_loop3A_1097 = arith.constant 3136 : i32
        %parallel_loop3A_1098 = vector.broadcast %parallel_loop3A_1097 : i32 to vector<16xi32>
        %parallel_loop3A_1099 = arith.cmpi sge, %parallel_loop3A_1096, %parallel_loop3A_1098 : vector<16xi32>
        %parallel_loop3A_1100 = arith.extui %parallel_loop3A_1099 : vector<16xi1> to vector<16xi32>
        %parallel_loop3A_1101 = arith.constant 3136 : i32
        %parallel_loop3A_1102 = vector.broadcast %parallel_loop3A_1101 : i32 to vector<16xi32>
        %parallel_loop3A_1103 = arith.muli %parallel_loop3A_1100, %parallel_loop3A_1102 : vector<16xi32>
        %parallel_loop3A_1104 = arith.subi %parallel_loop3A_1096, %parallel_loop3A_1103 : vector<16xi32>
        %parallel_loop3A_1105 = arith.constant 56 : i32
        %parallel_loop3A_1106 = vector.broadcast %parallel_loop3A_1105 : i32 to vector<16xi32>
        %parallel_loop3A_1107 = arith.cmpi sge, %parallel_loop3A_1104, %parallel_loop3A_1106 : vector<16xi32>
        %parallel_loop3A_1108 = arith.extui %parallel_loop3A_1107 : vector<16xi1> to vector<16xi32>
        %parallel_loop3A_1109 = arith.constant 56 : i32
        %parallel_loop3A_1110 = vector.broadcast %parallel_loop3A_1109 : i32 to vector<16xi32>
        %parallel_loop3A_1111 = arith.muli %parallel_loop3A_1108, %parallel_loop3A_1110 : vector<16xi32>
        %parallel_loop3A_1112 = arith.subi %parallel_loop3A_1104, %parallel_loop3A_1111 : vector<16xi32>
        %parallel_loop3A_1113 = arith.constant 112 : i32
        %parallel_loop3A_1114 = vector.broadcast %parallel_loop3A_1113 : i32 to vector<16xi32>
        %parallel_loop3A_1115 = arith.muli %parallel_loop3A_1100, %parallel_loop3A_1114 : vector<16xi32>
        %parallel_loop3A_1116 = arith.constant 56 : i32
        %parallel_loop3A_1117 = vector.broadcast %parallel_loop3A_1116 : i32 to vector<16xi32>
        %parallel_loop3A_1118 = arith.muli %parallel_loop3A_1108, %parallel_loop3A_1117 : vector<16xi32>
        %parallel_loop3A_1119 = arith.addi %parallel_loop3A_1115, %parallel_loop3A_1118 : vector<16xi32>
        %parallel_loop3A_1120 = arith.constant 2 : i32
        %parallel_loop3A_1121 = arith.muli %parallel_loop3A_1120, %parallel_loop3A_672 : i32
        %parallel_loop3A_1122 = vector.broadcast %parallel_loop3A_1121 : i32 to vector<16xi32>
        %parallel_loop3A_1123 = arith.addi %parallel_loop3A_1119, %parallel_loop3A_1122 : vector<16xi32>
        %parallel_loop3A_1124 = arith.addi %parallel_loop3A_1123, %parallel_loop3A_1112 : vector<16xi32>
        %parallel_loop3A_1125 = arith.constant 8 : i32
        %parallel_loop3A_1126 = vector.broadcast %parallel_loop3A_1125 : i32 to vector<16xi32>
        %parallel_loop3A_1127 = arith.shli %parallel_loop3A_1124, %parallel_loop3A_1126 : vector<16xi32>
        %parallel_loop3A_1128 = arith.ori %parallel_loop3A_1127, %add3A_31 : vector<16xi32>
        %parallel_loop3A_1129 = arith.constant 144 : i32
        %parallel_loop3A_1130 = arith.addi %parallel_loop3A_674, %parallel_loop3A_1129 : i32
        %parallel_loop3A_1131 = arith.index_cast %parallel_loop3A_1130 : i32 to index
        %parallel_loop3A_1132 = tpu.vector_load %arg7[%parallel_loop3A_1131] {strides = array<i32>} : memref<5376xi32, #tpu.memory_space<vmem>>, vector<16xi32>,
        tpu.vector_store %arg7[%parallel_loop3A_1131], %parallel_loop3A_1128 {strides = array<i32>} : memref<5376xi32, #tpu.memory_space<vmem>>, vector<16xi32>,
        tpu.vector_store_idx %arg5[%parallel_loop3A_1124, %add3A_31], %parallel_loop3A_1095 : memref<224x192xf32, #tpu.memory_space<vmem>>[vector<16xi32>, vector<16xi32>], vector<16xf32>,
        %parallel_loop3A_1133 = arith.constant 160 : i32
        %parallel_loop3A_1134 = arith.addi %parallel_loop3A_674, %parallel_loop3A_1133 : i32
        %parallel_loop3A_1135 = arith.index_cast %parallel_loop3A_1134 : i32 to index
        %parallel_loop3A_1136 = tpu.vector_load %arg7[%parallel_loop3A_1135] {strides = array<i32>} : memref<5376xi32, #tpu.memory_space<vmem>>, vector<16xi32>,
        %parallel_loop3A_1137 = arith.constant 160 : i32
        %parallel_loop3A_1138 = arith.addi %parallel_loop3A_674, %parallel_loop3A_1137 : i32
        %parallel_loop3A_1139 = arith.index_cast %parallel_loop3A_1138 : i32 to index
        %parallel_loop3A_1140 = tpu.vector_load %arg9[%parallel_loop3A_1139] {strides = array<i32>} : memref<5376xf32, #tpu.memory_space<vmem>>, vector<16xf32>,
        %parallel_loop3A_1141 = arith.subi %parallel_loop3A_1136, %parallel_loop3A_682 : vector<16xi32>
        %parallel_loop3A_1142 = arith.constant 3136 : i32
        %parallel_loop3A_1143 = vector.broadcast %parallel_loop3A_1142 : i32 to vector<16xi32>
        %parallel_loop3A_1144 = arith.cmpi sge, %parallel_loop3A_1141, %parallel_loop3A_1143 : vector<16xi32>
        %parallel_loop3A_1145 = arith.extui %parallel_loop3A_1144 : vector<16xi1> to vector<16xi32>
        %parallel_loop3A_1146 = arith.constant 3136 : i32
        %parallel_loop3A_1147 = vector.broadcast %parallel_loop3A_1146 : i32 to vector<16xi32>
        %parallel_loop3A_1148 = arith.muli %parallel_loop3A_1145, %parallel_loop3A_1147 : vector<16xi32>
        %parallel_loop3A_1149 = arith.subi %parallel_loop3A_1141, %parallel_loop3A_1148 : vector<16xi32>
        %parallel_loop3A_1150 = arith.constant 56 : i32
        %parallel_loop3A_1151 = vector.broadcast %parallel_loop3A_1150 : i32 to vector<16xi32>
        %parallel_loop3A_1152 = arith.cmpi sge, %parallel_loop3A_1149, %parallel_loop3A_1151 : vector<16xi32>
        %parallel_loop3A_1153 = arith.extui %parallel_loop3A_1152 : vector<16xi1> to vector<16xi32>
        %parallel_loop3A_1154 = arith.constant 56 : i32
        %parallel_loop3A_1155 = vector.broadcast %parallel_loop3A_1154 : i32 to vector<16xi32>
        %parallel_loop3A_1156 = arith.muli %parallel_loop3A_1153, %parallel_loop3A_1155 : vector<16xi32>
        %parallel_loop3A_1157 = arith.subi %parallel_loop3A_1149, %parallel_loop3A_1156 : vector<16xi32>
        %parallel_loop3A_1158 = arith.constant 112 : i32
        %parallel_loop3A_1159 = vector.broadcast %parallel_loop3A_1158 : i32 to vector<16xi32>
        %parallel_loop3A_1160 = arith.muli %parallel_loop3A_1145, %parallel_loop3A_1159 : vector<16xi32>
        %parallel_loop3A_1161 = arith.constant 56 : i32
        %parallel_loop3A_1162 = vector.broadcast %parallel_loop3A_1161 : i32 to vector<16xi32>
        %parallel_loop3A_1163 = arith.muli %parallel_loop3A_1153, %parallel_loop3A_1162 : vector<16xi32>
        %parallel_loop3A_1164 = arith.addi %parallel_loop3A_1160, %parallel_loop3A_1163 : vector<16xi32>
        %parallel_loop3A_1165 = arith.constant 2 : i32
        %parallel_loop3A_1166 = arith.muli %parallel_loop3A_1165, %parallel_loop3A_672 : i32
        %parallel_loop3A_1167 = vector.broadcast %parallel_loop3A_1166 : i32 to vector<16xi32>
        %parallel_loop3A_1168 = arith.addi %parallel_loop3A_1164, %parallel_loop3A_1167 : vector<16xi32>
        %parallel_loop3A_1169 = arith.addi %parallel_loop3A_1168, %parallel_loop3A_1157 : vector<16xi32>
        %parallel_loop3A_1170 = arith.constant 8 : i32
        %parallel_loop3A_1171 = vector.broadcast %parallel_loop3A_1170 : i32 to vector<16xi32>
        %parallel_loop3A_1172 = arith.shli %parallel_loop3A_1169, %parallel_loop3A_1171 : vector<16xi32>
        %parallel_loop3A_1173 = arith.ori %parallel_loop3A_1172, %add3A_34 : vector<16xi32>
        %parallel_loop3A_1174 = arith.constant 160 : i32
        %parallel_loop3A_1175 = arith.addi %parallel_loop3A_674, %parallel_loop3A_1174 : i32
        %parallel_loop3A_1176 = arith.index_cast %parallel_loop3A_1175 : i32 to index
        %parallel_loop3A_1177 = tpu.vector_load %arg7[%parallel_loop3A_1176] {strides = array<i32>} : memref<5376xi32, #tpu.memory_space<vmem>>, vector<16xi32>,
        tpu.vector_store %arg7[%parallel_loop3A_1176], %parallel_loop3A_1173 {strides = array<i32>} : memref<5376xi32, #tpu.memory_space<vmem>>, vector<16xi32>,
        tpu.vector_store_idx %arg5[%parallel_loop3A_1169, %add3A_34], %parallel_loop3A_1140 : memref<224x192xf32, #tpu.memory_space<vmem>>[vector<16xi32>, vector<16xi32>], vector<16xf32>,
        %parallel_loop3A_1178 = arith.constant 176 : i32
        %parallel_loop3A_1179 = arith.addi %parallel_loop3A_674, %parallel_loop3A_1178 : i32
        %parallel_loop3A_1180 = arith.index_cast %parallel_loop3A_1179 : i32 to index
        %parallel_loop3A_1181 = tpu.vector_load %arg7[%parallel_loop3A_1180] {strides = array<i32>} : memref<5376xi32, #tpu.memory_space<vmem>>, vector<16xi32>,
        %parallel_loop3A_1182 = arith.constant 176 : i32
        %parallel_loop3A_1183 = arith.addi %parallel_loop3A_674, %parallel_loop3A_1182 : i32
        %parallel_loop3A_1184 = arith.index_cast %parallel_loop3A_1183 : i32 to index
        %parallel_loop3A_1185 = tpu.vector_load %arg9[%parallel_loop3A_1184] {strides = array<i32>} : memref<5376xf32, #tpu.memory_space<vmem>>, vector<16xf32>,
        %parallel_loop3A_1186 = arith.subi %parallel_loop3A_1181, %parallel_loop3A_682 : vector<16xi32>
        %parallel_loop3A_1187 = arith.constant 3136 : i32
        %parallel_loop3A_1188 = vector.broadcast %parallel_loop3A_1187 : i32 to vector<16xi32>
        %parallel_loop3A_1189 = arith.cmpi sge, %parallel_loop3A_1186, %parallel_loop3A_1188 : vector<16xi32>
        %parallel_loop3A_1190 = arith.extui %parallel_loop3A_1189 : vector<16xi1> to vector<16xi32>
        %parallel_loop3A_1191 = arith.constant 3136 : i32
        %parallel_loop3A_1192 = vector.broadcast %parallel_loop3A_1191 : i32 to vector<16xi32>
        %parallel_loop3A_1193 = arith.muli %parallel_loop3A_1190, %parallel_loop3A_1192 : vector<16xi32>
        %parallel_loop3A_1194 = arith.subi %parallel_loop3A_1186, %parallel_loop3A_1193 : vector<16xi32>
        %parallel_loop3A_1195 = arith.constant 56 : i32
        %parallel_loop3A_1196 = vector.broadcast %parallel_loop3A_1195 : i32 to vector<16xi32>
        %parallel_loop3A_1197 = arith.cmpi sge, %parallel_loop3A_1194, %parallel_loop3A_1196 : vector<16xi32>
        %parallel_loop3A_1198 = arith.extui %parallel_loop3A_1197 : vector<16xi1> to vector<16xi32>
        %parallel_loop3A_1199 = arith.constant 56 : i32
        %parallel_loop3A_1200 = vector.broadcast %parallel_loop3A_1199 : i32 to vector<16xi32>
        %parallel_loop3A_1201 = arith.muli %parallel_loop3A_1198, %parallel_loop3A_1200 : vector<16xi32>
        %parallel_loop3A_1202 = arith.subi %parallel_loop3A_1194, %parallel_loop3A_1201 : vector<16xi32>
        %parallel_loop3A_1203 = arith.constant 112 : i32
        %parallel_loop3A_1204 = vector.broadcast %parallel_loop3A_1203 : i32 to vector<16xi32>
        %parallel_loop3A_1205 = arith.muli %parallel_loop3A_1190, %parallel_loop3A_1204 : vector<16xi32>
        %parallel_loop3A_1206 = arith.constant 56 : i32
        %parallel_loop3A_1207 = vector.broadcast %parallel_loop3A_1206 : i32 to vector<16xi32>
        %parallel_loop3A_1208 = arith.muli %parallel_loop3A_1198, %parallel_loop3A_1207 : vector<16xi32>
        %parallel_loop3A_1209 = arith.addi %parallel_loop3A_1205, %parallel_loop3A_1208 : vector<16xi32>
        %parallel_loop3A_1210 = arith.constant 2 : i32
        %parallel_loop3A_1211 = arith.muli %parallel_loop3A_1210, %parallel_loop3A_672 : i32
        %parallel_loop3A_1212 = vector.broadcast %parallel_loop3A_1211 : i32 to vector<16xi32>
        %parallel_loop3A_1213 = arith.addi %parallel_loop3A_1209, %parallel_loop3A_1212 : vector<16xi32>
        %parallel_loop3A_1214 = arith.addi %parallel_loop3A_1213, %parallel_loop3A_1202 : vector<16xi32>
        %parallel_loop3A_1215 = arith.constant 8 : i32
        %parallel_loop3A_1216 = vector.broadcast %parallel_loop3A_1215 : i32 to vector<16xi32>
        %parallel_loop3A_1217 = arith.shli %parallel_loop3A_1214, %parallel_loop3A_1216 : vector<16xi32>
        %parallel_loop3A_1218 = arith.ori %parallel_loop3A_1217, %add3A_37 : vector<16xi32>
        %parallel_loop3A_1219 = arith.constant 176 : i32
        %parallel_loop3A_1220 = arith.addi %parallel_loop3A_674, %parallel_loop3A_1219 : i32
        %parallel_loop3A_1221 = arith.index_cast %parallel_loop3A_1220 : i32 to index
        %parallel_loop3A_1222 = tpu.vector_load %arg7[%parallel_loop3A_1221] {strides = array<i32>} : memref<5376xi32, #tpu.memory_space<vmem>>, vector<16xi32>,
        tpu.vector_store %arg7[%parallel_loop3A_1221], %parallel_loop3A_1218 {strides = array<i32>} : memref<5376xi32, #tpu.memory_space<vmem>>, vector<16xi32>,
        tpu.vector_store_idx %arg5[%parallel_loop3A_1214, %add3A_37], %parallel_loop3A_1185 : memref<224x192xf32, #tpu.memory_space<vmem>>[vector<16xi32>, vector<16xi32>], vector<16xf32>,
      } {sc.loop_unroll_factor = 4 : i64, sc.parallel_access}
      %mul3A_357 = arith.constant 32 : i32
      %mul3A_358 = arith.muli %add3A_304, %mul3A_357 : i32
      %add3A_359 = arith.addi %mul3A_358, %add3A : i32
      %ge3A_360 = arith.constant 224 : i32
      %ge3A_361 = arith.cmpi sge, %add3A_359, %ge3A_360 : i32
      %convert_element_type3A_362 = arith.extui %ge3A_361 : i1 to i32
      %mul3A_363 = arith.constant 224 : i32
      %mul3A_364 = arith.muli %convert_element_type3A_362, %mul3A_363 : i32
      %sub3A_365 = arith.subi %add3A_359, %mul3A_364 : i32
      %mul3A_366 = arith.constant 586 : i32
      %mul3A_367 = arith.muli %sub3A_365, %mul3A_366 : i32
      %shift_right_arithmetic3A_368 = arith.constant 14 : i32
      %shift_right_arithmetic3A_369 = arith.shrsi %mul3A_367, %shift_right_arithmetic3A_368 : i32
      %mul3A_370 = arith.constant 28 : i32
      %mul3A_371 = arith.muli %shift_right_arithmetic3A_369, %mul3A_370 : i32
      %sub3A_372 = arith.subi %sub3A_365, %mul3A_371 : i32
      %mul3A_373 = arith.constant 16 : i32
      %mul3A_374 = arith.muli %convert_element_type3A_362, %mul3A_373 : i32
      %mul3A_375 = arith.constant 2 : i32
      %mul3A_376 = arith.muli %mul3A_375, %shift_right_arithmetic3A_369 : i32
      %add3A_377 = arith.addi %mul3A_374, %mul3A_376 : i32
      %add3A_378 = arith.constant 0 : i32
      %add3A_379 = arith.addi %add3A_377, %add3A_378 : i32
      %mul3A_380 = arith.constant 56 : i32
      %mul3A_381 = arith.muli %add3A_379, %mul3A_380 : i32
      %mul3A_382 = arith.constant 2 : i32
      %mul3A_383 = arith.muli %mul3A_382, %sub3A_372 : i32
      %add3A_384 = arith.addi %mul3A_381, %mul3A_383 : i32
      %add3A_385 = arith.constant 0 : i32
      %add3A_386 = arith.addi %add3A_384, %add3A_385 : i32
      %mul3A_387 = arith.constant 56 : i32
      %mul3A_388 = arith.muli %add3A_386, %mul3A_387 : i32
      %mul3A_389 = arith.constant 16 : i32
      %mul3A_390 = arith.muli %convert_element_type3A_362, %mul3A_389 : i32
      %mul3A_391 = arith.constant 2 : i32
      %mul3A_392 = arith.muli %mul3A_391, %shift_right_arithmetic3A_369 : i32
      %add3A_393 = arith.addi %mul3A_390, %mul3A_392 : i32
      %add3A_394 = arith.constant 0 : i32
      %add3A_395 = arith.addi %add3A_393, %add3A_394 : i32
      %mul3A_396 = arith.constant 56 : i32
      %mul3A_397 = arith.muli %add3A_395, %mul3A_396 : i32
      %mul3A_398 = arith.constant 2 : i32
      %mul3A_399 = arith.muli %mul3A_398, %sub3A_372 : i32
      %add3A_400 = arith.addi %mul3A_397, %mul3A_399 : i32
      %add3A_401 = arith.constant 1 : i32
      %add3A_402 = arith.addi %add3A_400, %add3A_401 : i32
      %mul3A_403 = arith.constant 56 : i32
      %mul3A_404 = arith.muli %add3A_402, %mul3A_403 : i32
      %mul3A_405 = arith.constant 16 : i32
      %mul3A_406 = arith.muli %convert_element_type3A_362, %mul3A_405 : i32
      %mul3A_407 = arith.constant 2 : i32
      %mul3A_408 = arith.muli %mul3A_407, %shift_right_arithmetic3A_369 : i32
      %add3A_409 = arith.addi %mul3A_406, %mul3A_408 : i32
      %add3A_410 = arith.constant 1 : i32
      %add3A_411 = arith.addi %add3A_409, %add3A_410 : i32
      %mul3A_412 = arith.constant 56 : i32
      %mul3A_413 = arith.muli %add3A_411, %mul3A_412 : i32
      %mul3A_414 = arith.constant 2 : i32
      %mul3A_415 = arith.muli %mul3A_414, %sub3A_372 : i32
      %add3A_416 = arith.addi %mul3A_413, %mul3A_415 : i32
      %add3A_417 = arith.constant 0 : i32
      %add3A_418 = arith.addi %add3A_416, %add3A_417 : i32
      %mul3A_419 = arith.constant 56 : i32
      %mul3A_420 = arith.muli %add3A_418, %mul3A_419 : i32
      %mul3A_421 = arith.constant 16 : i32
      %mul3A_422 = arith.muli %convert_element_type3A_362, %mul3A_421 : i32
      %mul3A_423 = arith.constant 2 : i32
      %mul3A_424 = arith.muli %mul3A_423, %shift_right_arithmetic3A_369 : i32
      %add3A_425 = arith.addi %mul3A_422, %mul3A_424 : i32
      %add3A_426 = arith.constant 1 : i32
      %add3A_427 = arith.addi %add3A_425, %add3A_426 : i32
      %mul3A_428 = arith.constant 56 : i32
      %mul3A_429 = arith.muli %add3A_427, %mul3A_428 : i32
      %mul3A_430 = arith.constant 2 : i32
      %mul3A_431 = arith.muli %mul3A_430, %sub3A_372 : i32
      %add3A_432 = arith.addi %mul3A_429, %mul3A_431 : i32
      %add3A_433 = arith.constant 1 : i32
      %add3A_434 = arith.addi %add3A_432, %add3A_433 : i32
      %mul3A_435 = arith.constant 56 : i32
      %mul3A_436 = arith.muli %add3A_434, %mul3A_435 : i32
      %dma_start3A_437 = arith.constant 0 : i32
      %dma_start3A_438 = arith.constant 0 : i32
      %dma_start3A_439 = tpu.memref_slice %arg5[%dma_start3A_437, %dma_start3A_438] : memref<224x192xf32, #tpu.memory_space<vmem>> -> memref<56x192xf32, #tpu.memory_space<vmem>>
      %dma_start3A_440 = tpu.memref_reshape %arg4 : memref<2x16x56x56x192xf32, #tpu.memory_space<hbm>> -> memref<100352x192xf32, #tpu.memory_space<hbm>>
      %dma_start3A_441 = arith.constant 0 : i32
      %dma_start3A_442 = tpu.memref_slice %dma_start3A_440[%mul3A_388, %dma_start3A_441] : memref<100352x192xf32, #tpu.memory_space<hbm>> -> memref<56x192xf32, #tpu.memory_space<hbm>>
      %dma_start3A_443 = tpu.memref_reshape %arg4 : memref<2x16x56x56x192xf32, #tpu.memory_space<hbm>> -> memref<100352x192xf32, #tpu.memory_space<hbm>>
      %dma_start3A_444 = arith.constant 0 : i32
      %dma_start3A_445 = tpu.memref_slice %dma_start3A_443[%mul3A_388, %dma_start3A_444] : memref<100352x192xf32, #tpu.memory_space<hbm>> -> memref<56x192xf32, #tpu.memory_space<hbm>>
      %dma_start3A_446 = arith.constant 0 : i32
      %dma_start3A_447 = arith.constant 0 : i32
      %dma_start3A_448 = tpu.memref_slice %arg5[%dma_start3A_446, %dma_start3A_447] : memref<224x192xf32, #tpu.memory_space<vmem>> -> memref<56x192xf32, #tpu.memory_space<vmem>>
      tpu.enqueue_dma source(%dma_start3A_448 : memref<56x192xf32, #tpu.memory_space<vmem>>) target(%dma_start3A_445 : memref<56x192xf32, #tpu.memory_space<hbm>>) target_semaphore(%arg10 : memref<!tpu.dma_semaphore, #tpu.memory_space<semaphore_mem>>)
      %dma_start3A_449 = arith.constant 56 : i32
      %dma_start3A_450 = arith.constant 0 : i32
      %dma_start3A_451 = tpu.memref_slice %arg5[%dma_start3A_449, %dma_start3A_450] : memref<224x192xf32, #tpu.memory_space<vmem>> -> memref<56x192xf32, #tpu.memory_space<vmem>>
      %dma_start3A_452 = tpu.memref_reshape %arg4 : memref<2x16x56x56x192xf32, #tpu.memory_space<hbm>> -> memref<100352x192xf32, #tpu.memory_space<hbm>>
      %dma_start3A_453 = arith.constant 0 : i32
      %dma_start3A_454 = tpu.memref_slice %dma_start3A_452[%mul3A_404, %dma_start3A_453] : memref<100352x192xf32, #tpu.memory_space<hbm>> -> memref<56x192xf32, #tpu.memory_space<hbm>>
      %dma_start3A_455 = tpu.memref_reshape %arg4 : memref<2x16x56x56x192xf32, #tpu.memory_space<hbm>> -> memref<100352x192xf32, #tpu.memory_space<hbm>>
      %dma_start3A_456 = arith.constant 0 : i32
      %dma_start3A_457 = tpu.memref_slice %dma_start3A_455[%mul3A_404, %dma_start3A_456] : memref<100352x192xf32, #tpu.memory_space<hbm>> -> memref<56x192xf32, #tpu.memory_space<hbm>>
      %dma_start3A_458 = arith.constant 56 : i32
      %dma_start3A_459 = arith.constant 0 : i32
      %dma_start3A_460 = tpu.memref_slice %arg5[%dma_start3A_458, %dma_start3A_459] : memref<224x192xf32, #tpu.memory_space<vmem>> -> memref<56x192xf32, #tpu.memory_space<vmem>>
      tpu.enqueue_dma source(%dma_start3A_460 : memref<56x192xf32, #tpu.memory_space<vmem>>) target(%dma_start3A_457 : memref<56x192xf32, #tpu.memory_space<hbm>>) target_semaphore(%arg10 : memref<!tpu.dma_semaphore, #tpu.memory_space<semaphore_mem>>)
      %dma_start3A_461 = arith.constant 112 : i32
      %dma_start3A_462 = arith.constant 0 : i32
      %dma_start3A_463 = tpu.memref_slice %arg5[%dma_start3A_461, %dma_start3A_462] : memref<224x192xf32, #tpu.memory_space<vmem>> -> memref<56x192xf32, #tpu.memory_space<vmem>>
      %dma_start3A_464 = tpu.memref_reshape %arg4 : memref<2x16x56x56x192xf32, #tpu.memory_space<hbm>> -> memref<100352x192xf32, #tpu.memory_space<hbm>>
      %dma_start3A_465 = arith.constant 0 : i32
      %dma_start3A_466 = tpu.memref_slice %dma_start3A_464[%mul3A_420, %dma_start3A_465] : memref<100352x192xf32, #tpu.memory_space<hbm>> -> memref<56x192xf32, #tpu.memory_space<hbm>>
      %dma_start3A_467 = tpu.memref_reshape %arg4 : memref<2x16x56x56x192xf32, #tpu.memory_space<hbm>> -> memref<100352x192xf32, #tpu.memory_space<hbm>>
      %dma_start3A_468 = arith.constant 0 : i32
      %dma_start3A_469 = tpu.memref_slice %dma_start3A_467[%mul3A_420, %dma_start3A_468] : memref<100352x192xf32, #tpu.memory_space<hbm>> -> memref<56x192xf32, #tpu.memory_space<hbm>>
      %dma_start3A_470 = arith.constant 112 : i32
      %dma_start3A_471 = arith.constant 0 : i32
      %dma_start3A_472 = tpu.memref_slice %arg5[%dma_start3A_470, %dma_start3A_471] : memref<224x192xf32, #tpu.memory_space<vmem>> -> memref<56x192xf32, #tpu.memory_space<vmem>>
      tpu.enqueue_dma source(%dma_start3A_472 : memref<56x192xf32, #tpu.memory_space<vmem>>) target(%dma_start3A_469 : memref<56x192xf32, #tpu.memory_space<hbm>>) target_semaphore(%arg10 : memref<!tpu.dma_semaphore, #tpu.memory_space<semaphore_mem>>)
      %dma_start3A_473 = arith.constant 168 : i32
      %dma_start3A_474 = arith.constant 0 : i32
      %dma_start3A_475 = tpu.memref_slice %arg5[%dma_start3A_473, %dma_start3A_474] : memref<224x192xf32, #tpu.memory_space<vmem>> -> memref<56x192xf32, #tpu.memory_space<vmem>>
      %dma_start3A_476 = tpu.memref_reshape %arg4 : memref<2x16x56x56x192xf32, #tpu.memory_space<hbm>> -> memref<100352x192xf32, #tpu.memory_space<hbm>>
      %dma_start3A_477 = arith.constant 0 : i32
      %dma_start3A_478 = tpu.memref_slice %dma_start3A_476[%mul3A_436, %dma_start3A_477] : memref<100352x192xf32, #tpu.memory_space<hbm>> -> memref<56x192xf32, #tpu.memory_space<hbm>>
      %dma_start3A_479 = tpu.memref_reshape %arg4 : memref<2x16x56x56x192xf32, #tpu.memory_space<hbm>> -> memref<100352x192xf32, #tpu.memory_space<hbm>>
      %dma_start3A_480 = arith.constant 0 : i32
      %dma_start3A_481 = tpu.memref_slice %dma_start3A_479[%mul3A_436, %dma_start3A_480] : memref<100352x192xf32, #tpu.memory_space<hbm>> -> memref<56x192xf32, #tpu.memory_space<hbm>>
      %dma_start3A_482 = arith.constant 168 : i32
      %dma_start3A_483 = arith.constant 0 : i32
      %dma_start3A_484 = tpu.memref_slice %arg5[%dma_start3A_482, %dma_start3A_483] : memref<224x192xf32, #tpu.memory_space<vmem>> -> memref<56x192xf32, #tpu.memory_space<vmem>>
      tpu.enqueue_dma source(%dma_start3A_484 : memref<56x192xf32, #tpu.memory_space<vmem>>) target(%dma_start3A_481 : memref<56x192xf32, #tpu.memory_space<hbm>>) target_semaphore(%arg10 : memref<!tpu.dma_semaphore, #tpu.memory_space<semaphore_mem>>)
      %mul3A_485 = arith.constant 2 : i32
      %mul3A_486 = arith.muli %add3A_300, %mul3A_485 : i32
      %add3A_487 = arith.constant 1 : i32
      %add3A_488 = arith.addi %mul3A_486, %add3A_487 : i32
      %mul3A_489 = arith.constant 32 : i32
      %mul3A_490 = arith.muli %add3A_488, %mul3A_489 : i32
      %add3A_491 = arith.addi %mul3A_490, %add3A : i32
      %ge3A_492 = arith.constant 224 : i32
      %ge3A_493 = arith.cmpi sge, %add3A_491, %ge3A_492 : i32
      %convert_element_type3A_494 = arith.extui %ge3A_493 : i1 to i32
      %mul3A_495 = arith.constant 224 : i32
      %mul3A_496 = arith.muli %convert_element_type3A_494, %mul3A_495 : i32
      %sub3A_497 = arith.subi %add3A_491, %mul3A_496 : i32
      %mul3A_498 = arith.constant 586 : i32
      %mul3A_499 = arith.muli %sub3A_497, %mul3A_498 : i32
      %shift_right_arithmetic3A_500 = arith.constant 14 : i32
      %shift_right_arithmetic3A_501 = arith.shrsi %mul3A_499, %shift_right_arithmetic3A_500 : i32
      %mul3A_502 = arith.constant 28 : i32
      %mul3A_503 = arith.muli %shift_right_arithmetic3A_501, %mul3A_502 : i32
      %sub3A_504 = arith.subi %sub3A_497, %mul3A_503 : i32
      %dma_start3A_505 = arith.constant 0 : i32
      %dma_start3A_506 = tpu.memref_slice %arg2[%add3A_491, %dma_start3A_505] : memref<448x5376xf32, #tpu.memory_space<hbm>> -> memref<1x5376xf32, #tpu.memory_space<hbm>>
      %dma_start3A_507 = tpu.memref_squeeze %dma_start3A_506 : memref<1x5376xf32, #tpu.memory_space<hbm>> -> memref<5376xf32, #tpu.memory_space<hbm>>
      %dma_start3A_508 = arith.constant 0 : i32
      %dma_start3A_509 = tpu.memref_slice %arg2[%add3A_491, %dma_start3A_508] : memref<448x5376xf32, #tpu.memory_space<hbm>> -> memref<1x5376xf32, #tpu.memory_space<hbm>>
      %dma_start3A_510 = tpu.memref_squeeze %dma_start3A_509 : memref<1x5376xf32, #tpu.memory_space<hbm>> -> memref<5376xf32, #tpu.memory_space<hbm>>
      tpu.enqueue_dma source(%dma_start3A_510 : memref<5376xf32, #tpu.memory_space<hbm>>) target(%arg9 : memref<5376xf32, #tpu.memory_space<vmem>>) target_semaphore(%arg13 : memref<!tpu.dma_semaphore, #tpu.memory_space<semaphore_mem>>)
      %gt3A_511 = arith.constant 0 : i32
      %gt3A_512 = arith.cmpi sgt, %add3A_300, %gt3A_511 : i32
      %convert_element_type3A_513 = arith.extui %gt3A_512 : i1 to i32
      %cond3A_514 = arith.constant 0 : i32
      %cond3A_515 = arith.cmpi ne, %convert_element_type3A_513, %cond3A_514 : i32
      scf.if %cond3A_515 {
        %sub3A_672 = arith.constant 2 : i32
        %sub3A_673 = arith.subi %add3A_488, %sub3A_672 : i32
        %mul3A_674 = arith.constant 32 : i32
        %mul3A_675 = arith.muli %sub3A_673, %mul3A_674 : i32
        %add3A_676 = arith.addi %mul3A_675, %add3A : i32
        %ge3A_677 = arith.constant 224 : i32
        %ge3A_678 = arith.cmpi sge, %add3A_676, %ge3A_677 : i32
        %convert_element_type3A_679 = arith.extui %ge3A_678 : i1 to i32
        %mul3A_680 = arith.constant 224 : i32
        %mul3A_681 = arith.muli %convert_element_type3A_679, %mul3A_680 : i32
        %sub3A_682 = arith.subi %add3A_676, %mul3A_681 : i32
        %mul3A_683 = arith.constant 586 : i32
        %mul3A_684 = arith.muli %sub3A_682, %mul3A_683 : i32
        %shift_right_arithmetic3A_685 = arith.constant 14 : i32
        %shift_right_arithmetic3A_686 = arith.shrsi %mul3A_684, %shift_right_arithmetic3A_685 : i32
        %mul3A_687 = arith.constant 28 : i32
        %mul3A_688 = arith.muli %shift_right_arithmetic3A_686, %mul3A_687 : i32
        %sub3A_689 = arith.subi %sub3A_682, %mul3A_688 : i32
        %mul3A_690 = arith.constant 16 : i32
        %mul3A_691 = arith.muli %convert_element_type3A_679, %mul3A_690 : i32
        %mul3A_692 = arith.constant 2 : i32
        %mul3A_693 = arith.muli %mul3A_692, %shift_right_arithmetic3A_686 : i32
        %add3A_694 = arith.addi %mul3A_691, %mul3A_693 : i32
        %add3A_695 = arith.constant 0 : i32
        %add3A_696 = arith.addi %add3A_694, %add3A_695 : i32
        %mul3A_697 = arith.constant 56 : i32
        %mul3A_698 = arith.muli %add3A_696, %mul3A_697 : i32
        %mul3A_699 = arith.constant 2 : i32
        %mul3A_700 = arith.muli %mul3A_699, %sub3A_689 : i32
        %add3A_701 = arith.addi %mul3A_698, %mul3A_700 : i32
        %add3A_702 = arith.constant 0 : i32
        %add3A_703 = arith.addi %add3A_701, %add3A_702 : i32
        %mul3A_704 = arith.constant 56 : i32
        %mul3A_705 = arith.muli %add3A_703, %mul3A_704 : i32
        %mul3A_706 = arith.constant 16 : i32
        %mul3A_707 = arith.muli %convert_element_type3A_679, %mul3A_706 : i32
        %mul3A_708 = arith.constant 2 : i32
        %mul3A_709 = arith.muli %mul3A_708, %shift_right_arithmetic3A_686 : i32
        %add3A_710 = arith.addi %mul3A_707, %mul3A_709 : i32
        %add3A_711 = arith.constant 0 : i32
        %add3A_712 = arith.addi %add3A_710, %add3A_711 : i32
        %mul3A_713 = arith.constant 56 : i32
        %mul3A_714 = arith.muli %add3A_712, %mul3A_713 : i32
        %mul3A_715 = arith.constant 2 : i32
        %mul3A_716 = arith.muli %mul3A_715, %sub3A_689 : i32
        %add3A_717 = arith.addi %mul3A_714, %mul3A_716 : i32
        %add3A_718 = arith.constant 1 : i32
        %add3A_719 = arith.addi %add3A_717, %add3A_718 : i32
        %mul3A_720 = arith.constant 56 : i32
        %mul3A_721 = arith.muli %add3A_719, %mul3A_720 : i32
        %mul3A_722 = arith.constant 16 : i32
        %mul3A_723 = arith.muli %convert_element_type3A_679, %mul3A_722 : i32
        %mul3A_724 = arith.constant 2 : i32
        %mul3A_725 = arith.muli %mul3A_724, %shift_right_arithmetic3A_686 : i32
        %add3A_726 = arith.addi %mul3A_723, %mul3A_725 : i32
        %add3A_727 = arith.constant 1 : i32
        %add3A_728 = arith.addi %add3A_726, %add3A_727 : i32
        %mul3A_729 = arith.constant 56 : i32
        %mul3A_730 = arith.muli %add3A_728, %mul3A_729 : i32
        %mul3A_731 = arith.constant 2 : i32
        %mul3A_732 = arith.muli %mul3A_731, %sub3A_689 : i32
        %add3A_733 = arith.addi %mul3A_730, %mul3A_732 : i32
        %add3A_734 = arith.constant 0 : i32
        %add3A_735 = arith.addi %add3A_733, %add3A_734 : i32
        %mul3A_736 = arith.constant 56 : i32
        %mul3A_737 = arith.muli %add3A_735, %mul3A_736 : i32
        %mul3A_738 = arith.constant 16 : i32
        %mul3A_739 = arith.muli %convert_element_type3A_679, %mul3A_738 : i32
        %mul3A_740 = arith.constant 2 : i32
        %mul3A_741 = arith.muli %mul3A_740, %shift_right_arithmetic3A_686 : i32
        %add3A_742 = arith.addi %mul3A_739, %mul3A_741 : i32
        %add3A_743 = arith.constant 1 : i32
        %add3A_744 = arith.addi %add3A_742, %add3A_743 : i32
        %mul3A_745 = arith.constant 56 : i32
        %mul3A_746 = arith.muli %add3A_744, %mul3A_745 : i32
        %mul3A_747 = arith.constant 2 : i32
        %mul3A_748 = arith.muli %mul3A_747, %sub3A_689 : i32
        %add3A_749 = arith.addi %mul3A_746, %mul3A_748 : i32
        %add3A_750 = arith.constant 1 : i32
        %add3A_751 = arith.addi %add3A_749, %add3A_750 : i32
        %mul3A_752 = arith.constant 56 : i32
        %mul3A_753 = arith.muli %add3A_751, %mul3A_752 : i32
        %dma_wait3A_754 = arith.constant 0 : i32
        %dma_wait3A_755 = arith.constant 0 : i32
        %dma_wait3A_756 = tpu.memref_slice %arg6[%dma_wait3A_754, %dma_wait3A_755] : memref<224x192xf32, #tpu.memory_space<vmem>> -> memref<56x192xf32, #tpu.memory_space<vmem>>
        %dma_wait3A_757 = tpu.memref_reshape %arg4 : memref<2x16x56x56x192xf32, #tpu.memory_space<hbm>> -> memref<100352x192xf32, #tpu.memory_space<hbm>>
        %dma_wait3A_758 = arith.constant 0 : i32
        %dma_wait3A_759 = tpu.memref_slice %dma_wait3A_757[%mul3A_705, %dma_wait3A_758] : memref<100352x192xf32, #tpu.memory_space<hbm>> -> memref<56x192xf32, #tpu.memory_space<hbm>>
        %dma_wait3A_760 = tpu.memref_reshape %arg4 : memref<2x16x56x56x192xf32, #tpu.memory_space<hbm>> -> memref<100352x192xf32, #tpu.memory_space<hbm>>
        %dma_wait3A_761 = arith.constant 0 : i32
        %dma_wait3A_762 = tpu.memref_slice %dma_wait3A_760[%mul3A_705, %dma_wait3A_761] : memref<100352x192xf32, #tpu.memory_space<hbm>> -> memref<56x192xf32, #tpu.memory_space<hbm>>
        %dma_wait3A_763 = arith.constant 0 : i32
        %dma_wait3A_764 = arith.constant 0 : i32
        %dma_wait3A_765 = tpu.memref_slice %arg6[%dma_wait3A_763, %dma_wait3A_764] : memref<224x192xf32, #tpu.memory_space<vmem>> -> memref<56x192xf32, #tpu.memory_space<vmem>>
        tpu.wait_dma2 semaphore(%arg11 : memref<!tpu.dma_semaphore, #tpu.memory_space<semaphore_mem>>) src(%dma_wait3A_765 : memref<56x192xf32, #tpu.memory_space<vmem>>) dst(%dma_wait3A_762 : memref<56x192xf32, #tpu.memory_space<hbm>>)
        %dma_wait3A_766 = arith.constant 56 : i32
        %dma_wait3A_767 = arith.constant 0 : i32
        %dma_wait3A_768 = tpu.memref_slice %arg6[%dma_wait3A_766, %dma_wait3A_767] : memref<224x192xf32, #tpu.memory_space<vmem>> -> memref<56x192xf32, #tpu.memory_space<vmem>>
        %dma_wait3A_769 = tpu.memref_reshape %arg4 : memref<2x16x56x56x192xf32, #tpu.memory_space<hbm>> -> memref<100352x192xf32, #tpu.memory_space<hbm>>
        %dma_wait3A_770 = arith.constant 0 : i32
        %dma_wait3A_771 = tpu.memref_slice %dma_wait3A_769[%mul3A_721, %dma_wait3A_770] : memref<100352x192xf32, #tpu.memory_space<hbm>> -> memref<56x192xf32, #tpu.memory_space<hbm>>
        %dma_wait3A_772 = tpu.memref_reshape %arg4 : memref<2x16x56x56x192xf32, #tpu.memory_space<hbm>> -> memref<100352x192xf32, #tpu.memory_space<hbm>>
        %dma_wait3A_773 = arith.constant 0 : i32
        %dma_wait3A_774 = tpu.memref_slice %dma_wait3A_772[%mul3A_721, %dma_wait3A_773] : memref<100352x192xf32, #tpu.memory_space<hbm>> -> memref<56x192xf32, #tpu.memory_space<hbm>>
        %dma_wait3A_775 = arith.constant 56 : i32
        %dma_wait3A_776 = arith.constant 0 : i32
        %dma_wait3A_777 = tpu.memref_slice %arg6[%dma_wait3A_775, %dma_wait3A_776] : memref<224x192xf32, #tpu.memory_space<vmem>> -> memref<56x192xf32, #tpu.memory_space<vmem>>
        tpu.wait_dma2 semaphore(%arg11 : memref<!tpu.dma_semaphore, #tpu.memory_space<semaphore_mem>>) src(%dma_wait3A_777 : memref<56x192xf32, #tpu.memory_space<vmem>>) dst(%dma_wait3A_774 : memref<56x192xf32, #tpu.memory_space<hbm>>)
        %dma_wait3A_778 = arith.constant 112 : i32
        %dma_wait3A_779 = arith.constant 0 : i32
        %dma_wait3A_780 = tpu.memref_slice %arg6[%dma_wait3A_778, %dma_wait3A_779] : memref<224x192xf32, #tpu.memory_space<vmem>> -> memref<56x192xf32, #tpu.memory_space<vmem>>
        %dma_wait3A_781 = tpu.memref_reshape %arg4 : memref<2x16x56x56x192xf32, #tpu.memory_space<hbm>> -> memref<100352x192xf32, #tpu.memory_space<hbm>>
        %dma_wait3A_782 = arith.constant 0 : i32
        %dma_wait3A_783 = tpu.memref_slice %dma_wait3A_781[%mul3A_737, %dma_wait3A_782] : memref<100352x192xf32, #tpu.memory_space<hbm>> -> memref<56x192xf32, #tpu.memory_space<hbm>>
        %dma_wait3A_784 = tpu.memref_reshape %arg4 : memref<2x16x56x56x192xf32, #tpu.memory_space<hbm>> -> memref<100352x192xf32, #tpu.memory_space<hbm>>
        %dma_wait3A_785 = arith.constant 0 : i32
        %dma_wait3A_786 = tpu.memref_slice %dma_wait3A_784[%mul3A_737, %dma_wait3A_785] : memref<100352x192xf32, #tpu.memory_space<hbm>> -> memref<56x192xf32, #tpu.memory_space<hbm>>
        %dma_wait3A_787 = arith.constant 112 : i32
        %dma_wait3A_788 = arith.constant 0 : i32
        %dma_wait3A_789 = tpu.memref_slice %arg6[%dma_wait3A_787, %dma_wait3A_788] : memref<224x192xf32, #tpu.memory_space<vmem>> -> memref<56x192xf32, #tpu.memory_space<vmem>>
        tpu.wait_dma2 semaphore(%arg11 : memref<!tpu.dma_semaphore, #tpu.memory_space<semaphore_mem>>) src(%dma_wait3A_789 : memref<56x192xf32, #tpu.memory_space<vmem>>) dst(%dma_wait3A_786 : memref<56x192xf32, #tpu.memory_space<hbm>>)
        %dma_wait3A_790 = arith.constant 168 : i32
        %dma_wait3A_791 = arith.constant 0 : i32
        %dma_wait3A_792 = tpu.memref_slice %arg6[%dma_wait3A_790, %dma_wait3A_791] : memref<224x192xf32, #tpu.memory_space<vmem>> -> memref<56x192xf32, #tpu.memory_space<vmem>>
        %dma_wait3A_793 = tpu.memref_reshape %arg4 : memref<2x16x56x56x192xf32, #tpu.memory_space<hbm>> -> memref<100352x192xf32, #tpu.memory_space<hbm>>
        %dma_wait3A_794 = arith.constant 0 : i32
        %dma_wait3A_795 = tpu.memref_slice %dma_wait3A_793[%mul3A_753, %dma_wait3A_794] : memref<100352x192xf32, #tpu.memory_space<hbm>> -> memref<56x192xf32, #tpu.memory_space<hbm>>
        %dma_wait3A_796 = tpu.memref_reshape %arg4 : memref<2x16x56x56x192xf32, #tpu.memory_space<hbm>> -> memref<100352x192xf32, #tpu.memory_space<hbm>>
        %dma_wait3A_797 = arith.constant 0 : i32
        %dma_wait3A_798 = tpu.memref_slice %dma_wait3A_796[%mul3A_753, %dma_wait3A_797] : memref<100352x192xf32, #tpu.memory_space<hbm>> -> memref<56x192xf32, #tpu.memory_space<hbm>>
        %dma_wait3A_799 = arith.constant 168 : i32
        %dma_wait3A_800 = arith.constant 0 : i32
        %dma_wait3A_801 = tpu.memref_slice %arg6[%dma_wait3A_799, %dma_wait3A_800] : memref<224x192xf32, #tpu.memory_space<vmem>> -> memref<56x192xf32, #tpu.memory_space<vmem>>
        tpu.wait_dma2 semaphore(%arg11 : memref<!tpu.dma_semaphore, #tpu.memory_space<semaphore_mem>>) src(%dma_wait3A_801 : memref<56x192xf32, #tpu.memory_space<vmem>>) dst(%dma_wait3A_798 : memref<56x192xf32, #tpu.memory_space<hbm>>)
        %parallel_loop3A_802 = arith.constant 0 : i32
        %parallel_loop3A_803 = arith.constant 5376 : i32
        %parallel_loop3A_804 = arith.constant 16 : i32
        scf.for %parallel_loop3A_805 = %parallel_loop3A_802 to %parallel_loop3A_803 step %parallel_loop3A_804  : i32 {
          %parallel_loop3A_806 = arith.index_cast %parallel_loop3A_805 : i32 to index
          %parallel_loop3A_807 = tpu.vector_load %arg8[%parallel_loop3A_806] {strides = array<i32>} : memref<5376xi32, #tpu.memory_space<vmem>>, vector<16xi32>,
          %parallel_loop3A_808 = arith.constant 8 : i32
          %parallel_loop3A_809 = vector.broadcast %parallel_loop3A_808 : i32 to vector<16xi32>
          %parallel_loop3A_810 = arith.shrsi %parallel_loop3A_807, %parallel_loop3A_809 : vector<16xi32>
          %parallel_loop3A_811 = arith.constant 255 : i32
          %parallel_loop3A_812 = vector.broadcast %parallel_loop3A_811 : i32 to vector<16xi32>
          %parallel_loop3A_813 = arith.andi %parallel_loop3A_807, %parallel_loop3A_812 : vector<16xi32>
          tpu.vector_store_idx %arg6[%parallel_loop3A_810, %parallel_loop3A_813], %broadcast_in_dim3A_1 : memref<224x192xf32, #tpu.memory_space<vmem>>[vector<16xi32>, vector<16xi32>], vector<16xf32>,
        } {sc.loop_unroll_factor = 8 : i64, sc.parallel_access}
      } else {
      }
      %dma_start3A_516 = arith.constant 0 : i32
      %dma_start3A_517 = tpu.memref_slice %arg3[%add3A_491, %dma_start3A_516] : memref<448x5376xi32, #tpu.memory_space<hbm>> -> memref<1x5376xi32, #tpu.memory_space<hbm>>
      %dma_start3A_518 = tpu.memref_squeeze %dma_start3A_517 : memref<1x5376xi32, #tpu.memory_space<hbm>> -> memref<5376xi32, #tpu.memory_space<hbm>>
      %dma_start3A_519 = arith.constant 0 : i32
      %dma_start3A_520 = tpu.memref_slice %arg3[%add3A_491, %dma_start3A_519] : memref<448x5376xi32, #tpu.memory_space<hbm>> -> memref<1x5376xi32, #tpu.memory_space<hbm>>
      %dma_start3A_521 = tpu.memref_squeeze %dma_start3A_520 : memref<1x5376xi32, #tpu.memory_space<hbm>> -> memref<5376xi32, #tpu.memory_space<hbm>>
      tpu.enqueue_dma source(%dma_start3A_521 : memref<5376xi32, #tpu.memory_space<hbm>>) target(%arg8 : memref<5376xi32, #tpu.memory_space<vmem>>) target_semaphore(%arg12 : memref<!tpu.dma_semaphore, #tpu.memory_space<semaphore_mem>>)
      %dma_wait3A_522 = arith.constant 0 : i32
      %dma_wait3A_523 = tpu.memref_slice %arg3[%add3A_491, %dma_wait3A_522] : memref<448x5376xi32, #tpu.memory_space<hbm>> -> memref<1x5376xi32, #tpu.memory_space<hbm>>
      %dma_wait3A_524 = tpu.memref_squeeze %dma_wait3A_523 : memref<1x5376xi32, #tpu.memory_space<hbm>> -> memref<5376xi32, #tpu.memory_space<hbm>>
      %dma_wait3A_525 = arith.constant 0 : i32
      %dma_wait3A_526 = tpu.memref_slice %arg3[%add3A_491, %dma_wait3A_525] : memref<448x5376xi32, #tpu.memory_space<hbm>> -> memref<1x5376xi32, #tpu.memory_space<hbm>>
      %dma_wait3A_527 = tpu.memref_squeeze %dma_wait3A_526 : memref<1x5376xi32, #tpu.memory_space<hbm>> -> memref<5376xi32, #tpu.memory_space<hbm>>
      tpu.wait_dma2 semaphore(%arg12 : memref<!tpu.dma_semaphore, #tpu.memory_space<semaphore_mem>>) src(%dma_wait3A_527 : memref<5376xi32, #tpu.memory_space<hbm>>) dst(%arg8 : memref<5376xi32, #tpu.memory_space<vmem>>)
      %dma_wait3A_528 = arith.constant 0 : i32
      %dma_wait3A_529 = tpu.memref_slice %arg2[%add3A_491, %dma_wait3A_528] : memref<448x5376xf32, #tpu.memory_space<hbm>> -> memref<1x5376xf32, #tpu.memory_space<hbm>>
      %dma_wait3A_530 = tpu.memref_squeeze %dma_wait3A_529 : memref<1x5376xf32, #tpu.memory_space<hbm>> -> memref<5376xf32, #tpu.memory_space<hbm>>
      %dma_wait3A_531 = arith.constant 0 : i32
      %dma_wait3A_532 = tpu.memref_slice %arg2[%add3A_491, %dma_wait3A_531] : memref<448x5376xf32, #tpu.memory_space<hbm>> -> memref<1x5376xf32, #tpu.memory_space<hbm>>
      %dma_wait3A_533 = tpu.memref_squeeze %dma_wait3A_532 : memref<1x5376xf32, #tpu.memory_space<hbm>> -> memref<5376xf32, #tpu.memory_space<hbm>>
      tpu.wait_dma2 semaphore(%arg13 : memref<!tpu.dma_semaphore, #tpu.memory_space<semaphore_mem>>) src(%dma_wait3A_533 : memref<5376xf32, #tpu.memory_space<hbm>>) dst(%arg9 : memref<5376xf32, #tpu.memory_space<vmem>>)
      %mul3A_534 = arith.constant 112 : i32
      %mul3A_535 = arith.muli %mul3A_534, %shift_right_arithmetic3A_501 : i32
      %mul3A_536 = arith.constant 2 : i32
      %mul3A_537 = arith.muli %mul3A_536, %sub3A_504 : i32
      %add3A_538 = arith.addi %mul3A_535, %mul3A_537 : i32
      %mul3A_539 = arith.constant 56 : i32
      %mul3A_540 = arith.muli %add3A_538, %mul3A_539 : i32
      %parallel_loop3A_541 = arith.constant 0 : i32
      %parallel_loop3A_542 = arith.constant 28 : i32
      %parallel_loop3A_543 = arith.constant 1 : i32
      scf.for %parallel_loop3A_672 = %parallel_loop3A_541 to %parallel_loop3A_542 step %parallel_loop3A_543  : i32 {
        %parallel_loop3A_673 = arith.constant 192 : i32
        %parallel_loop3A_674 = arith.muli %parallel_loop3A_672, %parallel_loop3A_673 : i32
        %parallel_loop3A_675 = arith.constant 0 : i32
        %parallel_loop3A_676 = vector.broadcast %parallel_loop3A_675 : i32 to vector<16xi32>
        %parallel_loop3A_677 = arith.muli %iota3A, %parallel_loop3A_676 : vector<16xi32>
        %parallel_loop3A_678 = arith.constant 2 : i32
        %parallel_loop3A_679 = arith.muli %parallel_loop3A_678, %parallel_loop3A_672 : i32
        %parallel_loop3A_680 = arith.addi %mul3A_540, %parallel_loop3A_679 : i32
        %parallel_loop3A_681 = vector.broadcast %parallel_loop3A_680 : i32 to vector<16xi32>
        %parallel_loop3A_682 = arith.addi %parallel_loop3A_677, %parallel_loop3A_681 : vector<16xi32>
        %parallel_loop3A_683 = arith.constant 0 : i32
        %parallel_loop3A_684 = arith.addi %parallel_loop3A_674, %parallel_loop3A_683 : i32
        %parallel_loop3A_685 = arith.index_cast %parallel_loop3A_684 : i32 to index
        %parallel_loop3A_686 = tpu.vector_load %arg8[%parallel_loop3A_685] {strides = array<i32>} : memref<5376xi32, #tpu.memory_space<vmem>>, vector<16xi32>,
        %parallel_loop3A_687 = arith.constant 0 : i32
        %parallel_loop3A_688 = arith.addi %parallel_loop3A_674, %parallel_loop3A_687 : i32
        %parallel_loop3A_689 = arith.index_cast %parallel_loop3A_688 : i32 to index
        %parallel_loop3A_690 = tpu.vector_load %arg9[%parallel_loop3A_689] {strides = array<i32>} : memref<5376xf32, #tpu.memory_space<vmem>>, vector<16xf32>,
        %parallel_loop3A_691 = arith.subi %parallel_loop3A_686, %parallel_loop3A_682 : vector<16xi32>
        %parallel_loop3A_692 = arith.constant 3136 : i32
        %parallel_loop3A_693 = vector.broadcast %parallel_loop3A_692 : i32 to vector<16xi32>
        %parallel_loop3A_694 = arith.cmpi sge, %parallel_loop3A_691, %parallel_loop3A_693 : vector<16xi32>
        %parallel_loop3A_695 = arith.extui %parallel_loop3A_694 : vector<16xi1> to vector<16xi32>
        %parallel_loop3A_696 = arith.constant 3136 : i32
        %parallel_loop3A_697 = vector.broadcast %parallel_loop3A_696 : i32 to vector<16xi32>
        %parallel_loop3A_698 = arith.muli %parallel_loop3A_695, %parallel_loop3A_697 : vector<16xi32>
        %parallel_loop3A_699 = arith.subi %parallel_loop3A_691, %parallel_loop3A_698 : vector<16xi32>
        %parallel_loop3A_700 = arith.constant 56 : i32
        %parallel_loop3A_701 = vector.broadcast %parallel_loop3A_700 : i32 to vector<16xi32>
        %parallel_loop3A_702 = arith.cmpi sge, %parallel_loop3A_699, %parallel_loop3A_701 : vector<16xi32>
        %parallel_loop3A_703 = arith.extui %parallel_loop3A_702 : vector<16xi1> to vector<16xi32>
        %parallel_loop3A_704 = arith.constant 56 : i32
        %parallel_loop3A_705 = vector.broadcast %parallel_loop3A_704 : i32 to vector<16xi32>
        %parallel_loop3A_706 = arith.muli %parallel_loop3A_703, %parallel_loop3A_705 : vector<16xi32>
        %parallel_loop3A_707 = arith.subi %parallel_loop3A_699, %parallel_loop3A_706 : vector<16xi32>
        %parallel_loop3A_708 = arith.constant 112 : i32
        %parallel_loop3A_709 = vector.broadcast %parallel_loop3A_708 : i32 to vector<16xi32>
        %parallel_loop3A_710 = arith.muli %parallel_loop3A_695, %parallel_loop3A_709 : vector<16xi32>
        %parallel_loop3A_711 = arith.constant 56 : i32
        %parallel_loop3A_712 = vector.broadcast %parallel_loop3A_711 : i32 to vector<16xi32>
        %parallel_loop3A_713 = arith.muli %parallel_loop3A_703, %parallel_loop3A_712 : vector<16xi32>
        %parallel_loop3A_714 = arith.addi %parallel_loop3A_710, %parallel_loop3A_713 : vector<16xi32>
        %parallel_loop3A_715 = arith.constant 2 : i32
        %parallel_loop3A_716 = arith.muli %parallel_loop3A_715, %parallel_loop3A_672 : i32
        %parallel_loop3A_717 = vector.broadcast %parallel_loop3A_716 : i32 to vector<16xi32>
        %parallel_loop3A_718 = arith.addi %parallel_loop3A_714, %parallel_loop3A_717 : vector<16xi32>
        %parallel_loop3A_719 = arith.addi %parallel_loop3A_718, %parallel_loop3A_707 : vector<16xi32>
        %parallel_loop3A_720 = arith.constant 8 : i32
        %parallel_loop3A_721 = vector.broadcast %parallel_loop3A_720 : i32 to vector<16xi32>
        %parallel_loop3A_722 = arith.shli %parallel_loop3A_719, %parallel_loop3A_721 : vector<16xi32>
        %parallel_loop3A_723 = arith.ori %parallel_loop3A_722, %add3A_4 : vector<16xi32>
        %parallel_loop3A_724 = arith.constant 0 : i32
        %parallel_loop3A_725 = arith.addi %parallel_loop3A_674, %parallel_loop3A_724 : i32
        %parallel_loop3A_726 = arith.index_cast %parallel_loop3A_725 : i32 to index
        %parallel_loop3A_727 = tpu.vector_load %arg8[%parallel_loop3A_726] {strides = array<i32>} : memref<5376xi32, #tpu.memory_space<vmem>>, vector<16xi32>,
        tpu.vector_store %arg8[%parallel_loop3A_726], %parallel_loop3A_723 {strides = array<i32>} : memref<5376xi32, #tpu.memory_space<vmem>>, vector<16xi32>,
        tpu.vector_store_idx %arg6[%parallel_loop3A_719, %add3A_4], %parallel_loop3A_690 : memref<224x192xf32, #tpu.memory_space<vmem>>[vector<16xi32>, vector<16xi32>], vector<16xf32>,
        %parallel_loop3A_728 = arith.constant 16 : i32
        %parallel_loop3A_729 = arith.addi %parallel_loop3A_674, %parallel_loop3A_728 : i32
        %parallel_loop3A_730 = arith.index_cast %parallel_loop3A_729 : i32 to index
        %parallel_loop3A_731 = tpu.vector_load %arg8[%parallel_loop3A_730] {strides = array<i32>} : memref<5376xi32, #tpu.memory_space<vmem>>, vector<16xi32>,
        %parallel_loop3A_732 = arith.constant 16 : i32
        %parallel_loop3A_733 = arith.addi %parallel_loop3A_674, %parallel_loop3A_732 : i32
        %parallel_loop3A_734 = arith.index_cast %parallel_loop3A_733 : i32 to index
        %parallel_loop3A_735 = tpu.vector_load %arg9[%parallel_loop3A_734] {strides = array<i32>} : memref<5376xf32, #tpu.memory_space<vmem>>, vector<16xf32>,
        %parallel_loop3A_736 = arith.subi %parallel_loop3A_731, %parallel_loop3A_682 : vector<16xi32>
        %parallel_loop3A_737 = arith.constant 3136 : i32
        %parallel_loop3A_738 = vector.broadcast %parallel_loop3A_737 : i32 to vector<16xi32>
        %parallel_loop3A_739 = arith.cmpi sge, %parallel_loop3A_736, %parallel_loop3A_738 : vector<16xi32>
        %parallel_loop3A_740 = arith.extui %parallel_loop3A_739 : vector<16xi1> to vector<16xi32>
        %parallel_loop3A_741 = arith.constant 3136 : i32
        %parallel_loop3A_742 = vector.broadcast %parallel_loop3A_741 : i32 to vector<16xi32>
        %parallel_loop3A_743 = arith.muli %parallel_loop3A_740, %parallel_loop3A_742 : vector<16xi32>
        %parallel_loop3A_744 = arith.subi %parallel_loop3A_736, %parallel_loop3A_743 : vector<16xi32>
        %parallel_loop3A_745 = arith.constant 56 : i32
        %parallel_loop3A_746 = vector.broadcast %parallel_loop3A_745 : i32 to vector<16xi32>
        %parallel_loop3A_747 = arith.cmpi sge, %parallel_loop3A_744, %parallel_loop3A_746 : vector<16xi32>
        %parallel_loop3A_748 = arith.extui %parallel_loop3A_747 : vector<16xi1> to vector<16xi32>
        %parallel_loop3A_749 = arith.constant 56 : i32
        %parallel_loop3A_750 = vector.broadcast %parallel_loop3A_749 : i32 to vector<16xi32>
        %parallel_loop3A_751 = arith.muli %parallel_loop3A_748, %parallel_loop3A_750 : vector<16xi32>
        %parallel_loop3A_752 = arith.subi %parallel_loop3A_744, %parallel_loop3A_751 : vector<16xi32>
        %parallel_loop3A_753 = arith.constant 112 : i32
        %parallel_loop3A_754 = vector.broadcast %parallel_loop3A_753 : i32 to vector<16xi32>
        %parallel_loop3A_755 = arith.muli %parallel_loop3A_740, %parallel_loop3A_754 : vector<16xi32>
        %parallel_loop3A_756 = arith.constant 56 : i32
        %parallel_loop3A_757 = vector.broadcast %parallel_loop3A_756 : i32 to vector<16xi32>
        %parallel_loop3A_758 = arith.muli %parallel_loop3A_748, %parallel_loop3A_757 : vector<16xi32>
        %parallel_loop3A_759 = arith.addi %parallel_loop3A_755, %parallel_loop3A_758 : vector<16xi32>
        %parallel_loop3A_760 = arith.constant 2 : i32
        %parallel_loop3A_761 = arith.muli %parallel_loop3A_760, %parallel_loop3A_672 : i32
        %parallel_loop3A_762 = vector.broadcast %parallel_loop3A_761 : i32 to vector<16xi32>
        %parallel_loop3A_763 = arith.addi %parallel_loop3A_759, %parallel_loop3A_762 : vector<16xi32>
        %parallel_loop3A_764 = arith.addi %parallel_loop3A_763, %parallel_loop3A_752 : vector<16xi32>
        %parallel_loop3A_765 = arith.constant 8 : i32
        %parallel_loop3A_766 = vector.broadcast %parallel_loop3A_765 : i32 to vector<16xi32>
        %parallel_loop3A_767 = arith.shli %parallel_loop3A_764, %parallel_loop3A_766 : vector<16xi32>
        %parallel_loop3A_768 = arith.ori %parallel_loop3A_767, %add3A_7 : vector<16xi32>
        %parallel_loop3A_769 = arith.constant 16 : i32
        %parallel_loop3A_770 = arith.addi %parallel_loop3A_674, %parallel_loop3A_769 : i32
        %parallel_loop3A_771 = arith.index_cast %parallel_loop3A_770 : i32 to index
        %parallel_loop3A_772 = tpu.vector_load %arg8[%parallel_loop3A_771] {strides = array<i32>} : memref<5376xi32, #tpu.memory_space<vmem>>, vector<16xi32>,
        tpu.vector_store %arg8[%parallel_loop3A_771], %parallel_loop3A_768 {strides = array<i32>} : memref<5376xi32, #tpu.memory_space<vmem>>, vector<16xi32>,
        tpu.vector_store_idx %arg6[%parallel_loop3A_764, %add3A_7], %parallel_loop3A_735 : memref<224x192xf32, #tpu.memory_space<vmem>>[vector<16xi32>, vector<16xi32>], vector<16xf32>,
        %parallel_loop3A_773 = arith.constant 32 : i32
        %parallel_loop3A_774 = arith.addi %parallel_loop3A_674, %parallel_loop3A_773 : i32
        %parallel_loop3A_775 = arith.index_cast %parallel_loop3A_774 : i32 to index
        %parallel_loop3A_776 = tpu.vector_load %arg8[%parallel_loop3A_775] {strides = array<i32>} : memref<5376xi32, #tpu.memory_space<vmem>>, vector<16xi32>,
        %parallel_loop3A_777 = arith.constant 32 : i32
        %parallel_loop3A_778 = arith.addi %parallel_loop3A_674, %parallel_loop3A_777 : i32
        %parallel_loop3A_779 = arith.index_cast %parallel_loop3A_778 : i32 to index
        %parallel_loop3A_780 = tpu.vector_load %arg9[%parallel_loop3A_779] {strides = array<i32>} : memref<5376xf32, #tpu.memory_space<vmem>>, vector<16xf32>,
        %parallel_loop3A_781 = arith.subi %parallel_loop3A_776, %parallel_loop3A_682 : vector<16xi32>
        %parallel_loop3A_782 = arith.constant 3136 : i32
        %parallel_loop3A_783 = vector.broadcast %parallel_loop3A_782 : i32 to vector<16xi32>
        %parallel_loop3A_784 = arith.cmpi sge, %parallel_loop3A_781, %parallel_loop3A_783 : vector<16xi32>
        %parallel_loop3A_785 = arith.extui %parallel_loop3A_784 : vector<16xi1> to vector<16xi32>
        %parallel_loop3A_786 = arith.constant 3136 : i32
        %parallel_loop3A_787 = vector.broadcast %parallel_loop3A_786 : i32 to vector<16xi32>
        %parallel_loop3A_788 = arith.muli %parallel_loop3A_785, %parallel_loop3A_787 : vector<16xi32>
        %parallel_loop3A_789 = arith.subi %parallel_loop3A_781, %parallel_loop3A_788 : vector<16xi32>
        %parallel_loop3A_790 = arith.constant 56 : i32
        %parallel_loop3A_791 = vector.broadcast %parallel_loop3A_790 : i32 to vector<16xi32>
        %parallel_loop3A_792 = arith.cmpi sge, %parallel_loop3A_789, %parallel_loop3A_791 : vector<16xi32>
        %parallel_loop3A_793 = arith.extui %parallel_loop3A_792 : vector<16xi1> to vector<16xi32>
        %parallel_loop3A_794 = arith.constant 56 : i32
        %parallel_loop3A_795 = vector.broadcast %parallel_loop3A_794 : i32 to vector<16xi32>
        %parallel_loop3A_796 = arith.muli %parallel_loop3A_793, %parallel_loop3A_795 : vector<16xi32>
        %parallel_loop3A_797 = arith.subi %parallel_loop3A_789, %parallel_loop3A_796 : vector<16xi32>
        %parallel_loop3A_798 = arith.constant 112 : i32
        %parallel_loop3A_799 = vector.broadcast %parallel_loop3A_798 : i32 to vector<16xi32>
        %parallel_loop3A_800 = arith.muli %parallel_loop3A_785, %parallel_loop3A_799 : vector<16xi32>
        %parallel_loop3A_801 = arith.constant 56 : i32
        %parallel_loop3A_802 = vector.broadcast %parallel_loop3A_801 : i32 to vector<16xi32>
        %parallel_loop3A_803 = arith.muli %parallel_loop3A_793, %parallel_loop3A_802 : vector<16xi32>
        %parallel_loop3A_804 = arith.addi %parallel_loop3A_800, %parallel_loop3A_803 : vector<16xi32>
        %parallel_loop3A_805 = arith.constant 2 : i32
        %parallel_loop3A_806 = arith.muli %parallel_loop3A_805, %parallel_loop3A_672 : i32
        %parallel_loop3A_807 = vector.broadcast %parallel_loop3A_806 : i32 to vector<16xi32>
        %parallel_loop3A_808 = arith.addi %parallel_loop3A_804, %parallel_loop3A_807 : vector<16xi32>
        %parallel_loop3A_809 = arith.addi %parallel_loop3A_808, %parallel_loop3A_797 : vector<16xi32>
        %parallel_loop3A_810 = arith.constant 8 : i32
        %parallel_loop3A_811 = vector.broadcast %parallel_loop3A_810 : i32 to vector<16xi32>
        %parallel_loop3A_812 = arith.shli %parallel_loop3A_809, %parallel_loop3A_811 : vector<16xi32>
        %parallel_loop3A_813 = arith.ori %parallel_loop3A_812, %add3A_10 : vector<16xi32>
        %parallel_loop3A_814 = arith.constant 32 : i32
        %parallel_loop3A_815 = arith.addi %parallel_loop3A_674, %parallel_loop3A_814 : i32
        %parallel_loop3A_816 = arith.index_cast %parallel_loop3A_815 : i32 to index
        %parallel_loop3A_817 = tpu.vector_load %arg8[%parallel_loop3A_816] {strides = array<i32>} : memref<5376xi32, #tpu.memory_space<vmem>>, vector<16xi32>,
        tpu.vector_store %arg8[%parallel_loop3A_816], %parallel_loop3A_813 {strides = array<i32>} : memref<5376xi32, #tpu.memory_space<vmem>>, vector<16xi32>,
        tpu.vector_store_idx %arg6[%parallel_loop3A_809, %add3A_10], %parallel_loop3A_780 : memref<224x192xf32, #tpu.memory_space<vmem>>[vector<16xi32>, vector<16xi32>], vector<16xf32>,
        %parallel_loop3A_818 = arith.constant 48 : i32
        %parallel_loop3A_819 = arith.addi %parallel_loop3A_674, %parallel_loop3A_818 : i32
        %parallel_loop3A_820 = arith.index_cast %parallel_loop3A_819 : i32 to index
        %parallel_loop3A_821 = tpu.vector_load %arg8[%parallel_loop3A_820] {strides = array<i32>} : memref<5376xi32, #tpu.memory_space<vmem>>, vector<16xi32>,
        %parallel_loop3A_822 = arith.constant 48 : i32
        %parallel_loop3A_823 = arith.addi %parallel_loop3A_674, %parallel_loop3A_822 : i32
        %parallel_loop3A_824 = arith.index_cast %parallel_loop3A_823 : i32 to index
        %parallel_loop3A_825 = tpu.vector_load %arg9[%parallel_loop3A_824] {strides = array<i32>} : memref<5376xf32, #tpu.memory_space<vmem>>, vector<16xf32>,
        %parallel_loop3A_826 = arith.subi %parallel_loop3A_821, %parallel_loop3A_682 : vector<16xi32>
        %parallel_loop3A_827 = arith.constant 3136 : i32
        %parallel_loop3A_828 = vector.broadcast %parallel_loop3A_827 : i32 to vector<16xi32>
        %parallel_loop3A_829 = arith.cmpi sge, %parallel_loop3A_826, %parallel_loop3A_828 : vector<16xi32>
        %parallel_loop3A_830 = arith.extui %parallel_loop3A_829 : vector<16xi1> to vector<16xi32>
        %parallel_loop3A_831 = arith.constant 3136 : i32
        %parallel_loop3A_832 = vector.broadcast %parallel_loop3A_831 : i32 to vector<16xi32>
        %parallel_loop3A_833 = arith.muli %parallel_loop3A_830, %parallel_loop3A_832 : vector<16xi32>
        %parallel_loop3A_834 = arith.subi %parallel_loop3A_826, %parallel_loop3A_833 : vector<16xi32>
        %parallel_loop3A_835 = arith.constant 56 : i32
        %parallel_loop3A_836 = vector.broadcast %parallel_loop3A_835 : i32 to vector<16xi32>
        %parallel_loop3A_837 = arith.cmpi sge, %parallel_loop3A_834, %parallel_loop3A_836 : vector<16xi32>
        %parallel_loop3A_838 = arith.extui %parallel_loop3A_837 : vector<16xi1> to vector<16xi32>
        %parallel_loop3A_839 = arith.constant 56 : i32
        %parallel_loop3A_840 = vector.broadcast %parallel_loop3A_839 : i32 to vector<16xi32>
        %parallel_loop3A_841 = arith.muli %parallel_loop3A_838, %parallel_loop3A_840 : vector<16xi32>
        %parallel_loop3A_842 = arith.subi %parallel_loop3A_834, %parallel_loop3A_841 : vector<16xi32>
        %parallel_loop3A_843 = arith.constant 112 : i32
        %parallel_loop3A_844 = vector.broadcast %parallel_loop3A_843 : i32 to vector<16xi32>
        %parallel_loop3A_845 = arith.muli %parallel_loop3A_830, %parallel_loop3A_844 : vector<16xi32>
        %parallel_loop3A_846 = arith.constant 56 : i32
        %parallel_loop3A_847 = vector.broadcast %parallel_loop3A_846 : i32 to vector<16xi32>
        %parallel_loop3A_848 = arith.muli %parallel_loop3A_838, %parallel_loop3A_847 : vector<16xi32>
        %parallel_loop3A_849 = arith.addi %parallel_loop3A_845, %parallel_loop3A_848 : vector<16xi32>
        %parallel_loop3A_850 = arith.constant 2 : i32
        %parallel_loop3A_851 = arith.muli %parallel_loop3A_850, %parallel_loop3A_672 : i32
        %parallel_loop3A_852 = vector.broadcast %parallel_loop3A_851 : i32 to vector<16xi32>
        %parallel_loop3A_853 = arith.addi %parallel_loop3A_849, %parallel_loop3A_852 : vector<16xi32>
        %parallel_loop3A_854 = arith.addi %parallel_loop3A_853, %parallel_loop3A_842 : vector<16xi32>
        %parallel_loop3A_855 = arith.constant 8 : i32
        %parallel_loop3A_856 = vector.broadcast %parallel_loop3A_855 : i32 to vector<16xi32>
        %parallel_loop3A_857 = arith.shli %parallel_loop3A_854, %parallel_loop3A_856 : vector<16xi32>
        %parallel_loop3A_858 = arith.ori %parallel_loop3A_857, %add3A_13 : vector<16xi32>
        %parallel_loop3A_859 = arith.constant 48 : i32
        %parallel_loop3A_860 = arith.addi %parallel_loop3A_674, %parallel_loop3A_859 : i32
        %parallel_loop3A_861 = arith.index_cast %parallel_loop3A_860 : i32 to index
        %parallel_loop3A_862 = tpu.vector_load %arg8[%parallel_loop3A_861] {strides = array<i32>} : memref<5376xi32, #tpu.memory_space<vmem>>, vector<16xi32>,
        tpu.vector_store %arg8[%parallel_loop3A_861], %parallel_loop3A_858 {strides = array<i32>} : memref<5376xi32, #tpu.memory_space<vmem>>, vector<16xi32>,
        tpu.vector_store_idx %arg6[%parallel_loop3A_854, %add3A_13], %parallel_loop3A_825 : memref<224x192xf32, #tpu.memory_space<vmem>>[vector<16xi32>, vector<16xi32>], vector<16xf32>,
        %parallel_loop3A_863 = arith.constant 64 : i32
        %parallel_loop3A_864 = arith.addi %parallel_loop3A_674, %parallel_loop3A_863 : i32
        %parallel_loop3A_865 = arith.index_cast %parallel_loop3A_864 : i32 to index
        %parallel_loop3A_866 = tpu.vector_load %arg8[%parallel_loop3A_865] {strides = array<i32>} : memref<5376xi32, #tpu.memory_space<vmem>>, vector<16xi32>,
        %parallel_loop3A_867 = arith.constant 64 : i32
        %parallel_loop3A_868 = arith.addi %parallel_loop3A_674, %parallel_loop3A_867 : i32
        %parallel_loop3A_869 = arith.index_cast %parallel_loop3A_868 : i32 to index
        %parallel_loop3A_870 = tpu.vector_load %arg9[%parallel_loop3A_869] {strides = array<i32>} : memref<5376xf32, #tpu.memory_space<vmem>>, vector<16xf32>,
        %parallel_loop3A_871 = arith.subi %parallel_loop3A_866, %parallel_loop3A_682 : vector<16xi32>
        %parallel_loop3A_872 = arith.constant 3136 : i32
        %parallel_loop3A_873 = vector.broadcast %parallel_loop3A_872 : i32 to vector<16xi32>
        %parallel_loop3A_874 = arith.cmpi sge, %parallel_loop3A_871, %parallel_loop3A_873 : vector<16xi32>
        %parallel_loop3A_875 = arith.extui %parallel_loop3A_874 : vector<16xi1> to vector<16xi32>
        %parallel_loop3A_876 = arith.constant 3136 : i32
        %parallel_loop3A_877 = vector.broadcast %parallel_loop3A_876 : i32 to vector<16xi32>
        %parallel_loop3A_878 = arith.muli %parallel_loop3A_875, %parallel_loop3A_877 : vector<16xi32>
        %parallel_loop3A_879 = arith.subi %parallel_loop3A_871, %parallel_loop3A_878 : vector<16xi32>
        %parallel_loop3A_880 = arith.constant 56 : i32
        %parallel_loop3A_881 = vector.broadcast %parallel_loop3A_880 : i32 to vector<16xi32>
        %parallel_loop3A_882 = arith.cmpi sge, %parallel_loop3A_879, %parallel_loop3A_881 : vector<16xi32>
        %parallel_loop3A_883 = arith.extui %parallel_loop3A_882 : vector<16xi1> to vector<16xi32>
        %parallel_loop3A_884 = arith.constant 56 : i32
        %parallel_loop3A_885 = vector.broadcast %parallel_loop3A_884 : i32 to vector<16xi32>
        %parallel_loop3A_886 = arith.muli %parallel_loop3A_883, %parallel_loop3A_885 : vector<16xi32>
        %parallel_loop3A_887 = arith.subi %parallel_loop3A_879, %parallel_loop3A_886 : vector<16xi32>
        %parallel_loop3A_888 = arith.constant 112 : i32
        %parallel_loop3A_889 = vector.broadcast %parallel_loop3A_888 : i32 to vector<16xi32>
        %parallel_loop3A_890 = arith.muli %parallel_loop3A_875, %parallel_loop3A_889 : vector<16xi32>
        %parallel_loop3A_891 = arith.constant 56 : i32
        %parallel_loop3A_892 = vector.broadcast %parallel_loop3A_891 : i32 to vector<16xi32>
        %parallel_loop3A_893 = arith.muli %parallel_loop3A_883, %parallel_loop3A_892 : vector<16xi32>
        %parallel_loop3A_894 = arith.addi %parallel_loop3A_890, %parallel_loop3A_893 : vector<16xi32>
        %parallel_loop3A_895 = arith.constant 2 : i32
        %parallel_loop3A_896 = arith.muli %parallel_loop3A_895, %parallel_loop3A_672 : i32
        %parallel_loop3A_897 = vector.broadcast %parallel_loop3A_896 : i32 to vector<16xi32>
        %parallel_loop3A_898 = arith.addi %parallel_loop3A_894, %parallel_loop3A_897 : vector<16xi32>
        %parallel_loop3A_899 = arith.addi %parallel_loop3A_898, %parallel_loop3A_887 : vector<16xi32>
        %parallel_loop3A_900 = arith.constant 8 : i32
        %parallel_loop3A_901 = vector.broadcast %parallel_loop3A_900 : i32 to vector<16xi32>
        %parallel_loop3A_902 = arith.shli %parallel_loop3A_899, %parallel_loop3A_901 : vector<16xi32>
        %parallel_loop3A_903 = arith.ori %parallel_loop3A_902, %add3A_16 : vector<16xi32>
        %parallel_loop3A_904 = arith.constant 64 : i32
        %parallel_loop3A_905 = arith.addi %parallel_loop3A_674, %parallel_loop3A_904 : i32
        %parallel_loop3A_906 = arith.index_cast %parallel_loop3A_905 : i32 to index
        %parallel_loop3A_907 = tpu.vector_load %arg8[%parallel_loop3A_906] {strides = array<i32>} : memref<5376xi32, #tpu.memory_space<vmem>>, vector<16xi32>,
        tpu.vector_store %arg8[%parallel_loop3A_906], %parallel_loop3A_903 {strides = array<i32>} : memref<5376xi32, #tpu.memory_space<vmem>>, vector<16xi32>,
        tpu.vector_store_idx %arg6[%parallel_loop3A_899, %add3A_16], %parallel_loop3A_870 : memref<224x192xf32, #tpu.memory_space<vmem>>[vector<16xi32>, vector<16xi32>], vector<16xf32>,
        %parallel_loop3A_908 = arith.constant 80 : i32
        %parallel_loop3A_909 = arith.addi %parallel_loop3A_674, %parallel_loop3A_908 : i32
        %parallel_loop3A_910 = arith.index_cast %parallel_loop3A_909 : i32 to index
        %parallel_loop3A_911 = tpu.vector_load %arg8[%parallel_loop3A_910] {strides = array<i32>} : memref<5376xi32, #tpu.memory_space<vmem>>, vector<16xi32>,
        %parallel_loop3A_912 = arith.constant 80 : i32
        %parallel_loop3A_913 = arith.addi %parallel_loop3A_674, %parallel_loop3A_912 : i32
        %parallel_loop3A_914 = arith.index_cast %parallel_loop3A_913 : i32 to index
        %parallel_loop3A_915 = tpu.vector_load %arg9[%parallel_loop3A_914] {strides = array<i32>} : memref<5376xf32, #tpu.memory_space<vmem>>, vector<16xf32>,
        %parallel_loop3A_916 = arith.subi %parallel_loop3A_911, %parallel_loop3A_682 : vector<16xi32>
        %parallel_loop3A_917 = arith.constant 3136 : i32
        %parallel_loop3A_918 = vector.broadcast %parallel_loop3A_917 : i32 to vector<16xi32>
        %parallel_loop3A_919 = arith.cmpi sge, %parallel_loop3A_916, %parallel_loop3A_918 : vector<16xi32>
        %parallel_loop3A_920 = arith.extui %parallel_loop3A_919 : vector<16xi1> to vector<16xi32>
        %parallel_loop3A_921 = arith.constant 3136 : i32
        %parallel_loop3A_922 = vector.broadcast %parallel_loop3A_921 : i32 to vector<16xi32>
        %parallel_loop3A_923 = arith.muli %parallel_loop3A_920, %parallel_loop3A_922 : vector<16xi32>
        %parallel_loop3A_924 = arith.subi %parallel_loop3A_916, %parallel_loop3A_923 : vector<16xi32>
        %parallel_loop3A_925 = arith.constant 56 : i32
        %parallel_loop3A_926 = vector.broadcast %parallel_loop3A_925 : i32 to vector<16xi32>
        %parallel_loop3A_927 = arith.cmpi sge, %parallel_loop3A_924, %parallel_loop3A_926 : vector<16xi32>
        %parallel_loop3A_928 = arith.extui %parallel_loop3A_927 : vector<16xi1> to vector<16xi32>
        %parallel_loop3A_929 = arith.constant 56 : i32
        %parallel_loop3A_930 = vector.broadcast %parallel_loop3A_929 : i32 to vector<16xi32>
        %parallel_loop3A_931 = arith.muli %parallel_loop3A_928, %parallel_loop3A_930 : vector<16xi32>
        %parallel_loop3A_932 = arith.subi %parallel_loop3A_924, %parallel_loop3A_931 : vector<16xi32>
        %parallel_loop3A_933 = arith.constant 112 : i32
        %parallel_loop3A_934 = vector.broadcast %parallel_loop3A_933 : i32 to vector<16xi32>
        %parallel_loop3A_935 = arith.muli %parallel_loop3A_920, %parallel_loop3A_934 : vector<16xi32>
        %parallel_loop3A_936 = arith.constant 56 : i32
        %parallel_loop3A_937 = vector.broadcast %parallel_loop3A_936 : i32 to vector<16xi32>
        %parallel_loop3A_938 = arith.muli %parallel_loop3A_928, %parallel_loop3A_937 : vector<16xi32>
        %parallel_loop3A_939 = arith.addi %parallel_loop3A_935, %parallel_loop3A_938 : vector<16xi32>
        %parallel_loop3A_940 = arith.constant 2 : i32
        %parallel_loop3A_941 = arith.muli %parallel_loop3A_940, %parallel_loop3A_672 : i32
        %parallel_loop3A_942 = vector.broadcast %parallel_loop3A_941 : i32 to vector<16xi32>
        %parallel_loop3A_943 = arith.addi %parallel_loop3A_939, %parallel_loop3A_942 : vector<16xi32>
        %parallel_loop3A_944 = arith.addi %parallel_loop3A_943, %parallel_loop3A_932 : vector<16xi32>
        %parallel_loop3A_945 = arith.constant 8 : i32
        %parallel_loop3A_946 = vector.broadcast %parallel_loop3A_945 : i32 to vector<16xi32>
        %parallel_loop3A_947 = arith.shli %parallel_loop3A_944, %parallel_loop3A_946 : vector<16xi32>
        %parallel_loop3A_948 = arith.ori %parallel_loop3A_947, %add3A_19 : vector<16xi32>
        %parallel_loop3A_949 = arith.constant 80 : i32
        %parallel_loop3A_950 = arith.addi %parallel_loop3A_674, %parallel_loop3A_949 : i32
        %parallel_loop3A_951 = arith.index_cast %parallel_loop3A_950 : i32 to index
        %parallel_loop3A_952 = tpu.vector_load %arg8[%parallel_loop3A_951] {strides = array<i32>} : memref<5376xi32, #tpu.memory_space<vmem>>, vector<16xi32>,
        tpu.vector_store %arg8[%parallel_loop3A_951], %parallel_loop3A_948 {strides = array<i32>} : memref<5376xi32, #tpu.memory_space<vmem>>, vector<16xi32>,
        tpu.vector_store_idx %arg6[%parallel_loop3A_944, %add3A_19], %parallel_loop3A_915 : memref<224x192xf32, #tpu.memory_space<vmem>>[vector<16xi32>, vector<16xi32>], vector<16xf32>,
        %parallel_loop3A_953 = arith.constant 96 : i32
        %parallel_loop3A_954 = arith.addi %parallel_loop3A_674, %parallel_loop3A_953 : i32
        %parallel_loop3A_955 = arith.index_cast %parallel_loop3A_954 : i32 to index
        %parallel_loop3A_956 = tpu.vector_load %arg8[%parallel_loop3A_955] {strides = array<i32>} : memref<5376xi32, #tpu.memory_space<vmem>>, vector<16xi32>,
        %parallel_loop3A_957 = arith.constant 96 : i32
        %parallel_loop3A_958 = arith.addi %parallel_loop3A_674, %parallel_loop3A_957 : i32
        %parallel_loop3A_959 = arith.index_cast %parallel_loop3A_958 : i32 to index
        %parallel_loop3A_960 = tpu.vector_load %arg9[%parallel_loop3A_959] {strides = array<i32>} : memref<5376xf32, #tpu.memory_space<vmem>>, vector<16xf32>,
        %parallel_loop3A_961 = arith.subi %parallel_loop3A_956, %parallel_loop3A_682 : vector<16xi32>
        %parallel_loop3A_962 = arith.constant 3136 : i32
        %parallel_loop3A_963 = vector.broadcast %parallel_loop3A_962 : i32 to vector<16xi32>
        %parallel_loop3A_964 = arith.cmpi sge, %parallel_loop3A_961, %parallel_loop3A_963 : vector<16xi32>
        %parallel_loop3A_965 = arith.extui %parallel_loop3A_964 : vector<16xi1> to vector<16xi32>
        %parallel_loop3A_966 = arith.constant 3136 : i32
        %parallel_loop3A_967 = vector.broadcast %parallel_loop3A_966 : i32 to vector<16xi32>
        %parallel_loop3A_968 = arith.muli %parallel_loop3A_965, %parallel_loop3A_967 : vector<16xi32>
        %parallel_loop3A_969 = arith.subi %parallel_loop3A_961, %parallel_loop3A_968 : vector<16xi32>
        %parallel_loop3A_970 = arith.constant 56 : i32
        %parallel_loop3A_971 = vector.broadcast %parallel_loop3A_970 : i32 to vector<16xi32>
        %parallel_loop3A_972 = arith.cmpi sge, %parallel_loop3A_969, %parallel_loop3A_971 : vector<16xi32>
        %parallel_loop3A_973 = arith.extui %parallel_loop3A_972 : vector<16xi1> to vector<16xi32>
        %parallel_loop3A_974 = arith.constant 56 : i32
        %parallel_loop3A_975 = vector.broadcast %parallel_loop3A_974 : i32 to vector<16xi32>
        %parallel_loop3A_976 = arith.muli %parallel_loop3A_973, %parallel_loop3A_975 : vector<16xi32>
        %parallel_loop3A_977 = arith.subi %parallel_loop3A_969, %parallel_loop3A_976 : vector<16xi32>
        %parallel_loop3A_978 = arith.constant 112 : i32
        %parallel_loop3A_979 = vector.broadcast %parallel_loop3A_978 : i32 to vector<16xi32>
        %parallel_loop3A_980 = arith.muli %parallel_loop3A_965, %parallel_loop3A_979 : vector<16xi32>
        %parallel_loop3A_981 = arith.constant 56 : i32
        %parallel_loop3A_982 = vector.broadcast %parallel_loop3A_981 : i32 to vector<16xi32>
        %parallel_loop3A_983 = arith.muli %parallel_loop3A_973, %parallel_loop3A_982 : vector<16xi32>
        %parallel_loop3A_984 = arith.addi %parallel_loop3A_980, %parallel_loop3A_983 : vector<16xi32>
        %parallel_loop3A_985 = arith.constant 2 : i32
        %parallel_loop3A_986 = arith.muli %parallel_loop3A_985, %parallel_loop3A_672 : i32
        %parallel_loop3A_987 = vector.broadcast %parallel_loop3A_986 : i32 to vector<16xi32>
        %parallel_loop3A_988 = arith.addi %parallel_loop3A_984, %parallel_loop3A_987 : vector<16xi32>
        %parallel_loop3A_989 = arith.addi %parallel_loop3A_988, %parallel_loop3A_977 : vector<16xi32>
        %parallel_loop3A_990 = arith.constant 8 : i32
        %parallel_loop3A_991 = vector.broadcast %parallel_loop3A_990 : i32 to vector<16xi32>
        %parallel_loop3A_992 = arith.shli %parallel_loop3A_989, %parallel_loop3A_991 : vector<16xi32>
        %parallel_loop3A_993 = arith.ori %parallel_loop3A_992, %add3A_22 : vector<16xi32>
        %parallel_loop3A_994 = arith.constant 96 : i32
        %parallel_loop3A_995 = arith.addi %parallel_loop3A_674, %parallel_loop3A_994 : i32
        %parallel_loop3A_996 = arith.index_cast %parallel_loop3A_995 : i32 to index
        %parallel_loop3A_997 = tpu.vector_load %arg8[%parallel_loop3A_996] {strides = array<i32>} : memref<5376xi32, #tpu.memory_space<vmem>>, vector<16xi32>,
        tpu.vector_store %arg8[%parallel_loop3A_996], %parallel_loop3A_993 {strides = array<i32>} : memref<5376xi32, #tpu.memory_space<vmem>>, vector<16xi32>,
        tpu.vector_store_idx %arg6[%parallel_loop3A_989, %add3A_22], %parallel_loop3A_960 : memref<224x192xf32, #tpu.memory_space<vmem>>[vector<16xi32>, vector<16xi32>], vector<16xf32>,
        %parallel_loop3A_998 = arith.constant 112 : i32
        %parallel_loop3A_999 = arith.addi %parallel_loop3A_674, %parallel_loop3A_998 : i32
        %parallel_loop3A_1000 = arith.index_cast %parallel_loop3A_999 : i32 to index
        %parallel_loop3A_1001 = tpu.vector_load %arg8[%parallel_loop3A_1000] {strides = array<i32>} : memref<5376xi32, #tpu.memory_space<vmem>>, vector<16xi32>,
        %parallel_loop3A_1002 = arith.constant 112 : i32
        %parallel_loop3A_1003 = arith.addi %parallel_loop3A_674, %parallel_loop3A_1002 : i32
        %parallel_loop3A_1004 = arith.index_cast %parallel_loop3A_1003 : i32 to index
        %parallel_loop3A_1005 = tpu.vector_load %arg9[%parallel_loop3A_1004] {strides = array<i32>} : memref<5376xf32, #tpu.memory_space<vmem>>, vector<16xf32>,
        %parallel_loop3A_1006 = arith.subi %parallel_loop3A_1001, %parallel_loop3A_682 : vector<16xi32>
        %parallel_loop3A_1007 = arith.constant 3136 : i32
        %parallel_loop3A_1008 = vector.broadcast %parallel_loop3A_1007 : i32 to vector<16xi32>
        %parallel_loop3A_1009 = arith.cmpi sge, %parallel_loop3A_1006, %parallel_loop3A_1008 : vector<16xi32>
        %parallel_loop3A_1010 = arith.extui %parallel_loop3A_1009 : vector<16xi1> to vector<16xi32>
        %parallel_loop3A_1011 = arith.constant 3136 : i32
        %parallel_loop3A_1012 = vector.broadcast %parallel_loop3A_1011 : i32 to vector<16xi32>
        %parallel_loop3A_1013 = arith.muli %parallel_loop3A_1010, %parallel_loop3A_1012 : vector<16xi32>
        %parallel_loop3A_1014 = arith.subi %parallel_loop3A_1006, %parallel_loop3A_1013 : vector<16xi32>
        %parallel_loop3A_1015 = arith.constant 56 : i32
        %parallel_loop3A_1016 = vector.broadcast %parallel_loop3A_1015 : i32 to vector<16xi32>
        %parallel_loop3A_1017 = arith.cmpi sge, %parallel_loop3A_1014, %parallel_loop3A_1016 : vector<16xi32>
        %parallel_loop3A_1018 = arith.extui %parallel_loop3A_1017 : vector<16xi1> to vector<16xi32>
        %parallel_loop3A_1019 = arith.constant 56 : i32
        %parallel_loop3A_1020 = vector.broadcast %parallel_loop3A_1019 : i32 to vector<16xi32>
        %parallel_loop3A_1021 = arith.muli %parallel_loop3A_1018, %parallel_loop3A_1020 : vector<16xi32>
        %parallel_loop3A_1022 = arith.subi %parallel_loop3A_1014, %parallel_loop3A_1021 : vector<16xi32>
        %parallel_loop3A_1023 = arith.constant 112 : i32
        %parallel_loop3A_1024 = vector.broadcast %parallel_loop3A_1023 : i32 to vector<16xi32>
        %parallel_loop3A_1025 = arith.muli %parallel_loop3A_1010, %parallel_loop3A_1024 : vector<16xi32>
        %parallel_loop3A_1026 = arith.constant 56 : i32
        %parallel_loop3A_1027 = vector.broadcast %parallel_loop3A_1026 : i32 to vector<16xi32>
        %parallel_loop3A_1028 = arith.muli %parallel_loop3A_1018, %parallel_loop3A_1027 : vector<16xi32>
        %parallel_loop3A_1029 = arith.addi %parallel_loop3A_1025, %parallel_loop3A_1028 : vector<16xi32>
        %parallel_loop3A_1030 = arith.constant 2 : i32
        %parallel_loop3A_1031 = arith.muli %parallel_loop3A_1030, %parallel_loop3A_672 : i32
        %parallel_loop3A_1032 = vector.broadcast %parallel_loop3A_1031 : i32 to vector<16xi32>
        %parallel_loop3A_1033 = arith.addi %parallel_loop3A_1029, %parallel_loop3A_1032 : vector<16xi32>
        %parallel_loop3A_1034 = arith.addi %parallel_loop3A_1033, %parallel_loop3A_1022 : vector<16xi32>
        %parallel_loop3A_1035 = arith.constant 8 : i32
        %parallel_loop3A_1036 = vector.broadcast %parallel_loop3A_1035 : i32 to vector<16xi32>
        %parallel_loop3A_1037 = arith.shli %parallel_loop3A_1034, %parallel_loop3A_1036 : vector<16xi32>
        %parallel_loop3A_1038 = arith.ori %parallel_loop3A_1037, %add3A_25 : vector<16xi32>
        %parallel_loop3A_1039 = arith.constant 112 : i32
        %parallel_loop3A_1040 = arith.addi %parallel_loop3A_674, %parallel_loop3A_1039 : i32
        %parallel_loop3A_1041 = arith.index_cast %parallel_loop3A_1040 : i32 to index
        %parallel_loop3A_1042 = tpu.vector_load %arg8[%parallel_loop3A_1041] {strides = array<i32>} : memref<5376xi32, #tpu.memory_space<vmem>>, vector<16xi32>,
        tpu.vector_store %arg8[%parallel_loop3A_1041], %parallel_loop3A_1038 {strides = array<i32>} : memref<5376xi32, #tpu.memory_space<vmem>>, vector<16xi32>,
        tpu.vector_store_idx %arg6[%parallel_loop3A_1034, %add3A_25], %parallel_loop3A_1005 : memref<224x192xf32, #tpu.memory_space<vmem>>[vector<16xi32>, vector<16xi32>], vector<16xf32>,
        %parallel_loop3A_1043 = arith.constant 128 : i32
        %parallel_loop3A_1044 = arith.addi %parallel_loop3A_674, %parallel_loop3A_1043 : i32
        %parallel_loop3A_1045 = arith.index_cast %parallel_loop3A_1044 : i32 to index
        %parallel_loop3A_1046 = tpu.vector_load %arg8[%parallel_loop3A_1045] {strides = array<i32>} : memref<5376xi32, #tpu.memory_space<vmem>>, vector<16xi32>,
        %parallel_loop3A_1047 = arith.constant 128 : i32
        %parallel_loop3A_1048 = arith.addi %parallel_loop3A_674, %parallel_loop3A_1047 : i32
        %parallel_loop3A_1049 = arith.index_cast %parallel_loop3A_1048 : i32 to index
        %parallel_loop3A_1050 = tpu.vector_load %arg9[%parallel_loop3A_1049] {strides = array<i32>} : memref<5376xf32, #tpu.memory_space<vmem>>, vector<16xf32>,
        %parallel_loop3A_1051 = arith.subi %parallel_loop3A_1046, %parallel_loop3A_682 : vector<16xi32>
        %parallel_loop3A_1052 = arith.constant 3136 : i32
        %parallel_loop3A_1053 = vector.broadcast %parallel_loop3A_1052 : i32 to vector<16xi32>
        %parallel_loop3A_1054 = arith.cmpi sge, %parallel_loop3A_1051, %parallel_loop3A_1053 : vector<16xi32>
        %parallel_loop3A_1055 = arith.extui %parallel_loop3A_1054 : vector<16xi1> to vector<16xi32>
        %parallel_loop3A_1056 = arith.constant 3136 : i32
        %parallel_loop3A_1057 = vector.broadcast %parallel_loop3A_1056 : i32 to vector<16xi32>
        %parallel_loop3A_1058 = arith.muli %parallel_loop3A_1055, %parallel_loop3A_1057 : vector<16xi32>
        %parallel_loop3A_1059 = arith.subi %parallel_loop3A_1051, %parallel_loop3A_1058 : vector<16xi32>
        %parallel_loop3A_1060 = arith.constant 56 : i32
        %parallel_loop3A_1061 = vector.broadcast %parallel_loop3A_1060 : i32 to vector<16xi32>
        %parallel_loop3A_1062 = arith.cmpi sge, %parallel_loop3A_1059, %parallel_loop3A_1061 : vector<16xi32>
        %parallel_loop3A_1063 = arith.extui %parallel_loop3A_1062 : vector<16xi1> to vector<16xi32>
        %parallel_loop3A_1064 = arith.constant 56 : i32
        %parallel_loop3A_1065 = vector.broadcast %parallel_loop3A_1064 : i32 to vector<16xi32>
        %parallel_loop3A_1066 = arith.muli %parallel_loop3A_1063, %parallel_loop3A_1065 : vector<16xi32>
        %parallel_loop3A_1067 = arith.subi %parallel_loop3A_1059, %parallel_loop3A_1066 : vector<16xi32>
        %parallel_loop3A_1068 = arith.constant 112 : i32
        %parallel_loop3A_1069 = vector.broadcast %parallel_loop3A_1068 : i32 to vector<16xi32>
        %parallel_loop3A_1070 = arith.muli %parallel_loop3A_1055, %parallel_loop3A_1069 : vector<16xi32>
        %parallel_loop3A_1071 = arith.constant 56 : i32
        %parallel_loop3A_1072 = vector.broadcast %parallel_loop3A_1071 : i32 to vector<16xi32>
        %parallel_loop3A_1073 = arith.muli %parallel_loop3A_1063, %parallel_loop3A_1072 : vector<16xi32>
        %parallel_loop3A_1074 = arith.addi %parallel_loop3A_1070, %parallel_loop3A_1073 : vector<16xi32>
        %parallel_loop3A_1075 = arith.constant 2 : i32
        %parallel_loop3A_1076 = arith.muli %parallel_loop3A_1075, %parallel_loop3A_672 : i32
        %parallel_loop3A_1077 = vector.broadcast %parallel_loop3A_1076 : i32 to vector<16xi32>
        %parallel_loop3A_1078 = arith.addi %parallel_loop3A_1074, %parallel_loop3A_1077 : vector<16xi32>
        %parallel_loop3A_1079 = arith.addi %parallel_loop3A_1078, %parallel_loop3A_1067 : vector<16xi32>
        %parallel_loop3A_1080 = arith.constant 8 : i32
        %parallel_loop3A_1081 = vector.broadcast %parallel_loop3A_1080 : i32 to vector<16xi32>
        %parallel_loop3A_1082 = arith.shli %parallel_loop3A_1079, %parallel_loop3A_1081 : vector<16xi32>
        %parallel_loop3A_1083 = arith.ori %parallel_loop3A_1082, %add3A_28 : vector<16xi32>
        %parallel_loop3A_1084 = arith.constant 128 : i32
        %parallel_loop3A_1085 = arith.addi %parallel_loop3A_674, %parallel_loop3A_1084 : i32
        %parallel_loop3A_1086 = arith.index_cast %parallel_loop3A_1085 : i32 to index
        %parallel_loop3A_1087 = tpu.vector_load %arg8[%parallel_loop3A_1086] {strides = array<i32>} : memref<5376xi32, #tpu.memory_space<vmem>>, vector<16xi32>,
        tpu.vector_store %arg8[%parallel_loop3A_1086], %parallel_loop3A_1083 {strides = array<i32>} : memref<5376xi32, #tpu.memory_space<vmem>>, vector<16xi32>,
        tpu.vector_store_idx %arg6[%parallel_loop3A_1079, %add3A_28], %parallel_loop3A_1050 : memref<224x192xf32, #tpu.memory_space<vmem>>[vector<16xi32>, vector<16xi32>], vector<16xf32>,
        %parallel_loop3A_1088 = arith.constant 144 : i32
        %parallel_loop3A_1089 = arith.addi %parallel_loop3A_674, %parallel_loop3A_1088 : i32
        %parallel_loop3A_1090 = arith.index_cast %parallel_loop3A_1089 : i32 to index
        %parallel_loop3A_1091 = tpu.vector_load %arg8[%parallel_loop3A_1090] {strides = array<i32>} : memref<5376xi32, #tpu.memory_space<vmem>>, vector<16xi32>,
        %parallel_loop3A_1092 = arith.constant 144 : i32
        %parallel_loop3A_1093 = arith.addi %parallel_loop3A_674, %parallel_loop3A_1092 : i32
        %parallel_loop3A_1094 = arith.index_cast %parallel_loop3A_1093 : i32 to index
        %parallel_loop3A_1095 = tpu.vector_load %arg9[%parallel_loop3A_1094] {strides = array<i32>} : memref<5376xf32, #tpu.memory_space<vmem>>, vector<16xf32>,
        %parallel_loop3A_1096 = arith.subi %parallel_loop3A_1091, %parallel_loop3A_682 : vector<16xi32>
        %parallel_loop3A_1097 = arith.constant 3136 : i32
        %parallel_loop3A_1098 = vector.broadcast %parallel_loop3A_1097 : i32 to vector<16xi32>
        %parallel_loop3A_1099 = arith.cmpi sge, %parallel_loop3A_1096, %parallel_loop3A_1098 : vector<16xi32>
        %parallel_loop3A_1100 = arith.extui %parallel_loop3A_1099 : vector<16xi1> to vector<16xi32>
        %parallel_loop3A_1101 = arith.constant 3136 : i32
        %parallel_loop3A_1102 = vector.broadcast %parallel_loop3A_1101 : i32 to vector<16xi32>
        %parallel_loop3A_1103 = arith.muli %parallel_loop3A_1100, %parallel_loop3A_1102 : vector<16xi32>
        %parallel_loop3A_1104 = arith.subi %parallel_loop3A_1096, %parallel_loop3A_1103 : vector<16xi32>
        %parallel_loop3A_1105 = arith.constant 56 : i32
        %parallel_loop3A_1106 = vector.broadcast %parallel_loop3A_1105 : i32 to vector<16xi32>
        %parallel_loop3A_1107 = arith.cmpi sge, %parallel_loop3A_1104, %parallel_loop3A_1106 : vector<16xi32>
        %parallel_loop3A_1108 = arith.extui %parallel_loop3A_1107 : vector<16xi1> to vector<16xi32>
        %parallel_loop3A_1109 = arith.constant 56 : i32
        %parallel_loop3A_1110 = vector.broadcast %parallel_loop3A_1109 : i32 to vector<16xi32>
        %parallel_loop3A_1111 = arith.muli %parallel_loop3A_1108, %parallel_loop3A_1110 : vector<16xi32>
        %parallel_loop3A_1112 = arith.subi %parallel_loop3A_1104, %parallel_loop3A_1111 : vector<16xi32>
        %parallel_loop3A_1113 = arith.constant 112 : i32
        %parallel_loop3A_1114 = vector.broadcast %parallel_loop3A_1113 : i32 to vector<16xi32>
        %parallel_loop3A_1115 = arith.muli %parallel_loop3A_1100, %parallel_loop3A_1114 : vector<16xi32>
        %parallel_loop3A_1116 = arith.constant 56 : i32
        %parallel_loop3A_1117 = vector.broadcast %parallel_loop3A_1116 : i32 to vector<16xi32>
        %parallel_loop3A_1118 = arith.muli %parallel_loop3A_1108, %parallel_loop3A_1117 : vector<16xi32>
        %parallel_loop3A_1119 = arith.addi %parallel_loop3A_1115, %parallel_loop3A_1118 : vector<16xi32>
        %parallel_loop3A_1120 = arith.constant 2 : i32
        %parallel_loop3A_1121 = arith.muli %parallel_loop3A_1120, %parallel_loop3A_672 : i32
        %parallel_loop3A_1122 = vector.broadcast %parallel_loop3A_1121 : i32 to vector<16xi32>
        %parallel_loop3A_1123 = arith.addi %parallel_loop3A_1119, %parallel_loop3A_1122 : vector<16xi32>
        %parallel_loop3A_1124 = arith.addi %parallel_loop3A_1123, %parallel_loop3A_1112 : vector<16xi32>
        %parallel_loop3A_1125 = arith.constant 8 : i32
        %parallel_loop3A_1126 = vector.broadcast %parallel_loop3A_1125 : i32 to vector<16xi32>
        %parallel_loop3A_1127 = arith.shli %parallel_loop3A_1124, %parallel_loop3A_1126 : vector<16xi32>
        %parallel_loop3A_1128 = arith.ori %parallel_loop3A_1127, %add3A_31 : vector<16xi32>
        %parallel_loop3A_1129 = arith.constant 144 : i32
        %parallel_loop3A_1130 = arith.addi %parallel_loop3A_674, %parallel_loop3A_1129 : i32
        %parallel_loop3A_1131 = arith.index_cast %parallel_loop3A_1130 : i32 to index
        %parallel_loop3A_1132 = tpu.vector_load %arg8[%parallel_loop3A_1131] {strides = array<i32>} : memref<5376xi32, #tpu.memory_space<vmem>>, vector<16xi32>,
        tpu.vector_store %arg8[%parallel_loop3A_1131], %parallel_loop3A_1128 {strides = array<i32>} : memref<5376xi32, #tpu.memory_space<vmem>>, vector<16xi32>,
        tpu.vector_store_idx %arg6[%parallel_loop3A_1124, %add3A_31], %parallel_loop3A_1095 : memref<224x192xf32, #tpu.memory_space<vmem>>[vector<16xi32>, vector<16xi32>], vector<16xf32>,
        %parallel_loop3A_1133 = arith.constant 160 : i32
        %parallel_loop3A_1134 = arith.addi %parallel_loop3A_674, %parallel_loop3A_1133 : i32
        %parallel_loop3A_1135 = arith.index_cast %parallel_loop3A_1134 : i32 to index
        %parallel_loop3A_1136 = tpu.vector_load %arg8[%parallel_loop3A_1135] {strides = array<i32>} : memref<5376xi32, #tpu.memory_space<vmem>>, vector<16xi32>,
        %parallel_loop3A_1137 = arith.constant 160 : i32
        %parallel_loop3A_1138 = arith.addi %parallel_loop3A_674, %parallel_loop3A_1137 : i32
        %parallel_loop3A_1139 = arith.index_cast %parallel_loop3A_1138 : i32 to index
        %parallel_loop3A_1140 = tpu.vector_load %arg9[%parallel_loop3A_1139] {strides = array<i32>} : memref<5376xf32, #tpu.memory_space<vmem>>, vector<16xf32>,
        %parallel_loop3A_1141 = arith.subi %parallel_loop3A_1136, %parallel_loop3A_682 : vector<16xi32>
        %parallel_loop3A_1142 = arith.constant 3136 : i32
        %parallel_loop3A_1143 = vector.broadcast %parallel_loop3A_1142 : i32 to vector<16xi32>
        %parallel_loop3A_1144 = arith.cmpi sge, %parallel_loop3A_1141, %parallel_loop3A_1143 : vector<16xi32>
        %parallel_loop3A_1145 = arith.extui %parallel_loop3A_1144 : vector<16xi1> to vector<16xi32>
        %parallel_loop3A_1146 = arith.constant 3136 : i32
        %parallel_loop3A_1147 = vector.broadcast %parallel_loop3A_1146 : i32 to vector<16xi32>
        %parallel_loop3A_1148 = arith.muli %parallel_loop3A_1145, %parallel_loop3A_1147 : vector<16xi32>
        %parallel_loop3A_1149 = arith.subi %parallel_loop3A_1141, %parallel_loop3A_1148 : vector<16xi32>
        %parallel_loop3A_1150 = arith.constant 56 : i32
        %parallel_loop3A_1151 = vector.broadcast %parallel_loop3A_1150 : i32 to vector<16xi32>
        %parallel_loop3A_1152 = arith.cmpi sge, %parallel_loop3A_1149, %parallel_loop3A_1151 : vector<16xi32>
        %parallel_loop3A_1153 = arith.extui %parallel_loop3A_1152 : vector<16xi1> to vector<16xi32>
        %parallel_loop3A_1154 = arith.constant 56 : i32
        %parallel_loop3A_1155 = vector.broadcast %parallel_loop3A_1154 : i32 to vector<16xi32>
        %parallel_loop3A_1156 = arith.muli %parallel_loop3A_1153, %parallel_loop3A_1155 : vector<16xi32>
        %parallel_loop3A_1157 = arith.subi %parallel_loop3A_1149, %parallel_loop3A_1156 : vector<16xi32>
        %parallel_loop3A_1158 = arith.constant 112 : i32
        %parallel_loop3A_1159 = vector.broadcast %parallel_loop3A_1158 : i32 to vector<16xi32>
        %parallel_loop3A_1160 = arith.muli %parallel_loop3A_1145, %parallel_loop3A_1159 : vector<16xi32>
        %parallel_loop3A_1161 = arith.constant 56 : i32
        %parallel_loop3A_1162 = vector.broadcast %parallel_loop3A_1161 : i32 to vector<16xi32>
        %parallel_loop3A_1163 = arith.muli %parallel_loop3A_1153, %parallel_loop3A_1162 : vector<16xi32>
        %parallel_loop3A_1164 = arith.addi %parallel_loop3A_1160, %parallel_loop3A_1163 : vector<16xi32>
        %parallel_loop3A_1165 = arith.constant 2 : i32
        %parallel_loop3A_1166 = arith.muli %parallel_loop3A_1165, %parallel_loop3A_672 : i32
        %parallel_loop3A_1167 = vector.broadcast %parallel_loop3A_1166 : i32 to vector<16xi32>
        %parallel_loop3A_1168 = arith.addi %parallel_loop3A_1164, %parallel_loop3A_1167 : vector<16xi32>
        %parallel_loop3A_1169 = arith.addi %parallel_loop3A_1168, %parallel_loop3A_1157 : vector<16xi32>
        %parallel_loop3A_1170 = arith.constant 8 : i32
        %parallel_loop3A_1171 = vector.broadcast %parallel_loop3A_1170 : i32 to vector<16xi32>
        %parallel_loop3A_1172 = arith.shli %parallel_loop3A_1169, %parallel_loop3A_1171 : vector<16xi32>
        %parallel_loop3A_1173 = arith.ori %parallel_loop3A_1172, %add3A_34 : vector<16xi32>
        %parallel_loop3A_1174 = arith.constant 160 : i32
        %parallel_loop3A_1175 = arith.addi %parallel_loop3A_674, %parallel_loop3A_1174 : i32
        %parallel_loop3A_1176 = arith.index_cast %parallel_loop3A_1175 : i32 to index
        %parallel_loop3A_1177 = tpu.vector_load %arg8[%parallel_loop3A_1176] {strides = array<i32>} : memref<5376xi32, #tpu.memory_space<vmem>>, vector<16xi32>,
        tpu.vector_store %arg8[%parallel_loop3A_1176], %parallel_loop3A_1173 {strides = array<i32>} : memref<5376xi32, #tpu.memory_space<vmem>>, vector<16xi32>,
        tpu.vector_store_idx %arg6[%parallel_loop3A_1169, %add3A_34], %parallel_loop3A_1140 : memref<224x192xf32, #tpu.memory_space<vmem>>[vector<16xi32>, vector<16xi32>], vector<16xf32>,
        %parallel_loop3A_1178 = arith.constant 176 : i32
        %parallel_loop3A_1179 = arith.addi %parallel_loop3A_674, %parallel_loop3A_1178 : i32
        %parallel_loop3A_1180 = arith.index_cast %parallel_loop3A_1179 : i32 to index
        %parallel_loop3A_1181 = tpu.vector_load %arg8[%parallel_loop3A_1180] {strides = array<i32>} : memref<5376xi32, #tpu.memory_space<vmem>>, vector<16xi32>,
        %parallel_loop3A_1182 = arith.constant 176 : i32
        %parallel_loop3A_1183 = arith.addi %parallel_loop3A_674, %parallel_loop3A_1182 : i32
        %parallel_loop3A_1184 = arith.index_cast %parallel_loop3A_1183 : i32 to index
        %parallel_loop3A_1185 = tpu.vector_load %arg9[%parallel_loop3A_1184] {strides = array<i32>} : memref<5376xf32, #tpu.memory_space<vmem>>, vector<16xf32>,
        %parallel_loop3A_1186 = arith.subi %parallel_loop3A_1181, %parallel_loop3A_682 : vector<16xi32>
        %parallel_loop3A_1187 = arith.constant 3136 : i32
        %parallel_loop3A_1188 = vector.broadcast %parallel_loop3A_1187 : i32 to vector<16xi32>
        %parallel_loop3A_1189 = arith.cmpi sge, %parallel_loop3A_1186, %parallel_loop3A_1188 : vector<16xi32>
        %parallel_loop3A_1190 = arith.extui %parallel_loop3A_1189 : vector<16xi1> to vector<16xi32>
        %parallel_loop3A_1191 = arith.constant 3136 : i32
        %parallel_loop3A_1192 = vector.broadcast %parallel_loop3A_1191 : i32 to vector<16xi32>
        %parallel_loop3A_1193 = arith.muli %parallel_loop3A_1190, %parallel_loop3A_1192 : vector<16xi32>
        %parallel_loop3A_1194 = arith.subi %parallel_loop3A_1186, %parallel_loop3A_1193 : vector<16xi32>
        %parallel_loop3A_1195 = arith.constant 56 : i32
        %parallel_loop3A_1196 = vector.broadcast %parallel_loop3A_1195 : i32 to vector<16xi32>
        %parallel_loop3A_1197 = arith.cmpi sge, %parallel_loop3A_1194, %parallel_loop3A_1196 : vector<16xi32>
        %parallel_loop3A_1198 = arith.extui %parallel_loop3A_1197 : vector<16xi1> to vector<16xi32>
        %parallel_loop3A_1199 = arith.constant 56 : i32
        %parallel_loop3A_1200 = vector.broadcast %parallel_loop3A_1199 : i32 to vector<16xi32>
        %parallel_loop3A_1201 = arith.muli %parallel_loop3A_1198, %parallel_loop3A_1200 : vector<16xi32>
        %parallel_loop3A_1202 = arith.subi %parallel_loop3A_1194, %parallel_loop3A_1201 : vector<16xi32>
        %parallel_loop3A_1203 = arith.constant 112 : i32
        %parallel_loop3A_1204 = vector.broadcast %parallel_loop3A_1203 : i32 to vector<16xi32>
        %parallel_loop3A_1205 = arith.muli %parallel_loop3A_1190, %parallel_loop3A_1204 : vector<16xi32>
        %parallel_loop3A_1206 = arith.constant 56 : i32
        %parallel_loop3A_1207 = vector.broadcast %parallel_loop3A_1206 : i32 to vector<16xi32>
        %parallel_loop3A_1208 = arith.muli %parallel_loop3A_1198, %parallel_loop3A_1207 : vector<16xi32>
        %parallel_loop3A_1209 = arith.addi %parallel_loop3A_1205, %parallel_loop3A_1208 : vector<16xi32>
        %parallel_loop3A_1210 = arith.constant 2 : i32
        %parallel_loop3A_1211 = arith.muli %parallel_loop3A_1210, %parallel_loop3A_672 : i32
        %parallel_loop3A_1212 = vector.broadcast %parallel_loop3A_1211 : i32 to vector<16xi32>
        %parallel_loop3A_1213 = arith.addi %parallel_loop3A_1209, %parallel_loop3A_1212 : vector<16xi32>
        %parallel_loop3A_1214 = arith.addi %parallel_loop3A_1213, %parallel_loop3A_1202 : vector<16xi32>
        %parallel_loop3A_1215 = arith.constant 8 : i32
        %parallel_loop3A_1216 = vector.broadcast %parallel_loop3A_1215 : i32 to vector<16xi32>
        %parallel_loop3A_1217 = arith.shli %parallel_loop3A_1214, %parallel_loop3A_1216 : vector<16xi32>
        %parallel_loop3A_1218 = arith.ori %parallel_loop3A_1217, %add3A_37 : vector<16xi32>
        %parallel_loop3A_1219 = arith.constant 176 : i32
        %parallel_loop3A_1220 = arith.addi %parallel_loop3A_674, %parallel_loop3A_1219 : i32
        %parallel_loop3A_1221 = arith.index_cast %parallel_loop3A_1220 : i32 to index
        %parallel_loop3A_1222 = tpu.vector_load %arg8[%parallel_loop3A_1221] {strides = array<i32>} : memref<5376xi32, #tpu.memory_space<vmem>>, vector<16xi32>,
        tpu.vector_store %arg8[%parallel_loop3A_1221], %parallel_loop3A_1218 {strides = array<i32>} : memref<5376xi32, #tpu.memory_space<vmem>>, vector<16xi32>,
        tpu.vector_store_idx %arg6[%parallel_loop3A_1214, %add3A_37], %parallel_loop3A_1185 : memref<224x192xf32, #tpu.memory_space<vmem>>[vector<16xi32>, vector<16xi32>], vector<16xf32>,
      } {sc.loop_unroll_factor = 4 : i64, sc.parallel_access}
      %mul3A_544 = arith.constant 32 : i32
      %mul3A_545 = arith.muli %add3A_488, %mul3A_544 : i32
      %add3A_546 = arith.addi %mul3A_545, %add3A : i32
      %ge3A_547 = arith.constant 224 : i32
      %ge3A_548 = arith.cmpi sge, %add3A_546, %ge3A_547 : i32
      %convert_element_type3A_549 = arith.extui %ge3A_548 : i1 to i32
      %mul3A_550 = arith.constant 224 : i32
      %mul3A_551 = arith.muli %convert_element_type3A_549, %mul3A_550 : i32
      %sub3A_552 = arith.subi %add3A_546, %mul3A_551 : i32
      %mul3A_553 = arith.constant 586 : i32
      %mul3A_554 = arith.muli %sub3A_552, %mul3A_553 : i32
      %shift_right_arithmetic3A_555 = arith.constant 14 : i32
      %shift_right_arithmetic3A_556 = arith.shrsi %mul3A_554, %shift_right_arithmetic3A_555 : i32
      %mul3A_557 = arith.constant 28 : i32
      %mul3A_558 = arith.muli %shift_right_arithmetic3A_556, %mul3A_557 : i32
      %sub3A_559 = arith.subi %sub3A_552, %mul3A_558 : i32
      %mul3A_560 = arith.constant 16 : i32
      %mul3A_561 = arith.muli %convert_element_type3A_549, %mul3A_560 : i32
      %mul3A_562 = arith.constant 2 : i32
      %mul3A_563 = arith.muli %mul3A_562, %shift_right_arithmetic3A_556 : i32
      %add3A_564 = arith.addi %mul3A_561, %mul3A_563 : i32
      %add3A_565 = arith.constant 0 : i32
      %add3A_566 = arith.addi %add3A_564, %add3A_565 : i32
      %mul3A_567 = arith.constant 56 : i32
      %mul3A_568 = arith.muli %add3A_566, %mul3A_567 : i32
      %mul3A_569 = arith.constant 2 : i32
      %mul3A_570 = arith.muli %mul3A_569, %sub3A_559 : i32
      %add3A_571 = arith.addi %mul3A_568, %mul3A_570 : i32
      %add3A_572 = arith.constant 0 : i32
      %add3A_573 = arith.addi %add3A_571, %add3A_572 : i32
      %mul3A_574 = arith.constant 56 : i32
      %mul3A_575 = arith.muli %add3A_573, %mul3A_574 : i32
      %mul3A_576 = arith.constant 16 : i32
      %mul3A_577 = arith.muli %convert_element_type3A_549, %mul3A_576 : i32
      %mul3A_578 = arith.constant 2 : i32
      %mul3A_579 = arith.muli %mul3A_578, %shift_right_arithmetic3A_556 : i32
      %add3A_580 = arith.addi %mul3A_577, %mul3A_579 : i32
      %add3A_581 = arith.constant 0 : i32
      %add3A_582 = arith.addi %add3A_580, %add3A_581 : i32
      %mul3A_583 = arith.constant 56 : i32
      %mul3A_584 = arith.muli %add3A_582, %mul3A_583 : i32
      %mul3A_585 = arith.constant 2 : i32
      %mul3A_586 = arith.muli %mul3A_585, %sub3A_559 : i32
      %add3A_587 = arith.addi %mul3A_584, %mul3A_586 : i32
      %add3A_588 = arith.constant 1 : i32
      %add3A_589 = arith.addi %add3A_587, %add3A_588 : i32
      %mul3A_590 = arith.constant 56 : i32
      %mul3A_591 = arith.muli %add3A_589, %mul3A_590 : i32
      %mul3A_592 = arith.constant 16 : i32
      %mul3A_593 = arith.muli %convert_element_type3A_549, %mul3A_592 : i32
      %mul3A_594 = arith.constant 2 : i32
      %mul3A_595 = arith.muli %mul3A_594, %shift_right_arithmetic3A_556 : i32
      %add3A_596 = arith.addi %mul3A_593, %mul3A_595 : i32
      %add3A_597 = arith.constant 1 : i32
      %add3A_598 = arith.addi %add3A_596, %add3A_597 : i32
      %mul3A_599 = arith.constant 56 : i32
      %mul3A_600 = arith.muli %add3A_598, %mul3A_599 : i32
      %mul3A_601 = arith.constant 2 : i32
      %mul3A_602 = arith.muli %mul3A_601, %sub3A_559 : i32
      %add3A_603 = arith.addi %mul3A_600, %mul3A_602 : i32
      %add3A_604 = arith.constant 0 : i32
      %add3A_605 = arith.addi %add3A_603, %add3A_604 : i32
      %mul3A_606 = arith.constant 56 : i32
      %mul3A_607 = arith.muli %add3A_605, %mul3A_606 : i32
      %mul3A_608 = arith.constant 16 : i32
      %mul3A_609 = arith.muli %convert_element_type3A_549, %mul3A_608 : i32
      %mul3A_610 = arith.constant 2 : i32
      %mul3A_611 = arith.muli %mul3A_610, %shift_right_arithmetic3A_556 : i32
      %add3A_612 = arith.addi %mul3A_609, %mul3A_611 : i32
      %add3A_613 = arith.constant 1 : i32
      %add3A_614 = arith.addi %add3A_612, %add3A_613 : i32
      %mul3A_615 = arith.constant 56 : i32
      %mul3A_616 = arith.muli %add3A_614, %mul3A_615 : i32
      %mul3A_617 = arith.constant 2 : i32
      %mul3A_618 = arith.muli %mul3A_617, %sub3A_559 : i32
      %add3A_619 = arith.addi %mul3A_616, %mul3A_618 : i32
      %add3A_620 = arith.constant 1 : i32
      %add3A_621 = arith.addi %add3A_619, %add3A_620 : i32
      %mul3A_622 = arith.constant 56 : i32
      %mul3A_623 = arith.muli %add3A_621, %mul3A_622 : i32
      %dma_start3A_624 = arith.constant 0 : i32
      %dma_start3A_625 = arith.constant 0 : i32
      %dma_start3A_626 = tpu.memref_slice %arg6[%dma_start3A_624, %dma_start3A_625] : memref<224x192xf32, #tpu.memory_space<vmem>> -> memref<56x192xf32, #tpu.memory_space<vmem>>
      %dma_start3A_627 = tpu.memref_reshape %arg4 : memref<2x16x56x56x192xf32, #tpu.memory_space<hbm>> -> memref<100352x192xf32, #tpu.memory_space<hbm>>
      %dma_start3A_628 = arith.constant 0 : i32
      %dma_start3A_629 = tpu.memref_slice %dma_start3A_627[%mul3A_575, %dma_start3A_628] : memref<100352x192xf32, #tpu.memory_space<hbm>> -> memref<56x192xf32, #tpu.memory_space<hbm>>
      %dma_start3A_630 = tpu.memref_reshape %arg4 : memref<2x16x56x56x192xf32, #tpu.memory_space<hbm>> -> memref<100352x192xf32, #tpu.memory_space<hbm>>
      %dma_start3A_631 = arith.constant 0 : i32
      %dma_start3A_632 = tpu.memref_slice %dma_start3A_630[%mul3A_575, %dma_start3A_631] : memref<100352x192xf32, #tpu.memory_space<hbm>> -> memref<56x192xf32, #tpu.memory_space<hbm>>
      %dma_start3A_633 = arith.constant 0 : i32
      %dma_start3A_634 = arith.constant 0 : i32
      %dma_start3A_635 = tpu.memref_slice %arg6[%dma_start3A_633, %dma_start3A_634] : memref<224x192xf32, #tpu.memory_space<vmem>> -> memref<56x192xf32, #tpu.memory_space<vmem>>
      tpu.enqueue_dma source(%dma_start3A_635 : memref<56x192xf32, #tpu.memory_space<vmem>>) target(%dma_start3A_632 : memref<56x192xf32, #tpu.memory_space<hbm>>) target_semaphore(%arg11 : memref<!tpu.dma_semaphore, #tpu.memory_space<semaphore_mem>>)
      %dma_start3A_636 = arith.constant 56 : i32
      %dma_start3A_637 = arith.constant 0 : i32
      %dma_start3A_638 = tpu.memref_slice %arg6[%dma_start3A_636, %dma_start3A_637] : memref<224x192xf32, #tpu.memory_space<vmem>> -> memref<56x192xf32, #tpu.memory_space<vmem>>
      %dma_start3A_639 = tpu.memref_reshape %arg4 : memref<2x16x56x56x192xf32, #tpu.memory_space<hbm>> -> memref<100352x192xf32, #tpu.memory_space<hbm>>
      %dma_start3A_640 = arith.constant 0 : i32
      %dma_start3A_641 = tpu.memref_slice %dma_start3A_639[%mul3A_591, %dma_start3A_640] : memref<100352x192xf32, #tpu.memory_space<hbm>> -> memref<56x192xf32, #tpu.memory_space<hbm>>
      %dma_start3A_642 = tpu.memref_reshape %arg4 : memref<2x16x56x56x192xf32, #tpu.memory_space<hbm>> -> memref<100352x192xf32, #tpu.memory_space<hbm>>
      %dma_start3A_643 = arith.constant 0 : i32
      %dma_start3A_644 = tpu.memref_slice %dma_start3A_642[%mul3A_591, %dma_start3A_643] : memref<100352x192xf32, #tpu.memory_space<hbm>> -> memref<56x192xf32, #tpu.memory_space<hbm>>
      %dma_start3A_645 = arith.constant 56 : i32
      %dma_start3A_646 = arith.constant 0 : i32
      %dma_start3A_647 = tpu.memref_slice %arg6[%dma_start3A_645, %dma_start3A_646] : memref<224x192xf32, #tpu.memory_space<vmem>> -> memref<56x192xf32, #tpu.memory_space<vmem>>
      tpu.enqueue_dma source(%dma_start3A_647 : memref<56x192xf32, #tpu.memory_space<vmem>>) target(%dma_start3A_644 : memref<56x192xf32, #tpu.memory_space<hbm>>) target_semaphore(%arg11 : memref<!tpu.dma_semaphore, #tpu.memory_space<semaphore_mem>>)
      %dma_start3A_648 = arith.constant 112 : i32
      %dma_start3A_649 = arith.constant 0 : i32
      %dma_start3A_650 = tpu.memref_slice %arg6[%dma_start3A_648, %dma_start3A_649] : memref<224x192xf32, #tpu.memory_space<vmem>> -> memref<56x192xf32, #tpu.memory_space<vmem>>
      %dma_start3A_651 = tpu.memref_reshape %arg4 : memref<2x16x56x56x192xf32, #tpu.memory_space<hbm>> -> memref<100352x192xf32, #tpu.memory_space<hbm>>
      %dma_start3A_652 = arith.constant 0 : i32
      %dma_start3A_653 = tpu.memref_slice %dma_start3A_651[%mul3A_607, %dma_start3A_652] : memref<100352x192xf32, #tpu.memory_space<hbm>> -> memref<56x192xf32, #tpu.memory_space<hbm>>
      %dma_start3A_654 = tpu.memref_reshape %arg4 : memref<2x16x56x56x192xf32, #tpu.memory_space<hbm>> -> memref<100352x192xf32, #tpu.memory_space<hbm>>
      %dma_start3A_655 = arith.constant 0 : i32
      %dma_start3A_656 = tpu.memref_slice %dma_start3A_654[%mul3A_607, %dma_start3A_655] : memref<100352x192xf32, #tpu.memory_space<hbm>> -> memref<56x192xf32, #tpu.memory_space<hbm>>
      %dma_start3A_657 = arith.constant 112 : i32
      %dma_start3A_658 = arith.constant 0 : i32
      %dma_start3A_659 = tpu.memref_slice %arg6[%dma_start3A_657, %dma_start3A_658] : memref<224x192xf32, #tpu.memory_space<vmem>> -> memref<56x192xf32, #tpu.memory_space<vmem>>
      tpu.enqueue_dma source(%dma_start3A_659 : memref<56x192xf32, #tpu.memory_space<vmem>>) target(%dma_start3A_656 : memref<56x192xf32, #tpu.memory_space<hbm>>) target_semaphore(%arg11 : memref<!tpu.dma_semaphore, #tpu.memory_space<semaphore_mem>>)
      %dma_start3A_660 = arith.constant 168 : i32
      %dma_start3A_661 = arith.constant 0 : i32
      %dma_start3A_662 = tpu.memref_slice %arg6[%dma_start3A_660, %dma_start3A_661] : memref<224x192xf32, #tpu.memory_space<vmem>> -> memref<56x192xf32, #tpu.memory_space<vmem>>
      %dma_start3A_663 = tpu.memref_reshape %arg4 : memref<2x16x56x56x192xf32, #tpu.memory_space<hbm>> -> memref<100352x192xf32, #tpu.memory_space<hbm>>
      %dma_start3A_664 = arith.constant 0 : i32
      %dma_start3A_665 = tpu.memref_slice %dma_start3A_663[%mul3A_623, %dma_start3A_664] : memref<100352x192xf32, #tpu.memory_space<hbm>> -> memref<56x192xf32, #tpu.memory_space<hbm>>
      %dma_start3A_666 = tpu.memref_reshape %arg4 : memref<2x16x56x56x192xf32, #tpu.memory_space<hbm>> -> memref<100352x192xf32, #tpu.memory_space<hbm>>
      %dma_start3A_667 = arith.constant 0 : i32
      %dma_start3A_668 = tpu.memref_slice %dma_start3A_666[%mul3A_623, %dma_start3A_667] : memref<100352x192xf32, #tpu.memory_space<hbm>> -> memref<56x192xf32, #tpu.memory_space<hbm>>
      %dma_start3A_669 = arith.constant 168 : i32
      %dma_start3A_670 = arith.constant 0 : i32
      %dma_start3A_671 = tpu.memref_slice %arg6[%dma_start3A_669, %dma_start3A_670] : memref<224x192xf32, #tpu.memory_space<vmem>> -> memref<56x192xf32, #tpu.memory_space<vmem>>
      tpu.enqueue_dma source(%dma_start3A_671 : memref<56x192xf32, #tpu.memory_space<vmem>>) target(%dma_start3A_668 : memref<56x192xf32, #tpu.memory_space<hbm>>) target_semaphore(%arg11 : memref<!tpu.dma_semaphore, #tpu.memory_space<semaphore_mem>>)
    }
    %scan3A_46 = arith.constant 7 : i32
    %add3A_47 = arith.constant 384 : i32
    %add3A_48 = arith.addi %add3A_47, %add3A : i32
    %ge3A = arith.constant 224 : i32
    %ge3A_49 = arith.cmpi sge, %add3A_48, %ge3A : i32
    %convert_element_type3A = arith.extui %ge3A_49 : i1 to i32
    %mul3A_50 = arith.constant 224 : i32
    %mul3A_51 = arith.muli %convert_element_type3A, %mul3A_50 : i32
    %sub3A = arith.subi %add3A_48, %mul3A_51 : i32
    %mul3A_52 = arith.constant 586 : i32
    %mul3A_53 = arith.muli %sub3A, %mul3A_52 : i32
    %shift_right_arithmetic3A = arith.constant 14 : i32
    %shift_right_arithmetic3A_54 = arith.shrsi %mul3A_53, %shift_right_arithmetic3A : i32
    %mul3A_55 = arith.constant 28 : i32
    %mul3A_56 = arith.muli %shift_right_arithmetic3A_54, %mul3A_55 : i32
    %sub3A_57 = arith.subi %sub3A, %mul3A_56 : i32
    %mul3A_58 = arith.constant 16 : i32
    %mul3A_59 = arith.muli %convert_element_type3A, %mul3A_58 : i32
    %mul3A_60 = arith.constant 2 : i32
    %mul3A_61 = arith.muli %mul3A_60, %shift_right_arithmetic3A_54 : i32
    %add3A_62 = arith.addi %mul3A_59, %mul3A_61 : i32
    %add3A_63 = arith.constant 0 : i32
    %add3A_64 = arith.addi %add3A_62, %add3A_63 : i32
    %mul3A_65 = arith.constant 56 : i32
    %mul3A_66 = arith.muli %add3A_64, %mul3A_65 : i32
    %mul3A_67 = arith.constant 2 : i32
    %mul3A_68 = arith.muli %mul3A_67, %sub3A_57 : i32
    %add3A_69 = arith.addi %mul3A_66, %mul3A_68 : i32
    %add3A_70 = arith.constant 0 : i32
    %add3A_71 = arith.addi %add3A_69, %add3A_70 : i32
    %mul3A_72 = arith.constant 56 : i32
    %mul3A_73 = arith.muli %add3A_71, %mul3A_72 : i32
    %mul3A_74 = arith.constant 16 : i32
    %mul3A_75 = arith.muli %convert_element_type3A, %mul3A_74 : i32
    %mul3A_76 = arith.constant 2 : i32
    %mul3A_77 = arith.muli %mul3A_76, %shift_right_arithmetic3A_54 : i32
    %add3A_78 = arith.addi %mul3A_75, %mul3A_77 : i32
    %add3A_79 = arith.constant 0 : i32
    %add3A_80 = arith.addi %add3A_78, %add3A_79 : i32
    %mul3A_81 = arith.constant 56 : i32
    %mul3A_82 = arith.muli %add3A_80, %mul3A_81 : i32
    %mul3A_83 = arith.constant 2 : i32
    %mul3A_84 = arith.muli %mul3A_83, %sub3A_57 : i32
    %add3A_85 = arith.addi %mul3A_82, %mul3A_84 : i32
    %add3A_86 = arith.constant 1 : i32
    %add3A_87 = arith.addi %add3A_85, %add3A_86 : i32
    %mul3A_88 = arith.constant 56 : i32
    %mul3A_89 = arith.muli %add3A_87, %mul3A_88 : i32
    %mul3A_90 = arith.constant 16 : i32
    %mul3A_91 = arith.muli %convert_element_type3A, %mul3A_90 : i32
    %mul3A_92 = arith.constant 2 : i32
    %mul3A_93 = arith.muli %mul3A_92, %shift_right_arithmetic3A_54 : i32
    %add3A_94 = arith.addi %mul3A_91, %mul3A_93 : i32
    %add3A_95 = arith.constant 1 : i32
    %add3A_96 = arith.addi %add3A_94, %add3A_95 : i32
    %mul3A_97 = arith.constant 56 : i32
    %mul3A_98 = arith.muli %add3A_96, %mul3A_97 : i32
    %mul3A_99 = arith.constant 2 : i32
    %mul3A_100 = arith.muli %mul3A_99, %sub3A_57 : i32
    %add3A_101 = arith.addi %mul3A_98, %mul3A_100 : i32
    %add3A_102 = arith.constant 0 : i32
    %add3A_103 = arith.addi %add3A_101, %add3A_102 : i32
    %mul3A_104 = arith.constant 56 : i32
    %mul3A_105 = arith.muli %add3A_103, %mul3A_104 : i32
    %mul3A_106 = arith.constant 16 : i32
    %mul3A_107 = arith.muli %convert_element_type3A, %mul3A_106 : i32
    %mul3A_108 = arith.constant 2 : i32
    %mul3A_109 = arith.muli %mul3A_108, %shift_right_arithmetic3A_54 : i32
    %add3A_110 = arith.addi %mul3A_107, %mul3A_109 : i32
    %add3A_111 = arith.constant 1 : i32
    %add3A_112 = arith.addi %add3A_110, %add3A_111 : i32
    %mul3A_113 = arith.constant 56 : i32
    %mul3A_114 = arith.muli %add3A_112, %mul3A_113 : i32
    %mul3A_115 = arith.constant 2 : i32
    %mul3A_116 = arith.muli %mul3A_115, %sub3A_57 : i32
    %add3A_117 = arith.addi %mul3A_114, %mul3A_116 : i32
    %add3A_118 = arith.constant 1 : i32
    %add3A_119 = arith.addi %add3A_117, %add3A_118 : i32
    %mul3A_120 = arith.constant 56 : i32
    %mul3A_121 = arith.muli %add3A_119, %mul3A_120 : i32
    %dma_wait3A = arith.constant 0 : i32
    %dma_wait3A_122 = arith.constant 0 : i32
    %dma_wait3A_123 = tpu.memref_slice %arg5[%dma_wait3A, %dma_wait3A_122] : memref<224x192xf32, #tpu.memory_space<vmem>> -> memref<56x192xf32, #tpu.memory_space<vmem>>
    %dma_wait3A_124 = tpu.memref_reshape %arg4 : memref<2x16x56x56x192xf32, #tpu.memory_space<hbm>> -> memref<100352x192xf32, #tpu.memory_space<hbm>>
    %dma_wait3A_125 = arith.constant 0 : i32
    %dma_wait3A_126 = tpu.memref_slice %dma_wait3A_124[%mul3A_73, %dma_wait3A_125] : memref<100352x192xf32, #tpu.memory_space<hbm>> -> memref<56x192xf32, #tpu.memory_space<hbm>>
    %dma_wait3A_127 = tpu.memref_reshape %arg4 : memref<2x16x56x56x192xf32, #tpu.memory_space<hbm>> -> memref<100352x192xf32, #tpu.memory_space<hbm>>
    %dma_wait3A_128 = arith.constant 0 : i32
    %dma_wait3A_129 = tpu.memref_slice %dma_wait3A_127[%mul3A_73, %dma_wait3A_128] : memref<100352x192xf32, #tpu.memory_space<hbm>> -> memref<56x192xf32, #tpu.memory_space<hbm>>
    %dma_wait3A_130 = arith.constant 0 : i32
    %dma_wait3A_131 = arith.constant 0 : i32
    %dma_wait3A_132 = tpu.memref_slice %arg5[%dma_wait3A_130, %dma_wait3A_131] : memref<224x192xf32, #tpu.memory_space<vmem>> -> memref<56x192xf32, #tpu.memory_space<vmem>>
    tpu.wait_dma2 semaphore(%arg10 : memref<!tpu.dma_semaphore, #tpu.memory_space<semaphore_mem>>) src(%dma_wait3A_132 : memref<56x192xf32, #tpu.memory_space<vmem>>) dst(%dma_wait3A_129 : memref<56x192xf32, #tpu.memory_space<hbm>>)
    %dma_wait3A_133 = arith.constant 56 : i32
    %dma_wait3A_134 = arith.constant 0 : i32
    %dma_wait3A_135 = tpu.memref_slice %arg5[%dma_wait3A_133, %dma_wait3A_134] : memref<224x192xf32, #tpu.memory_space<vmem>> -> memref<56x192xf32, #tpu.memory_space<vmem>>
    %dma_wait3A_136 = tpu.memref_reshape %arg4 : memref<2x16x56x56x192xf32, #tpu.memory_space<hbm>> -> memref<100352x192xf32, #tpu.memory_space<hbm>>
    %dma_wait3A_137 = arith.constant 0 : i32
    %dma_wait3A_138 = tpu.memref_slice %dma_wait3A_136[%mul3A_89, %dma_wait3A_137] : memref<100352x192xf32, #tpu.memory_space<hbm>> -> memref<56x192xf32, #tpu.memory_space<hbm>>
    %dma_wait3A_139 = tpu.memref_reshape %arg4 : memref<2x16x56x56x192xf32, #tpu.memory_space<hbm>> -> memref<100352x192xf32, #tpu.memory_space<hbm>>
    %dma_wait3A_140 = arith.constant 0 : i32
    %dma_wait3A_141 = tpu.memref_slice %dma_wait3A_139[%mul3A_89, %dma_wait3A_140] : memref<100352x192xf32, #tpu.memory_space<hbm>> -> memref<56x192xf32, #tpu.memory_space<hbm>>
    %dma_wait3A_142 = arith.constant 56 : i32
    %dma_wait3A_143 = arith.constant 0 : i32
    %dma_wait3A_144 = tpu.memref_slice %arg5[%dma_wait3A_142, %dma_wait3A_143] : memref<224x192xf32, #tpu.memory_space<vmem>> -> memref<56x192xf32, #tpu.memory_space<vmem>>
    tpu.wait_dma2 semaphore(%arg10 : memref<!tpu.dma_semaphore, #tpu.memory_space<semaphore_mem>>) src(%dma_wait3A_144 : memref<56x192xf32, #tpu.memory_space<vmem>>) dst(%dma_wait3A_141 : memref<56x192xf32, #tpu.memory_space<hbm>>)
    %dma_wait3A_145 = arith.constant 112 : i32
    %dma_wait3A_146 = arith.constant 0 : i32
    %dma_wait3A_147 = tpu.memref_slice %arg5[%dma_wait3A_145, %dma_wait3A_146] : memref<224x192xf32, #tpu.memory_space<vmem>> -> memref<56x192xf32, #tpu.memory_space<vmem>>
    %dma_wait3A_148 = tpu.memref_reshape %arg4 : memref<2x16x56x56x192xf32, #tpu.memory_space<hbm>> -> memref<100352x192xf32, #tpu.memory_space<hbm>>
    %dma_wait3A_149 = arith.constant 0 : i32
    %dma_wait3A_150 = tpu.memref_slice %dma_wait3A_148[%mul3A_105, %dma_wait3A_149] : memref<100352x192xf32, #tpu.memory_space<hbm>> -> memref<56x192xf32, #tpu.memory_space<hbm>>
    %dma_wait3A_151 = tpu.memref_reshape %arg4 : memref<2x16x56x56x192xf32, #tpu.memory_space<hbm>> -> memref<100352x192xf32, #tpu.memory_space<hbm>>
    %dma_wait3A_152 = arith.constant 0 : i32
    %dma_wait3A_153 = tpu.memref_slice %dma_wait3A_151[%mul3A_105, %dma_wait3A_152] : memref<100352x192xf32, #tpu.memory_space<hbm>> -> memref<56x192xf32, #tpu.memory_space<hbm>>
    %dma_wait3A_154 = arith.constant 112 : i32
    %dma_wait3A_155 = arith.constant 0 : i32
    %dma_wait3A_156 = tpu.memref_slice %arg5[%dma_wait3A_154, %dma_wait3A_155] : memref<224x192xf32, #tpu.memory_space<vmem>> -> memref<56x192xf32, #tpu.memory_space<vmem>>
    tpu.wait_dma2 semaphore(%arg10 : memref<!tpu.dma_semaphore, #tpu.memory_space<semaphore_mem>>) src(%dma_wait3A_156 : memref<56x192xf32, #tpu.memory_space<vmem>>) dst(%dma_wait3A_153 : memref<56x192xf32, #tpu.memory_space<hbm>>)
    %dma_wait3A_157 = arith.constant 168 : i32
    %dma_wait3A_158 = arith.constant 0 : i32
    %dma_wait3A_159 = tpu.memref_slice %arg5[%dma_wait3A_157, %dma_wait3A_158] : memref<224x192xf32, #tpu.memory_space<vmem>> -> memref<56x192xf32, #tpu.memory_space<vmem>>
    %dma_wait3A_160 = tpu.memref_reshape %arg4 : memref<2x16x56x56x192xf32, #tpu.memory_space<hbm>> -> memref<100352x192xf32, #tpu.memory_space<hbm>>
    %dma_wait3A_161 = arith.constant 0 : i32
    %dma_wait3A_162 = tpu.memref_slice %dma_wait3A_160[%mul3A_121, %dma_wait3A_161] : memref<100352x192xf32, #tpu.memory_space<hbm>> -> memref<56x192xf32, #tpu.memory_space<hbm>>
    %dma_wait3A_163 = tpu.memref_reshape %arg4 : memref<2x16x56x56x192xf32, #tpu.memory_space<hbm>> -> memref<100352x192xf32, #tpu.memory_space<hbm>>
    %dma_wait3A_164 = arith.constant 0 : i32
    %dma_wait3A_165 = tpu.memref_slice %dma_wait3A_163[%mul3A_121, %dma_wait3A_164] : memref<100352x192xf32, #tpu.memory_space<hbm>> -> memref<56x192xf32, #tpu.memory_space<hbm>>
    %dma_wait3A_166 = arith.constant 168 : i32
    %dma_wait3A_167 = arith.constant 0 : i32
    %dma_wait3A_168 = tpu.memref_slice %arg5[%dma_wait3A_166, %dma_wait3A_167] : memref<224x192xf32, #tpu.memory_space<vmem>> -> memref<56x192xf32, #tpu.memory_space<vmem>>
    tpu.wait_dma2 semaphore(%arg10 : memref<!tpu.dma_semaphore, #tpu.memory_space<semaphore_mem>>) src(%dma_wait3A_168 : memref<56x192xf32, #tpu.memory_space<vmem>>) dst(%dma_wait3A_165 : memref<56x192xf32, #tpu.memory_space<hbm>>)
    %add3A_169 = arith.constant 416 : i32
    %add3A_170 = arith.addi %add3A_169, %add3A : i32
    %ge3A_171 = arith.constant 224 : i32
    %ge3A_172 = arith.cmpi sge, %add3A_170, %ge3A_171 : i32
    %convert_element_type3A_173 = arith.extui %ge3A_172 : i1 to i32
    %mul3A_174 = arith.constant 224 : i32
    %mul3A_175 = arith.muli %convert_element_type3A_173, %mul3A_174 : i32
    %sub3A_176 = arith.subi %add3A_170, %mul3A_175 : i32
    %mul3A_177 = arith.constant 586 : i32
    %mul3A_178 = arith.muli %sub3A_176, %mul3A_177 : i32
    %shift_right_arithmetic3A_179 = arith.constant 14 : i32
    %shift_right_arithmetic3A_180 = arith.shrsi %mul3A_178, %shift_right_arithmetic3A_179 : i32
    %mul3A_181 = arith.constant 28 : i32
    %mul3A_182 = arith.muli %shift_right_arithmetic3A_180, %mul3A_181 : i32
    %sub3A_183 = arith.subi %sub3A_176, %mul3A_182 : i32
    %mul3A_184 = arith.constant 16 : i32
    %mul3A_185 = arith.muli %convert_element_type3A_173, %mul3A_184 : i32
    %mul3A_186 = arith.constant 2 : i32
    %mul3A_187 = arith.muli %mul3A_186, %shift_right_arithmetic3A_180 : i32
    %add3A_188 = arith.addi %mul3A_185, %mul3A_187 : i32
    %add3A_189 = arith.constant 0 : i32
    %add3A_190 = arith.addi %add3A_188, %add3A_189 : i32
    %mul3A_191 = arith.constant 56 : i32
    %mul3A_192 = arith.muli %add3A_190, %mul3A_191 : i32
    %mul3A_193 = arith.constant 2 : i32
    %mul3A_194 = arith.muli %mul3A_193, %sub3A_183 : i32
    %add3A_195 = arith.addi %mul3A_192, %mul3A_194 : i32
    %add3A_196 = arith.constant 0 : i32
    %add3A_197 = arith.addi %add3A_195, %add3A_196 : i32
    %mul3A_198 = arith.constant 56 : i32
    %mul3A_199 = arith.muli %add3A_197, %mul3A_198 : i32
    %mul3A_200 = arith.constant 16 : i32
    %mul3A_201 = arith.muli %convert_element_type3A_173, %mul3A_200 : i32
    %mul3A_202 = arith.constant 2 : i32
    %mul3A_203 = arith.muli %mul3A_202, %shift_right_arithmetic3A_180 : i32
    %add3A_204 = arith.addi %mul3A_201, %mul3A_203 : i32
    %add3A_205 = arith.constant 0 : i32
    %add3A_206 = arith.addi %add3A_204, %add3A_205 : i32
    %mul3A_207 = arith.constant 56 : i32
    %mul3A_208 = arith.muli %add3A_206, %mul3A_207 : i32
    %mul3A_209 = arith.constant 2 : i32
    %mul3A_210 = arith.muli %mul3A_209, %sub3A_183 : i32
    %add3A_211 = arith.addi %mul3A_208, %mul3A_210 : i32
    %add3A_212 = arith.constant 1 : i32
    %add3A_213 = arith.addi %add3A_211, %add3A_212 : i32
    %mul3A_214 = arith.constant 56 : i32
    %mul3A_215 = arith.muli %add3A_213, %mul3A_214 : i32
    %mul3A_216 = arith.constant 16 : i32
    %mul3A_217 = arith.muli %convert_element_type3A_173, %mul3A_216 : i32
    %mul3A_218 = arith.constant 2 : i32
    %mul3A_219 = arith.muli %mul3A_218, %shift_right_arithmetic3A_180 : i32
    %add3A_220 = arith.addi %mul3A_217, %mul3A_219 : i32
    %add3A_221 = arith.constant 1 : i32
    %add3A_222 = arith.addi %add3A_220, %add3A_221 : i32
    %mul3A_223 = arith.constant 56 : i32
    %mul3A_224 = arith.muli %add3A_222, %mul3A_223 : i32
    %mul3A_225 = arith.constant 2 : i32
    %mul3A_226 = arith.muli %mul3A_225, %sub3A_183 : i32
    %add3A_227 = arith.addi %mul3A_224, %mul3A_226 : i32
    %add3A_228 = arith.constant 0 : i32
    %add3A_229 = arith.addi %add3A_227, %add3A_228 : i32
    %mul3A_230 = arith.constant 56 : i32
    %mul3A_231 = arith.muli %add3A_229, %mul3A_230 : i32
    %mul3A_232 = arith.constant 16 : i32
    %mul3A_233 = arith.muli %convert_element_type3A_173, %mul3A_232 : i32
    %mul3A_234 = arith.constant 2 : i32
    %mul3A_235 = arith.muli %mul3A_234, %shift_right_arithmetic3A_180 : i32
    %add3A_236 = arith.addi %mul3A_233, %mul3A_235 : i32
    %add3A_237 = arith.constant 1 : i32
    %add3A_238 = arith.addi %add3A_236, %add3A_237 : i32
    %mul3A_239 = arith.constant 56 : i32
    %mul3A_240 = arith.muli %add3A_238, %mul3A_239 : i32
    %mul3A_241 = arith.constant 2 : i32
    %mul3A_242 = arith.muli %mul3A_241, %sub3A_183 : i32
    %add3A_243 = arith.addi %mul3A_240, %mul3A_242 : i32
    %add3A_244 = arith.constant 1 : i32
    %add3A_245 = arith.addi %add3A_243, %add3A_244 : i32
    %mul3A_246 = arith.constant 56 : i32
    %mul3A_247 = arith.muli %add3A_245, %mul3A_246 : i32
    %dma_wait3A_248 = arith.constant 0 : i32
    %dma_wait3A_249 = arith.constant 0 : i32
    %dma_wait3A_250 = tpu.memref_slice %arg6[%dma_wait3A_248, %dma_wait3A_249] : memref<224x192xf32, #tpu.memory_space<vmem>> -> memref<56x192xf32, #tpu.memory_space<vmem>>
    %dma_wait3A_251 = tpu.memref_reshape %arg4 : memref<2x16x56x56x192xf32, #tpu.memory_space<hbm>> -> memref<100352x192xf32, #tpu.memory_space<hbm>>
    %dma_wait3A_252 = arith.constant 0 : i32
    %dma_wait3A_253 = tpu.memref_slice %dma_wait3A_251[%mul3A_199, %dma_wait3A_252] : memref<100352x192xf32, #tpu.memory_space<hbm>> -> memref<56x192xf32, #tpu.memory_space<hbm>>
    %dma_wait3A_254 = tpu.memref_reshape %arg4 : memref<2x16x56x56x192xf32, #tpu.memory_space<hbm>> -> memref<100352x192xf32, #tpu.memory_space<hbm>>
    %dma_wait3A_255 = arith.constant 0 : i32
    %dma_wait3A_256 = tpu.memref_slice %dma_wait3A_254[%mul3A_199, %dma_wait3A_255] : memref<100352x192xf32, #tpu.memory_space<hbm>> -> memref<56x192xf32, #tpu.memory_space<hbm>>
    %dma_wait3A_257 = arith.constant 0 : i32
    %dma_wait3A_258 = arith.constant 0 : i32
    %dma_wait3A_259 = tpu.memref_slice %arg6[%dma_wait3A_257, %dma_wait3A_258] : memref<224x192xf32, #tpu.memory_space<vmem>> -> memref<56x192xf32, #tpu.memory_space<vmem>>
    tpu.wait_dma2 semaphore(%arg11 : memref<!tpu.dma_semaphore, #tpu.memory_space<semaphore_mem>>) src(%dma_wait3A_259 : memref<56x192xf32, #tpu.memory_space<vmem>>) dst(%dma_wait3A_256 : memref<56x192xf32, #tpu.memory_space<hbm>>)
    %dma_wait3A_260 = arith.constant 56 : i32
    %dma_wait3A_261 = arith.constant 0 : i32
    %dma_wait3A_262 = tpu.memref_slice %arg6[%dma_wait3A_260, %dma_wait3A_261] : memref<224x192xf32, #tpu.memory_space<vmem>> -> memref<56x192xf32, #tpu.memory_space<vmem>>
    %dma_wait3A_263 = tpu.memref_reshape %arg4 : memref<2x16x56x56x192xf32, #tpu.memory_space<hbm>> -> memref<100352x192xf32, #tpu.memory_space<hbm>>
    %dma_wait3A_264 = arith.constant 0 : i32
    %dma_wait3A_265 = tpu.memref_slice %dma_wait3A_263[%mul3A_215, %dma_wait3A_264] : memref<100352x192xf32, #tpu.memory_space<hbm>> -> memref<56x192xf32, #tpu.memory_space<hbm>>
    %dma_wait3A_266 = tpu.memref_reshape %arg4 : memref<2x16x56x56x192xf32, #tpu.memory_space<hbm>> -> memref<100352x192xf32, #tpu.memory_space<hbm>>
    %dma_wait3A_267 = arith.constant 0 : i32
    %dma_wait3A_268 = tpu.memref_slice %dma_wait3A_266[%mul3A_215, %dma_wait3A_267] : memref<100352x192xf32, #tpu.memory_space<hbm>> -> memref<56x192xf32, #tpu.memory_space<hbm>>
    %dma_wait3A_269 = arith.constant 56 : i32
    %dma_wait3A_270 = arith.constant 0 : i32
    %dma_wait3A_271 = tpu.memref_slice %arg6[%dma_wait3A_269, %dma_wait3A_270] : memref<224x192xf32, #tpu.memory_space<vmem>> -> memref<56x192xf32, #tpu.memory_space<vmem>>
    tpu.wait_dma2 semaphore(%arg11 : memref<!tpu.dma_semaphore, #tpu.memory_space<semaphore_mem>>) src(%dma_wait3A_271 : memref<56x192xf32, #tpu.memory_space<vmem>>) dst(%dma_wait3A_268 : memref<56x192xf32, #tpu.memory_space<hbm>>)
    %dma_wait3A_272 = arith.constant 112 : i32
    %dma_wait3A_273 = arith.constant 0 : i32
    %dma_wait3A_274 = tpu.memref_slice %arg6[%dma_wait3A_272, %dma_wait3A_273] : memref<224x192xf32, #tpu.memory_space<vmem>> -> memref<56x192xf32, #tpu.memory_space<vmem>>
    %dma_wait3A_275 = tpu.memref_reshape %arg4 : memref<2x16x56x56x192xf32, #tpu.memory_space<hbm>> -> memref<100352x192xf32, #tpu.memory_space<hbm>>
    %dma_wait3A_276 = arith.constant 0 : i32
    %dma_wait3A_277 = tpu.memref_slice %dma_wait3A_275[%mul3A_231, %dma_wait3A_276] : memref<100352x192xf32, #tpu.memory_space<hbm>> -> memref<56x192xf32, #tpu.memory_space<hbm>>
    %dma_wait3A_278 = tpu.memref_reshape %arg4 : memref<2x16x56x56x192xf32, #tpu.memory_space<hbm>> -> memref<100352x192xf32, #tpu.memory_space<hbm>>
    %dma_wait3A_279 = arith.constant 0 : i32
    %dma_wait3A_280 = tpu.memref_slice %dma_wait3A_278[%mul3A_231, %dma_wait3A_279] : memref<100352x192xf32, #tpu.memory_space<hbm>> -> memref<56x192xf32, #tpu.memory_space<hbm>>
    %dma_wait3A_281 = arith.constant 112 : i32
    %dma_wait3A_282 = arith.constant 0 : i32
    %dma_wait3A_283 = tpu.memref_slice %arg6[%dma_wait3A_281, %dma_wait3A_282] : memref<224x192xf32, #tpu.memory_space<vmem>> -> memref<56x192xf32, #tpu.memory_space<vmem>>
    tpu.wait_dma2 semaphore(%arg11 : memref<!tpu.dma_semaphore, #tpu.memory_space<semaphore_mem>>) src(%dma_wait3A_283 : memref<56x192xf32, #tpu.memory_space<vmem>>) dst(%dma_wait3A_280 : memref<56x192xf32, #tpu.memory_space<hbm>>)
    %dma_wait3A_284 = arith.constant 168 : i32
    %dma_wait3A_285 = arith.constant 0 : i32
    %dma_wait3A_286 = tpu.memref_slice %arg6[%dma_wait3A_284, %dma_wait3A_285] : memref<224x192xf32, #tpu.memory_space<vmem>> -> memref<56x192xf32, #tpu.memory_space<vmem>>
    %dma_wait3A_287 = tpu.memref_reshape %arg4 : memref<2x16x56x56x192xf32, #tpu.memory_space<hbm>> -> memref<100352x192xf32, #tpu.memory_space<hbm>>
    %dma_wait3A_288 = arith.constant 0 : i32
    %dma_wait3A_289 = tpu.memref_slice %dma_wait3A_287[%mul3A_247, %dma_wait3A_288] : memref<100352x192xf32, #tpu.memory_space<hbm>> -> memref<56x192xf32, #tpu.memory_space<hbm>>
    %dma_wait3A_290 = tpu.memref_reshape %arg4 : memref<2x16x56x56x192xf32, #tpu.memory_space<hbm>> -> memref<100352x192xf32, #tpu.memory_space<hbm>>
    %dma_wait3A_291 = arith.constant 0 : i32
    %dma_wait3A_292 = tpu.memref_slice %dma_wait3A_290[%mul3A_247, %dma_wait3A_291] : memref<100352x192xf32, #tpu.memory_space<hbm>> -> memref<56x192xf32, #tpu.memory_space<hbm>>
    %dma_wait3A_293 = arith.constant 168 : i32
    %dma_wait3A_294 = arith.constant 0 : i32
    %dma_wait3A_295 = tpu.memref_slice %arg6[%dma_wait3A_293, %dma_wait3A_294] : memref<224x192xf32, #tpu.memory_space<vmem>> -> memref<56x192xf32, #tpu.memory_space<vmem>>
    tpu.wait_dma2 semaphore(%arg11 : memref<!tpu.dma_semaphore, #tpu.memory_space<semaphore_mem>>) src(%dma_wait3A_295 : memref<56x192xf32, #tpu.memory_space<vmem>>) dst(%dma_wait3A_292 : memref<56x192xf32, #tpu.memory_space<hbm>>)
    return
  }
}

</mosaic_0001>

<sc_bundles>
// kernel: kernel.3.cloned.1.call-start
scs
__scs_entry_jumppad:
0x0: {  	(pc) =	sbr.rel $0x88, $3  }
0x1: {  	(tag) =	ssettag $0x0;
	lr =	simm.s32 $0x1  }
0x2: {  	[smem:$0x3F9F] =	sst lr;
	_ =	strace $0xD0000000  }
0x3: {  	_ = 	snop  }
0x4: {  	_ = 	snop  }
0x5: {  	_ = 	snop  }
0x6: {  	_ = 	snop  }
0x7: {  	_ = 	snop  }
__scs_overlays_trampoline_lowered:
0x8: {  	[smem:$0x3FAE] =	sst s0  }
0x9: {  	[smem:$0x3FAF] =	sst s1  }
0xa: {  	[smem:$0x3FB0] =	sst s2  }
0xb: {  	[smem:$0x3FB1] =	sst s3  }
0xc: {  	[smem:$0x3FB2] =	sst s4  }
0xd: {  	[smem:$0x3FB3] =	sst s5  }
0xe: {  	[smem:$0x3FB4] =	sst s6  }
0xf: {  	[smem:$0x3FB5] =	sst s7  }
0x10: {  	[smem:$0x3FB6] =	sst s8  }
0x11: {  	[smem:$0x3FB7] =	sst s9;
	s0 =	simm.s32 @!p0 $0x0  }
0x12: {  	s1 =	sld [smem:$0x3F9D];
	s0 =	simm.s32 @p0 $0x1  }
0x13: {  	[smem:$0x3FB8] =	sst s0;
	s0 =	simm.s32 @!p1 $0x0  }
0x14: {  	s2 =	sld [smem:$0x3F9C];
	s0 =	simm.s32 @p1 $0x1  }
0x15: {  	[smem:$0x3FB9] =	sst s0;
	s0 =	simm.s32 @!p2 $0x0  }
0x16: {  	s3 =	sld [smem:$0x3FDB];
	s0 =	simm.s32 @p2 $0x1  }
0x17: {  	s4 =	simm.s32 $0x1BF5;
	[smem:$0x3FBB] =	sst s0  }
0x18: {  	s0 =	sld [smem:$0x3F9E];
	_ =	swait.ge [sflag:s4], $0x0  }
0x19: {  	s7 =	sld [smem:$0x3F9F]  }
0x1a: {  	s8 =	sadd.s32 $0xFFFFE003, lr  }
0x1b: {  	s9 =	sadd.s32 $0xFFFFFEF7, lr;
	s5 =	simm.s32 $0xFFFFFFFF;
	p2 =	slt.u32 s8, $0xFFFFF086  }
0x1c: {  	p1 =	slt.u32 s9, $0xF7A;
	s5 =	simm.s32 @!p2 $0x0  }
0x1d: {  	s5 =	simm.s32 @p1 $0x1;
	p0 =	seq.s32 s7, s2  }
0x1e: {  	s7 =	smul.u32 @!p0 $0xF7A, s2;
	p2 =	seq.s32 @!p0 s5, $0x0  }
0x1f: {  	s9 =	smul.u32 $0xF7A, s1;
	s8 =	simm.s32 @!p0 $0x1BF5;
	p2 =	por !p2, p0  }
0x20: {  	[sflag:s8] =	ssyncset.s32 @!p0 $0xFFFFF086;
	s6 =	sadd.s32 @!p0 s3, s7;
	s7 =	simm.s32 @!p0 $0x108  }
0x21: {  	s3 =	sadd.s32 s3, s9;
	s6 =	sadd.s32 @!p0 $0x88, s6;
	s7 =	simm.s32 @p2 $0x1082  }
0x22: {  	[simem:s7], [sflag:s8] =	dma.local @!p0 [hbm:s6], $0xF7A  }
0x23: {  	s9 =	sor.u32 $0xD0000000, s2;
	s6 =	simm.s32 $0x108;
	_ =	swait.ge @!p0 [sflag:s8], $0x0  }
0x24: {  	s3 =	sadd.s32 $0x88, s3;
	s6 =	simm.s32 @!p1 $0x1082;
	[sflag:s4] =	ssyncset.s32 $0xFFFFF086  }
0x25: {  	[simem:s6], [sflag:s4] =	dma.local [hbm:s3], $0xF7A  }
0x26: {  	[smem:$0x3F9F] =	sst s1;
	(tag) =	ssettag s2;
	_ =	strace s9  }
0x27: {  	s1 =	sld [smem:$0x3FAF]  }
0x28: {  	s2 =	sld [smem:$0x3FB0]  }
0x29: {  	s4 =	sld [smem:$0x3FB2]  }
0x2a: {  	p0 =	seq.s32 s5, $0x0;
	s5 =	sld [smem:$0x3FB3]  }
0x2b: {  	s6 =	sld [smem:$0x3FB4]  }
0x2c: {  	s7 =	sld [smem:$0x3FB5]  }
0x2d: {  	s3 =	simm.s32 $0x108;
	s8 =	sld [smem:$0x3FB6]  }
0x2e: {  	s3 =	simm.s32 @!p0 $0x1082;
	s9 =	sld [smem:$0x3FB7]  }
0x2f: {  	lr =	sadd.s32 s0, s3;
	s0 =	sld [smem:$0x3FAE]  }
0x30: {  	s3 =	sld [smem:$0x3FB1]  }
0x31: {  	[smem:$0x3FBA] =	sst s10  }
0x32: {  	s10 =	sld [smem:$0x3FB8];
	_ =	sdelay $0x3  }
0x33: {  	p0 =	seq.s32 s10, $0x1;
	s10 =	sld [smem:$0x3FBA];
	_ =	sdelay $0x3  }
0x34: {  	[smem:$0x3FBA] =	sst s10  }
0x35: {  	s10 =	sld [smem:$0x3FB9];
	_ =	sdelay $0x3  }
0x36: {  	p1 =	seq.s32 s10, $0x1;
	s10 =	sld [smem:$0x3FBA];
	_ =	sdelay $0x3  }
0x37: {  	[smem:$0x3FBA] =	sst s10  }
0x38: {  	s10 =	sld [smem:$0x3FBB]  }
0x39: {  	_ = 	snop;
	(pc) =	sbr.ind lr, $3  }
0x3a: {  	_ = 	snop  }
0x3b: {  	_ = 	snop  }
0x3c: {  	p2 =	seq.s32 s10, $0x1;
	s10 =	sld [smem:$0x3FBA]  }
0x3d: {  	_ =	shalt  }
0x3e: {  	_ =	shalt  }
0x3f: {  	_ =	shalt  }
0x40: {  	_ =	shalt  }
0x41: {  	_ =	shalt  }
0x42: {  	_ =	shalt  }
0x43: {  	_ =	shalt  }
0x44: {  	_ =	shalt  }
0x45: {  	_ =	shalt  }
0x46: {  	_ =	shalt  }
0x47: {  	_ =	shalt  }
0x48: {  	_ =	shalt  }
0x49: {  	_ =	shalt  }
0x4a: {  	_ =	shalt  }
0x4b: {  	_ =	shalt  }
0x4c: {  	_ =	shalt  }
0x4d: {  	_ =	shalt  }
0x4e: {  	_ =	shalt  }
0x4f: {  	_ =	shalt  }
0x50: {  	_ =	shalt  }
0x51: {  	_ =	shalt  }
0x52: {  	_ =	shalt  }
0x53: {  	_ =	shalt  }
0x54: {  	_ =	shalt  }
0x55: {  	_ =	shalt  }
0x56: {  	_ =	shalt  }
0x57: {  	_ =	shalt  }
0x58: {  	_ =	shalt  }
0x59: {  	_ =	shalt  }
0x5a: {  	_ =	shalt  }
0x5b: {  	_ =	shalt  }
0x5c: {  	_ =	shalt  }
0x5d: {  	_ =	shalt  }
0x5e: {  	_ =	shalt  }
0x5f: {  	_ =	shalt  }
0x60: {  	_ =	shalt  }
0x61: {  	_ =	shalt  }
0x62: {  	_ =	shalt  }
0x63: {  	_ =	shalt  }
0x64: {  	_ =	shalt  }
0x65: {  	_ =	shalt  }
0x66: {  	_ =	shalt  }
0x67: {  	_ =	shalt  }
0x68: {  	_ =	shalt  }
0x69: {  	_ =	shalt  }
0x6a: {  	_ =	shalt  }
0x6b: {  	_ =	shalt  }
0x6c: {  	_ =	shalt  }
0x6d: {  	_ =	shalt  }
0x6e: {  	_ =	shalt  }
0x6f: {  	_ =	shalt  }
0x70: {  	_ =	shalt  }
0x71: {  	_ =	shalt  }
0x72: {  	_ =	shalt  }
0x73: {  	_ =	shalt  }
0x74: {  	_ =	shalt  }
0x75: {  	_ =	shalt  }
0x76: {  	_ =	shalt  }
0x77: {  	_ =	shalt  }
0x78: {  	_ =	shalt  }
0x79: {  	_ =	shalt  }
0x7a: {  	_ =	shalt  }
0x7b: {  	_ =	shalt  }
0x7c: {  	_ =	shalt  }
0x7d: {  	_ =	shalt  }
0x7e: {  	_ =	shalt  }
0x7f: {  	_ =	shalt  }
0x80: {  	_ =	shalt  }
0x81: {  	_ =	shalt  }
0x82: {  	_ =	shalt  }
0x83: {  	_ =	shalt  }
0x84: {  	_ =	shalt  }
0x85: {  	_ =	shalt  }
0x86: {  	_ =	shalt  }
0x87: {  	_ =	shalt  }
.Lfunc_end0:
.L_simem_size_0:
called_computation_lowered:
.L_overlay_start_0:
0x88: {  	s2 =	sld [smem:$0x3FD9]  }
0x89: {  	s3 =	sld [smem:$0x3FFE];
	_ =	sdelay $0x1  }
0x8a: {  	s1 =	srdreg.scid  }
0x8b: {  	s0 =	sand.u32 $0x1, s1  }
0x8c: {  	s17 =	sshll.u32 s0, $0xA;
	s2 =	sadd.s32 s3, s2  }
0x8d: {  	s2 =	sadd.s32 s2, s17  }
0x8e: {  	[smem:$0x3FC6] =	sst s2  }
0x8f: {  	_ = 	snop  }
0x90: {  	s2 =	sld [smem:$0x3FD0];
	(tm) =	ssettm $0x1  }
0x91: {  	s18 =	sld [smem:$0x3FFB];
	_ =	sdelay $0x3  }
0x92: {  	_ =	strace s18  }
0x93: {  	s3 =	sld [smem:$0x3FFC];
	_ =	sdelay $0x3  }
0x94: {  	_ =	strace s3  }
0x95: {  	s3 =	sld [smem:$0x3FFD];
	_ =	sdelay $0x3  }
0x96: {  	_ =	strace s3  }
0x97: {  	_ =	strace $0x8FFFFFFF  }
0x98: {  	s19 =	sld [smem:$0x3FDB];
	_ =	sdelay $0x1  }
0x99: {  	s4 =	simm.s32 $_scs_section_size  }
0x9a: {  	s5 =	simm.s32 $_size__tile_overlayer_lowered;
	s6 =	simm.s32 $_tile_overlayer_lowered  }
0x9b: {  	s22 =	simm.s32 $0x1BFF;
	s21 =	sshll.u32 s6, $0x1;
	s3 =	sadd.s32 s4, s19  }
0x9c: {  	s7 =	simm.s32 $0x0;
	s20 =	sshll.u32 s5, $0x1;
	s5 =	sadd.s32 s21, s3  }
0x9d: {  	[timem:s7], [sflag:s22] =	dma.local [hbm:s5], s20  }
0x9e: {  	_ =	swait.ge [sflag:s22], s20  }
0x9f: {  	s4 =	ssub.s32 $0x0, s20;
	[sflag:s22] =	ssyncset.done $0x0  }
0xa0: {  	[sflag:s22] =	ssyncadd.s32 s4;
	_ =	sdelay $0x1  }
0xa1: {  	s23 =	simm.s32 $0x1B8B  }
0xa2: {  	_ =	swait.ge [sflag:s23], $0x1  }
0xa3: {  	[sflag:s23] =	ssyncset.done $0x0  }
0xa4: {  	s25 =	simm.s32 $0x1B8E;
	s24 =	sld [smem:$0x3FFE];
	[sflag:s23] =	ssyncadd.s32 $0xFFFFFFFF  }
0xa5: {  	s26 =	simm.s32 $execute0_lowered;
	[smem:$0x3FD2] =	sst s25  }
0xa6: {  	s5 =	sshll.u32 s26, $0x1;
	_ =	strace $0x80000046;
	[dreg:$0x1] =	wrdreg $0xFFFFFFFF  }
0xa7: {  	s28 =	simm.s32 $_size_execute0_lowered;
	s3 =	sadd.s32 s3, s5;
	[dreg:$0x0] =	wrdreg $0x0  }
0xa8: {  	s5 =	sshll.u32 s28, $0x1;
	[dreg:$0x2] =	wrdreg s3  }
0xa9: {  	[dreg:$0x3] =	wrdreg s5  }
0xaa: {  	[dreg:$0x4] =	wrdreg $0xC0  }
0xab: {  	_ =	task [dreg:s7], $0x5FFFF  }
0xac: {  	[dreg:$0x1] =	wrdreg $0xFFFFFFFF  }
0xad: {  	[dreg:$0x0] =	wrdreg $0x60  }
0xae: {  	[dreg:$0x2] =	wrdreg s24  }
0xaf: {  	[dreg:$0x3] =	wrdreg s2  }
0xb0: {  	[dreg:$0x4] =	wrdreg $0x9  }
0xb1: {  	_ =	task.clear_ibuf [dreg:s7], $0x5FFFF;
	_ =	strace $0x90000046  }
0xb2: {  	s29 =	simm.s32 $0x9;
	_ =	strace $0x80000048  }
0xb3: {  	_ =	swait.ge [sflag:s29], $0x1  }
0xb4: {  	[sflag:s29] =	ssyncadd.s32 $0xFFFFFFFF  }
0xb5: {  	_ =	strace $0x90000048  }
0xb6: {  	_ =	sfence  }
0xb7: {  	s30 =	sld [smem:$0x0];
	_ =	sdelay $0x2  }
0xb8: {  	s31 =	sshll.u32 s1, $0xD;
	s1 =	sshrl.u32 s1, $0x2  }
0xb9: {  	s3 =	sand.u32 $0x4000, s31;
	s1 =	sadd.s32 s1, s30  }
0xba: {  	s0 =	sor.u32 s3, s0;
	s1 =	sshll.u32 s1, $0x11  }
0xbb: {  	s0 =	sor.u32 s1, s0  }
0xbc: {  	s0 =	sadd.s32 $0x8F2B, s0  }
0xbd: {  	[sflag:s0] =	ssyncadd.remote.s32 $0x1  }
0xbe: {  	_ =	sfence.sel $0xFFFF  }
0xbf: {  	[dreg:$0x0] =	wrdreg $0xFFFFFFFF;
	(pc) =	sbr.abs _section_cstart, $3  }
0xc0: {  	[dreg:$0x1] =	wrdreg $0xFFFFFFFF  }
0xc1: {  	_ =	task.clear_ibuf [dreg:s7], $0x2FFFF;
	_ =	strace $0x9FFFFFFF  }
0xc2: {  	(tm) =	ssettm $0x7FFFFFFF  }
0xc3: {  	_ =	shalt  }
tec
execute0_lowered:
.L_overlay_start_1:
0x0: {  	(tag) =	ssettag $0x1  }
0x1: {  	s0 =	rddreg [dreg:$0x0]  }
0x2: {  	s1 =	rddreg [dreg:$0x1];
	s2 =	simm.s32 $0x0;
	s3 =	srdreg.scid  }
0x3: {  	s7 =	stileid.u32;
	s11 =	simm.s32 $0xE000;
	s12 =	simm.s32 $0x80  }
0x4: {  	s13 =	simm.s32 $0x400;
	s16 =	simm.s32 $0x3;
	s17 =	simm.s32 $0x4  }
0x5: {  	s25 =	simm.s32 $0x1;
	[smem:$0x7FF] =	sst s2;
	s4 =	sadd.s32 $0x1400, s0  }
0x6: {  	s3 =	sand.u32 $0x1, s3;
	s6 =	sshll.u32 s7, $0x1;
	s8 =	smul.u32 $0xE0, s7  }
0x7: {  	v0 =	vlaneseq.u32;
	v1 =	vimm.f32 $0.0e+00;
	v13 =	vimm.s32 $0x0;
	_ =	strace $0x80000047;
	s5 =	ssub.s32 $0x2, s3;
	s9 =	sor.u32 s3, s6  }
0x8: {  	v2 =	vor.u32 $0x10, v0;
	v3 =	vor.u32 $0x20, v0;
	v4 =	vor.u32 $0x30, v0;
	s3 =	smul.u32 $0x70, s3;
	s6 =	sadd.s32 $0x4AC00, s0;
	s26 =	sshrl.u32 s5, $0x1  }
0x9: {  	v5 =	vor.u32 $0x40, v0;
	v6 =	vor.u32 $0x50, v0;
	v7 =	vor.u32 $0x60, v0;
	s29 =	sshll.u32 s9, $0x7;
	[dreg:$0x3] =	wrdreg s9;
	s31 =	sor.u32 $0x20, s9  }
0xa: {  	v8 =	vor.u32 $0x70, v0;
	v9 =	vor.u32 $0x400, v0;
	v10 =	vor.u32 $0x410, v0;
	s28 =	ssub.s32 s5, s26;
	s30 =	sadd.s32 s3, s8;
	[dreg:$0x6] =	wrdreg s31  }
0xb: {  	v11 =	vor.u32 $0x420, v0;
	v12 =	vor.u32 $0x430, v0;
	v14 =	vor.u32 $0x80, v0;
	s7 =	sand.u32 $0x380, s29;
	s0 =	smax.u32 s28, $0x1;
	[dreg:$0x5] =	wrdreg s30  }
0xc: {  	v15 =	vor.u32 $0x90, v0;
	v16 =	vor.u32 $0xA0, v0;
	v17 =	vor.u32 $0xB0, v0;
	s26 =	simm.s32 $0x2;
	s3 =	simm.s32 $0x0;
	[dreg:$0x4] =	wrdreg s0  }
.LBB2_1:
0xd: {  	s0 =	simm.s32 $0x1  }
0xe: {  	v18 =	vmov s0  }
0xf: {  	v19 =	vshll.u32 v18, $0x8;
	v18 =	vshll.u32 v18, $0x7  }
0x10: {  	v19 =	vand.u32 $0xF800, v19;
	v18 =	vand.u32 $0x380, v18  }
0x11: {  	v18 =	vor.u32 v18, v19  }
0x12: {  	v19 =	vor.u32 v0, v18  }
0x13: {  	v24 =	vor.u32 v2, v18  }
0x14: {  	v23 =	vor.u32 v3, v18  }
0x15: {  	v22 =	vor.u32 v4, v18  }
0x16: {  	[dreg:$0x7] =	wrdreg s3;
	v21 =	vor.u32 v5, v18  }
0x17: {  	v20 =	vor.u32 v6, v18;
	[tilespmem:v19+s2+$0x0] =	vst.idx.msk $0xffff, v1  }
0x18: {  	s29 =	simm.s32 $0x0;
	s3 =	simm.s32 $0x0;
	s0 =	simm.s32 $0x2;
	v19 =	vor.u32 v7, v18;
	[tilespmem:v24+s2+$0x0] =	vst.idx.msk $0xffff, v1  }
.LBB2_2:
0x19: {  	p0 =	slt.u32 s0, $0xDE;
	[tilespmem:v23+s29+$0x0] =	vst.idx.msk $0xffff, v1;
	v23 =	vor.u32 v8, v18  }
0x1a: {  	v24 =	vmov s3;
	s3 =	smov.u32 s0;
	[tilespmem:v22+s29+$0x0] =	vst.idx.msk $0xffff, v1;
	v22 =	vor.u32 v9, v18  }
0x1b: {  	v25 =	vshll.u32 v24, $0x8;
	v24 =	vshll.u32 v24, $0x7;
	[tilespmem:v21+s29+$0x0] =	vst.idx.msk $0xffff, v1;
	v21 =	vor.u32 v10, v18  }
0x1c: {  	v25 =	vand.u32 $0xF800, v25;
	v24 =	vand.u32 $0x300, v24;
	[tilespmem:v20+s29+$0x0] =	vst.idx.msk $0xffff, v1;
	v20 =	vor.u32 v11, v18  }
0x1d: {  	v24 =	vor.u32 v24, v25;
	v18 =	vor.u32 v12, v18;
	[tilespmem:v19+s29+$0x0] =	vst.idx.msk $0xffff, v1  }
0x1e: {  	v19 =	vor.u32 v0, v24;
	[tilespmem:v23+s29+$0x0] =	vst.idx.msk $0xffff, v1  }
0x1f: {  	v23 =	vor.u32 v2, v24;
	[tilespmem:v22+s29+$0x0] =	vst.idx.msk $0xffff, v1  }
0x20: {  	v22 =	vor.u32 v3, v24;
	[tilespmem:v21+s29+$0x0] =	vst.idx.msk $0xffff, v1  }
0x21: {  	v21 =	vor.u32 v4, v24;
	[tilespmem:v20+s29+$0x0] =	vst.idx.msk $0xffff, v1  }
0x22: {  	v20 =	vor.u32 v5, v24;
	[tilespmem:v18+s29+$0x0] =	vst.idx.msk $0xffff, v1  }
0x23: {  	v18 =	vor.u32 v6, v24;
	[tilespmem:v19+s29+$0x0] =	vst.idx.msk $0xffff, v1  }
0x24: {  	v19 =	vor.u32 v7, v24;
	[tilespmem:v23+s29+$0x0] =	vst.idx.msk $0xffff, v1  }
0x25: {  	s5 =	sadd.s32 $0x1, s0;
	[tilespmem:v22+s29+$0x0] =	vst.idx.msk $0xffff, v1;
	v22 =	vor.u32 v8, v24  }
0x26: {  	v23 =	vmov s5;
	[tilespmem:v21+s29+$0x0] =	vst.idx.msk $0xffff, v1;
	v21 =	vor.u32 v9, v24  }
0x27: {  	v25 =	vshll.u32 v23, $0x8;
	v23 =	vshll.u32 v23, $0x7;
	[tilespmem:v20+s29+$0x0] =	vst.idx.msk $0xffff, v1;
	v20 =	vor.u32 v10, v24  }
0x28: {  	v26 =	vor.u32 v11, v24;
	v25 =	vand.u32 $0xF800, v25;
	v23 =	vand.u32 $0x380, v23;
	[tilespmem:v18+s29+$0x0] =	vst.idx.msk $0xffff, v1  }
0x29: {  	v18 =	vor.u32 v23, v25;
	[tilespmem:v19+s29+$0x0] =	vst.idx.msk $0xffff, v1;
	v19 =	vor.u32 v12, v24  }
0x2a: {  	v24 =	vor.u32 v0, v18;
	[tilespmem:v22+s29+$0x0] =	vst.idx.msk $0xffff, v1  }
0x2b: {  	v25 =	vor.u32 v2, v18;
	[tilespmem:v21+s29+$0x0] =	vst.idx.msk $0xffff, v1  }
.Ltmp0:
0x2c: {  	v23 =	vor.u32 v3, v18;
	[tilespmem:v20+s29+$0x0] =	vst.idx.msk $0xffff, v1;
	(pc) =	sbr.rel @p0 .LBB2_2-.Ltmp0, $4  }
0x2d: {  	v22 =	vor.u32 v4, v18;
	[tilespmem:v26+s29+$0x0] =	vst.idx.msk $0xffff, v1  }
0x2e: {  	v21 =	vor.u32 v5, v18;
	[tilespmem:v19+s29+$0x0] =	vst.idx.msk $0xffff, v1;
	s29 =	simm.s32 $0x0  }
0x2f: {  	v20 =	vor.u32 v6, v18;
	[tilespmem:v24+s29+$0x0] =	vst.idx.msk $0xffff, v1  }
0x30: {  	s0 =	sadd.s32 $0x2, s0;
	v19 =	vor.u32 v7, v18;
	[tilespmem:v25+s29+$0x0] =	vst.idx.msk $0xffff, v1  }
0x31: {  	_ =	sdelay $0x3  }
0x32: {  	[tilespmem:v23+s29+$0x0] =	vst.idx.msk $0xffff, v1;
	v23 =	vor.u32 v8, v18  }
0x33: {  	v24 =	vmov s3;
	[tilespmem:v22+s29+$0x0] =	vst.idx.msk $0xffff, v1;
	v22 =	vor.u32 v9, v18  }
0x34: {  	v25 =	vshll.u32 v24, $0x8;
	v24 =	vshll.u32 v24, $0x7;
	[tilespmem:v21+s29+$0x0] =	vst.idx.msk $0xffff, v1;
	v21 =	vor.u32 v10, v18  }
0x35: {  	v25 =	vand.u32 $0xF800, v25;
	v24 =	vand.u32 $0x300, v24;
	[tilespmem:v20+s29+$0x0] =	vst.idx.msk $0xffff, v1;
	v20 =	vor.u32 v11, v18  }
0x36: {  	v24 =	vor.u32 v24, v25;
	v18 =	vor.u32 v12, v18;
	[tilespmem:v19+s29+$0x0] =	vst.idx.msk $0xffff, v1  }
0x37: {  	v19 =	vor.u32 v0, v24;
	[tilespmem:v23+s29+$0x0] =	vst.idx.msk $0xffff, v1  }
0x38: {  	v23 =	vor.u32 v2, v24;
	[tilespmem:v22+s29+$0x0] =	vst.idx.msk $0xffff, v1  }
0x39: {  	v22 =	vor.u32 v3, v24;
	[tilespmem:v21+s29+$0x0] =	vst.idx.msk $0xffff, v1  }
0x3a: {  	v21 =	vor.u32 v4, v24;
	[tilespmem:v20+s29+$0x0] =	vst.idx.msk $0xffff, v1  }
0x3b: {  	v20 =	vor.u32 v5, v24;
	[tilespmem:v18+s29+$0x0] =	vst.idx.msk $0xffff, v1  }
0x3c: {  	[tilespmem:v19+s29+$0x0] =	vst.idx.msk $0xffff, v1;
	v18 =	vor.u32 v6, v24  }
0x3d: {  	v19 =	vor.u32 v7, v24;
	[tilespmem:v23+s29+$0x0] =	vst.idx.msk $0xffff, v1  }
0x3e: {  	[tilespmem:v22+s29+$0x0] =	vst.idx.msk $0xffff, v1;
	v22 =	vor.u32 v8, v24  }
0x3f: {  	v23 =	vmov s29;
	[tilespmem:v21+s29+$0x0] =	vst.idx.msk $0xffff, v1;
	v21 =	vor.u32 v9, v24  }
0x40: {  	v60 =	vshll.u32 v23, $0x8;
	v23 =	vshll.u32 v23, $0x7;
	[tilespmem:v20+s29+$0x0] =	vst.idx.msk $0xffff, v1;
	v20 =	vor.u32 v10, v24  }
0x41: {  	v25 =	vand.u32 $0xF800, v60;
	v23 =	vand.u32 $0x300, v23;
	[tilespmem:v18+s29+$0x0] =	vst.idx.msk $0xffff, v1;
	v18 =	vor.u32 v11, v24  }
0x42: {  	v23 =	vor.u32 v23, v25;
	[tilespmem:v19+s29+$0x0] =	vst.idx.msk $0xffff, v1;
	v19 =	vor.u32 v12, v24  }
0x43: {  	[tilespmem:v22+s29+$0x0] =	vst.idx.msk $0xffff, v1;
	v22 =	vor.u32 v0, v23  }
0x44: {  	[tilespmem:v21+s29+$0x0] =	vst.idx.msk $0xffff, v1;
	v21 =	vor.u32 v2, v23  }
0x45: {  	[tilespmem:v20+s29+$0x0] =	vst.idx.msk $0xffff, v1;
	v20 =	vor.u32 v3, v23  }
0x46: {  	[tilespmem:v18+s29+$0x0] =	vst.idx.msk $0xffff, v1;
	v18 =	vor.u32 v4, v23  }
0x47: {  	[tilespmem:v19+s29+$0x0] =	vst.idx.msk $0xffff, v1;
	v19 =	vor.u32 v5, v23  }
0x48: {  	[tilespmem:v22+s11+$0x0] =	vst.idx.msk $0xffff, v1;
	v22 =	vor.u32 v6, v23  }
0x49: {  	[tilespmem:v21+s11+$0x0] =	vst.idx.msk $0xffff, v1;
	v21 =	vor.u32 v7, v23  }
0x4a: {  	s0 =	simm.s32 $0x1;
	[tilespmem:v20+s11+$0x0] =	vst.idx.msk $0xffff, v1;
	v20 =	vor.u32 v8, v23  }
0x4b: {  	v61 =	vor.u32 v9, v23;
	[tilespmem:v18+s11+$0x0] =	vst.idx.msk $0xffff, v1;
	v18 =	vmov s0  }
0x4c: {  	[tilespmem:v19+s11+$0x0] =	vst.idx.msk $0xffff, v1;
	v19 =	vor.u32 v10, v23;
	v62 =	vshll.u32 v18, $0x8;
	v18 =	vshll.u32 v18, $0x7  }
0x4d: {  	[tilespmem:v22+s11+$0x0] =	vst.idx.msk $0xffff, v1;
	v22 =	vor.u32 v11, v23;
	v25 =	vand.u32 $0xF800, v62;
	v18 =	vand.u32 $0x380, v18  }
0x4e: {  	[tilespmem:v21+s11+$0x0] =	vst.idx.msk $0xffff, v1;
	v21 =	vor.u32 v12, v23;
	v18 =	vor.u32 v18, v25  }
0x4f: {  	[tilespmem:v20+s11+$0x0] =	vst.idx.msk $0xffff, v1;
	v20 =	vor.u32 v0, v18  }
0x50: {  	v63 =	vor.u32 v2, v18;
	[tilespmem:v61+s11+$0x0] =	vst.idx.msk $0xffff, v1  }
0x51: {  	v23 =	vor.u32 v3, v18;
	[tilespmem:v19+s11+$0x0] =	vst.idx.msk $0xffff, v1  }
0x52: {  	[tilespmem:v22+s11+$0x0] =	vst.idx.msk $0xffff, v1;
	v22 =	vor.u32 v4, v18  }
0x53: {  	[tilespmem:v21+s11+$0x0] =	vst.idx.msk $0xffff, v1;
	v21 =	vor.u32 v5, v18  }
0x54: {  	[tilespmem:v20+s11+$0x0] =	vst.idx.msk $0xffff, v1;
	v20 =	vor.u32 v6, v18  }
0x55: {  	s0 =	simm.s32 $0x2;
	v19 =	vor.u32 v7, v18;
	[tilespmem:v63+s11+$0x0] =	vst.idx.msk $0xffff, v1  }
.LBB2_4:
0x56: {  	p0 =	slt.u32 s0, $0xDE;
	[tilespmem:v23+s11+$0x0] =	vst.idx.msk $0xffff, v1;
	v23 =	vor.u32 v8, v18  }
0x57: {  	v24 =	vmov s0;
	[tilespmem:v22+s11+$0x0] =	vst.idx.msk $0xffff, v1;
	v22 =	vor.u32 v9, v18  }
0x58: {  	v25 =	vshll.u32 v24, $0x8;
	v24 =	vshll.u32 v24, $0x7;
	[tilespmem:v21+s11+$0x0] =	vst.idx.msk $0xffff, v1;
	v21 =	vor.u32 v10, v18  }
0x59: {  	v25 =	vand.u32 $0xF800, v25;
	v24 =	vand.u32 $0x300, v24;
	[tilespmem:v20+s11+$0x0] =	vst.idx.msk $0xffff, v1;
	v20 =	vor.u32 v11, v18  }
0x5a: {  	v24 =	vor.u32 v24, v25;
	v18 =	vor.u32 v12, v18;
	[tilespmem:v19+s11+$0x0] =	vst.idx.msk $0xffff, v1  }
0x5b: {  	v19 =	vor.u32 v0, v24;
	[tilespmem:v23+s11+$0x0] =	vst.idx.msk $0xffff, v1  }
0x5c: {  	v23 =	vor.u32 v2, v24;
	[tilespmem:v22+s11+$0x0] =	vst.idx.msk $0xffff, v1  }
0x5d: {  	v22 =	vor.u32 v3, v24;
	[tilespmem:v21+s11+$0x0] =	vst.idx.msk $0xffff, v1  }
0x5e: {  	v21 =	vor.u32 v4, v24;
	[tilespmem:v20+s11+$0x0] =	vst.idx.msk $0xffff, v1  }
0x5f: {  	v20 =	vor.u32 v5, v24;
	[tilespmem:v18+s11+$0x0] =	vst.idx.msk $0xffff, v1  }
0x60: {  	v18 =	vor.u32 v6, v24;
	[tilespmem:v19+s11+$0x0] =	vst.idx.msk $0xffff, v1  }
0x61: {  	v19 =	vor.u32 v7, v24;
	[tilespmem:v23+s11+$0x0] =	vst.idx.msk $0xffff, v1  }
0x62: {  	s3 =	sadd.s32 $0x1, s0;
	[tilespmem:v22+s11+$0x0] =	vst.idx.msk $0xffff, v1;
	v22 =	vor.u32 v8, v24  }
0x63: {  	v23 =	vmov s3;
	[tilespmem:v21+s11+$0x0] =	vst.idx.msk $0xffff, v1;
	v21 =	vor.u32 v9, v24  }
0x64: {  	v25 =	vshll.u32 v23, $0x8;
	v23 =	vshll.u32 v23, $0x7;
	[tilespmem:v20+s11+$0x0] =	vst.idx.msk $0xffff, v1;
	v20 =	vor.u32 v10, v24  }
0x65: {  	v26 =	vor.u32 v11, v24;
	v23 =	vand.u32 $0x380, v23;
	[tilespmem:v18+s11+$0x0] =	vst.idx.msk $0xffff, v1;
	v18 =	vand.u32 $0xF800, v25  }
0x66: {  	[tilespmem:v19+s11+$0x0] =	vst.idx.msk $0xffff, v1;
	v19 =	vor.u32 v12, v24;
	v18 =	vor.u32 v23, v18  }
0x67: {  	[tilespmem:v22+s11+$0x0] =	vst.idx.msk $0xffff, v1;
	v24 =	vor.u32 v0, v18  }
0x68: {  	v25 =	vor.u32 v2, v18;
	[tilespmem:v21+s11+$0x0] =	vst.idx.msk $0xffff, v1  }
.Ltmp1:
0x69: {  	v23 =	vor.u32 v3, v18;
	[tilespmem:v20+s11+$0x0] =	vst.idx.msk $0xffff, v1;
	(pc) =	sbr.rel @p0 .LBB2_4-.Ltmp1, $4  }
0x6a: {  	v22 =	vor.u32 v4, v18;
	[tilespmem:v26+s11+$0x0] =	vst.idx.msk $0xffff, v1  }
0x6b: {  	v21 =	vor.u32 v5, v18;
	[tilespmem:v19+s11+$0x0] =	vst.idx.msk $0xffff, v1  }
0x6c: {  	v20 =	vor.u32 v6, v18;
	[tilespmem:v24+s11+$0x0] =	vst.idx.msk $0xffff, v1  }
0x6d: {  	s0 =	sadd.s32 $0x2, s0;
	v19 =	vor.u32 v7, v18;
	[tilespmem:v25+s11+$0x0] =	vst.idx.msk $0xffff, v1  }
0x6e: {  	_ =	sdelay $0x3  }
0x6f: {  	[tilespmem:v23+s11+$0x0] =	vst.idx.msk $0xffff, v1;
	v60 =	vor.u32 v8, v18  }
0x70: {  	v61 =	vor.u32 v9, v18;
	[tilespmem:v22+s11+$0x0] =	vst.idx.msk $0xffff, v1  }
0x71: {  	v62 =	vor.u32 v10, v18;
	[tilespmem:v21+s11+$0x0] =	vst.idx.msk $0xffff, v1  }
0x72: {  	v63 =	vor.u32 v11, v18;
	[tilespmem:v20+s11+$0x0] =	vst.idx.msk $0xffff, v1  }
0x73: {  	v18 =	vor.u32 v12, v18;
	[tilespmem:v19+s11+$0x0] =	vst.idx.msk $0xffff, v1  }
0x74: {  	[tilespmem:v60+s11+$0x0] =	vst.idx.msk $0xffff, v1  }
0x75: {  	[tilespmem:v61+s11+$0x0] =	vst.idx.msk $0xffff, v1  }
0x76: {  	[tilespmem:v62+s11+$0x0] =	vst.idx.msk $0xffff, v1  }
0x77: {  	[tilespmem:v63+s11+$0x0] =	vst.idx.msk $0xffff, v1  }
0x78: {  	[tilespmem:v18+s11+$0x0] =	vst.idx.msk $0xffff, v1  }
0x79: {  	s30 =	rddreg [dreg:$0x6]  }
0x7a: {  	s31 =	rddreg [dreg:$0x5]  }
.LBB2_6:
0x7b: {  	s0 =	sshll.u32 s29, $0x6;
	s3 =	rddreg [dreg:$0x3]  }
0x7c: {  	s0 =	sor.u32 s3, s0  }
0x7d: {  	s3 =	sshrl.u32 s0, $0x3  }
0x7e: {  	p0 =	seq.s32 s29, $0x0;
	s3 =	smul.u32 $0xA800, s3  }
.Ltmp2:
0x7f: {  	_ = 	snop;
	(pc) =	sbr.rel @p0 .LBB2_10-.Ltmp2, $4  }
0x80: {  	s3 =	sor.u32 s7, s3  }
0x81: {  	s3 =	sshrl.u32 s3, $0x3  }
0x82: {  	s8 =	simm.s32 $0x1EA00;
	s5 =	sadd.s32 s4, s3  }
0x83: {  	[tilespmem:s8], [sflag:$0x4] =	stream.strided.gather [hbm4b:s5+s12], $0x1500, s13, s12, $0x38;
	[tilespmem:$0x1FF00] =	vst v63  }
0x84: {  	_ =	swait.ge [sflag:s25], $0x3800  }
0x85: {  	[sflag:s25] =	ssyncset.done $0x0  }
0x86: {  	[sflag:s25] =	ssyncadd.s32 $0xFFFFC800  }
0x87: {  	_ =	swait.ge [sflag:s25], $0x3800  }
0x88: {  	[sflag:s25] =	ssyncset.done $0x0  }
0x89: {  	[sflag:s25] =	ssyncadd.s32 $0xFFFFC800  }
0x8a: {  	_ =	swait.ge [sflag:s25], $0x3800  }
0x8b: {  	[sflag:s25] =	ssyncset.done $0x0  }
0x8c: {  	[sflag:s25] =	ssyncadd.s32 $0xFFFFC800  }
0x8d: {  	_ =	swait.ge [sflag:s25], $0x3800  }
0x8e: {  	[sflag:s25] =	ssyncset.done $0x0  }
0x8f: {  	s5 =	simm.s32 $0x1C040;
	[sflag:s25] =	ssyncadd.s32 $0xFFFFC800  }
0x90: {  	v18 =	vld [tilespmem:s5+$0x30]  }
0x91: {  	v22 =	vld [tilespmem:s5+$0xFFFFFFD0]  }
0x92: {  	v23 =	vld [tilespmem:s5+$0xFFFFFFE0]  }
0x93: {  	v24 =	vld [tilespmem:s5+$0xFFFFFFF0]  }
0x94: {  	v28 =	vld [tilespmem:s5+$0xFFFFFFC0]  }
0x95: {  	v25 =	vld [tilespmem:s5+$0x0];
	_ =	sdelay $0x1  }
0x96: {  	v19 =	vshll.u32 v18, $0x3  }
0x97: {  	v26 =	vld [tilespmem:s5+$0x10];
	v20 =	vshrl.u32 v18, $0x1;
	v18 =	vand.u32 $0xFFFFF87F, v18;
	v21 =	vshll.u32 v22, $0x3  }
0x98: {  	v29 =	vshll.u32 v24, $0x3;
	v31 =	vshll.u32 v28, $0x3;
	v36 =	vand.u32 $0xFFFFF87F, v22  }
0x99: {  	v37 =	vand.u32 $0xFFFFF87F, v23;
	v38 =	vand.u32 $0xFFFFF87F, v24;
	v39 =	vand.u32 $0xFFFFF87F, v25  }
0x9a: {  	v27 =	vld [tilespmem:s5+$0x20];
	v19 =	vand.u32 $0x400, v19;
	v20 =	vand.u32 $0x380, v20;
	v32 =	vand.u32 $0x400, v21  }
0x9b: {  	v29 =	vand.u32 $0x400, v29;
	v21 =	vshrl.u32 v28, $0x1;
	v33 =	vand.u32 $0x400, v31  }
0x9c: {  	v28 =	vand.u32 $0xFFFFF87F, v28;
	v31 =	vand.u32 $0xFFFFF87F, v26;
	v18 =	vor.u32 v19, v18  }
0x9d: {  	v19 =	vshll.u32 v23, $0x3;
	v29 =	vor.u32 v29, v38;
	v30 =	vor.u32 v20, v18  }
0x9e: {  	v34 =	vand.u32 $0x400, v19;
	v18 =	vshll.u32 v25, $0x3;
	v19 =	vshrl.u32 v22, $0x1  }
0x9f: {  	v20 =	vshll.u32 v27, $0x3;
	v22 =	vshrl.u32 v23, $0x1;
	v23 =	vshrl.u32 v24, $0x1  }
0xa0: {  	v24 =	vshrl.u32 v25, $0x1;
	v25 =	vshrl.u32 v26, $0x1;
	v35 =	vand.u32 $0x400, v18  }
0xa1: {  	v18 =	vshll.u32 v26, $0x3;
	v20 =	vand.u32 $0x400, v20;
	v26 =	vshrl.u32 v27, $0x1  }
0xa2: {  	v18 =	vand.u32 $0x400, v18;
	[tilespmem:v30+s2+$0x0] =	vst.idx.msk $0xffff, v1;
	v30 =	vor.u32 v33, v28;
	v28 =	vor.u32 v32, v36  }
0xa3: {  	s8 =	simm.s32 $0x1C0C0;
	s5 =	simm.s32 $0x0;
	v33 =	vand.u32 $0xFFFFF87F, v27;
	v32 =	vor.u32 v34, v37;
	v27 =	vor.u32 v35, v39  }
.LBB2_8:
0xa4: {  	v34 =	vld [tilespmem:s8+$0x30];
	s5 =	sadd.s32 $0x80, s5;
	v21 =	vand.u32 $0x380, v21;
	v18 =	vor.u32 v18, v31;
	v20 =	vor.u32 v20, v33  }
0xa5: {  	v19 =	vand.u32 $0x380, v19;
	v22 =	vand.u32 $0x380, v22;
	v23 =	vand.u32 $0x380, v23;
	v31 =	vld [tilespmem:s8+$0xFFFFFFD0];
	p1 =	slt.u32 s5, $0x1480  }
0xa6: {  	v24 =	vand.u32 $0x380, v24;
	v25 =	vand.u32 $0x380, v25;
	v26 =	vand.u32 $0x380, v26;
	v33 =	vld [tilespmem:s8+$0xFFFFFFE0]  }
0xa7: {  	v21 =	vor.u32 v21, v30;
	v19 =	vor.u32 v19, v28;
	v22 =	vor.u32 v22, v32;
	v35 =	vld [tilespmem:s8+$0xFFFFFFF0]  }
0xa8: {  	v23 =	vor.u32 v23, v29;
	v24 =	vor.u32 v24, v27;
	v25 =	vor.u32 v25, v18;
	v28 =	vld [tilespmem:s8+$0x0]  }
0xa9: {  	v26 =	vor.u32 v26, v20;
	v27 =	vld [tilespmem:s8+$0x10];
	v18 =	vshll.u32 v34, $0x3  }
0xaa: {  	v20 =	vshrl.u32 v34, $0x1;
	v30 =	vand.u32 $0xFFFFF87F, v34;
	v29 =	vld [tilespmem:s8+$0x20];
	v18 =	vand.u32 $0x400, v18  }
0xab: {  	v34 =	vshll.u32 v31, $0x3;
	v20 =	vand.u32 $0x380, v20;
	v32 =	vld [tilespmem:s8+$0xFFFFFFC0];
	v18 =	vor.u32 v18, v30  }
0xac: {  	v30 =	vshll.u32 v33, $0x3;
	v36 =	vshll.u32 v35, $0x3;
	v37 =	vor.u32 v20, v18;
	[tilespmem:v21+s2+$0x0] =	vst.idx.msk $0xffff, v1  }
0xad: {  	v34 =	vand.u32 $0x400, v34;
	v38 =	vand.u32 $0x400, v30;
	v18 =	vshll.u32 v28, $0x3;
	[tilespmem:v19+s2+$0x0] =	vst.idx.msk $0xffff, v1  }
0xae: {  	v36 =	vand.u32 $0x400, v36;
	v39 =	vand.u32 $0x400, v18;
	v18 =	vshll.u32 v27, $0x3;
	[tilespmem:v22+s2+$0x0] =	vst.idx.msk $0xffff, v1  }
0xaf: {  	v19 =	vshrl.u32 v31, $0x1;
	v18 =	vand.u32 $0x400, v18;
	v20 =	vshll.u32 v29, $0x3;
	[tilespmem:v23+s2+$0x0] =	vst.idx.msk $0xffff, v1  }
0xb0: {  	v22 =	vshll.u32 v32, $0x3;
	v21 =	vshrl.u32 v32, $0x1;
	v20 =	vand.u32 $0x400, v20;
	[tilespmem:v24+s2+$0x0] =	vst.idx.msk $0xffff, v1  }
0xb1: {  	v40 =	vand.u32 $0xFFFFF87F, v31;
	v32 =	vand.u32 $0xFFFFF87F, v32;
	v30 =	vand.u32 $0x400, v22;
	[tilespmem:v37+s2+$0x0] =	vst.idx.msk $0xffff, v1  }
.Ltmp3:
0xb2: {  	v23 =	vshrl.u32 v35, $0x1;
	v22 =	vshrl.u32 v33, $0x1;
	v37 =	vand.u32 $0xFFFFF87F, v33;
	[tilespmem:v25+s2+$0x0] =	vst.idx.msk $0xffff, v1;
	(pc) =	sbr.rel @p1 .LBB2_8-.Ltmp3, $4  }
0xb3: {  	v41 =	vand.u32 $0xFFFFF87F, v28;
	v35 =	vand.u32 $0xFFFFF87F, v35;
	v24 =	vshrl.u32 v28, $0x1;
	[tilespmem:v26+s2+$0x0] =	vst.idx.msk $0xffff, v1  }
0xb4: {  	v31 =	vand.u32 $0xFFFFF87F, v27;
	v25 =	vshrl.u32 v27, $0x1;
	v26 =	vshrl.u32 v29, $0x1  }
0xb5: {  	v28 =	vor.u32 v34, v40;
	v33 =	vand.u32 $0xFFFFF87F, v29;
	v30 =	vor.u32 v30, v32  }
0xb6: {  	s8 =	sadd.s32 $0x80, s8;
	v32 =	vor.u32 v38, v37;
	v27 =	vor.u32 v39, v41;
	v29 =	vor.u32 v36, v35  }
0xb7: {  	v21 =	vand.u32 $0x380, v21  }
0xb8: {  	v19 =	vand.u32 $0x380, v19;
	v21 =	vor.u32 v21, v30  }
0xb9: {  	v22 =	vand.u32 $0x380, v22;
	v19 =	vor.u32 v19, v28  }
0xba: {  	v23 =	vand.u32 $0x380, v23;
	v22 =	vor.u32 v22, v32  }
0xbb: {  	v24 =	vand.u32 $0x380, v24;
	v23 =	vor.u32 v23, v29  }
0xbc: {  	v18 =	vor.u32 v18, v31;
	v25 =	vand.u32 $0x380, v25;
	v24 =	vor.u32 v24, v27  }
0xbd: {  	v20 =	vor.u32 v20, v33;
	v26 =	vand.u32 $0x380, v26;
	v18 =	vor.u32 v25, v18;
	[tilespmem:v21+s2+$0x0] =	vst.idx.msk $0xffff, v1  }
0xbe: {  	v20 =	vor.u32 v26, v20;
	[tilespmem:v19+s2+$0x0] =	vst.idx.msk $0xffff, v1  }
0xbf: {  	[tilespmem:v22+s2+$0x0] =	vst.idx.msk $0xffff, v1  }
0xc0: {  	[tilespmem:v23+s2+$0x0] =	vst.idx.msk $0xffff, v1  }
0xc1: {  	[tilespmem:v24+s2+$0x0] =	vst.idx.msk $0xffff, v1  }
0xc2: {  	[tilespmem:v18+s2+$0x0] =	vst.idx.msk $0xffff, v1  }
0xc3: {  	[tilespmem:v20+s2+$0x0] =	vst.idx.msk $0xffff, v1  }
.LBB2_10:
0xc4: {  	p1 =	sgt.u32 s29, $0x3;
	s5 =	simm.s32 $0xFFFFFF20  }
0xc5: {  	s5 =	simm.s32 @!p1 $0x0  }
0xc6: {  	s3 =	sadd.s32 s6, s3;
	s8 =	sadd.s32 s0, s5  }
0xc7: {  	s10 =	simm.s32 $0x1C000;
	s28 =	simm.s32 $0x0;
	s9 =	smul.u32 $0x24A, s8  }
0xc8: {  	[tilespmem:s10], [sflag:$0x3] =	stream.strided.gather [hbm4b:s3+s12], $0x1500, s13, s12, $0x38;
	[tilespmem:$0x1FF00] =	vst v63  }
0xc9: {  	s15 =	simm.s32 $0x240;
	_ =	swait.ge [sflag:s16], $0x1500;
	s3 =	sshra.s32 s9, $0xE  }
0xca: {  	s18 =	simm.s32 $0x1EB80;
	[sflag:s16] =	ssyncset.done $0x0;
	s9 =	smul.u32 $0x7FFFFFE4, s3  }
0xcb: {  	s19 =	simm.s32 $0x1C180;
	[sflag:s16] =	ssyncadd.s32 $0xFFFFEB00;
	s23 =	smul.u32 $0xC40, s3  }
0xcc: {  	s10 =	simm.s32 $0xFFFFFFFC;
	s5 =	smul.u32 $0x70, s5;
	_ =	swait.ge [sflag:s17], $0x1500  }
0xcd: {  	[sflag:s17] =	ssyncset.done $0x0;
	s8 =	sadd.s32 s8, s9;
	s24 =	sadd.s32 s23, s31  }
0xce: {  	[sflag:s17] =	ssyncadd.s32 $0xFFFFEB00;
	s8 =	sshll.u32 s8, $0x1;
	s9 =	sadd.s32 s5, s24  }
.LBB2_11:
0xcf: {  	v19 =	vld [tilespmem:s19+$0xFFFFFE80];
	_ =	sdelay $0x2  }
0xd0: {  	s5 =	sadd.s32 s28, s9  }
0xd1: {  	v18 =	vmov s5  }
0xd2: {  	v20 =	vsub.s32 v19, v18  }
0xd3: {  	vm0 =	vgt.s32 v20, $0xC3F  }
0xd4: {  	v20 =	vadd.s32 s28, v20;
	v21 =	vsel vm0, $0xFFF3C0, v13  }
0xd5: {  	v22 =	vsel vm0, $0x70, v13;
	v20 =	vadd.s32 v21, v20  }
0xd6: {  	v20 =	vadd.s32 v22, v20  }
0xd7: {  	v19 =	vshll.u32 v19, $0x7;
	v20 =	vshll.u32 v20, $0x8  }
0xd8: {  	v19 =	vand.u32 $0x380, v19;
	v58 =	vand.u32 $0xFFFFF800, v20  }
0xd9: {  	v19 =	vor.u32 v58, v19  }
0xda: {  	v59 =	vld [tilespmem:s18+$0xFFFFFE80];
	v19 =	vor.u32 v0, v19;
	_ =	sdelay $0x2  }
0xdb: {  	v20 =	vor.u32 v0, v20  }
0xdc: {  	[tilespmem:s19+$0xFFFFFE80] =	vst v20  }
0xdd: {  	[tilespmem:v19+s2+$0x0] =	vst.idx.msk $0xffff, v59  }
0xde: {  	v19 =	vld [tilespmem:s19+$0xFFFFFE90];
	_ =	sdelay $0x4  }
0xdf: {  	v60 =	vsub.s32 v19, v18  }
0xe0: {  	vm6 =	vgt.s32 v60, $0xC3F  }
0xe1: {  	v20 =	vadd.s32 s28, v60;
	v61 =	vsel vm6, $0xFFF3C0, v13  }
0xe2: {  	v62 =	vsel vm6, $0x70, v13;
	v20 =	vadd.s32 v61, v20  }
0xe3: {  	v20 =	vadd.s32 v62, v20  }
0xe4: {  	v19 =	vshll.u32 v19, $0x7;
	v20 =	vshll.u32 v20, $0x8  }
0xe5: {  	v19 =	vand.u32 $0x380, v19;
	v63 =	vand.u32 $0xFFFFF800, v20  }
0xe6: {  	v19 =	vor.u32 v63, v19  }
0xe7: {  	v24 =	vld [tilespmem:s18+$0xFFFFFE90];
	v19 =	vor.u32 v2, v19;
	_ =	sdelay $0x2  }
0xe8: {  	v20 =	vor.u32 v2, v20  }
0xe9: {  	[tilespmem:s19+$0xFFFFFE90] =	vst v20  }
0xea: {  	[tilespmem:v19+s2+$0x0] =	vst.idx.msk $0xffff, v24  }
0xeb: {  	v19 =	vld [tilespmem:s19+$0xFFFFFEA0];
	_ =	sdelay $0x4  }
0xec: {  	v25 =	vsub.s32 v19, v18  }
0xed: {  	vm7 =	vgt.s32 v25, $0xC3F  }
0xee: {  	v20 =	vadd.s32 s28, v25;
	v26 =	vsel vm7, $0xFFF3C0, v13  }
0xef: {  	v27 =	vsel vm7, $0x70, v13;
	v20 =	vadd.s32 v26, v20  }
0xf0: {  	v20 =	vadd.s32 v27, v20  }
0xf1: {  	v19 =	vshll.u32 v19, $0x7;
	v20 =	vshll.u32 v20, $0x8  }
0xf2: {  	v19 =	vand.u32 $0x380, v19;
	v28 =	vand.u32 $0xFFFFF800, v20  }
0xf3: {  	v19 =	vor.u32 v28, v19  }
0xf4: {  	v29 =	vld [tilespmem:s18+$0xFFFFFEA0];
	v19 =	vor.u32 v3, v19;
	_ =	sdelay $0x2  }
0xf5: {  	v20 =	vor.u32 v3, v20  }
0xf6: {  	[tilespmem:s19+$0xFFFFFEA0] =	vst v20  }
0xf7: {  	[tilespmem:v19+s2+$0x0] =	vst.idx.msk $0xffff, v29  }
0xf8: {  	v19 =	vld [tilespmem:s19+$0xFFFFFEB0];
	_ =	sdelay $0x4  }
0xf9: {  	v30 =	vsub.s32 v19, v18  }
0xfa: {  	vm8 =	vgt.s32 v30, $0xC3F  }
0xfb: {  	v20 =	vadd.s32 s28, v30;
	v31 =	vsel vm8, $0xFFF3C0, v13  }
0xfc: {  	v32 =	vsel vm8, $0x70, v13;
	v20 =	vadd.s32 v31, v20  }
0xfd: {  	v20 =	vadd.s32 v32, v20  }
0xfe: {  	v19 =	vshll.u32 v19, $0x7;
	v20 =	vshll.u32 v20, $0x8  }
0xff: {  	v19 =	vand.u32 $0x380, v19;
	v33 =	vand.u32 $0xFFFFF800, v20  }
0x100: {  	v19 =	vor.u32 v33, v19  }
0x101: {  	v34 =	vld [tilespmem:s18+$0xFFFFFEB0];
	v19 =	vor.u32 v4, v19;
	_ =	sdelay $0x2  }
0x102: {  	v20 =	vor.u32 v4, v20  }
0x103: {  	[tilespmem:s19+$0xFFFFFEB0] =	vst v20  }
0x104: {  	[tilespmem:v19+s2+$0x0] =	vst.idx.msk $0xffff, v34  }
0x105: {  	v19 =	vld [tilespmem:s19+$0xFFFFFEC0];
	_ =	sdelay $0x4  }
0x106: {  	v36 =	vld [tilespmem:s19+$0xFFFFFF40];
	v35 =	vsub.s32 v19, v18  }
0x107: {  	vm9 =	vgt.s32 v35, $0xC3F  }
0x108: {  	v20 =	vadd.s32 s28, v35;
	v37 =	vsel vm9, $0xFFF3C0, v13  }
0x109: {  	s14 =	sadd.s32 $0x2, s5;
	v23 =	vsel vm9, $0x70, v13;
	v20 =	vadd.s32 v37, v20  }
0x10a: {  	v22 =	vadd.s32 v23, v20;
	v20 =	vmov s14  }
0x10b: {  	v38 =	vld [tilespmem:s19+$0x0];
	v19 =	vshll.u32 v19, $0x7;
	v21 =	vsub.s32 v36, v20  }
0x10c: {  	v19 =	vand.u32 $0x380, v19;
	v22 =	vshll.u32 v22, $0x8;
	vm10 =	vgt.s32 v21, $0xC3F  }
0x10d: {  	s20 =	sadd.s32 $0x2, s28;
	v24 =	vand.u32 $0xFFFFF800, v22;
	v25 =	vsel vm10, $0xFFFFF3C0, v13;
	v26 =	vsel vm10, $0x70, v13  }
0x10e: {  	s24 =	sadd.s32 $0x4, s5;
	v19 =	vor.u32 v24, v19;
	v21 =	vadd.s32 v21, v25;
	v39 =	vadd.s32 s20, v26  }
0x10f: {  	v40 =	vor.u32 v5, v19;
	v19 =	vmov s24;
	v21 =	vadd.s32 v21, v39  }
0x110: {  	v41 =	vld [tilespmem:s19+$0xC0];
	v23 =	vsub.s32 v38, v19;
	v24 =	vshll.u32 v21, $0x8;
	v21 =	vshll.u32 v21, $0x7  }
0x111: {  	vm11 =	vgt.s32 v23, $0xC3F;
	v27 =	vand.u32 $0xFFFFF800, v24;
	v21 =	vand.u32 $0x380, v21  }
0x112: {  	s21 =	sadd.s32 $0x4, s28;
	v42 =	vsel vm11, $0xFFFFF3C0, v13;
	v28 =	vsel vm11, $0x70, v13;
	v21 =	vor.u32 v27, v21  }
0x113: {  	s5 =	sadd.s32 $0x6, s5;
	v29 =	vld [tilespmem:s18+$0xFFFFFF40];
	v43 =	vadd.s32 v23, v42;
	v44 =	vadd.s32 s21, v28;
	v30 =	vor.u32 v0, v21  }
0x114: {  	v24 =	vor.u32 v0, v24;
	v23 =	vadd.s32 v43, v44;
	v21 =	vmov s5  }
0x115: {  	v45 =	vshll.u32 v23, $0x8;
	v23 =	vshll.u32 v23, $0x7;
	v26 =	vsub.s32 v41, v21  }
0x116: {  	v46 =	vld [tilespmem:s18+$0xFFFFFEC0];
	v31 =	vand.u32 $0xFFFFF800, v45;
	v23 =	vand.u32 $0x380, v23;
	vm12 =	vgt.s32 v26, $0xC3F  }
0x117: {  	s23 =	sadd.s32 $0xFFFFFE80, s15;
	s22 =	sadd.s32 $0x6, s28;
	[tilespmem:s19+$0xFFFFFF40] =	vst v24;
	v23 =	vor.u32 v31, v23;
	v47 =	vsel vm12, $0xFFFFF3C0, v13;
	v48 =	vsel vm12, $0x70, v13  }
0x118: {  	v49 =	vld [tilespmem:s18+$0x0];
	s5 =	sor.u32 $0x50, s23;
	v23 =	vor.u32 v0, v23;
	v24 =	vadd.s32 v26, v47;
	v50 =	vadd.s32 s22, v48;
	[tilespmem:v30+s2+$0x0] =	vst.idx.msk $0xffff, v29  }
0x119: {  	v22 =	vor.u32 v5, v22;
	v24 =	vadd.s32 v24, v50;
	v30 =	vld [tilespmem:s5+$0x1C000]  }
0x11a: {  	[tilespmem:s19+$0xFFFFFEC0] =	vst v22;
	v51 =	vshll.u32 v24, $0x8;
	v24 =	vshll.u32 v24, $0x7  }
0x11b: {  	[tilespmem:v40+s2+$0x0] =	vst.idx.msk $0xffff, v46;
	v52 =	vor.u32 v0, v45;
	v53 =	vand.u32 $0xFFFFF800, v51;
	v24 =	vand.u32 $0x380, v24  }
0x11c: {  	v54 =	vld [tilespmem:s18+$0xC0];
	[tilespmem:s19+$0x0] =	vst v52;
	v24 =	vor.u32 v53, v24  }
0x11d: {  	v27 =	vld [tilespmem:s19+$0xFFFFFED0];
	[tilespmem:v23+s2+$0x0] =	vst.idx.msk $0xffff, v49;
	v24 =	vor.u32 v0, v24  }
0x11e: {  	v56 =	vld [tilespmem:s19+$0x10];
	v55 =	vsub.s32 v30, v20  }
0x11f: {  	vm13 =	vgt.s32 v55, $0xC3F  }
0x120: {  	v22 =	vor.u32 v0, v51;
	v57 =	vsel vm13, $0xFFFFF3C0, v13;
	v58 =	vsel vm13, $0x70, v13  }
0x121: {  	[tilespmem:s19+$0xC0] =	vst v22;
	v25 =	vadd.s32 v55, v57;
	v59 =	vadd.s32 s20, v58  }
0x122: {  	s14 =	sor.u32 $0x50, s15;
	v60 =	vsub.s32 v27, v18;
	[tilespmem:v24+s2+$0x0] =	vst.idx.msk $0xffff, v54;
	v25 =	vadd.s32 v25, v59  }
0x123: {  	v63 =	vsub.s32 v56, v19;
	v33 =	vld [tilespmem:s14+$0x1C000];
	v61 =	vshll.u32 v25, $0x8;
	v62 =	vshll.u32 v25, $0x7  }
0x124: {  	vm14 =	vgt.s32 v63, $0xC3F;
	v34 =	vand.u32 $0xFFFFF800, v61;
	v24 =	vand.u32 $0x380, v62  }
0x125: {  	v35 =	vsel vm14, $0xFFFFF3C0, v13;
	v36 =	vsel vm14, $0x70, v13;
	v24 =	vor.u32 v34, v24  }
0x126: {  	v37 =	vld [tilespmem:s5+$0x1EA00];
	v25 =	vadd.s32 v63, v35;
	v38 =	vadd.s32 s21, v36;
	v24 =	vor.u32 v2, v24  }
0x127: {  	vm15 =	vgt.s32 v60, $0xC3F;
	v23 =	vor.u32 v2, v61;
	v25 =	vadd.s32 v25, v38  }
0x128: {  	v28 =	vshll.u32 v25, $0x8;
	v25 =	vshll.u32 v25, $0x7;
	v26 =	vsub.s32 v33, v21  }
0x129: {  	v39 =	vand.u32 $0xFFFFF800, v28;
	v25 =	vand.u32 $0x380, v25;
	vm1 =	vgt.s32 v26, $0xC3F  }
0x12a: {  	[tilespmem:s5+$0x1C000] =	vst v23;
	v40 =	vor.u32 v39, v25;
	v41 =	vsel vm1, $0xFFFFF3C0, v13;
	v42 =	vsel vm1, $0x70, v13  }
0x12b: {  	s24 =	sor.u32 $0x60, s23;
	v43 =	vld [tilespmem:s18+$0x10];
	v23 =	vor.u32 v2, v40;
	v25 =	vadd.s32 v26, v41;
	v44 =	vadd.s32 s22, v42;
	[tilespmem:v24+s2+$0x0] =	vst.idx.msk $0xffff, v37  }
0x12c: {  	v45 =	vsel vm15, $0xFFF3C0, v13;
	v25 =	vadd.s32 v25, v44;
	v30 =	vld [tilespmem:s24+$0x1C000]  }
0x12d: {  	v22 =	vadd.s32 s28, v60;
	v26 =	vshll.u32 v25, $0x8;
	v25 =	vshll.u32 v25, $0x7  }
0x12e: {  	v28 =	vor.u32 v2, v28;
	v46 =	vand.u32 $0xFFFFF800, v26;
	v25 =	vand.u32 $0x380, v25  }
0x12f: {  	v32 =	vsel vm15, $0x70, v13;
	v22 =	vadd.s32 v45, v22;
	[tilespmem:s19+$0x10] =	vst v28;
	v25 =	vor.u32 v46, v25  }
0x130: {  	v22 =	vadd.s32 v32, v22;
	v47 =	vld [tilespmem:s14+$0x1EA00];
	[tilespmem:v23+s2+$0x0] =	vst.idx.msk $0xffff, v43;
	v48 =	vor.u32 v2, v25  }
0x131: {  	v27 =	vshll.u32 v27, $0x7;
	v22 =	vshll.u32 v22, $0x8;
	v50 =	vld [tilespmem:s19+$0x20];
	v49 =	vsub.s32 v30, v20  }
0x132: {  	v51 =	vor.u32 v6, v22;
	v22 =	vand.u32 $0xFFFFF800, v22;
	vm4 =	vgt.s32 v49, $0xC3F  }
0x133: {  	v26 =	vor.u32 v2, v26;
	v52 =	vsel vm4, $0xFFFFF3C0, v13;
	v53 =	vsel vm4, $0x70, v13  }
0x134: {  	v55 =	vand.u32 $0x380, v27;
	[tilespmem:s14+$0x1C000] =	vst v26;
	v25 =	vadd.s32 v49, v52;
	v54 =	vadd.s32 s20, v53  }
0x135: {  	v22 =	vor.u32 v22, v55;
	s14 =	sor.u32 $0x60, s15;
	[tilespmem:v48+s2+$0x0] =	vst.idx.msk $0xffff, v47;
	v25 =	vadd.s32 v25, v54  }
0x136: {  	v57 =	vsub.s32 v50, v19;
	v58 =	vld [tilespmem:s14+$0x1C000];
	v56 =	vshll.u32 v25, $0x8;
	v25 =	vshll.u32 v25, $0x7  }
0x137: {  	vm5 =	vgt.s32 v57, $0xC3F;
	v59 =	vand.u32 $0xFFFFF800, v56;
	v25 =	vand.u32 $0x380, v25  }
0x138: {  	v60 =	vsel vm5, $0xFFFFF3C0, v13;
	v61 =	vsel vm5, $0x70, v13;
	v25 =	vor.u32 v59, v25  }
0x139: {  	v63 =	vld [tilespmem:s24+$0x1EA00];
	v24 =	vadd.s32 v57, v60;
	v62 =	vadd.s32 s21, v61;
	v25 =	vor.u32 v3, v25  }
0x13a: {  	v22 =	vor.u32 v6, v22;
	v23 =	vor.u32 v3, v56;
	v24 =	vadd.s32 v24, v62  }
0x13b: {  	v27 =	vshll.u32 v24, $0x8;
	v26 =	vsub.s32 v58, v21;
	v24 =	vshll.u32 v24, $0x7  }
0x13c: {  	v36 =	vld [tilespmem:s18+$0xFFFFFED0];
	v37 =	vand.u32 $0xFFFFF800, v27;
	vm6 =	vgt.s32 v26, $0xC3F;
	v24 =	vand.u32 $0x380, v24  }
0x13d: {  	[tilespmem:s24+$0x1C000] =	vst v23;
	v38 =	vsel vm6, $0xFFFFF3C0, v13;
	v33 =	vsel vm6, $0x70, v13;
	v39 =	vor.u32 v37, v24  }
0x13e: {  	s23 =	sor.u32 $0x70, s23;
	v42 =	vld [tilespmem:s18+$0x20];
	v40 =	vadd.s32 v26, v38;
	v41 =	vadd.s32 s22, v33;
	v23 =	vor.u32 v3, v39;
	[tilespmem:v25+s2+$0x0] =	vst.idx.msk $0xffff, v63  }
0x13f: {  	v24 =	vadd.s32 v40, v41;
	v43 =	vld [tilespmem:s23+$0x1C000]  }
0x140: {  	[tilespmem:s19+$0xFFFFFED0] =	vst v51;
	v44 =	vshll.u32 v24, $0x8;
	v24 =	vshll.u32 v24, $0x7  }
0x141: {  	[tilespmem:v22+s2+$0x0] =	vst.idx.msk $0xffff, v36;
	v27 =	vor.u32 v3, v27;
	v45 =	vand.u32 $0xFFFFF800, v44;
	v24 =	vand.u32 $0x380, v24  }
0x142: {  	v46 =	vld [tilespmem:s19+$0xFFFFFEE0];
	[tilespmem:s19+$0x20] =	vst v27;
	v22 =	vor.u32 v45, v24  }
0x143: {  	v47 =	vld [tilespmem:s14+$0x1EA00];
	v22 =	vor.u32 v3, v22;
	[tilespmem:v23+s2+$0x0] =	vst.idx.msk $0xffff, v42  }
0x144: {  	v25 =	vld [tilespmem:s19+$0x30];
	v48 =	vsub.s32 v43, v20  }
0x145: {  	vm7 =	vgt.s32 v48, $0xC3F  }
0x146: {  	v49 =	vor.u32 v3, v44;
	v50 =	vsel vm7, $0xFFFFF3C0, v13;
	v51 =	vsel vm7, $0x70, v13  }
0x147: {  	v52 =	vsub.s32 v46, v18;
	[tilespmem:s14+$0x1C000] =	vst v49;
	v23 =	vadd.s32 v48, v50;
	v53 =	vadd.s32 s20, v51  }
0x148: {  	vm8 =	vgt.s32 v52, $0xC3F;
	s14 =	sor.u32 $0x70, s15;
	[tilespmem:v22+s2+$0x0] =	vst.idx.msk $0xffff, v47;
	v54 =	vadd.s32 v23, v53  }
0x149: {  	v55 =	vld [tilespmem:s14+$0x1C000];
	v25 =	vsub.s32 v25, v19;
	v56 =	vshll.u32 v54, $0x8;
	v22 =	vshll.u32 v54, $0x7  }
0x14a: {  	vm9 =	vgt.s32 v25, $0xC3F;
	v57 =	vand.u32 $0xFFFFF800, v56;
	v22 =	vand.u32 $0x380, v22  }
0x14b: {  	v58 =	vsel vm9, $0xFFFFF3C0, v13;
	v59 =	vsel vm9, $0x70, v13;
	v22 =	vor.u32 v57, v22  }
0x14c: {  	v60 =	vld [tilespmem:s23+$0x1EA00];
	v25 =	vadd.s32 v25, v58;
	v61 =	vadd.s32 s21, v59;
	v22 =	vor.u32 v4, v22  }
0x14d: {  	v37 =	vsel vm8, $0xFFF3C0, v13;
	v24 =	vor.u32 v4, v56;
	v25 =	vadd.s32 v25, v61  }
0x14e: {  	v23 =	vsub.s32 v55, v21;
	v27 =	vshll.u32 v25, $0x8;
	v25 =	vshll.u32 v25, $0x7  }
0x14f: {  	vm10 =	vgt.s32 v23, $0xC3F;
	v62 =	vand.u32 $0xFFFFF800, v27;
	v25 =	vand.u32 $0x380, v25  }
0x150: {  	[tilespmem:s23+$0x1C000] =	vst v24;
	v63 =	vsel vm10, $0xFFFFF3C0, v13;
	v36 =	vsel vm10, $0x70, v13;
	v25 =	vor.u32 v62, v25  }
0x151: {  	v38 =	vld [tilespmem:s18+$0x30];
	v25 =	vor.u32 v4, v25;
	v23 =	vadd.s32 v23, v63;
	v39 =	vadd.s32 s22, v36;
	[tilespmem:v22+s2+$0x0] =	vst.idx.msk $0xffff, v60  }
0x152: {  	v26 =	vadd.s32 s28, v52;
	v40 =	vsel vm8, $0x70, v13;
	v23 =	vadd.s32 v23, v39;
	v41 =	vld [tilespmem:s19+$0xFFFFFF80]  }
0x153: {  	v24 =	vadd.s32 v37, v26;
	v42 =	vshll.u32 v23, $0x8;
	v23 =	vshll.u32 v23, $0x7  }
0x154: {  	v27 =	vor.u32 v4, v27;
	v43 =	vand.u32 $0xFFFFF800, v42;
	v23 =	vand.u32 $0x380, v23  }
0x155: {  	v24 =	vadd.s32 v40, v24;
	[tilespmem:s19+$0x30] =	vst v27;
	v23 =	vor.u32 v43, v23  }
0x156: {  	v45 =	vld [tilespmem:s14+$0x1EA00];
	v24 =	vshll.u32 v24, $0x8;
	[tilespmem:v25+s2+$0x0] =	vst.idx.msk $0xffff, v38;
	v23 =	vor.u32 v4, v23  }
0x157: {  	v44 =	vshll.u32 v46, $0x7;
	v46 =	vand.u32 $0xFFFFF800, v24;
	v48 =	vld [tilespmem:s19+$0x40];
	v47 =	vsub.s32 v41, v20  }
0x158: {  	v24 =	vor.u32 v7, v24;
	v27 =	vand.u32 $0x380, v44;
	vm11 =	vgt.s32 v47, $0xC3F  }
0x159: {  	v26 =	vor.u32 v4, v42;
	v49 =	vsel vm11, $0xFFFFF3C0, v13;
	v50 =	vsel vm11, $0x70, v13  }
0x15a: {  	[tilespmem:s14+$0x1C000] =	vst v26;
	v25 =	vor.u32 v46, v27;
	v27 =	vadd.s32 v47, v49;
	v52 =	vadd.s32 s20, v50  }
0x15b: {  	v51 =	vld [tilespmem:s18+$0xFFFFFEE0];
	v25 =	vor.u32 v7, v25;
	[tilespmem:v23+s2+$0x0] =	vst.idx.msk $0xffff, v45;
	v53 =	vadd.s32 v27, v52  }
0x15c: {  	v56 =	vsub.s32 v48, v19;
	v57 =	vld [tilespmem:s19+$0x100];
	v54 =	vshll.u32 v53, $0x8;
	v55 =	vshll.u32 v53, $0x7  }
0x15d: {  	vm12 =	vgt.s32 v56, $0xC3F;
	v58 =	vand.u32 $0xFFFFF800, v54;
	v23 =	vand.u32 $0x380, v55  }
0x15e: {  	v59 =	vsel vm12, $0xFFFFF3C0, v13;
	v60 =	vsel vm12, $0x70, v13;
	v23 =	vor.u32 v58, v23  }
0x15f: {  	[tilespmem:s19+$0xFFFFFEE0] =	vst v24;
	v61 =	vld [tilespmem:s18+$0xFFFFFF80];
	v24 =	vadd.s32 v56, v59;
	v62 =	vadd.s32 s21, v60;
	v23 =	vor.u32 v5, v23  }
0x160: {  	[tilespmem:v25+s2+$0x0] =	vst.idx.msk $0xffff, v51;
	v22 =	vor.u32 v5, v54;
	v24 =	vadd.s32 v24, v62  }
0x161: {  	v63 =	vld [tilespmem:s19+$0xFFFFFEF0];
	v26 =	vshll.u32 v24, $0x8;
	v24 =	vshll.u32 v24, $0x7;
	v27 =	vsub.s32 v57, v21  }
0x162: {  	v32 =	vand.u32 $0xFFFFF800, v26;
	v24 =	vand.u32 $0x380, v24;
	vm13 =	vgt.s32 v27, $0xC3F  }
0x163: {  	[tilespmem:s19+$0xFFFFFF80] =	vst v22;
	v33 =	vor.u32 v32, v24;
	v34 =	vsel vm13, $0xFFFFF3C0, v13;
	v35 =	vsel vm13, $0x70, v13  }
0x164: {  	v36 =	vld [tilespmem:s18+$0x40];
	v22 =	vor.u32 v5, v33;
	v24 =	vadd.s32 v27, v34;
	v37 =	vadd.s32 s22, v35;
	[tilespmem:v23+s2+$0x0] =	vst.idx.msk $0xffff, v61  }
0x165: {  	v24 =	vadd.s32 v24, v37;
	v39 =	vld [tilespmem:s19+$0xFFFFFF90]  }
0x166: {  	v38 =	vsub.s32 v63, v18;
	v25 =	vshll.u32 v24, $0x8;
	v24 =	vshll.u32 v24, $0x7  }
0x167: {  	v26 =	vor.u32 v5, v26;
	v40 =	vand.u32 $0xFFFFF800, v25;
	v24 =	vand.u32 $0x380, v24  }
0x168: {  	vm14 =	vgt.s32 v38, $0xC3F;
	[tilespmem:s19+$0x40] =	vst v26;
	v24 =	vor.u32 v40, v24  }
0x169: {  	v43 =	vld [tilespmem:s18+$0x100];
	v41 =	vsel vm14, $0xFFF3C0, v13;
	v27 =	vadd.s32 s28, v38;
	[tilespmem:v22+s2+$0x0] =	vst.idx.msk $0xffff, v36;
	v44 =	vor.u32 v5, v24  }
0x16a: {  	v42 =	vsel vm14, $0x70, v13;
	v27 =	vadd.s32 v41, v27;
	v47 =	vld [tilespmem:s19+$0x50];
	v46 =	vsub.s32 v39, v20  }
0x16b: {  	v28 =	vshll.u32 v63, $0x7;
	v45 =	vadd.s32 v42, v27;
	vm15 =	vgt.s32 v46, $0xC3F  }
0x16c: {  	v25 =	vor.u32 v5, v25;
	v48 =	vsel vm15, $0xFFFFF3C0, v13;
	v49 =	vsel vm15, $0x70, v13  }
0x16d: {  	[tilespmem:s19+$0x100] =	vst v25;
	v24 =	vshll.u32 v45, $0x8;
	v26 =	vadd.s32 v46, v48;
	v50 =	vadd.s32 s20, v49  }
0x16e: {  	v28 =	vand.u32 $0x380, v28;
	v51 =	vand.u32 $0xFFFFF800, v24;
	[tilespmem:v44+s2+$0x0] =	vst.idx.msk $0xffff, v43;
	v26 =	vadd.s32 v26, v50  }
0x16f: {  	v54 =	vsub.s32 v47, v19;
	v55 =	vld [tilespmem:s19+$0x110];
	v53 =	vshll.u32 v26, $0x8;
	v26 =	vshll.u32 v26, $0x7  }
0x170: {  	vm4 =	vgt.s32 v54, $0xC3F;
	v56 =	vand.u32 $0xFFFFF800, v53;
	v26 =	vand.u32 $0x380, v26  }
0x171: {  	v57 =	vsel vm4, $0xFFFFF3C0, v13;
	v58 =	vsel vm4, $0x70, v13;
	v26 =	vor.u32 v56, v26  }
0x172: {  	v60 =	vld [tilespmem:s18+$0xFFFFFF90];
	v25 =	vadd.s32 v54, v57;
	v59 =	vadd.s32 s21, v58;
	v26 =	vor.u32 v6, v26  }
0x173: {  	v52 =	vor.u32 v51, v28;
	v23 =	vor.u32 v6, v53;
	v25 =	vadd.s32 v25, v59  }
0x174: {  	v28 =	vshll.u32 v25, $0x8;
	v27 =	vsub.s32 v55, v21;
	v25 =	vshll.u32 v25, $0x7  }
0x175: {  	v61 =	vand.u32 $0xFFFFF800, v28;
	vm5 =	vgt.s32 v27, $0xC3F;
	v25 =	vand.u32 $0x380, v25  }
0x176: {  	[tilespmem:s19+$0xFFFFFF90] =	vst v23;
	v63 =	vsel vm5, $0xFFFFF3C0, v13;
	v36 =	vsel vm5, $0x70, v13;
	v37 =	vor.u32 v61, v25  }
0x177: {  	v40 =	vld [tilespmem:s18+$0x50];
	v38 =	vadd.s32 v27, v63;
	v39 =	vadd.s32 s22, v36;
	v23 =	vor.u32 v6, v37;
	[tilespmem:v26+s2+$0x0] =	vst.idx.msk $0xffff, v60  }
0x178: {  	v24 =	vor.u32 v8, v24;
	v25 =	vadd.s32 v38, v39;
	v41 =	vld [tilespmem:s19+$0xFFFFFFA0]  }
0x179: {  	v22 =	vor.u32 v8, v52;
	v42 =	vshll.u32 v25, $0x8;
	v25 =	vshll.u32 v25, $0x7  }
0x17a: {  	v62 =	vld [tilespmem:s18+$0xFFFFFEF0];
	[tilespmem:s19+$0xFFFFFEF0] =	vst v24;
	v44 =	vor.u32 v6, v28;
	v43 =	vand.u32 $0xFFFFF800, v42;
	v25 =	vand.u32 $0x380, v25  }
0x17b: {  	[tilespmem:s19+$0x50] =	vst v44;
	v24 =	vor.u32 v43, v25  }
0x17c: {  	v45 =	vld [tilespmem:s18+$0x110];
	v24 =	vor.u32 v6, v24;
	[tilespmem:v23+s2+$0x0] =	vst.idx.msk $0xffff, v40  }
0x17d: {  	v26 =	vld [tilespmem:s19+$0x60];
	v47 =	vsub.s32 v41, v20  }
0x17e: {  	vm6 =	vgt.s32 v47, $0xC3F  }
0x17f: {  	[tilespmem:v22+s2+$0x0] =	vst.idx.msk $0xffff, v62;
	v48 =	vor.u32 v6, v42;
	v49 =	vsel vm6, $0xFFFFF3C0, v13;
	v50 =	vsel vm6, $0x70, v13  }
0x180: {  	[tilespmem:s19+$0x110] =	vst v48;
	v23 =	vadd.s32 v47, v49;
	v51 =	vadd.s32 s20, v50  }
0x181: {  	v46 =	vld [tilespmem:s19+$0xFFFFFF00];
	[tilespmem:v24+s2+$0x0] =	vst.idx.msk $0xffff, v45;
	v23 =	vadd.s32 v23, v51  }
0x182: {  	v24 =	vld [tilespmem:s19+$0x120];
	v26 =	vsub.s32 v26, v19;
	v27 =	vshll.u32 v23, $0x8;
	v23 =	vshll.u32 v23, $0x7  }
0x183: {  	vm7 =	vgt.s32 v26, $0xC3F;
	v53 =	vand.u32 $0xFFFFF800, v27;
	v23 =	vand.u32 $0x380, v23  }
0x184: {  	v54 =	vsel vm7, $0xFFFFF3C0, v13;
	v55 =	vsel vm7, $0x70, v13;
	v23 =	vor.u32 v53, v23  }
0x185: {  	v56 =	vld [tilespmem:s18+$0xFFFFFFA0];
	v26 =	vadd.s32 v26, v54;
	v57 =	vadd.s32 s21, v55;
	v23 =	vor.u32 v7, v23  }
0x186: {  	v52 =	vsub.s32 v46, v18;
	v27 =	vor.u32 v7, v27;
	v26 =	vadd.s32 v26, v57  }
0x187: {  	v24 =	vsub.s32 v24, v21;
	v28 =	vshll.u32 v26, $0x8;
	v26 =	vshll.u32 v26, $0x7  }
0x188: {  	vm8 =	vgt.s32 v24, $0xC3F;
	v58 =	vand.u32 $0xFFFFF800, v28;
	v26 =	vand.u32 $0x380, v26  }
0x189: {  	[tilespmem:s19+$0xFFFFFFA0] =	vst v27;
	v59 =	vsel vm8, $0xFFFFF3C0, v13;
	v60 =	vsel vm8, $0x70, v13;
	v26 =	vor.u32 v58, v26  }
0x18a: {  	v61 =	vld [tilespmem:s18+$0x60];
	v26 =	vor.u32 v7, v26;
	v24 =	vadd.s32 v24, v59;
	v27 =	vadd.s32 s22, v60;
	[tilespmem:v23+s2+$0x0] =	vst.idx.msk $0xffff, v56  }
0x18b: {  	vm9 =	vgt.s32 v52, $0xC3F;
	v22 =	vadd.s32 s28, v52;
	v24 =	vadd.s32 v24, v27;
	v30 =	vld [tilespmem:s19+$0xFFFFFFB0]  }
0x18c: {  	v62 =	vsel vm9, $0xFFF3C0, v13;
	v27 =	vshll.u32 v24, $0x8;
	v24 =	vshll.u32 v24, $0x7  }
0x18d: {  	v28 =	vor.u32 v7, v28;
	v63 =	vand.u32 $0xFFFFF800, v27;
	v24 =	vand.u32 $0x380, v24  }
0x18e: {  	v32 =	vsel vm9, $0x70, v13;
	v22 =	vadd.s32 v62, v22;
	[tilespmem:s19+$0x60] =	vst v28;
	v24 =	vor.u32 v63, v24  }
0x18f: {  	v22 =	vadd.s32 v32, v22;
	v25 =	vshll.u32 v46, $0x7;
	v33 =	vld [tilespmem:s18+$0x120];
	[tilespmem:v26+s2+$0x0] =	vst.idx.msk $0xffff, v61;
	v24 =	vor.u32 v7, v24  }
0x190: {  	v22 =	vshll.u32 v22, $0x8;
	v25 =	vand.u32 $0x380, v25;
	v35 =	vld [tilespmem:s19+$0x70];
	v34 =	vsub.s32 v30, v20  }
0x191: {  	v36 =	vand.u32 $0xFFFFF800, v22;
	v22 =	vor.u32 v14, v22;
	vm10 =	vgt.s32 v34, $0xC3F  }
0x192: {  	v27 =	vor.u32 v7, v27;
	v37 =	vsel vm10, $0xFFFFF3C0, v13;
	v38 =	vsel vm10, $0x70, v13  }
0x193: {  	v25 =	vor.u32 v36, v25;
	[tilespmem:s19+$0x120] =	vst v27;
	v26 =	vadd.s32 v34, v37;
	v39 =	vadd.s32 s20, v38  }
0x194: {  	v44 =	vld [tilespmem:s18+$0xFFFFFF00];
	v25 =	vor.u32 v9, v25;
	[tilespmem:v24+s2+$0x0] =	vst.idx.msk $0xffff, v33;
	v26 =	vadd.s32 v26, v39  }
0x195: {  	v42 =	vsub.s32 v35, v19;
	v43 =	vld [tilespmem:s19+$0x130];
	v40 =	vshll.u32 v26, $0x8;
	v41 =	vshll.u32 v26, $0x7  }
0x196: {  	vm11 =	vgt.s32 v42, $0xC3F;
	v45 =	vand.u32 $0xFFFFF800, v40;
	v24 =	vand.u32 $0x380, v41  }
0x197: {  	v46 =	vsel vm11, $0xFFFFF3C0, v13;
	v47 =	vsel vm11, $0x70, v13;
	v24 =	vor.u32 v45, v24  }
0x198: {  	[tilespmem:s19+$0xFFFFFF00] =	vst v22;
	v48 =	vld [tilespmem:s18+$0xFFFFFFB0];
	v26 =	vadd.s32 v42, v46;
	v49 =	vadd.s32 s21, v47;
	v24 =	vor.u32 v8, v24  }
0x199: {  	[tilespmem:v25+s2+$0x0] =	vst.idx.msk $0xffff, v44;
	v23 =	vor.u32 v8, v40;
	v26 =	vadd.s32 v26, v49  }
0x19a: {  	v28 =	vld [tilespmem:s19+$0xFFFFFF10];
	v50 =	vshll.u32 v26, $0x8;
	v27 =	vsub.s32 v43, v21;
	v52 =	vshll.u32 v26, $0x7  }
0x19b: {  	[tilespmem:s19+$0xFFFFFFB0] =	vst v23;
	v51 =	vand.u32 $0xFFFFF800, v50;
	vm12 =	vgt.s32 v27, $0xC3F;
	v23 =	vand.u32 $0x380, v52  }
0x19c: {  	v53 =	vsel vm12, $0xFFFFF3C0, v13;
	v54 =	vsel vm12, $0x70, v13;
	v23 =	vor.u32 v51, v23  }
0x19d: {  	v58 =	vld [tilespmem:s18+$0x70];
	v55 =	vadd.s32 v27, v53;
	v56 =	vadd.s32 s22, v54;
	v23 =	vor.u32 v8, v23;
	[tilespmem:v24+s2+$0x0] =	vst.idx.msk $0xffff, v48  }
0x19e: {  	v24 =	vadd.s32 v55, v56;
	v57 =	vld [tilespmem:s19+$0xFFFFFFC0]  }
0x19f: {  	v60 =	vsub.s32 v28, v18;
	v26 =	vshll.u32 v24, $0x8;
	v24 =	vshll.u32 v24, $0x7  }
0x1a0: {  	v22 =	vor.u32 v8, v50;
	v59 =	vand.u32 $0xFFFFF800, v26;
	v24 =	vand.u32 $0x380, v24  }
0x1a1: {  	vm13 =	vgt.s32 v60, $0xC3F;
	[tilespmem:s19+$0x70] =	vst v22;
	v24 =	vor.u32 v59, v24  }
0x1a2: {  	v62 =	vsel vm13, $0xFFF3C0, v13;
	v30 =	vadd.s32 s28, v60;
	v61 =	vld [tilespmem:s18+$0x130];
	v24 =	vor.u32 v8, v24;
	[tilespmem:v23+s2+$0x0] =	vst.idx.msk $0xffff, v58  }
0x1a3: {  	v63 =	vsel vm13, $0x70, v13;
	v30 =	vadd.s32 v62, v30;
	v23 =	vld [tilespmem:s19+$0x80];
	v27 =	vsub.s32 v57, v20  }
0x1a4: {  	v36 =	vshll.u32 v28, $0x7;
	v22 =	vadd.s32 v63, v30;
	vm14 =	vgt.s32 v27, $0xC3F  }
0x1a5: {  	v33 =	vor.u32 v8, v26;
	v34 =	vsel vm14, $0xFFFFF3C0, v13;
	v35 =	vsel vm14, $0x70, v13  }
0x1a6: {  	v22 =	vshll.u32 v22, $0x8;
	[tilespmem:s19+$0x130] =	vst v33;
	v26 =	vadd.s32 v27, v34;
	v37 =	vadd.s32 s20, v35  }
0x1a7: {  	s14 =	sor.u32 $0xC0, s15;
	v25 =	vand.u32 $0x380, v36;
	v38 =	vand.u32 $0xFFFFF800, v22;
	[tilespmem:v24+s2+$0x0] =	vst.idx.msk $0xffff, v61;
	v26 =	vadd.s32 v26, v37  }
0x1a8: {  	v39 =	vld [tilespmem:s14+$0x1C000];
	v23 =	vsub.s32 v23, v19;
	v40 =	vshll.u32 v26, $0x8;
	v26 =	vshll.u32 v26, $0x7  }
0x1a9: {  	vm15 =	vgt.s32 v23, $0xC3F;
	v41 =	vand.u32 $0xFFFFF800, v40;
	v26 =	vand.u32 $0x380, v26  }
0x1aa: {  	v43 =	vsel vm15, $0xFFFFF3C0, v13;
	v44 =	vsel vm15, $0x70, v13;
	v26 =	vor.u32 v26, v41  }
0x1ab: {  	v42 =	vld [tilespmem:s18+$0xFFFFFFC0];
	v23 =	vadd.s32 v23, v43;
	v45 =	vadd.s32 s21, v44;
	v26 =	vor.u32 v9, v26  }
0x1ac: {  	v24 =	vor.u32 v38, v25;
	v25 =	vor.u32 v14, v40;
	v23 =	vadd.s32 v23, v45  }
0x1ad: {  	v27 =	vsub.s32 v39, v21;
	v29 =	vshll.u32 v23, $0x8;
	v23 =	vshll.u32 v23, $0x7  }
0x1ae: {  	vm4 =	vgt.s32 v27, $0xC3F;
	v51 =	vand.u32 $0xFFFFF800, v29;
	v23 =	vand.u32 $0x380, v23  }
0x1af: {  	[tilespmem:s19+$0xFFFFFFC0] =	vst v25;
	v46 =	vsel vm4, $0xFFFFF3C0, v13;
	v47 =	vsel vm4, $0x70, v13;
	v23 =	vor.u32 v23, v51  }
0x1b0: {  	v54 =	vld [tilespmem:s18+$0x80];
	v48 =	vadd.s32 v27, v46;
	v49 =	vadd.s32 s22, v47;
	v23 =	vor.u32 v9, v23;
	[tilespmem:v26+s2+$0x0] =	vst.idx.msk $0xffff, v42  }
0x1b1: {  	v25 =	vadd.s32 v48, v49;
	v52 =	vld [tilespmem:s5+$0x1C080]  }
0x1b2: {  	v24 =	vor.u32 v10, v24;
	v53 =	vshll.u32 v25, $0x8;
	v25 =	vshll.u32 v25, $0x7  }
0x1b3: {  	v50 =	vld [tilespmem:s18+$0xFFFFFF10];
	v57 =	vor.u32 v14, v29;
	v55 =	vand.u32 $0xFFFFF800, v53;
	v25 =	vand.u32 $0x380, v25  }
0x1b4: {  	[tilespmem:s19+$0x80] =	vst v57;
	v25 =	vor.u32 v25, v55  }
0x1b5: {  	v56 =	vld [tilespmem:s14+$0x1EA00];
	v25 =	vor.u32 v9, v25;
	[tilespmem:v23+s2+$0x0] =	vst.idx.msk $0xffff, v54  }
0x1b6: {  	v22 =	vor.u32 v15, v22;
	v60 =	vld [tilespmem:s19+$0x90];
	v58 =	vsub.s32 v52, v20  }
0x1b7: {  	[tilespmem:s19+$0xFFFFFF10] =	vst v22;
	vm5 =	vgt.s32 v58, $0xC3F  }
0x1b8: {  	[tilespmem:v24+s2+$0x0] =	vst.idx.msk $0xffff, v50;
	v59 =	vor.u32 v14, v53;
	v62 =	vsel vm5, $0xFFFFF3C0, v13;
	v63 =	vsel vm5, $0x70, v13  }
0x1b9: {  	[tilespmem:s14+$0x1C000] =	vst v59;
	v32 =	vadd.s32 v58, v62;
	v33 =	vadd.s32 s20, v63  }
0x1ba: {  	v61 =	vld [tilespmem:s19+$0xFFFFFF20];
	s14 =	sor.u32 $0xD0, s15;
	[tilespmem:v25+s2+$0x0] =	vst.idx.msk $0xffff, v56;
	v22 =	vadd.s32 v32, v33  }
0x1bb: {  	v25 =	vld [tilespmem:s14+$0x1C000];
	v26 =	vsub.s32 v60, v19;
	v24 =	vshll.u32 v22, $0x8  }
0x1bc: {  	v22 =	vshll.u32 v22, $0x7;
	vm6 =	vgt.s32 v26, $0xC3F;
	v34 =	vand.u32 $0xFFFFF800, v24  }
0x1bd: {  	v22 =	vand.u32 $0x380, v22;
	v36 =	vsel vm6, $0xFFFFF3C0, v13;
	v37 =	vsel vm6, $0x70, v13  }
0x1be: {  	v22 =	vor.u32 v22, v34;
	v26 =	vadd.s32 v26, v36;
	v27 =	vadd.s32 s21, v37  }
0x1bf: {  	v38 =	vld [tilespmem:s5+$0x1EA80];
	v35 =	vsub.s32 v61, v18;
	v22 =	vor.u32 v10, v22;
	v26 =	vadd.s32 v26, v27  }
0x1c0: {  	v24 =	vor.u32 v15, v24;
	v25 =	vsub.s32 v25, v21;
	v27 =	vshll.u32 v26, $0x8  }
0x1c1: {  	v26 =	vshll.u32 v26, $0x7;
	vm7 =	vgt.s32 v25, $0xC3F;
	v41 =	vand.u32 $0xFFFFF800, v27  }
0x1c2: {  	v26 =	vand.u32 $0x380, v26;
	v39 =	vsel vm7, $0xFFFFF3C0, v13;
	v40 =	vsel vm7, $0x70, v13  }
0x1c3: {  	[tilespmem:s5+$0x1C080] =	vst v24;
	v26 =	vor.u32 v26, v41;
	v25 =	vadd.s32 v25, v39;
	v31 =	vadd.s32 s22, v40  }
0x1c4: {  	v43 =	vld [tilespmem:s18+$0x90];
	v26 =	vor.u32 v10, v26;
	v25 =	vadd.s32 v25, v31;
	[tilespmem:v22+s2+$0x0] =	vst.idx.msk $0xffff, v38  }
0x1c5: {  	vm8 =	vgt.s32 v35, $0xC3F;
	v44 =	vshll.u32 v25, $0x8;
	v25 =	vshll.u32 v25, $0x7;
	v45 =	vld [tilespmem:s24+$0x1C080]  }
0x1c6: {  	v28 =	vadd.s32 s28, v35;
	v46 =	vand.u32 $0xFFFFF800, v44;
	v25 =	vand.u32 $0x380, v25  }
0x1c7: {  	v42 =	vsel vm8, $0xFFF3C0, v13;
	v27 =	vor.u32 v15, v27;
	v25 =	vor.u32 v25, v46  }
0x1c8: {  	v47 =	vsel vm8, $0x70, v13;
	v48 =	vld [tilespmem:s14+$0x1EA00];
	v24 =	vadd.s32 v42, v28;
	[tilespmem:s19+$0x90] =	vst v27;
	v25 =	vor.u32 v10, v25  }
0x1c9: {  	v23 =	vshll.u32 v61, $0x7;
	v24 =	vadd.s32 v47, v24;
	[tilespmem:v26+s2+$0x0] =	vst.idx.msk $0xffff, v43  }
0x1ca: {  	v50 =	vand.u32 $0x380, v23;
	v24 =	vshll.u32 v24, $0x8;
	v26 =	vld [tilespmem:s19+$0xA0];
	v51 =	vsub.s32 v45, v20  }
0x1cb: {  	v49 =	vand.u32 $0xFFFFF800, v24;
	v29 =	vor.u32 v15, v44;
	vm9 =	vgt.s32 v51, $0xC3F  }
0x1cc: {  	v22 =	vor.u32 v49, v50;
	[tilespmem:s14+$0x1C000] =	vst v29;
	v53 =	vsel vm9, $0xFFFFF3C0, v13;
	v54 =	vsel vm9, $0x70, v13  }
0x1cd: {  	v52 =	vld [tilespmem:s18+$0xFFFFFF20];
	v22 =	vor.u32 v11, v22;
	s14 =	sor.u32 $0xE0, s15;
	[tilespmem:v25+s2+$0x0] =	vst.idx.msk $0xffff, v48;
	v23 =	vadd.s32 v51, v53;
	v55 =	vadd.s32 s20, v54  }
0x1ce: {  	v24 =	vor.u32 v16, v24;
	v28 =	vld [tilespmem:s14+$0x1C000];
	v23 =	vadd.s32 v23, v55  }
0x1cf: {  	v26 =	vsub.s32 v26, v19;
	v25 =	vshll.u32 v23, $0x8;
	v23 =	vshll.u32 v23, $0x7  }
0x1d0: {  	vm10 =	vgt.s32 v26, $0xC3F;
	v56 =	vand.u32 $0xFFFFF800, v25;
	v23 =	vand.u32 $0x380, v23  }
0x1d1: {  	[tilespmem:s19+$0xFFFFFF20] =	vst v24;
	v58 =	vsel vm10, $0xFFFFF3C0, v13;
	v59 =	vsel vm10, $0x70, v13;
	v62 =	vor.u32 v16, v25  }
0x1d2: {  	[tilespmem:v22+s2+$0x0] =	vst.idx.msk $0xffff, v52;
	v57 =	vor.u32 v23, v56;
	v23 =	vadd.s32 v26, v58;
	v24 =	vadd.s32 s21, v59  }
0x1d3: {  	v61 =	vld [tilespmem:s24+$0x1EA80];
	v22 =	vor.u32 v11, v57;
	v23 =	vadd.s32 v23, v24;
	v60 =	vsub.s32 v28, v21  }
0x1d4: {  	v63 =	vshll.u32 v23, $0x8;
	v23 =	vshll.u32 v23, $0x7;
	vm11 =	vgt.s32 v60, $0xC3F  }
0x1d5: {  	v27 =	vld [tilespmem:s19+$0xFFFFFF30];
	v34 =	vand.u32 $0xFFFFF800, v63;
	v32 =	vsel vm11, $0xFFFFF3C0, v13;
	v33 =	vsel vm11, $0x70, v13  }
0x1d6: {  	v23 =	vand.u32 $0x380, v23;
	v26 =	vadd.s32 v60, v32;
	v29 =	vadd.s32 s22, v33  }
0x1d7: {  	[tilespmem:s24+$0x1C080] =	vst v62;
	v23 =	vor.u32 v23, v34;
	v35 =	vadd.s32 v26, v29  }
0x1d8: {  	v36 =	vld [tilespmem:s18+$0xA0];
	v23 =	vor.u32 v11, v23;
	[tilespmem:v22+s2+$0x0] =	vst.idx.msk $0xffff, v61;
	v26 =	vshll.u32 v35, $0x8;
	v24 =	vshll.u32 v35, $0x7  }
0x1d9: {  	v28 =	vld [tilespmem:s23+$0x1C080];
	v37 =	vand.u32 $0xFFFFF800, v26;
	v24 =	vand.u32 $0x380, v24  }
0x1da: {  	v18 =	vsub.s32 v27, v18;
	v24 =	vor.u32 v24, v37  }
0x1db: {  	v39 =	vld [tilespmem:s14+$0x1EA00];
	vm12 =	vgt.s32 v18, $0xC3F;
	v25 =	vor.u32 v16, v63;
	v24 =	vor.u32 v11, v24  }
0x1dc: {  	v18 =	vadd.s32 s28, v18;
	v38 =	vsel vm12, $0xFFF3C0, v13;
	[tilespmem:s19+$0xA0] =	vst v25  }
0x1dd: {  	v43 =	vshll.u32 v27, $0x7;
	v40 =	vsel vm12, $0x70, v13;
	v18 =	vadd.s32 v38, v18;
	[tilespmem:v23+s2+$0x0] =	vst.idx.msk $0xffff, v36  }
0x1de: {  	v18 =	vadd.s32 v40, v18;
	v41 =	vor.u32 v16, v26;
	v22 =	vld [tilespmem:s19+$0xB0];
	v20 =	vsub.s32 v28, v20  }
0x1df: {  	v44 =	vand.u32 $0x380, v43;
	v18 =	vshll.u32 v18, $0x8;
	[tilespmem:s14+$0x1C000] =	vst v41;
	vm13 =	vgt.s32 v20, $0xC3F  }
0x1e0: {  	s24 =	sor.u32 $0xF0, s15;
	v42 =	vand.u32 $0xFFFFF800, v18;
	v45 =	vsel vm13, $0xFFFFF3C0, v13;
	v46 =	vsel vm13, $0x70, v13;
	[tilespmem:v24+s2+$0x0] =	vst.idx.msk $0xffff, v39  }
0x1e1: {  	v23 =	vor.u32 v42, v44;
	v20 =	vadd.s32 v20, v45;
	v47 =	vadd.s32 s20, v46;
	v48 =	vld [tilespmem:s24+$0x1C000]  }
0x1e2: {  	v18 =	vor.u32 v17, v18;
	v23 =	vor.u32 v12, v23;
	v20 =	vadd.s32 v20, v47  }
0x1e3: {  	v19 =	vsub.s32 v22, v19;
	v24 =	vshll.u32 v20, $0x8;
	v20 =	vshll.u32 v20, $0x7  }
0x1e4: {  	vm14 =	vgt.s32 v19, $0xC3F;
	v49 =	vand.u32 $0xFFFFF800, v24;
	v20 =	vand.u32 $0x380, v20  }
0x1e5: {  	v50 =	vsel vm14, $0xFFFFF3C0, v13;
	v51 =	vsel vm14, $0x70, v13;
	v20 =	vor.u32 v20, v49  }
0x1e6: {  	v19 =	vadd.s32 v19, v50;
	v52 =	vadd.s32 s21, v51;
	v21 =	vsub.s32 v48, v21  }
0x1e7: {  	v20 =	vor.u32 v12, v20;
	v19 =	vadd.s32 v19, v52;
	vm15 =	vgt.s32 v21, $0xC3F  }
0x1e8: {  	v53 =	vld [tilespmem:s18+$0xFFFFFF30];
	v54 =	vshll.u32 v19, $0x8;
	v55 =	vsel vm15, $0xFFFFF3C0, v13;
	v56 =	vsel vm15, $0x70, v13  }
0x1e9: {  	v19 =	vshll.u32 v19, $0x7;
	v21 =	vadd.s32 v21, v55;
	v57 =	vadd.s32 s22, v56  }
0x1ea: {  	v59 =	vand.u32 $0xFFFFF800, v54;
	v19 =	vand.u32 $0x380, v19;
	v21 =	vadd.s32 v21, v57  }
0x1eb: {  	v58 =	vld [tilespmem:s23+$0x1EA80];
	v19 =	vor.u32 v19, v59;
	v26 =	vshll.u32 v21, $0x8;
	v21 =	vshll.u32 v21, $0x7  }
0x1ec: {  	[tilespmem:s19+$0xFFFFFF30] =	vst v18;
	v18 =	vld [tilespmem:s18+$0xB0];
	v19 =	vor.u32 v12, v19;
	v60 =	vand.u32 $0xFFFFF800, v26;
	v21 =	vand.u32 $0x380, v21  }
0x1ed: {  	s10 =	sadd.s32 $0x4, s10;
	[tilespmem:v23+s2+$0x0] =	vst.idx.msk $0xffff, v53;
	v61 =	vor.u32 v17, v24;
	v21 =	vor.u32 v21, v60  }
0x1ee: {  	p2 =	slt.u32 s10, $0x18;
	v62 =	vld [tilespmem:s24+$0x1EA00];
	[tilespmem:s23+$0x1C080] =	vst v61;
	v63 =	vor.u32 v17, v54;
	v21 =	vor.u32 v12, v21  }
.Ltmp4:
0x1ef: {  	[tilespmem:s19+$0xB0] =	vst v63;
	(pc) =	sbr.rel @p2 .LBB2_11-.Ltmp4, $4  }
0x1f0: {  	[tilespmem:v20+s2+$0x0] =	vst.idx.msk $0xffff, v58  }
0x1f1: {  	[tilespmem:v19+s2+$0x0] =	vst.idx.msk $0xffff, v18;
	v18 =	vor.u32 v17, v26  }
0x1f2: {  	s28 =	sadd.s32 $0x8, s28;
	[tilespmem:s24+$0x1C000] =	vst v18  }
0x1f3: {  	s15 =	sadd.s32 $0x300, s15;
	s18 =	sadd.s32 $0x300, s18;
	s19 =	sadd.s32 $0x300, s19;
	[tilespmem:v21+s2+$0x0] =	vst.idx.msk $0xffff, v62  }
0x1f4: {  	s5 =	simm.s32 $0x10  }
0x1f5: {  	s3 =	sshll.u32 s3, $0x1;
	s5 =	simm.s32 @!p1 $0x0  }
0x1f6: {  	s3 =	sadd.s32 s5, s3  }
0x1f7: {  	s3 =	smul.u32 $0x38, s3;
	_ =	sdelay $0x1  }
0x1f8: {  	s3 =	sadd.s32 s8, s3  }
0x1f9: {  	s3 =	smul.u32 $0x3800, s3;
	_ =	sdelay $0x1  }
0x1fa: {  	s14 =	sshrl.u32 s3, $0x3  }
0x1fb: {  	s15 =	sadd.s32 $0x3800, s3;
	s5 =	sadd.s32 s1, s14  }
0x1fc: {  	[hbm4b:s5+s2] =	stream.linear.scatter [tilespmem:s2], [sflag:$0x1], $0x3800, $0x38;
	[tilespmem:$0x1FF00] =	vst v63  }
0x1fd: {  	s18 =	simm.s32 $0x3800;
	s5 =	sshrl.u32 s15, $0x3  }
0x1fe: {  	s20 =	simm.s32 $0x7000;
	s19 =	sadd.s32 $0xC4000, s3;
	s5 =	sadd.s32 s1, s5  }
0x1ff: {  	[hbm4b:s5+s2] =	stream.linear.scatter [tilespmem:s18], [sflag:$0x1], $0x3800, $0x38;
	[tilespmem:$0x1FF00] =	vst v63  }
0x200: {  	s0 =	sor.u32 $0x20, s0;
	s3 =	sadd.s32 $0xC7800, s3;
	s5 =	sshrl.u32 s19, $0x3  }
0x201: {  	s21 =	sshrl.u32 s0, $0x3;
	s3 =	sshrl.u32 s3, $0x3;
	s5 =	sadd.s32 s1, s5  }
0x202: {  	[hbm4b:s5+s2] =	stream.linear.scatter [tilespmem:s20], [sflag:$0x1], $0x3800, $0x38;
	[tilespmem:$0x1FF00] =	vst v63  }
0x203: {  	s22 =	simm.s32 $0xA800;
	s3 =	sadd.s32 s1, s3;
	s5 =	smul.u32 $0xA800, s21  }
0x204: {  	[hbm4b:s3+s2] =	stream.linear.scatter [tilespmem:s22], [sflag:$0x1], $0x3800, $0x38;
	[tilespmem:$0x1FF00] =	vst v63  }
.Ltmp5:
0x205: {  	_ = 	snop;
	(pc) =	sbr.rel @p0 .LBB2_16-.Ltmp5, $4  }
0x206: {  	s23 =	sor.u32 s7, s5  }
0x207: {  	s3 =	sshrl.u32 s23, $0x3  }
0x208: {  	s28 =	simm.s32 $0x1EA00;
	s24 =	sadd.s32 s4, s3  }
0x209: {  	[tilespmem:s28], [sflag:$0x4] =	stream.strided.gather [hbm4b:s24+s12], $0x1500, s13, s12, $0x38;
	[tilespmem:$0x1FF00] =	vst v63  }
0x20a: {  	_ =	swait.ge [sflag:s26], $0x3800  }
0x20b: {  	[sflag:s26] =	ssyncset.done $0x0  }
0x20c: {  	[sflag:s26] =	ssyncadd.s32 $0xFFFFC800  }
0x20d: {  	_ =	swait.ge [sflag:s26], $0x3800  }
0x20e: {  	[sflag:s26] =	ssyncset.done $0x0  }
0x20f: {  	[sflag:s26] =	ssyncadd.s32 $0xFFFFC800  }
0x210: {  	_ =	swait.ge [sflag:s26], $0x3800  }
0x211: {  	[sflag:s26] =	ssyncset.done $0x0  }
0x212: {  	[sflag:s26] =	ssyncadd.s32 $0xFFFFC800  }
0x213: {  	_ =	swait.ge [sflag:s26], $0x3800  }
0x214: {  	[sflag:s26] =	ssyncset.done $0x0  }
0x215: {  	s5 =	simm.s32 $0x1D540;
	[sflag:s26] =	ssyncadd.s32 $0xFFFFC800  }
0x216: {  	v18 =	vld [tilespmem:s5+$0x30]  }
0x217: {  	v22 =	vld [tilespmem:s5+$0xFFFFFFD0]  }
0x218: {  	v23 =	vld [tilespmem:s5+$0xFFFFFFE0]  }
0x219: {  	v24 =	vld [tilespmem:s5+$0xFFFFFFF0]  }
0x21a: {  	v28 =	vld [tilespmem:s5+$0xFFFFFFC0]  }
0x21b: {  	v25 =	vld [tilespmem:s5+$0x0];
	_ =	sdelay $0x1  }
0x21c: {  	v19 =	vshll.u32 v18, $0x3  }
0x21d: {  	v26 =	vld [tilespmem:s5+$0x10];
	v20 =	vshrl.u32 v18, $0x1;
	v18 =	vand.u32 $0xFFFFF87F, v18;
	v21 =	vshll.u32 v22, $0x3  }
0x21e: {  	v29 =	vshll.u32 v24, $0x3;
	v31 =	vshll.u32 v28, $0x3;
	v36 =	vand.u32 $0xFFFFF87F, v22  }
0x21f: {  	v37 =	vand.u32 $0xFFFFF87F, v23;
	v38 =	vand.u32 $0xFFFFF87F, v24;
	v39 =	vand.u32 $0xFFFFF87F, v25  }
0x220: {  	v27 =	vld [tilespmem:s5+$0x20];
	v19 =	vand.u32 $0x400, v19;
	v20 =	vand.u32 $0x380, v20;
	v32 =	vand.u32 $0x400, v21  }
0x221: {  	v29 =	vand.u32 $0x400, v29;
	v21 =	vshrl.u32 v28, $0x1;
	v33 =	vand.u32 $0x400, v31  }
0x222: {  	v28 =	vand.u32 $0xFFFFF87F, v28;
	v31 =	vand.u32 $0xFFFFF87F, v26;
	v18 =	vor.u32 v19, v18  }
0x223: {  	v19 =	vshll.u32 v23, $0x3;
	v29 =	vor.u32 v29, v38;
	v30 =	vor.u32 v20, v18  }
0x224: {  	v34 =	vand.u32 $0x400, v19;
	v18 =	vshll.u32 v25, $0x3;
	v19 =	vshrl.u32 v22, $0x1  }
0x225: {  	v20 =	vshll.u32 v27, $0x3;
	v22 =	vshrl.u32 v23, $0x1;
	v23 =	vshrl.u32 v24, $0x1  }
0x226: {  	v24 =	vshrl.u32 v25, $0x1;
	v25 =	vshrl.u32 v26, $0x1;
	v35 =	vand.u32 $0x400, v18  }
0x227: {  	v18 =	vshll.u32 v26, $0x3;
	v20 =	vand.u32 $0x400, v20;
	v26 =	vshrl.u32 v27, $0x1  }
0x228: {  	v18 =	vand.u32 $0x400, v18;
	[tilespmem:v30+s11+$0x0] =	vst.idx.msk $0xffff, v1;
	v30 =	vor.u32 v33, v28;
	v28 =	vor.u32 v32, v36  }
0x229: {  	s8 =	simm.s32 $0x1D5C0;
	s5 =	simm.s32 $0x0;
	v33 =	vand.u32 $0xFFFFF87F, v27;
	v32 =	vor.u32 v34, v37;
	v27 =	vor.u32 v35, v39  }
.LBB2_14:
0x22a: {  	v34 =	vld [tilespmem:s8+$0x30];
	s5 =	sadd.s32 $0x80, s5;
	v21 =	vand.u32 $0x380, v21;
	v18 =	vor.u32 v18, v31;
	v20 =	vor.u32 v20, v33  }
0x22b: {  	v19 =	vand.u32 $0x380, v19;
	v22 =	vand.u32 $0x380, v22;
	v23 =	vand.u32 $0x380, v23;
	v31 =	vld [tilespmem:s8+$0xFFFFFFD0];
	p0 =	slt.u32 s5, $0x1480  }
0x22c: {  	v24 =	vand.u32 $0x380, v24;
	v25 =	vand.u32 $0x380, v25;
	v26 =	vand.u32 $0x380, v26;
	v33 =	vld [tilespmem:s8+$0xFFFFFFE0]  }
0x22d: {  	v21 =	vor.u32 v21, v30;
	v19 =	vor.u32 v19, v28;
	v22 =	vor.u32 v22, v32;
	v35 =	vld [tilespmem:s8+$0xFFFFFFF0]  }
0x22e: {  	v23 =	vor.u32 v23, v29;
	v24 =	vor.u32 v24, v27;
	v25 =	vor.u32 v25, v18;
	v28 =	vld [tilespmem:s8+$0x0]  }
0x22f: {  	v26 =	vor.u32 v26, v20;
	v27 =	vld [tilespmem:s8+$0x10];
	v18 =	vshll.u32 v34, $0x3  }
0x230: {  	v20 =	vshrl.u32 v34, $0x1;
	v30 =	vand.u32 $0xFFFFF87F, v34;
	v29 =	vld [tilespmem:s8+$0x20];
	v18 =	vand.u32 $0x400, v18  }
0x231: {  	v34 =	vshll.u32 v31, $0x3;
	v20 =	vand.u32 $0x380, v20;
	v32 =	vld [tilespmem:s8+$0xFFFFFFC0];
	v18 =	vor.u32 v18, v30  }
0x232: {  	v30 =	vshll.u32 v33, $0x3;
	v36 =	vshll.u32 v35, $0x3;
	v37 =	vor.u32 v20, v18;
	[tilespmem:v21+s11+$0x0] =	vst.idx.msk $0xffff, v1  }
0x233: {  	v34 =	vand.u32 $0x400, v34;
	v38 =	vand.u32 $0x400, v30;
	v18 =	vshll.u32 v28, $0x3;
	[tilespmem:v19+s11+$0x0] =	vst.idx.msk $0xffff, v1  }
0x234: {  	v36 =	vand.u32 $0x400, v36;
	v39 =	vand.u32 $0x400, v18;
	v18 =	vshll.u32 v27, $0x3;
	[tilespmem:v22+s11+$0x0] =	vst.idx.msk $0xffff, v1  }
0x235: {  	v19 =	vshrl.u32 v31, $0x1;
	v18 =	vand.u32 $0x400, v18;
	v20 =	vshll.u32 v29, $0x3;
	[tilespmem:v23+s11+$0x0] =	vst.idx.msk $0xffff, v1  }
0x236: {  	v22 =	vshll.u32 v32, $0x3;
	v21 =	vshrl.u32 v32, $0x1;
	v20 =	vand.u32 $0x400, v20;
	[tilespmem:v24+s11+$0x0] =	vst.idx.msk $0xffff, v1  }
0x237: {  	v40 =	vand.u32 $0xFFFFF87F, v31;
	v32 =	vand.u32 $0xFFFFF87F, v32;
	v30 =	vand.u32 $0x400, v22;
	[tilespmem:v37+s11+$0x0] =	vst.idx.msk $0xffff, v1  }
.Ltmp6:
0x238: {  	v23 =	vshrl.u32 v35, $0x1;
	v22 =	vshrl.u32 v33, $0x1;
	v37 =	vand.u32 $0xFFFFF87F, v33;
	[tilespmem:v25+s11+$0x0] =	vst.idx.msk $0xffff, v1;
	(pc) =	sbr.rel @p0 .LBB2_14-.Ltmp6, $4  }
0x239: {  	v41 =	vand.u32 $0xFFFFF87F, v28;
	v35 =	vand.u32 $0xFFFFF87F, v35;
	v24 =	vshrl.u32 v28, $0x1;
	[tilespmem:v26+s11+$0x0] =	vst.idx.msk $0xffff, v1  }
0x23a: {  	v31 =	vand.u32 $0xFFFFF87F, v27;
	v25 =	vshrl.u32 v27, $0x1;
	v26 =	vshrl.u32 v29, $0x1  }
0x23b: {  	v28 =	vor.u32 v34, v40;
	v33 =	vand.u32 $0xFFFFF87F, v29;
	v30 =	vor.u32 v30, v32  }
0x23c: {  	s8 =	sadd.s32 $0x80, s8;
	v32 =	vor.u32 v38, v37;
	v27 =	vor.u32 v39, v41;
	v29 =	vor.u32 v36, v35  }
0x23d: {  	v21 =	vand.u32 $0x380, v21  }
0x23e: {  	v19 =	vand.u32 $0x380, v19;
	v21 =	vor.u32 v21, v30  }
0x23f: {  	v22 =	vand.u32 $0x380, v22;
	v19 =	vor.u32 v19, v28  }
0x240: {  	v23 =	vand.u32 $0x380, v23;
	v22 =	vor.u32 v22, v32  }
0x241: {  	v24 =	vand.u32 $0x380, v24;
	v23 =	vor.u32 v23, v29  }
0x242: {  	v18 =	vor.u32 v18, v31;
	v25 =	vand.u32 $0x380, v25;
	v24 =	vor.u32 v24, v27  }
0x243: {  	v20 =	vor.u32 v20, v33;
	v26 =	vand.u32 $0x380, v26;
	v18 =	vor.u32 v25, v18;
	[tilespmem:v21+s11+$0x0] =	vst.idx.msk $0xffff, v1  }
0x244: {  	v20 =	vor.u32 v26, v20;
	[tilespmem:v19+s11+$0x0] =	vst.idx.msk $0xffff, v1  }
0x245: {  	[tilespmem:v22+s11+$0x0] =	vst.idx.msk $0xffff, v1  }
0x246: {  	[tilespmem:v23+s11+$0x0] =	vst.idx.msk $0xffff, v1  }
0x247: {  	[tilespmem:v24+s11+$0x0] =	vst.idx.msk $0xffff, v1  }
0x248: {  	[tilespmem:v18+s11+$0x0] =	vst.idx.msk $0xffff, v1  }
0x249: {  	[tilespmem:v20+s11+$0x0] =	vst.idx.msk $0xffff, v1  }
.LBB2_16:
0x24a: {  	p0 =	sgt.u32 s0, $0xDF;
	s5 =	simm.s32 $0xFFFFFF20  }
0x24b: {  	s3 =	sadd.s32 s6, s3;
	s9 =	simm.s32 $0x1D500;
	s5 =	simm.s32 @!p0 $0x0  }
0x24c: {  	[tilespmem:s9], [sflag:$0x3] =	stream.strided.gather [hbm4b:s3+s12], $0x1500, s13, s12, $0x38;
	[tilespmem:$0x1FF00] =	vst v63  }
0x24d: {  	s8 =	sadd.s32 s0, s5  }
0x24e: {  	_ =	swait.ge [sflag:s16], $0x1500;
	s0 =	smul.u32 $0x24A, s8  }
0x24f: {  	s24 =	smul.u32 $0x70, s5;
	s5 =	sadd.s32 s30, s5;
	[sflag:s16] =	ssyncset.done $0x0  }
0x250: {  	s5 =	smul.u32 $0x70, s5;
	[sflag:s16] =	ssyncadd.s32 $0xFFFFEB00;
	s0 =	sshra.s32 s0, $0xE  }
0x251: {  	s28 =	simm.s32 $0x0;
	_ =	swait.ge [sflag:s17], $0x1500;
	s22 =	smul.u32 $0x7FFFFFE4, s0  }
0x252: {  	s15 =	simm.s32 $0x240;
	s23 =	smul.u32 $0xC40, s0;
	[sflag:s17] =	ssyncset.done $0x0  }
0x253: {  	s18 =	simm.s32 $0x1EB80;
	s19 =	simm.s32 $0x1D680;
	[sflag:s17] =	ssyncadd.s32 $0xFFFFEB00  }
0x254: {  	s3 =	sadd.s32 s8, s22;
	s10 =	sadd.s32 s23, s31;
	s9 =	sadd.s32 s5, s23  }
0x255: {  	s3 =	sshll.u32 s3, $0x1;
	s8 =	sadd.s32 s24, s10;
	s10 =	simm.s32 $0xFFFFFFFC  }
.LBB2_17:
0x256: {  	v19 =	vld [tilespmem:s19+$0xFFFFFE80];
	_ =	sdelay $0x2  }
0x257: {  	s5 =	sadd.s32 s28, s9  }
0x258: {  	v18 =	vmov s5  }
0x259: {  	v20 =	vsub.s32 v19, v18  }
0x25a: {  	vm0 =	vgt.s32 v20, $0xC3F  }
0x25b: {  	v20 =	vadd.s32 s28, v20;
	v21 =	vsel vm0, $0xFFF3C0, v13  }
0x25c: {  	v22 =	vsel vm0, $0x70, v13;
	v20 =	vadd.s32 v21, v20  }
0x25d: {  	v20 =	vadd.s32 v22, v20  }
0x25e: {  	v19 =	vshll.u32 v19, $0x7;
	v20 =	vshll.u32 v20, $0x8  }
0x25f: {  	v19 =	vand.u32 $0x380, v19;
	v58 =	vand.u32 $0xFFFFF800, v20  }
0x260: {  	v19 =	vor.u32 v58, v19  }
0x261: {  	v59 =	vld [tilespmem:s18+$0xFFFFFE80];
	v19 =	vor.u32 v0, v19;
	_ =	sdelay $0x2  }
0x262: {  	v20 =	vor.u32 v0, v20  }
0x263: {  	[tilespmem:s19+$0xFFFFFE80] =	vst v20  }
0x264: {  	[tilespmem:v19+s11+$0x0] =	vst.idx.msk $0xffff, v59  }
0x265: {  	v19 =	vld [tilespmem:s19+$0xFFFFFE90];
	_ =	sdelay $0x4  }
0x266: {  	v60 =	vsub.s32 v19, v18  }
0x267: {  	vm6 =	vgt.s32 v60, $0xC3F  }
0x268: {  	v20 =	vadd.s32 s28, v60;
	v61 =	vsel vm6, $0xFFF3C0, v13  }
0x269: {  	v62 =	vsel vm6, $0x70, v13;
	v20 =	vadd.s32 v61, v20  }
0x26a: {  	v20 =	vadd.s32 v62, v20  }
0x26b: {  	v19 =	vshll.u32 v19, $0x7;
	v20 =	vshll.u32 v20, $0x8  }
0x26c: {  	v19 =	vand.u32 $0x380, v19;
	v63 =	vand.u32 $0xFFFFF800, v20  }
0x26d: {  	v19 =	vor.u32 v63, v19  }
0x26e: {  	v24 =	vld [tilespmem:s18+$0xFFFFFE90];
	v19 =	vor.u32 v2, v19;
	_ =	sdelay $0x2  }
0x26f: {  	v20 =	vor.u32 v2, v20  }
0x270: {  	[tilespmem:s19+$0xFFFFFE90] =	vst v20  }
0x271: {  	[tilespmem:v19+s11+$0x0] =	vst.idx.msk $0xffff, v24  }
0x272: {  	v19 =	vld [tilespmem:s19+$0xFFFFFEA0];
	_ =	sdelay $0x4  }
0x273: {  	v25 =	vsub.s32 v19, v18  }
0x274: {  	vm7 =	vgt.s32 v25, $0xC3F  }
0x275: {  	v20 =	vadd.s32 s28, v25;
	v26 =	vsel vm7, $0xFFF3C0, v13  }
0x276: {  	v27 =	vsel vm7, $0x70, v13;
	v20 =	vadd.s32 v26, v20  }
0x277: {  	v20 =	vadd.s32 v27, v20  }
0x278: {  	v19 =	vshll.u32 v19, $0x7;
	v20 =	vshll.u32 v20, $0x8  }
0x279: {  	v19 =	vand.u32 $0x380, v19;
	v28 =	vand.u32 $0xFFFFF800, v20  }
0x27a: {  	v19 =	vor.u32 v28, v19  }
0x27b: {  	v29 =	vld [tilespmem:s18+$0xFFFFFEA0];
	v19 =	vor.u32 v3, v19;
	_ =	sdelay $0x2  }
0x27c: {  	v20 =	vor.u32 v3, v20  }
0x27d: {  	[tilespmem:s19+$0xFFFFFEA0] =	vst v20  }
0x27e: {  	[tilespmem:v19+s11+$0x0] =	vst.idx.msk $0xffff, v29  }
0x27f: {  	v19 =	vld [tilespmem:s19+$0xFFFFFEB0];
	_ =	sdelay $0x4  }
0x280: {  	v30 =	vsub.s32 v19, v18  }
0x281: {  	vm8 =	vgt.s32 v30, $0xC3F  }
0x282: {  	v20 =	vadd.s32 s28, v30;
	v31 =	vsel vm8, $0xFFF3C0, v13  }
0x283: {  	v32 =	vsel vm8, $0x70, v13;
	v20 =	vadd.s32 v31, v20  }
0x284: {  	v20 =	vadd.s32 v32, v20  }
0x285: {  	v19 =	vshll.u32 v19, $0x7;
	v20 =	vshll.u32 v20, $0x8  }
0x286: {  	v19 =	vand.u32 $0x380, v19;
	v33 =	vand.u32 $0xFFFFF800, v20  }
0x287: {  	v19 =	vor.u32 v33, v19  }
0x288: {  	v34 =	vld [tilespmem:s18+$0xFFFFFEB0];
	v19 =	vor.u32 v4, v19;
	_ =	sdelay $0x2  }
0x289: {  	v20 =	vor.u32 v4, v20  }
0x28a: {  	[tilespmem:s19+$0xFFFFFEB0] =	vst v20  }
0x28b: {  	[tilespmem:v19+s11+$0x0] =	vst.idx.msk $0xffff, v34  }
0x28c: {  	v19 =	vld [tilespmem:s19+$0xFFFFFEC0];
	_ =	sdelay $0x4  }
0x28d: {  	v36 =	vld [tilespmem:s19+$0xFFFFFF40];
	v35 =	vsub.s32 v19, v18  }
0x28e: {  	vm9 =	vgt.s32 v35, $0xC3F  }
0x28f: {  	v20 =	vadd.s32 s28, v35;
	v37 =	vsel vm9, $0xFFF3C0, v13  }
0x290: {  	s14 =	sadd.s32 $0x2, s5;
	v23 =	vsel vm9, $0x70, v13;
	v20 =	vadd.s32 v37, v20  }
0x291: {  	v22 =	vadd.s32 v23, v20;
	v20 =	vmov s14  }
0x292: {  	v38 =	vld [tilespmem:s19+$0x0];
	v19 =	vshll.u32 v19, $0x7;
	v21 =	vsub.s32 v36, v20  }
0x293: {  	v19 =	vand.u32 $0x380, v19;
	v22 =	vshll.u32 v22, $0x8;
	vm10 =	vgt.s32 v21, $0xC3F  }
0x294: {  	s20 =	sadd.s32 $0x2, s28;
	v24 =	vand.u32 $0xFFFFF800, v22;
	v25 =	vsel vm10, $0xFFFFF3C0, v13;
	v26 =	vsel vm10, $0x70, v13  }
0x295: {  	s5 =	sadd.s32 $0x4, s5;
	v19 =	vor.u32 v24, v19;
	v21 =	vadd.s32 v21, v25;
	v39 =	vadd.s32 s20, v26  }
0x296: {  	v40 =	vor.u32 v5, v19;
	v19 =	vmov s5;
	v21 =	vadd.s32 v21, v39  }
0x297: {  	v41 =	vld [tilespmem:s19+$0xC0];
	v23 =	vsub.s32 v38, v19;
	v24 =	vshll.u32 v21, $0x8;
	v21 =	vshll.u32 v21, $0x7  }
0x298: {  	vm11 =	vgt.s32 v23, $0xC3F;
	v27 =	vand.u32 $0xFFFFF800, v24;
	v21 =	vand.u32 $0x380, v21  }
0x299: {  	s21 =	sadd.s32 $0x4, s28;
	s24 =	sadd.s32 s28, s8;
	v42 =	vsel vm11, $0xFFFFF3C0, v13;
	v28 =	vsel vm11, $0x70, v13;
	v21 =	vor.u32 v27, v21  }
0x29a: {  	v29 =	vld [tilespmem:s18+$0xFFFFFF40];
	s5 =	sadd.s32 $0xE06, s24;
	v43 =	vadd.s32 v23, v42;
	v44 =	vadd.s32 s21, v28;
	v30 =	vor.u32 v0, v21  }
0x29b: {  	v24 =	vor.u32 v0, v24;
	v23 =	vadd.s32 v43, v44;
	v21 =	vmov s5  }
0x29c: {  	v45 =	vshll.u32 v23, $0x8;
	v23 =	vshll.u32 v23, $0x7;
	v26 =	vsub.s32 v41, v21  }
0x29d: {  	v46 =	vld [tilespmem:s18+$0xFFFFFEC0];
	v31 =	vand.u32 $0xFFFFF800, v45;
	v23 =	vand.u32 $0x380, v23;
	vm12 =	vgt.s32 v26, $0xC3F  }
0x29e: {  	s23 =	sadd.s32 $0xFFFFFE80, s15;
	s22 =	sadd.s32 $0x6, s28;
	[tilespmem:s19+$0xFFFFFF40] =	vst v24;
	v23 =	vor.u32 v31, v23;
	v47 =	vsel vm12, $0xFFFFF3C0, v13;
	v48 =	vsel vm12, $0x70, v13  }
0x29f: {  	v49 =	vld [tilespmem:s18+$0x0];
	s5 =	sor.u32 $0x50, s23;
	v23 =	vor.u32 v0, v23;
	v24 =	vadd.s32 v26, v47;
	v50 =	vadd.s32 s22, v48;
	[tilespmem:v30+s11+$0x0] =	vst.idx.msk $0xffff, v29  }
0x2a0: {  	v22 =	vor.u32 v5, v22;
	v24 =	vadd.s32 v24, v50;
	v30 =	vld [tilespmem:s5+$0x1D500]  }
0x2a1: {  	[tilespmem:s19+$0xFFFFFEC0] =	vst v22;
	v51 =	vshll.u32 v24, $0x8;
	v24 =	vshll.u32 v24, $0x7  }
0x2a2: {  	[tilespmem:v40+s11+$0x0] =	vst.idx.msk $0xffff, v46;
	v52 =	vor.u32 v0, v45;
	v53 =	vand.u32 $0xFFFFF800, v51;
	v24 =	vand.u32 $0x380, v24  }
0x2a3: {  	v54 =	vld [tilespmem:s18+$0xC0];
	[tilespmem:s19+$0x0] =	vst v52;
	v24 =	vor.u32 v53, v24  }
0x2a4: {  	v27 =	vld [tilespmem:s19+$0xFFFFFED0];
	[tilespmem:v23+s11+$0x0] =	vst.idx.msk $0xffff, v49;
	v24 =	vor.u32 v0, v24  }
0x2a5: {  	v56 =	vld [tilespmem:s19+$0x10];
	v55 =	vsub.s32 v30, v20  }
0x2a6: {  	vm13 =	vgt.s32 v55, $0xC3F  }
0x2a7: {  	v22 =	vor.u32 v0, v51;
	v57 =	vsel vm13, $0xFFFFF3C0, v13;
	v58 =	vsel vm13, $0x70, v13  }
0x2a8: {  	[tilespmem:s19+$0xC0] =	vst v22;
	v25 =	vadd.s32 v55, v57;
	v59 =	vadd.s32 s20, v58  }
0x2a9: {  	s14 =	sor.u32 $0x50, s15;
	v60 =	vsub.s32 v27, v18;
	[tilespmem:v24+s11+$0x0] =	vst.idx.msk $0xffff, v54;
	v25 =	vadd.s32 v25, v59  }
0x2aa: {  	v63 =	vsub.s32 v56, v19;
	v33 =	vld [tilespmem:s14+$0x1D500];
	v61 =	vshll.u32 v25, $0x8;
	v62 =	vshll.u32 v25, $0x7  }
0x2ab: {  	vm14 =	vgt.s32 v63, $0xC3F;
	v34 =	vand.u32 $0xFFFFF800, v61;
	v24 =	vand.u32 $0x380, v62  }
0x2ac: {  	v35 =	vsel vm14, $0xFFFFF3C0, v13;
	v36 =	vsel vm14, $0x70, v13;
	v24 =	vor.u32 v34, v24  }
0x2ad: {  	v37 =	vld [tilespmem:s5+$0x1EA00];
	v25 =	vadd.s32 v63, v35;
	v38 =	vadd.s32 s21, v36;
	v24 =	vor.u32 v2, v24  }
0x2ae: {  	vm15 =	vgt.s32 v60, $0xC3F;
	v23 =	vor.u32 v2, v61;
	v25 =	vadd.s32 v25, v38  }
0x2af: {  	v28 =	vshll.u32 v25, $0x8;
	v25 =	vshll.u32 v25, $0x7;
	v26 =	vsub.s32 v33, v21  }
0x2b0: {  	v39 =	vand.u32 $0xFFFFF800, v28;
	v25 =	vand.u32 $0x380, v25;
	vm1 =	vgt.s32 v26, $0xC3F  }
0x2b1: {  	[tilespmem:s5+$0x1D500] =	vst v23;
	v40 =	vor.u32 v39, v25;
	v41 =	vsel vm1, $0xFFFFF3C0, v13;
	v42 =	vsel vm1, $0x70, v13  }
0x2b2: {  	s24 =	sor.u32 $0x60, s23;
	v43 =	vld [tilespmem:s18+$0x10];
	v23 =	vor.u32 v2, v40;
	v25 =	vadd.s32 v26, v41;
	v44 =	vadd.s32 s22, v42;
	[tilespmem:v24+s11+$0x0] =	vst.idx.msk $0xffff, v37  }
0x2b3: {  	v45 =	vsel vm15, $0xFFF3C0, v13;
	v25 =	vadd.s32 v25, v44;
	v30 =	vld [tilespmem:s24+$0x1D500]  }
0x2b4: {  	v22 =	vadd.s32 s28, v60;
	v26 =	vshll.u32 v25, $0x8;
	v25 =	vshll.u32 v25, $0x7  }
0x2b5: {  	v28 =	vor.u32 v2, v28;
	v46 =	vand.u32 $0xFFFFF800, v26;
	v25 =	vand.u32 $0x380, v25  }
0x2b6: {  	v32 =	vsel vm15, $0x70, v13;
	v22 =	vadd.s32 v45, v22;
	[tilespmem:s19+$0x10] =	vst v28;
	v25 =	vor.u32 v46, v25  }
0x2b7: {  	v22 =	vadd.s32 v32, v22;
	v47 =	vld [tilespmem:s14+$0x1EA00];
	[tilespmem:v23+s11+$0x0] =	vst.idx.msk $0xffff, v43;
	v48 =	vor.u32 v2, v25  }
0x2b8: {  	v27 =	vshll.u32 v27, $0x7;
	v22 =	vshll.u32 v22, $0x8;
	v50 =	vld [tilespmem:s19+$0x20];
	v49 =	vsub.s32 v30, v20  }
0x2b9: {  	v51 =	vor.u32 v6, v22;
	v22 =	vand.u32 $0xFFFFF800, v22;
	vm4 =	vgt.s32 v49, $0xC3F  }
0x2ba: {  	v26 =	vor.u32 v2, v26;
	v52 =	vsel vm4, $0xFFFFF3C0, v13;
	v53 =	vsel vm4, $0x70, v13  }
0x2bb: {  	v55 =	vand.u32 $0x380, v27;
	[tilespmem:s14+$0x1D500] =	vst v26;
	v25 =	vadd.s32 v49, v52;
	v54 =	vadd.s32 s20, v53  }
0x2bc: {  	v22 =	vor.u32 v22, v55;
	s14 =	sor.u32 $0x60, s15;
	[tilespmem:v48+s11+$0x0] =	vst.idx.msk $0xffff, v47;
	v25 =	vadd.s32 v25, v54  }
0x2bd: {  	v57 =	vsub.s32 v50, v19;
	v58 =	vld [tilespmem:s14+$0x1D500];
	v56 =	vshll.u32 v25, $0x8;
	v25 =	vshll.u32 v25, $0x7  }
0x2be: {  	vm5 =	vgt.s32 v57, $0xC3F;
	v59 =	vand.u32 $0xFFFFF800, v56;
	v25 =	vand.u32 $0x380, v25  }
0x2bf: {  	v60 =	vsel vm5, $0xFFFFF3C0, v13;
	v61 =	vsel vm5, $0x70, v13;
	v25 =	vor.u32 v59, v25  }
0x2c0: {  	v63 =	vld [tilespmem:s24+$0x1EA00];
	v24 =	vadd.s32 v57, v60;
	v62 =	vadd.s32 s21, v61;
	v25 =	vor.u32 v3, v25  }
0x2c1: {  	v22 =	vor.u32 v6, v22;
	v23 =	vor.u32 v3, v56;
	v24 =	vadd.s32 v24, v62  }
0x2c2: {  	v27 =	vshll.u32 v24, $0x8;
	v26 =	vsub.s32 v58, v21;
	v24 =	vshll.u32 v24, $0x7  }
0x2c3: {  	v36 =	vld [tilespmem:s18+$0xFFFFFED0];
	v37 =	vand.u32 $0xFFFFF800, v27;
	vm6 =	vgt.s32 v26, $0xC3F;
	v24 =	vand.u32 $0x380, v24  }
0x2c4: {  	[tilespmem:s24+$0x1D500] =	vst v23;
	v38 =	vsel vm6, $0xFFFFF3C0, v13;
	v33 =	vsel vm6, $0x70, v13;
	v39 =	vor.u32 v37, v24  }
0x2c5: {  	s23 =	sor.u32 $0x70, s23;
	v42 =	vld [tilespmem:s18+$0x20];
	v40 =	vadd.s32 v26, v38;
	v41 =	vadd.s32 s22, v33;
	v23 =	vor.u32 v3, v39;
	[tilespmem:v25+s11+$0x0] =	vst.idx.msk $0xffff, v63  }
0x2c6: {  	v24 =	vadd.s32 v40, v41;
	v43 =	vld [tilespmem:s23+$0x1D500]  }
0x2c7: {  	[tilespmem:s19+$0xFFFFFED0] =	vst v51;
	v44 =	vshll.u32 v24, $0x8;
	v24 =	vshll.u32 v24, $0x7  }
0x2c8: {  	[tilespmem:v22+s11+$0x0] =	vst.idx.msk $0xffff, v36;
	v27 =	vor.u32 v3, v27;
	v45 =	vand.u32 $0xFFFFF800, v44;
	v24 =	vand.u32 $0x380, v24  }
0x2c9: {  	v46 =	vld [tilespmem:s19+$0xFFFFFEE0];
	[tilespmem:s19+$0x20] =	vst v27;
	v22 =	vor.u32 v45, v24  }
0x2ca: {  	v47 =	vld [tilespmem:s14+$0x1EA00];
	v22 =	vor.u32 v3, v22;
	[tilespmem:v23+s11+$0x0] =	vst.idx.msk $0xffff, v42  }
0x2cb: {  	v25 =	vld [tilespmem:s19+$0x30];
	v48 =	vsub.s32 v43, v20  }
0x2cc: {  	vm7 =	vgt.s32 v48, $0xC3F  }
0x2cd: {  	v49 =	vor.u32 v3, v44;
	v50 =	vsel vm7, $0xFFFFF3C0, v13;
	v51 =	vsel vm7, $0x70, v13  }
0x2ce: {  	v52 =	vsub.s32 v46, v18;
	[tilespmem:s14+$0x1D500] =	vst v49;
	v23 =	vadd.s32 v48, v50;
	v53 =	vadd.s32 s20, v51  }
0x2cf: {  	vm8 =	vgt.s32 v52, $0xC3F;
	s14 =	sor.u32 $0x70, s15;
	[tilespmem:v22+s11+$0x0] =	vst.idx.msk $0xffff, v47;
	v54 =	vadd.s32 v23, v53  }
0x2d0: {  	v55 =	vld [tilespmem:s14+$0x1D500];
	v25 =	vsub.s32 v25, v19;
	v56 =	vshll.u32 v54, $0x8;
	v22 =	vshll.u32 v54, $0x7  }
0x2d1: {  	vm9 =	vgt.s32 v25, $0xC3F;
	v57 =	vand.u32 $0xFFFFF800, v56;
	v22 =	vand.u32 $0x380, v22  }
0x2d2: {  	v58 =	vsel vm9, $0xFFFFF3C0, v13;
	v59 =	vsel vm9, $0x70, v13;
	v22 =	vor.u32 v57, v22  }
0x2d3: {  	v60 =	vld [tilespmem:s23+$0x1EA00];
	v25 =	vadd.s32 v25, v58;
	v61 =	vadd.s32 s21, v59;
	v22 =	vor.u32 v4, v22  }
0x2d4: {  	v37 =	vsel vm8, $0xFFF3C0, v13;
	v24 =	vor.u32 v4, v56;
	v25 =	vadd.s32 v25, v61  }
0x2d5: {  	v23 =	vsub.s32 v55, v21;
	v27 =	vshll.u32 v25, $0x8;
	v25 =	vshll.u32 v25, $0x7  }
0x2d6: {  	vm10 =	vgt.s32 v23, $0xC3F;
	v62 =	vand.u32 $0xFFFFF800, v27;
	v25 =	vand.u32 $0x380, v25  }
0x2d7: {  	[tilespmem:s23+$0x1D500] =	vst v24;
	v63 =	vsel vm10, $0xFFFFF3C0, v13;
	v36 =	vsel vm10, $0x70, v13;
	v25 =	vor.u32 v62, v25  }
0x2d8: {  	v38 =	vld [tilespmem:s18+$0x30];
	v25 =	vor.u32 v4, v25;
	v23 =	vadd.s32 v23, v63;
	v39 =	vadd.s32 s22, v36;
	[tilespmem:v22+s11+$0x0] =	vst.idx.msk $0xffff, v60  }
0x2d9: {  	v26 =	vadd.s32 s28, v52;
	v40 =	vsel vm8, $0x70, v13;
	v23 =	vadd.s32 v23, v39;
	v41 =	vld [tilespmem:s19+$0xFFFFFF80]  }
0x2da: {  	v24 =	vadd.s32 v37, v26;
	v42 =	vshll.u32 v23, $0x8;
	v23 =	vshll.u32 v23, $0x7  }
0x2db: {  	v27 =	vor.u32 v4, v27;
	v43 =	vand.u32 $0xFFFFF800, v42;
	v23 =	vand.u32 $0x380, v23  }
0x2dc: {  	v24 =	vadd.s32 v40, v24;
	[tilespmem:s19+$0x30] =	vst v27;
	v23 =	vor.u32 v43, v23  }
0x2dd: {  	v45 =	vld [tilespmem:s14+$0x1EA00];
	v24 =	vshll.u32 v24, $0x8;
	[tilespmem:v25+s11+$0x0] =	vst.idx.msk $0xffff, v38;
	v23 =	vor.u32 v4, v23  }
0x2de: {  	v44 =	vshll.u32 v46, $0x7;
	v46 =	vand.u32 $0xFFFFF800, v24;
	v48 =	vld [tilespmem:s19+$0x40];
	v47 =	vsub.s32 v41, v20  }
0x2df: {  	v24 =	vor.u32 v7, v24;
	v27 =	vand.u32 $0x380, v44;
	vm11 =	vgt.s32 v47, $0xC3F  }
0x2e0: {  	v26 =	vor.u32 v4, v42;
	v49 =	vsel vm11, $0xFFFFF3C0, v13;
	v50 =	vsel vm11, $0x70, v13  }
0x2e1: {  	[tilespmem:s14+$0x1D500] =	vst v26;
	v25 =	vor.u32 v46, v27;
	v27 =	vadd.s32 v47, v49;
	v52 =	vadd.s32 s20, v50  }
0x2e2: {  	v51 =	vld [tilespmem:s18+$0xFFFFFEE0];
	v25 =	vor.u32 v7, v25;
	[tilespmem:v23+s11+$0x0] =	vst.idx.msk $0xffff, v45;
	v53 =	vadd.s32 v27, v52  }
0x2e3: {  	v56 =	vsub.s32 v48, v19;
	v57 =	vld [tilespmem:s19+$0x100];
	v54 =	vshll.u32 v53, $0x8;
	v55 =	vshll.u32 v53, $0x7  }
0x2e4: {  	vm12 =	vgt.s32 v56, $0xC3F;
	v58 =	vand.u32 $0xFFFFF800, v54;
	v23 =	vand.u32 $0x380, v55  }
0x2e5: {  	v59 =	vsel vm12, $0xFFFFF3C0, v13;
	v60 =	vsel vm12, $0x70, v13;
	v23 =	vor.u32 v58, v23  }
0x2e6: {  	[tilespmem:s19+$0xFFFFFEE0] =	vst v24;
	v61 =	vld [tilespmem:s18+$0xFFFFFF80];
	v24 =	vadd.s32 v56, v59;
	v62 =	vadd.s32 s21, v60;
	v23 =	vor.u32 v5, v23  }
0x2e7: {  	[tilespmem:v25+s11+$0x0] =	vst.idx.msk $0xffff, v51;
	v22 =	vor.u32 v5, v54;
	v24 =	vadd.s32 v24, v62  }
0x2e8: {  	v63 =	vld [tilespmem:s19+$0xFFFFFEF0];
	v26 =	vshll.u32 v24, $0x8;
	v24 =	vshll.u32 v24, $0x7;
	v27 =	vsub.s32 v57, v21  }
0x2e9: {  	v32 =	vand.u32 $0xFFFFF800, v26;
	v24 =	vand.u32 $0x380, v24;
	vm13 =	vgt.s32 v27, $0xC3F  }
0x2ea: {  	[tilespmem:s19+$0xFFFFFF80] =	vst v22;
	v33 =	vor.u32 v32, v24;
	v34 =	vsel vm13, $0xFFFFF3C0, v13;
	v35 =	vsel vm13, $0x70, v13  }
0x2eb: {  	v36 =	vld [tilespmem:s18+$0x40];
	v22 =	vor.u32 v5, v33;
	v24 =	vadd.s32 v27, v34;
	v37 =	vadd.s32 s22, v35;
	[tilespmem:v23+s11+$0x0] =	vst.idx.msk $0xffff, v61  }
0x2ec: {  	v24 =	vadd.s32 v24, v37;
	v39 =	vld [tilespmem:s19+$0xFFFFFF90]  }
0x2ed: {  	v38 =	vsub.s32 v63, v18;
	v25 =	vshll.u32 v24, $0x8;
	v24 =	vshll.u32 v24, $0x7  }
0x2ee: {  	v26 =	vor.u32 v5, v26;
	v40 =	vand.u32 $0xFFFFF800, v25;
	v24 =	vand.u32 $0x380, v24  }
0x2ef: {  	vm14 =	vgt.s32 v38, $0xC3F;
	[tilespmem:s19+$0x40] =	vst v26;
	v24 =	vor.u32 v40, v24  }
0x2f0: {  	v43 =	vld [tilespmem:s18+$0x100];
	v41 =	vsel vm14, $0xFFF3C0, v13;
	v27 =	vadd.s32 s28, v38;
	[tilespmem:v22+s11+$0x0] =	vst.idx.msk $0xffff, v36;
	v44 =	vor.u32 v5, v24  }
0x2f1: {  	v42 =	vsel vm14, $0x70, v13;
	v27 =	vadd.s32 v41, v27;
	v47 =	vld [tilespmem:s19+$0x50];
	v46 =	vsub.s32 v39, v20  }
0x2f2: {  	v28 =	vshll.u32 v63, $0x7;
	v45 =	vadd.s32 v42, v27;
	vm15 =	vgt.s32 v46, $0xC3F  }
0x2f3: {  	v25 =	vor.u32 v5, v25;
	v48 =	vsel vm15, $0xFFFFF3C0, v13;
	v49 =	vsel vm15, $0x70, v13  }
0x2f4: {  	[tilespmem:s19+$0x100] =	vst v25;
	v24 =	vshll.u32 v45, $0x8;
	v26 =	vadd.s32 v46, v48;
	v50 =	vadd.s32 s20, v49  }
0x2f5: {  	v28 =	vand.u32 $0x380, v28;
	v51 =	vand.u32 $0xFFFFF800, v24;
	[tilespmem:v44+s11+$0x0] =	vst.idx.msk $0xffff, v43;
	v26 =	vadd.s32 v26, v50  }
0x2f6: {  	v54 =	vsub.s32 v47, v19;
	v55 =	vld [tilespmem:s19+$0x110];
	v53 =	vshll.u32 v26, $0x8;
	v26 =	vshll.u32 v26, $0x7  }
0x2f7: {  	vm4 =	vgt.s32 v54, $0xC3F;
	v56 =	vand.u32 $0xFFFFF800, v53;
	v26 =	vand.u32 $0x380, v26  }
0x2f8: {  	v57 =	vsel vm4, $0xFFFFF3C0, v13;
	v58 =	vsel vm4, $0x70, v13;
	v26 =	vor.u32 v56, v26  }
0x2f9: {  	v60 =	vld [tilespmem:s18+$0xFFFFFF90];
	v25 =	vadd.s32 v54, v57;
	v59 =	vadd.s32 s21, v58;
	v26 =	vor.u32 v6, v26  }
0x2fa: {  	v52 =	vor.u32 v51, v28;
	v23 =	vor.u32 v6, v53;
	v25 =	vadd.s32 v25, v59  }
0x2fb: {  	v28 =	vshll.u32 v25, $0x8;
	v27 =	vsub.s32 v55, v21;
	v25 =	vshll.u32 v25, $0x7  }
0x2fc: {  	v61 =	vand.u32 $0xFFFFF800, v28;
	vm5 =	vgt.s32 v27, $0xC3F;
	v25 =	vand.u32 $0x380, v25  }
0x2fd: {  	[tilespmem:s19+$0xFFFFFF90] =	vst v23;
	v63 =	vsel vm5, $0xFFFFF3C0, v13;
	v36 =	vsel vm5, $0x70, v13;
	v37 =	vor.u32 v61, v25  }
0x2fe: {  	v40 =	vld [tilespmem:s18+$0x50];
	v38 =	vadd.s32 v27, v63;
	v39 =	vadd.s32 s22, v36;
	v23 =	vor.u32 v6, v37;
	[tilespmem:v26+s11+$0x0] =	vst.idx.msk $0xffff, v60  }
0x2ff: {  	v24 =	vor.u32 v8, v24;
	v25 =	vadd.s32 v38, v39;
	v41 =	vld [tilespmem:s19+$0xFFFFFFA0]  }
0x300: {  	v22 =	vor.u32 v8, v52;
	v42 =	vshll.u32 v25, $0x8;
	v25 =	vshll.u32 v25, $0x7  }
0x301: {  	v62 =	vld [tilespmem:s18+$0xFFFFFEF0];
	[tilespmem:s19+$0xFFFFFEF0] =	vst v24;
	v44 =	vor.u32 v6, v28;
	v43 =	vand.u32 $0xFFFFF800, v42;
	v25 =	vand.u32 $0x380, v25  }
0x302: {  	[tilespmem:s19+$0x50] =	vst v44;
	v24 =	vor.u32 v43, v25  }
0x303: {  	v45 =	vld [tilespmem:s18+$0x110];
	v24 =	vor.u32 v6, v24;
	[tilespmem:v23+s11+$0x0] =	vst.idx.msk $0xffff, v40  }
0x304: {  	v26 =	vld [tilespmem:s19+$0x60];
	v47 =	vsub.s32 v41, v20  }
0x305: {  	vm6 =	vgt.s32 v47, $0xC3F  }
0x306: {  	[tilespmem:v22+s11+$0x0] =	vst.idx.msk $0xffff, v62;
	v48 =	vor.u32 v6, v42;
	v49 =	vsel vm6, $0xFFFFF3C0, v13;
	v50 =	vsel vm6, $0x70, v13  }
0x307: {  	[tilespmem:s19+$0x110] =	vst v48;
	v23 =	vadd.s32 v47, v49;
	v51 =	vadd.s32 s20, v50  }
0x308: {  	v46 =	vld [tilespmem:s19+$0xFFFFFF00];
	[tilespmem:v24+s11+$0x0] =	vst.idx.msk $0xffff, v45;
	v23 =	vadd.s32 v23, v51  }
0x309: {  	v24 =	vld [tilespmem:s19+$0x120];
	v26 =	vsub.s32 v26, v19;
	v27 =	vshll.u32 v23, $0x8;
	v23 =	vshll.u32 v23, $0x7  }
0x30a: {  	vm7 =	vgt.s32 v26, $0xC3F;
	v53 =	vand.u32 $0xFFFFF800, v27;
	v23 =	vand.u32 $0x380, v23  }
0x30b: {  	v54 =	vsel vm7, $0xFFFFF3C0, v13;
	v55 =	vsel vm7, $0x70, v13;
	v23 =	vor.u32 v53, v23  }
0x30c: {  	v56 =	vld [tilespmem:s18+$0xFFFFFFA0];
	v26 =	vadd.s32 v26, v54;
	v57 =	vadd.s32 s21, v55;
	v23 =	vor.u32 v7, v23  }
0x30d: {  	v52 =	vsub.s32 v46, v18;
	v27 =	vor.u32 v7, v27;
	v26 =	vadd.s32 v26, v57  }
0x30e: {  	v24 =	vsub.s32 v24, v21;
	v28 =	vshll.u32 v26, $0x8;
	v26 =	vshll.u32 v26, $0x7  }
0x30f: {  	vm8 =	vgt.s32 v24, $0xC3F;
	v58 =	vand.u32 $0xFFFFF800, v28;
	v26 =	vand.u32 $0x380, v26  }
0x310: {  	[tilespmem:s19+$0xFFFFFFA0] =	vst v27;
	v59 =	vsel vm8, $0xFFFFF3C0, v13;
	v60 =	vsel vm8, $0x70, v13;
	v26 =	vor.u32 v58, v26  }
0x311: {  	v61 =	vld [tilespmem:s18+$0x60];
	v26 =	vor.u32 v7, v26;
	v24 =	vadd.s32 v24, v59;
	v27 =	vadd.s32 s22, v60;
	[tilespmem:v23+s11+$0x0] =	vst.idx.msk $0xffff, v56  }
0x312: {  	vm9 =	vgt.s32 v52, $0xC3F;
	v22 =	vadd.s32 s28, v52;
	v24 =	vadd.s32 v24, v27;
	v30 =	vld [tilespmem:s19+$0xFFFFFFB0]  }
0x313: {  	v62 =	vsel vm9, $0xFFF3C0, v13;
	v27 =	vshll.u32 v24, $0x8;
	v24 =	vshll.u32 v24, $0x7  }
0x314: {  	v28 =	vor.u32 v7, v28;
	v63 =	vand.u32 $0xFFFFF800, v27;
	v24 =	vand.u32 $0x380, v24  }
0x315: {  	v32 =	vsel vm9, $0x70, v13;
	v22 =	vadd.s32 v62, v22;
	[tilespmem:s19+$0x60] =	vst v28;
	v24 =	vor.u32 v63, v24  }
0x316: {  	v22 =	vadd.s32 v32, v22;
	v25 =	vshll.u32 v46, $0x7;
	v33 =	vld [tilespmem:s18+$0x120];
	[tilespmem:v26+s11+$0x0] =	vst.idx.msk $0xffff, v61;
	v24 =	vor.u32 v7, v24  }
0x317: {  	v22 =	vshll.u32 v22, $0x8;
	v25 =	vand.u32 $0x380, v25;
	v35 =	vld [tilespmem:s19+$0x70];
	v34 =	vsub.s32 v30, v20  }
0x318: {  	v36 =	vand.u32 $0xFFFFF800, v22;
	v22 =	vor.u32 v14, v22;
	vm10 =	vgt.s32 v34, $0xC3F  }
0x319: {  	v27 =	vor.u32 v7, v27;
	v37 =	vsel vm10, $0xFFFFF3C0, v13;
	v38 =	vsel vm10, $0x70, v13  }
0x31a: {  	v25 =	vor.u32 v36, v25;
	[tilespmem:s19+$0x120] =	vst v27;
	v26 =	vadd.s32 v34, v37;
	v39 =	vadd.s32 s20, v38  }
0x31b: {  	v44 =	vld [tilespmem:s18+$0xFFFFFF00];
	v25 =	vor.u32 v9, v25;
	[tilespmem:v24+s11+$0x0] =	vst.idx.msk $0xffff, v33;
	v26 =	vadd.s32 v26, v39  }
0x31c: {  	v42 =	vsub.s32 v35, v19;
	v43 =	vld [tilespmem:s19+$0x130];
	v40 =	vshll.u32 v26, $0x8;
	v41 =	vshll.u32 v26, $0x7  }
0x31d: {  	vm11 =	vgt.s32 v42, $0xC3F;
	v45 =	vand.u32 $0xFFFFF800, v40;
	v24 =	vand.u32 $0x380, v41  }
0x31e: {  	v46 =	vsel vm11, $0xFFFFF3C0, v13;
	v47 =	vsel vm11, $0x70, v13;
	v24 =	vor.u32 v45, v24  }
0x31f: {  	[tilespmem:s19+$0xFFFFFF00] =	vst v22;
	v48 =	vld [tilespmem:s18+$0xFFFFFFB0];
	v26 =	vadd.s32 v42, v46;
	v49 =	vadd.s32 s21, v47;
	v24 =	vor.u32 v8, v24  }
0x320: {  	[tilespmem:v25+s11+$0x0] =	vst.idx.msk $0xffff, v44;
	v23 =	vor.u32 v8, v40;
	v26 =	vadd.s32 v26, v49  }
0x321: {  	v28 =	vld [tilespmem:s19+$0xFFFFFF10];
	v50 =	vshll.u32 v26, $0x8;
	v27 =	vsub.s32 v43, v21;
	v52 =	vshll.u32 v26, $0x7  }
0x322: {  	[tilespmem:s19+$0xFFFFFFB0] =	vst v23;
	v51 =	vand.u32 $0xFFFFF800, v50;
	vm12 =	vgt.s32 v27, $0xC3F;
	v23 =	vand.u32 $0x380, v52  }
0x323: {  	v53 =	vsel vm12, $0xFFFFF3C0, v13;
	v54 =	vsel vm12, $0x70, v13;
	v23 =	vor.u32 v51, v23  }
0x324: {  	v58 =	vld [tilespmem:s18+$0x70];
	v55 =	vadd.s32 v27, v53;
	v56 =	vadd.s32 s22, v54;
	v23 =	vor.u32 v8, v23;
	[tilespmem:v24+s11+$0x0] =	vst.idx.msk $0xffff, v48  }
0x325: {  	v24 =	vadd.s32 v55, v56;
	v57 =	vld [tilespmem:s19+$0xFFFFFFC0]  }
0x326: {  	v60 =	vsub.s32 v28, v18;
	v26 =	vshll.u32 v24, $0x8;
	v24 =	vshll.u32 v24, $0x7  }
0x327: {  	v22 =	vor.u32 v8, v50;
	v59 =	vand.u32 $0xFFFFF800, v26;
	v24 =	vand.u32 $0x380, v24  }
0x328: {  	vm13 =	vgt.s32 v60, $0xC3F;
	[tilespmem:s19+$0x70] =	vst v22;
	v24 =	vor.u32 v59, v24  }
0x329: {  	v62 =	vsel vm13, $0xFFF3C0, v13;
	v30 =	vadd.s32 s28, v60;
	v61 =	vld [tilespmem:s18+$0x130];
	v24 =	vor.u32 v8, v24;
	[tilespmem:v23+s11+$0x0] =	vst.idx.msk $0xffff, v58  }
0x32a: {  	v63 =	vsel vm13, $0x70, v13;
	v30 =	vadd.s32 v62, v30;
	v23 =	vld [tilespmem:s19+$0x80];
	v27 =	vsub.s32 v57, v20  }
0x32b: {  	v36 =	vshll.u32 v28, $0x7;
	v22 =	vadd.s32 v63, v30;
	vm14 =	vgt.s32 v27, $0xC3F  }
0x32c: {  	v33 =	vor.u32 v8, v26;
	v34 =	vsel vm14, $0xFFFFF3C0, v13;
	v35 =	vsel vm14, $0x70, v13  }
0x32d: {  	v22 =	vshll.u32 v22, $0x8;
	[tilespmem:s19+$0x130] =	vst v33;
	v26 =	vadd.s32 v27, v34;
	v37 =	vadd.s32 s20, v35  }
0x32e: {  	s14 =	sor.u32 $0xC0, s15;
	v25 =	vand.u32 $0x380, v36;
	v38 =	vand.u32 $0xFFFFF800, v22;
	[tilespmem:v24+s11+$0x0] =	vst.idx.msk $0xffff, v61;
	v26 =	vadd.s32 v26, v37  }
0x32f: {  	v39 =	vld [tilespmem:s14+$0x1D500];
	v23 =	vsub.s32 v23, v19;
	v40 =	vshll.u32 v26, $0x8;
	v26 =	vshll.u32 v26, $0x7  }
0x330: {  	vm15 =	vgt.s32 v23, $0xC3F;
	v41 =	vand.u32 $0xFFFFF800, v40;
	v26 =	vand.u32 $0x380, v26  }
0x331: {  	v43 =	vsel vm15, $0xFFFFF3C0, v13;
	v44 =	vsel vm15, $0x70, v13;
	v26 =	vor.u32 v26, v41  }
0x332: {  	v42 =	vld [tilespmem:s18+$0xFFFFFFC0];
	v23 =	vadd.s32 v23, v43;
	v45 =	vadd.s32 s21, v44;
	v26 =	vor.u32 v9, v26  }
0x333: {  	v24 =	vor.u32 v38, v25;
	v25 =	vor.u32 v14, v40;
	v23 =	vadd.s32 v23, v45  }
0x334: {  	v27 =	vsub.s32 v39, v21;
	v29 =	vshll.u32 v23, $0x8;
	v23 =	vshll.u32 v23, $0x7  }
0x335: {  	vm4 =	vgt.s32 v27, $0xC3F;
	v51 =	vand.u32 $0xFFFFF800, v29;
	v23 =	vand.u32 $0x380, v23  }
0x336: {  	[tilespmem:s19+$0xFFFFFFC0] =	vst v25;
	v46 =	vsel vm4, $0xFFFFF3C0, v13;
	v47 =	vsel vm4, $0x70, v13;
	v23 =	vor.u32 v23, v51  }
0x337: {  	v54 =	vld [tilespmem:s18+$0x80];
	v48 =	vadd.s32 v27, v46;
	v49 =	vadd.s32 s22, v47;
	v23 =	vor.u32 v9, v23;
	[tilespmem:v26+s11+$0x0] =	vst.idx.msk $0xffff, v42  }
0x338: {  	v25 =	vadd.s32 v48, v49;
	v52 =	vld [tilespmem:s5+$0x1D580]  }
0x339: {  	v24 =	vor.u32 v10, v24;
	v53 =	vshll.u32 v25, $0x8;
	v25 =	vshll.u32 v25, $0x7  }
0x33a: {  	v50 =	vld [tilespmem:s18+$0xFFFFFF10];
	v57 =	vor.u32 v14, v29;
	v55 =	vand.u32 $0xFFFFF800, v53;
	v25 =	vand.u32 $0x380, v25  }
0x33b: {  	[tilespmem:s19+$0x80] =	vst v57;
	v25 =	vor.u32 v25, v55  }
0x33c: {  	v56 =	vld [tilespmem:s14+$0x1EA00];
	v25 =	vor.u32 v9, v25;
	[tilespmem:v23+s11+$0x0] =	vst.idx.msk $0xffff, v54  }
0x33d: {  	v22 =	vor.u32 v15, v22;
	v60 =	vld [tilespmem:s19+$0x90];
	v58 =	vsub.s32 v52, v20  }
0x33e: {  	[tilespmem:s19+$0xFFFFFF10] =	vst v22;
	vm5 =	vgt.s32 v58, $0xC3F  }
0x33f: {  	[tilespmem:v24+s11+$0x0] =	vst.idx.msk $0xffff, v50;
	v59 =	vor.u32 v14, v53;
	v62 =	vsel vm5, $0xFFFFF3C0, v13;
	v63 =	vsel vm5, $0x70, v13  }
0x340: {  	[tilespmem:s14+$0x1D500] =	vst v59;
	v32 =	vadd.s32 v58, v62;
	v33 =	vadd.s32 s20, v63  }
0x341: {  	v61 =	vld [tilespmem:s19+$0xFFFFFF20];
	s14 =	sor.u32 $0xD0, s15;
	[tilespmem:v25+s11+$0x0] =	vst.idx.msk $0xffff, v56;
	v22 =	vadd.s32 v32, v33  }
0x342: {  	v25 =	vld [tilespmem:s14+$0x1D500];
	v26 =	vsub.s32 v60, v19;
	v24 =	vshll.u32 v22, $0x8  }
0x343: {  	v22 =	vshll.u32 v22, $0x7;
	vm6 =	vgt.s32 v26, $0xC3F;
	v34 =	vand.u32 $0xFFFFF800, v24  }
0x344: {  	v22 =	vand.u32 $0x380, v22;
	v36 =	vsel vm6, $0xFFFFF3C0, v13;
	v37 =	vsel vm6, $0x70, v13  }
0x345: {  	v22 =	vor.u32 v22, v34;
	v26 =	vadd.s32 v26, v36;
	v27 =	vadd.s32 s21, v37  }
0x346: {  	v38 =	vld [tilespmem:s5+$0x1EA80];
	v35 =	vsub.s32 v61, v18;
	v22 =	vor.u32 v10, v22;
	v26 =	vadd.s32 v26, v27  }
0x347: {  	v24 =	vor.u32 v15, v24;
	v25 =	vsub.s32 v25, v21;
	v27 =	vshll.u32 v26, $0x8  }
0x348: {  	v26 =	vshll.u32 v26, $0x7;
	vm7 =	vgt.s32 v25, $0xC3F;
	v41 =	vand.u32 $0xFFFFF800, v27  }
0x349: {  	v26 =	vand.u32 $0x380, v26;
	v39 =	vsel vm7, $0xFFFFF3C0, v13;
	v40 =	vsel vm7, $0x70, v13  }
0x34a: {  	[tilespmem:s5+$0x1D580] =	vst v24;
	v26 =	vor.u32 v26, v41;
	v25 =	vadd.s32 v25, v39;
	v31 =	vadd.s32 s22, v40  }
0x34b: {  	v43 =	vld [tilespmem:s18+$0x90];
	v26 =	vor.u32 v10, v26;
	v25 =	vadd.s32 v25, v31;
	[tilespmem:v22+s11+$0x0] =	vst.idx.msk $0xffff, v38  }
0x34c: {  	vm8 =	vgt.s32 v35, $0xC3F;
	v44 =	vshll.u32 v25, $0x8;
	v25 =	vshll.u32 v25, $0x7;
	v45 =	vld [tilespmem:s24+$0x1D580]  }
0x34d: {  	v28 =	vadd.s32 s28, v35;
	v46 =	vand.u32 $0xFFFFF800, v44;
	v25 =	vand.u32 $0x380, v25  }
0x34e: {  	v42 =	vsel vm8, $0xFFF3C0, v13;
	v27 =	vor.u32 v15, v27;
	v25 =	vor.u32 v25, v46  }
0x34f: {  	v47 =	vsel vm8, $0x70, v13;
	v48 =	vld [tilespmem:s14+$0x1EA00];
	v24 =	vadd.s32 v42, v28;
	[tilespmem:s19+$0x90] =	vst v27;
	v25 =	vor.u32 v10, v25  }
0x350: {  	v23 =	vshll.u32 v61, $0x7;
	v24 =	vadd.s32 v47, v24;
	[tilespmem:v26+s11+$0x0] =	vst.idx.msk $0xffff, v43  }
0x351: {  	v50 =	vand.u32 $0x380, v23;
	v24 =	vshll.u32 v24, $0x8;
	v26 =	vld [tilespmem:s19+$0xA0];
	v51 =	vsub.s32 v45, v20  }
0x352: {  	v49 =	vand.u32 $0xFFFFF800, v24;
	v29 =	vor.u32 v15, v44;
	vm9 =	vgt.s32 v51, $0xC3F  }
0x353: {  	v22 =	vor.u32 v49, v50;
	[tilespmem:s14+$0x1D500] =	vst v29;
	v53 =	vsel vm9, $0xFFFFF3C0, v13;
	v54 =	vsel vm9, $0x70, v13  }
0x354: {  	v52 =	vld [tilespmem:s18+$0xFFFFFF20];
	v22 =	vor.u32 v11, v22;
	s14 =	sor.u32 $0xE0, s15;
	[tilespmem:v25+s11+$0x0] =	vst.idx.msk $0xffff, v48;
	v23 =	vadd.s32 v51, v53;
	v55 =	vadd.s32 s20, v54  }
0x355: {  	v24 =	vor.u32 v16, v24;
	v28 =	vld [tilespmem:s14+$0x1D500];
	v23 =	vadd.s32 v23, v55  }
0x356: {  	v26 =	vsub.s32 v26, v19;
	v25 =	vshll.u32 v23, $0x8;
	v23 =	vshll.u32 v23, $0x7  }
0x357: {  	vm10 =	vgt.s32 v26, $0xC3F;
	v56 =	vand.u32 $0xFFFFF800, v25;
	v23 =	vand.u32 $0x380, v23  }
0x358: {  	[tilespmem:s19+$0xFFFFFF20] =	vst v24;
	v58 =	vsel vm10, $0xFFFFF3C0, v13;
	v59 =	vsel vm10, $0x70, v13;
	v62 =	vor.u32 v16, v25  }
0x359: {  	[tilespmem:v22+s11+$0x0] =	vst.idx.msk $0xffff, v52;
	v57 =	vor.u32 v23, v56;
	v23 =	vadd.s32 v26, v58;
	v24 =	vadd.s32 s21, v59  }
0x35a: {  	v61 =	vld [tilespmem:s24+$0x1EA80];
	v22 =	vor.u32 v11, v57;
	v23 =	vadd.s32 v23, v24;
	v60 =	vsub.s32 v28, v21  }
0x35b: {  	v63 =	vshll.u32 v23, $0x8;
	v23 =	vshll.u32 v23, $0x7;
	vm11 =	vgt.s32 v60, $0xC3F  }
0x35c: {  	v27 =	vld [tilespmem:s19+$0xFFFFFF30];
	v34 =	vand.u32 $0xFFFFF800, v63;
	v32 =	vsel vm11, $0xFFFFF3C0, v13;
	v33 =	vsel vm11, $0x70, v13  }
0x35d: {  	v23 =	vand.u32 $0x380, v23;
	v26 =	vadd.s32 v60, v32;
	v29 =	vadd.s32 s22, v33  }
0x35e: {  	[tilespmem:s24+$0x1D580] =	vst v62;
	v23 =	vor.u32 v23, v34;
	v35 =	vadd.s32 v26, v29  }
0x35f: {  	v36 =	vld [tilespmem:s18+$0xA0];
	v23 =	vor.u32 v11, v23;
	[tilespmem:v22+s11+$0x0] =	vst.idx.msk $0xffff, v61;
	v26 =	vshll.u32 v35, $0x8;
	v24 =	vshll.u32 v35, $0x7  }
0x360: {  	v28 =	vld [tilespmem:s23+$0x1D580];
	v37 =	vand.u32 $0xFFFFF800, v26;
	v24 =	vand.u32 $0x380, v24  }
0x361: {  	v18 =	vsub.s32 v27, v18;
	v24 =	vor.u32 v24, v37  }
0x362: {  	v39 =	vld [tilespmem:s14+$0x1EA00];
	vm12 =	vgt.s32 v18, $0xC3F;
	v25 =	vor.u32 v16, v63;
	v24 =	vor.u32 v11, v24  }
0x363: {  	v18 =	vadd.s32 s28, v18;
	v38 =	vsel vm12, $0xFFF3C0, v13;
	[tilespmem:s19+$0xA0] =	vst v25  }
0x364: {  	v43 =	vshll.u32 v27, $0x7;
	v40 =	vsel vm12, $0x70, v13;
	v18 =	vadd.s32 v38, v18;
	[tilespmem:v23+s11+$0x0] =	vst.idx.msk $0xffff, v36  }
0x365: {  	v18 =	vadd.s32 v40, v18;
	v41 =	vor.u32 v16, v26;
	v22 =	vld [tilespmem:s19+$0xB0];
	v20 =	vsub.s32 v28, v20  }
0x366: {  	v44 =	vand.u32 $0x380, v43;
	v18 =	vshll.u32 v18, $0x8;
	[tilespmem:s14+$0x1D500] =	vst v41;
	vm13 =	vgt.s32 v20, $0xC3F  }
0x367: {  	s24 =	sor.u32 $0xF0, s15;
	v42 =	vand.u32 $0xFFFFF800, v18;
	v45 =	vsel vm13, $0xFFFFF3C0, v13;
	v46 =	vsel vm13, $0x70, v13;
	[tilespmem:v24+s11+$0x0] =	vst.idx.msk $0xffff, v39  }
0x368: {  	v23 =	vor.u32 v42, v44;
	v20 =	vadd.s32 v20, v45;
	v47 =	vadd.s32 s20, v46;
	v48 =	vld [tilespmem:s24+$0x1D500]  }
0x369: {  	v18 =	vor.u32 v17, v18;
	v23 =	vor.u32 v12, v23;
	v20 =	vadd.s32 v20, v47  }
0x36a: {  	v19 =	vsub.s32 v22, v19;
	v24 =	vshll.u32 v20, $0x8;
	v20 =	vshll.u32 v20, $0x7  }
0x36b: {  	vm14 =	vgt.s32 v19, $0xC3F;
	v49 =	vand.u32 $0xFFFFF800, v24;
	v20 =	vand.u32 $0x380, v20  }
0x36c: {  	v50 =	vsel vm14, $0xFFFFF3C0, v13;
	v51 =	vsel vm14, $0x70, v13;
	v20 =	vor.u32 v20, v49  }
0x36d: {  	v19 =	vadd.s32 v19, v50;
	v52 =	vadd.s32 s21, v51;
	v21 =	vsub.s32 v48, v21  }
0x36e: {  	v20 =	vor.u32 v12, v20;
	v19 =	vadd.s32 v19, v52;
	vm15 =	vgt.s32 v21, $0xC3F  }
0x36f: {  	v53 =	vld [tilespmem:s18+$0xFFFFFF30];
	v54 =	vshll.u32 v19, $0x8;
	v55 =	vsel vm15, $0xFFFFF3C0, v13;
	v56 =	vsel vm15, $0x70, v13  }
0x370: {  	v19 =	vshll.u32 v19, $0x7;
	v21 =	vadd.s32 v21, v55;
	v57 =	vadd.s32 s22, v56  }
0x371: {  	v59 =	vand.u32 $0xFFFFF800, v54;
	v19 =	vand.u32 $0x380, v19;
	v21 =	vadd.s32 v21, v57  }
0x372: {  	v58 =	vld [tilespmem:s23+$0x1EA80];
	v19 =	vor.u32 v19, v59;
	v26 =	vshll.u32 v21, $0x8;
	v21 =	vshll.u32 v21, $0x7  }
0x373: {  	[tilespmem:s19+$0xFFFFFF30] =	vst v18;
	v18 =	vld [tilespmem:s18+$0xB0];
	v19 =	vor.u32 v12, v19;
	v60 =	vand.u32 $0xFFFFF800, v26;
	v21 =	vand.u32 $0x380, v21  }
0x374: {  	s10 =	sadd.s32 $0x4, s10;
	[tilespmem:v23+s11+$0x0] =	vst.idx.msk $0xffff, v53;
	v61 =	vor.u32 v17, v24;
	v21 =	vor.u32 v21, v60  }
0x375: {  	p1 =	slt.u32 s10, $0x18;
	v62 =	vld [tilespmem:s24+$0x1EA00];
	[tilespmem:s23+$0x1D580] =	vst v61;
	v63 =	vor.u32 v17, v54;
	v21 =	vor.u32 v12, v21  }
.Ltmp7:
0x376: {  	[tilespmem:s19+$0xB0] =	vst v63;
	(pc) =	sbr.rel @p1 .LBB2_17-.Ltmp7, $4  }
0x377: {  	[tilespmem:v20+s11+$0x0] =	vst.idx.msk $0xffff, v58  }
0x378: {  	[tilespmem:v19+s11+$0x0] =	vst.idx.msk $0xffff, v18;
	v18 =	vor.u32 v17, v26  }
0x379: {  	s28 =	sadd.s32 $0x8, s28;
	[tilespmem:s24+$0x1D500] =	vst v18  }
0x37a: {  	s15 =	sadd.s32 $0x300, s15;
	s18 =	sadd.s32 $0x300, s18;
	s19 =	sadd.s32 $0x300, s19;
	[tilespmem:v21+s11+$0x0] =	vst.idx.msk $0xffff, v62  }
0x37b: {  	s5 =	simm.s32 $0x10  }
0x37c: {  	s0 =	sshll.u32 s0, $0x1;
	s5 =	simm.s32 @!p0 $0x0  }
0x37d: {  	s0 =	sadd.s32 s5, s0  }
0x37e: {  	s0 =	smul.u32 $0x38, s0;
	_ =	sdelay $0x1  }
0x37f: {  	s0 =	sadd.s32 s3, s0  }
0x380: {  	s0 =	smul.u32 $0x3800, s0;
	_ =	sdelay $0x1  }
0x381: {  	s20 =	sshrl.u32 s0, $0x3  }
0x382: {  	s22 =	simm.s32 $0x11800;
	s21 =	sadd.s32 $0x3800, s0;
	s3 =	sadd.s32 s1, s20  }
0x383: {  	[hbm4b:s3+s2] =	stream.linear.scatter [tilespmem:s11], [sflag:$0x2], $0x3800, $0x38;
	[tilespmem:$0x1FF00] =	vst v63  }
0x384: {  	s24 =	simm.s32 $0x15000;
	s29 =	sadd.s32 $0x1, s29;
	s3 =	sshrl.u32 s21, $0x3  }
0x385: {  	p0 =	sne.s32 s29, $0x7;
	s23 =	sadd.s32 $0xC4000, s0;
	s3 =	sadd.s32 s1, s3  }
0x386: {  	[hbm4b:s3+s2] =	stream.linear.scatter [tilespmem:s22], [sflag:$0x2], $0x3800, $0x38;
	[tilespmem:$0x1FF00] =	vst v63  }
.Ltmp8:
0x387: {  	s0 =	sadd.s32 $0xC7800, s0;
	s3 =	sshrl.u32 s23, $0x3;
	(pc) =	sbr.rel @p0 .LBB2_6-.Ltmp8, $4  }
0x388: {  	s28 =	simm.s32 $0x18800;
	s0 =	sshrl.u32 s0, $0x3;
	s3 =	sadd.s32 s1, s3  }
0x389: {  	[hbm4b:s3+s2] =	stream.linear.scatter [tilespmem:s24], [sflag:$0x2], $0x3800, $0x38;
	[tilespmem:$0x1FF00] =	vst v63  }
0x38a: {  	s31 =	sadd.s32 $0x1C00, s31;
	s30 =	sadd.s32 $0x40, s30;
	s0 =	sadd.s32 s1, s0  }
0x38b: {  	[hbm4b:s0+s2] =	stream.linear.scatter [tilespmem:s28], [sflag:$0x2], $0x3800, $0x38;
	[tilespmem:$0x1FF00] =	vst v63  }
0x38c: {  	_ =	swait.ge [sflag:s25], $0x3800  }
0x38d: {  	[sflag:s25] =	ssyncset.done $0x0  }
0x38e: {  	[sflag:s25] =	ssyncadd.s32 $0xFFFFC800  }
0x38f: {  	_ =	swait.ge [sflag:s25], $0x3800  }
0x390: {  	[sflag:s25] =	ssyncset.done $0x0  }
0x391: {  	[sflag:s25] =	ssyncadd.s32 $0xFFFFC800  }
0x392: {  	_ =	swait.ge [sflag:s25], $0x3800  }
0x393: {  	[sflag:s25] =	ssyncset.done $0x0  }
0x394: {  	[sflag:s25] =	ssyncadd.s32 $0xFFFFC800  }
0x395: {  	_ =	swait.ge [sflag:s25], $0x3800  }
0x396: {  	[sflag:s25] =	ssyncset.done $0x0  }
0x397: {  	[sflag:s25] =	ssyncadd.s32 $0xFFFFC800  }
0x398: {  	_ =	swait.ge [sflag:s26], $0x3800  }
0x399: {  	[sflag:s26] =	ssyncset.done $0x0  }
0x39a: {  	[sflag:s26] =	ssyncadd.s32 $0xFFFFC800  }
0x39b: {  	_ =	swait.ge [sflag:s26], $0x3800  }
0x39c: {  	[sflag:s26] =	ssyncset.done $0x0  }
0x39d: {  	[sflag:s26] =	ssyncadd.s32 $0xFFFFC800  }
0x39e: {  	_ =	swait.ge [sflag:s26], $0x3800  }
0x39f: {  	[sflag:s26] =	ssyncset.done $0x0  }
0x3a0: {  	[sflag:s26] =	ssyncadd.s32 $0xFFFFC800  }
0x3a1: {  	_ =	swait.ge [sflag:s26], $0x3800  }
0x3a2: {  	s3 =	rddreg [dreg:$0x7]  }
0x3a3: {  	s0 =	rddreg [dreg:$0x4];
	s3 =	sadd.s32 $0x1, s3  }
0x3a4: {  	p0 =	sne.s32 s3, s0  }
.Ltmp9:
0x3a5: {  	_ = 	snop;
	(pc) =	sbr.rel @p0 .LBB2_1-.Ltmp9, $3  }
0x3a6: {  	_ =	sdelay $0x1  }
0x3a7: {  	[sflag:s26] =	ssyncset.done $0x0  }
0x3a8: {  	[sflag:s26] =	ssyncadd.s32 $0xFFFFC800  }
0x3a9: {  	_ =	sfence.sel $0x180000  }
0x3aa: {  	[bflag:$0x0] =	sbarrier.arrive $0xFFFF  }
0x3ab: {  	_ =	strace $0x90000047  }
0x3ac: {  	s0 =	stileid.u32;
	[bflag:$0x2] =	sbarrier.arrive $0xFFFF  }
0x3ad: {  	p0 =	sne.s32 s0, $0x0;
	s0 =	rddreg [dreg:$0x2]  }
0x3ae: {  	s0 =	sadd.s32 @!p0 $0x100000, s0  }
0x3af: {  	[sflag:s0] =	ssyncadd.tile.s32 @!p0 $0x1;
	_ =	shalt  }
.Lfunc_end2:
_tile_overlayer_lowered:
.L_overlay_start_2:
0x3b0: {  	(tag) =	ssettag $0x2  }
0x3b1: {  	s0 =	rddreg [dreg:$0x0];
	s2 =	stileid.u32  }
0x3b2: {  	s1 =	rddreg [dreg:$0x1];
	p0 =	sne.s32 s2, $0x0  }
0x3b3: {  	s3 =	rddreg [dreg:$0x2];
	[bflag:$0x3] =	sbarrier.arrive $0xFFFF;
	s2 =	simm.s32 @!p0 $0x1C05  }
0x3b4: {  	[timem:s3], [sflag:s2] =	dma.local @!p0 [hbm:s0], s1  }
0x3b5: {  	s0 =	simm.s32 @!p0 $0x5  }
0x3b6: {  	_ =	swait.ge @!p0 [sflag:s0], s1  }
0x3b7: {  	s1 =	ssub.s32 @!p0 $0x0, s1;
	[sflag:s0] =	ssyncset.done @!p0 $0x0  }
0x3b8: {  	[sflag:s0] =	ssyncadd.s32 @!p0 s1  }
0x3b9: {  	[bflag:$0x3] =	sbarrier.arrive $0xFFFF  }
0x3ba: {  	_ =	shalt  }

</sc_bundles>
